<compile_context>
chip_gen: v7x
topology: tpu7x:2x2x1
jax: 0.10.2.dev20260603
libtpu: 0.0.44.dev20260713+nightly
codegen_flags: <defaults>
</compile_context>

<pallas_src>
import functools

import jax
import jax.numpy as jnp
from jax import lax
from jax.experimental import pallas as pl
from jax.experimental.pallas import tpu as pltpu
from jax.experimental.pallas import tpu_sc as plsc

NW = 32
LANES = 128


NBUF = 8


def _make_seg_sum(n_pad, width, nsteps, rps, nphases):
    mesh = plsc.VectorSubcoreMesh(core_axis_name="c", subcore_axis_name="s")
    ngroups = nsteps // NBUF

    @functools.partial(
        pl.kernel,
        mesh=mesh,
        compiler_params=pltpu.CompilerParams(use_tc_tiling_on_sc=False),
        out_type=jax.ShapeDtypeStruct((nphases, 2, n_pad, width), jnp.float32),
        scratch_types=[
            pltpu.VMEM((nsteps, LANES), jnp.int32),
            pltpu.VMEM((nsteps, LANES), jnp.int32),
        ] + [pltpu.VMEM((LANES, width), jnp.float32) for _ in range(NBUF)] + [
            pltpu.VMEM_SHARED((n_pad, width), jnp.float32),
        ] + [pltpu.SemaphoreType.DMA for _ in range(NBUF)],
    )
    def seg(*refs):
        tables = refs[:nphases]
        (src_hbm, dst_hbm, zeros_hbm, out_hbm, src_v, dst_v) = \
            refs[nphases:nphases + 6]
        bufs = refs[nphases + 6:nphases + 6 + NBUF]
        acc = refs[nphases + 6 + NBUF]
        sems = refs[nphases + 7 + NBUF:]
        cid = lax.axis_index("c")
        sid = lax.axis_index("s")
        wid = sid * 2 + cid
        pltpu.sync_copy(src_hbm.at[wid], src_v)
        pltpu.sync_copy(dst_hbm.at[wid], dst_v)

        for h in range(nphases):
            table = tables[h]

            def g_start(j, b, table=table):
                pltpu.async_copy(table.at[src_v.at[j]], bufs[b], sems[b])

            def g_wait(j, b, table=table):
                pltpu.make_async_copy(table.at[src_v.at[j]], bufs[b],
                                      sems[b]).wait()

            def s_start(j, b):
                pltpu.async_copy(bufs[b], acc.at[dst_v.at[j]], sems[b],
                                 add=True)

            def s_wait(j, b):
                pltpu.make_async_copy(bufs[b], acc.at[dst_v.at[j]],
                                      sems[b]).wait()

            pltpu.sync_copy(zeros_hbm.at[pl.ds(sid * rps, rps)],
                            acc.at[pl.ds(sid * rps, rps)])
            plsc.subcore_barrier()

            for idx in range(4):
                g_start(idx, idx)

            def body(k, carry):
                j0 = k * NBUF
                for idx in range(NBUF):
                    j = j0 + idx
                    bb = (idx + 4) % NBUF
                    if idx < 4:
                        @pl.when(k >= 1)
                        def _(j=j, bb=bb):
                            s_wait(j - 4, bb)
                        g_start(j + 4, bb)
                    else:
                        s_wait(j - 4, bb)

                        @pl.when(k < ngroups - 1)
                        def _(j=j, bb=bb):
                            g_start(j + 4, bb)
                    g_wait(j, idx)
                    s_start(j, idx)
                return carry

            lax.fori_loop(0, ngroups, body, 0)
            for idx in range(4):
                s_wait(nsteps - 4 + idx, idx + 4)
            plsc.subcore_barrier()
            pltpu.sync_copy(acc.at[pl.ds(sid * rps, rps)],
                            out_hbm.at[h, cid, pl.ds(sid * rps, rps)])

    return seg


def _dot(a, b):
    return jnp.dot(a, b, preferred_element_type=jnp.float32)


def _pos_table_body(pos_ref, gate_ref, out_ref):
    g = gate_ref[...]
    sign = (g == 0).astype(jnp.float32) - (g == 1).astype(jnp.float32)
    lane = lax.broadcasted_iota(jnp.int32, out_ref.shape, 1)
    factor = jnp.where(lane < 16, sign, jnp.float32(1.0))
    out_ref[...] = pos_ref[...] * factor


def _node_state_body(q_ref, x_ref, gate_ref, wrev_ref, brev_ref,
                     wu0a_ref, wu0b_ref, bu0_ref, wu1_ref, bu1_ref,
                     wu2_ref, bu2_ref, lo_ref, hi_ref):
    q = q_ref[...]
    spos = q[0, 0, :, :16] + q[0, 1, :, :16]
    deg = q[0, 0, :, 16:17] + q[0, 1, :, 16:17]
    t = _dot(spos, wrev_ref[...]) + deg * brev_ref[...]
    h = jnp.maximum(_dot(t, wu0a_ref[...]) + _dot(x_ref[...], wu0b_ref[...])
                    + bu0_ref[...], 0.0)
    h = jnp.maximum(_dot(h, wu1_ref[...]) + bu1_ref[...], 0.0)
    u = _dot(h, wu2_ref[...]) + bu2_ref[...]
    m01 = (gate_ref[...] != 2).astype(jnp.float32)
    ns = u * m01
    lo_ref[...] = ns[:, :64]
    hi_ref[...] = ns[:, 64:]


def _final_body(p_ref, q_ref, x_ref, gate_ref, lo_ref, hi_ref,
                wv2c_ref, bv2c_ref,
                wu0a_ref, wu0b_ref, bu0_ref, wu1_ref, bu1_ref, wu2_ref, bu2_ref,
                wp0_ref, bp0_ref, wp1_ref, bp1_ref, wp2_ref, bp2_ref, out_ref):
    p = p_ref[...]
    q = q_ref[...]
    sns = jnp.concatenate([p[0, 0] + p[0, 1], p[1, 0] + p[1, 1]], axis=1)
    deg = q[0, 0, :, 16:17] + q[0, 1, :, 16:17]
    tc = _dot(sns, wv2c_ref[...]) + deg * bv2c_ref[...]
    h = jnp.maximum(_dot(tc, wu0a_ref[...]) + _dot(x_ref[...], wu0b_ref[...])
                    + bu0_ref[...], 0.0)
    h = jnp.maximum(_dot(h, wu1_ref[...]) + bu1_ref[...], 0.0)
    c = _dot(h, wu2_ref[...]) + bu2_ref[...]
    claf = (gate_ref[...] == 2).astype(jnp.float32)
    ns = jnp.concatenate([lo_ref[...], hi_ref[...]], axis=1)
    ns2 = c * claf + ns * (1.0 - claf)
    h = jnp.maximum(_dot(ns2, wp0_ref[...]) + bp0_ref[...], 0.0)
    h = jnp.maximum(_dot(h, wp1_ref[...]) + bp1_ref[...], 0.0)
    out_ref[...] = _dot(h, wp2_ref[...]) + bp2_ref[...]


def _full(shape):
    return pl.BlockSpec(shape, lambda i: (0,) * len(shape))


def _rows(shape, rowdim=0):
    def imap(i, rowdim=rowdim, rank=len(shape)):
        return tuple(i if d == rowdim else 0 for d in range(rank))
    return pl.BlockSpec(shape, imap)


def kernel(x, pos_random, edge_index, gate_type, forward_index, num_nodes,
           W_rev, b_rev, W_v2c, b_v2c,
           Wu0, bu0, Wu1, bu1, Wu2, bu2,
           Wp0, bp0, Wp1, bp1, Wp2, bp2):
    n = x.shape[0]
    e = edge_index.shape[1]
    dim_x = x.shape[1]
    dh = W_rev.shape[1]

    nsteps = -(-e // (NW * LANES))
    nsteps = -(-nsteps // NBUF) * NBUF
    e_pad = NW * nsteps * LANES
    rps = -(-(n + 1) // 16)
    rps = -(-rps // 8) * 8
    n_pad = rps * 16

    src = edge_index[0].astype(jnp.int32)
    dst = edge_index[1].astype(jnp.int32)
    src = jnp.concatenate([src, jnp.zeros((e_pad - e,), jnp.int32)])
    dst = jnp.concatenate([dst, jnp.full((e_pad - e,), n, jnp.int32)])
    src_r = src.reshape(NW, nsteps, LANES)
    dst_r = dst.reshape(NW, nsteps, LANES)

    gate2 = gate_type.reshape(n, 1).astype(jnp.int32)
    pos24 = jnp.concatenate(
        [pos_random, jnp.ones((n, 1), jnp.float32),
         jnp.zeros((n, 7), jnp.float32)], axis=1)
    zeros24 = jnp.zeros((n_pad, 24), jnp.float32)
    zeros64 = jnp.zeros((n_pad, 64), jnp.float32)

    wu0a, wu0b = Wu0[:dh], Wu0[dh:]
    brev2 = b_rev.reshape(1, -1)
    bv2c2 = b_v2c.reshape(1, -1)
    bu02 = bu0.reshape(1, -1)
    bu12 = bu1.reshape(1, -1)
    bu22 = bu2.reshape(1, -1)
    bp02 = bp0.reshape(1, -1)
    bp12 = bp1.reshape(1, -1)
    bp22 = bp2.reshape(1, -1)

    rb = 1000
    grid = (n // rb,)

    pos_tab = pl.pallas_call(
        _pos_table_body,
        grid=grid,
        in_specs=[_rows((rb, 24)), _rows((rb, 1))],
        out_specs=_rows((rb, 24)),
        out_shape=jax.ShapeDtypeStruct((n, 24), jnp.float32),
    )(pos24, gate2)

    seg24 = _make_seg_sum(n_pad, 24, nsteps, rps, 1)
    q = seg24(pos_tab, src_r, dst_r, zeros24)

    ns_lo, ns_hi = pl.pallas_call(
        _node_state_body,
        grid=grid,
        in_specs=[
            _rows((1, 2, rb, 24), rowdim=2), _rows((rb, dim_x)), _rows((rb, 1)),
            _full((16, dh)), _full((1, dh)),
            _full((dh, Wu0.shape[1])), _full((dim_x, Wu0.shape[1])),
            _full((1, Wu0.shape[1])),
            _full(Wu1.shape), _full((1, Wu1.shape[1])),
            _full(Wu2.shape), _full((1, Wu2.shape[1])),
        ],
        out_specs=[_rows((rb, 64)), _rows((rb, 64))],
        out_shape=[jax.ShapeDtypeStruct((n, 64), jnp.float32),
                   jax.ShapeDtypeStruct((n, 64), jnp.float32)],
    )(q, x, gate2, W_rev, brev2, wu0a, wu0b, bu02, Wu1, bu12, Wu2, bu22)

    seg64 = _make_seg_sum(n_pad, 64, nsteps, rps, 2)
    p = seg64(ns_lo, ns_hi, src_r, dst_r, zeros64)

    out = pl.pallas_call(
        _final_body,
        grid=grid,
        in_specs=[
            _rows((2, 2, rb, 64), rowdim=2), _rows((1, 2, rb, 24), rowdim=2),
            _rows((rb, dim_x)), _rows((rb, 1)),
            _rows((rb, 64)), _rows((rb, 64)),
            _full(W_v2c.shape), _full((1, W_v2c.shape[1])),
            _full((dh, Wu0.shape[1])), _full((dim_x, Wu0.shape[1])),
            _full((1, Wu0.shape[1])),
            _full(Wu1.shape), _full((1, Wu1.shape[1])),
            _full(Wu2.shape), _full((1, Wu2.shape[1])),
            _full(Wp0.shape), _full((1, Wp0.shape[1])),
            _full(Wp1.shape), _full((1, Wp1.shape[1])),
            _full(Wp2.shape), _full((1, Wp2.shape[1])),
        ],
        out_specs=_rows((rb, Wp2.shape[1])),
        out_shape=jax.ShapeDtypeStruct((n, Wp2.shape[1]), jnp.float32),
    )(p, q, x, gate2, ns_lo, ns_hi, W_v2c, bv2c2, wu0a, wu0b, bu02,
      Wu1, bu12, Wu2, bu22, Wp0, bp02, Wp1, bp12, Wp2, bp22)

    return out

# --- scband reference (transcript-rebuilt; emitter-appended) ---
"""Pipeline reference for scband-v2-cgnn-73650099192329 (READ-ONLY COPY).

The authoritative reference and input builder live on the scoring server;
editing this copy changes nothing except your own understanding.
"""

import jax, jax.numpy as jnp
import numpy as np

N = 10000
E = 320000
DIM_HIDDEN = 128
DIM_MLP = 128
POS_SIZE = 16
DIM_X = 128
NODE_SIZE = 2


def _init(key, shape, scale=0.05):
    return jax.random.normal(key, shape, dtype=jnp.float32) * scale


def setup_inputs(seed: int = 0):
    key = jax.random.key(seed)
    k = [jax.random.fold_in(key, i) for i in range(32)]
    inp = {}
    inp["x"] = jax.random.normal(k[0], (N, DIM_X), dtype=jnp.float32)
    inp["pos_random"] = jax.random.normal(k[1], (N, POS_SIZE), dtype=jnp.float32)
    inp["edge_index"] = jax.random.randint(k[2], (2, E), 0, N)
    inp["gate_type"] = jax.random.randint(k[3], (N,), 0, 3)
    inp["forward_index"] = jnp.arange(N)
    inp["num_nodes"] = N
    inp["W_rev"] = _init(k[4], (POS_SIZE, DIM_HIDDEN))
    inp["b_rev"] = jnp.zeros((DIM_HIDDEN,), dtype=jnp.float32)
    inp["W_v2c"] = _init(k[5], (DIM_HIDDEN, DIM_HIDDEN))
    inp["b_v2c"] = jnp.zeros((DIM_HIDDEN,), dtype=jnp.float32)
    inp["Wu0"] = _init(k[6], (DIM_HIDDEN + DIM_X, DIM_MLP))
    inp["bu0"] = jnp.zeros((DIM_MLP,), dtype=jnp.float32)
    inp["Wu1"] = _init(k[7], (DIM_MLP, DIM_MLP))
    inp["bu1"] = jnp.zeros((DIM_MLP,), dtype=jnp.float32)
    inp["Wu2"] = _init(k[8], (DIM_MLP, DIM_HIDDEN))
    inp["bu2"] = jnp.zeros((DIM_HIDDEN,), dtype=jnp.float32)
    inp["Wp0"] = _init(k[9], (DIM_HIDDEN, DIM_MLP))
    inp["bp0"] = jnp.zeros((DIM_MLP,), dtype=jnp.float32)
    inp["Wp1"] = _init(k[10], (DIM_MLP, DIM_MLP))
    inp["bp1"] = jnp.zeros((DIM_MLP,), dtype=jnp.float32)
    inp["Wp2"] = _init(k[11], (DIM_MLP, NODE_SIZE))
    inp["bp2"] = jnp.zeros((NODE_SIZE,), dtype=jnp.float32)
    return inp


def _mlp(h, Ws, bs):
    for i in range(len(Ws)):
        h = h @ Ws[i] + bs[i]
        if i < len(Ws) - 1:
            h = jax.nn.relu(h)
    return h


def reference(x, pos_random, edge_index, gate_type, forward_index, num_nodes,
              W_rev, b_rev, W_v2c, b_v2c,
              Wu0, bu0, Wu1, bu1, Wu2, bu2,
              Wp0, bp0, Wp1, bp1, Wp2, bp2):
    n = x.shape[0]
    var_mask = gate_type == 0
    negvar_mask = gate_type == 1
    cla_mask = gate_type == 2
    # pos_state: +randn on VAR rows, -randn on NEGVAR rows, 0 elsewhere
    sign = var_mask.astype(x.dtype) - negvar_mask.astype(x.dtype)
    pos_state = pos_random * sign[:, None]
    src = edge_index[0]
    dst = edge_index[1]

    # conv_sum AggConv with subgraph(node_set, edge_index, dim=1) implemented as
    # edge masking on dst membership (sum aggregation => exact equivalence)
    def agg(h, W, b, keep):
        m = h[src] @ W + b
        m = m * keep[dst].astype(h.dtype)[:, None]
        return jnp.zeros((n, W.shape[1]), dtype=h.dtype).at[dst].add(m)

    Wu = [Wu0, Wu1, Wu2]
    bu = [bu0, bu1, bu2]
    msg_v = agg(pos_state, W_rev, b_rev, var_mask)
    var_state = _mlp(jnp.concatenate([msg_v, x], axis=1), Wu, bu)
    msg_nv = agg(pos_state, W_rev, b_rev, negvar_mask)
    negvar_state = _mlp(jnp.concatenate([msg_nv, x], axis=1), Wu, bu)
    # node_state starts at zeros (h_init); scatter var/negvar states
    node_state = (var_mask.astype(x.dtype)[:, None] * var_state
                  + negvar_mask.astype(x.dtype)[:, None] * negvar_state)
    msg_c = agg(node_state, W_v2c, b_v2c, cla_mask)
    cla_state = _mlp(jnp.concatenate([msg_c, x], axis=1), Wu, bu)
    node_state = jnp.where(cla_mask[:, None], cla_state, node_state)
    return _mlp(node_state, [Wp0, Wp1, Wp2], [bp0, bp1, bp2])

if __name__ == "__main__":
    import jax
    _d = setup_inputs()
    print(jax.jit(kernel)(*tuple(_d.values())))

</pallas_src>

<mosaic_0001>
#map = affine_map<(d0, d1) -> (0, 0)>
#map1 = affine_map<(d0, d1) -> (0, 0, 0)>
#map2 = affine_map<(d0, d1) -> (0, 0, 0, 0)>
module attributes {stable_mosaic.version = 14 : i64} {
  func.func @seg(%arg0: i32, %arg1: i32, %arg2: memref<10000x64xf32, #tpu.memory_space<hbm>>, %arg3: memref<10000x64xf32, #tpu.memory_space<hbm>>, %arg4: memref<32x80x128xi32, #tpu.memory_space<hbm>>, %arg5: memref<32x80x128xi32, #tpu.memory_space<hbm>>, %arg6: memref<10112x64xf32, #tpu.memory_space<hbm>>, %arg7: memref<2x2x10112x64xf32, #tpu.memory_space<hbm>>, %arg8: memref<80x128xi32, #tpu.memory_space<vmem>>, %arg9: memref<80x128xi32, #tpu.memory_space<vmem>>, %arg10: memref<128x64xf32, #tpu.memory_space<vmem>>, %arg11: memref<128x64xf32, #tpu.memory_space<vmem>>, %arg12: memref<128x64xf32, #tpu.memory_space<vmem>>, %arg13: memref<128x64xf32, #tpu.memory_space<vmem>>, %arg14: memref<128x64xf32, #tpu.memory_space<vmem>>, %arg15: memref<128x64xf32, #tpu.memory_space<vmem>>, %arg16: memref<128x64xf32, #tpu.memory_space<vmem>>, %arg17: memref<128x64xf32, #tpu.memory_space<vmem>>, %arg18: memref<10112x64xf32, #tpu.memory_space<vmem_shared>>, %arg19: memref<!tpu.dma_semaphore, #tpu.memory_space<semaphore_mem>>, %arg20: memref<!tpu.dma_semaphore, #tpu.memory_space<semaphore_mem>>, %arg21: memref<!tpu.dma_semaphore, #tpu.memory_space<semaphore_mem>>, %arg22: memref<!tpu.dma_semaphore, #tpu.memory_space<semaphore_mem>>, %arg23: memref<!tpu.dma_semaphore, #tpu.memory_space<semaphore_mem>>, %arg24: memref<!tpu.dma_semaphore, #tpu.memory_space<semaphore_mem>>, %arg25: memref<!tpu.dma_semaphore, #tpu.memory_space<semaphore_mem>>, %arg26: memref<!tpu.dma_semaphore, #tpu.memory_space<semaphore_mem>>) attributes {dimension_semantics = [#tpu.dimension_semantics<core_parallel>, #tpu.dimension_semantics<subcore_parallel>], iteration_bounds = array<i64: 2, 16>, scalar_prefetch = 0 : i64, scratch_operands = 19 : i64, tpu.core_type = #tpu.core_type<sc_vector_subcore>, window_params = [{transform_indices = #map}, {transform_indices = #map}, {transform_indices = #map1}, {transform_indices = #map1}, {transform_indices = #map}, {transform_indices = #map2}]} {
    %mul3A = arith.constant 2 : i32
    %mul3A_0 = arith.muli %arg1, %mul3A : i32
    %add3A = arith.addi %mul3A_0, %arg0 : i32
    "tpu.region"() ({
      %run_scoped3A_142 = tpu.sem_alloc : memref<!tpu.dma_semaphore, #tpu.memory_space<semaphore_mem>>
      %dma_start3A_143 = arith.constant 0 : i32
      %dma_start3A_144 = arith.constant 0 : i32
      %dma_start3A_145 = tpu.memref_slice %arg4[%add3A, %dma_start3A_143, %dma_start3A_144] : memref<32x80x128xi32, #tpu.memory_space<hbm>> -> memref<1x80x128xi32, #tpu.memory_space<hbm>>
      %dma_start3A_146 = tpu.memref_squeeze %dma_start3A_145 : memref<1x80x128xi32, #tpu.memory_space<hbm>> -> memref<80x128xi32, #tpu.memory_space<hbm>>
      %dma_start3A_147 = arith.constant 0 : i32
      %dma_start3A_148 = arith.constant 0 : i32
      %dma_start3A_149 = tpu.memref_slice %arg4[%add3A, %dma_start3A_147, %dma_start3A_148] : memref<32x80x128xi32, #tpu.memory_space<hbm>> -> memref<1x80x128xi32, #tpu.memory_space<hbm>>
      %dma_start3A_150 = tpu.memref_squeeze %dma_start3A_149 : memref<1x80x128xi32, #tpu.memory_space<hbm>> -> memref<80x128xi32, #tpu.memory_space<hbm>>
      tpu.enqueue_dma source(%dma_start3A_150 : memref<80x128xi32, #tpu.memory_space<hbm>>) target(%arg8 : memref<80x128xi32, #tpu.memory_space<vmem>>) target_semaphore(%run_scoped3A_142 : memref<!tpu.dma_semaphore, #tpu.memory_space<semaphore_mem>>)
      %dma_wait3A_151 = arith.constant 0 : i32
      %dma_wait3A_152 = arith.constant 0 : i32
      %dma_wait3A_153 = tpu.memref_slice %arg4[%add3A, %dma_wait3A_151, %dma_wait3A_152] : memref<32x80x128xi32, #tpu.memory_space<hbm>> -> memref<1x80x128xi32, #tpu.memory_space<hbm>>
      %dma_wait3A_154 = tpu.memref_squeeze %dma_wait3A_153 : memref<1x80x128xi32, #tpu.memory_space<hbm>> -> memref<80x128xi32, #tpu.memory_space<hbm>>
      %dma_wait3A_155 = arith.constant 0 : i32
      %dma_wait3A_156 = arith.constant 0 : i32
      %dma_wait3A_157 = tpu.memref_slice %arg4[%add3A, %dma_wait3A_155, %dma_wait3A_156] : memref<32x80x128xi32, #tpu.memory_space<hbm>> -> memref<1x80x128xi32, #tpu.memory_space<hbm>>
      %dma_wait3A_158 = tpu.memref_squeeze %dma_wait3A_157 : memref<1x80x128xi32, #tpu.memory_space<hbm>> -> memref<80x128xi32, #tpu.memory_space<hbm>>
      tpu.wait_dma2 semaphore(%run_scoped3A_142 : memref<!tpu.dma_semaphore, #tpu.memory_space<semaphore_mem>>) src(%dma_wait3A_158 : memref<80x128xi32, #tpu.memory_space<hbm>>) dst(%arg8 : memref<80x128xi32, #tpu.memory_space<vmem>>)
      tpu.yield
    }) : () -> ()
    "tpu.region"() ({
      %run_scoped3A_142 = tpu.sem_alloc : memref<!tpu.dma_semaphore, #tpu.memory_space<semaphore_mem>>
      %dma_start3A_143 = arith.constant 0 : i32
      %dma_start3A_144 = arith.constant 0 : i32
      %dma_start3A_145 = tpu.memref_slice %arg5[%add3A, %dma_start3A_143, %dma_start3A_144] : memref<32x80x128xi32, #tpu.memory_space<hbm>> -> memref<1x80x128xi32, #tpu.memory_space<hbm>>
      %dma_start3A_146 = tpu.memref_squeeze %dma_start3A_145 : memref<1x80x128xi32, #tpu.memory_space<hbm>> -> memref<80x128xi32, #tpu.memory_space<hbm>>
      %dma_start3A_147 = arith.constant 0 : i32
      %dma_start3A_148 = arith.constant 0 : i32
      %dma_start3A_149 = tpu.memref_slice %arg5[%add3A, %dma_start3A_147, %dma_start3A_148] : memref<32x80x128xi32, #tpu.memory_space<hbm>> -> memref<1x80x128xi32, #tpu.memory_space<hbm>>
      %dma_start3A_150 = tpu.memref_squeeze %dma_start3A_149 : memref<1x80x128xi32, #tpu.memory_space<hbm>> -> memref<80x128xi32, #tpu.memory_space<hbm>>
      tpu.enqueue_dma source(%dma_start3A_150 : memref<80x128xi32, #tpu.memory_space<hbm>>) target(%arg9 : memref<80x128xi32, #tpu.memory_space<vmem>>) target_semaphore(%run_scoped3A_142 : memref<!tpu.dma_semaphore, #tpu.memory_space<semaphore_mem>>)
      %dma_wait3A_151 = arith.constant 0 : i32
      %dma_wait3A_152 = arith.constant 0 : i32
      %dma_wait3A_153 = tpu.memref_slice %arg5[%add3A, %dma_wait3A_151, %dma_wait3A_152] : memref<32x80x128xi32, #tpu.memory_space<hbm>> -> memref<1x80x128xi32, #tpu.memory_space<hbm>>
      %dma_wait3A_154 = tpu.memref_squeeze %dma_wait3A_153 : memref<1x80x128xi32, #tpu.memory_space<hbm>> -> memref<80x128xi32, #tpu.memory_space<hbm>>
      %dma_wait3A_155 = arith.constant 0 : i32
      %dma_wait3A_156 = arith.constant 0 : i32
      %dma_wait3A_157 = tpu.memref_slice %arg5[%add3A, %dma_wait3A_155, %dma_wait3A_156] : memref<32x80x128xi32, #tpu.memory_space<hbm>> -> memref<1x80x128xi32, #tpu.memory_space<hbm>>
      %dma_wait3A_158 = tpu.memref_squeeze %dma_wait3A_157 : memref<1x80x128xi32, #tpu.memory_space<hbm>> -> memref<80x128xi32, #tpu.memory_space<hbm>>
      tpu.wait_dma2 semaphore(%run_scoped3A_142 : memref<!tpu.dma_semaphore, #tpu.memory_space<semaphore_mem>>) src(%dma_wait3A_158 : memref<80x128xi32, #tpu.memory_space<hbm>>) dst(%arg9 : memref<80x128xi32, #tpu.memory_space<vmem>>)
      tpu.yield
    }) : () -> ()
    %mul3A_1 = arith.constant 632 : i32
    %mul3A_2 = arith.muli %arg1, %mul3A_1 : i32
    %mul3A_3 = arith.constant 632 : i32
    %mul3A_4 = arith.muli %arg1, %mul3A_3 : i32
    "tpu.region"() ({
      %run_scoped3A_142 = tpu.sem_alloc : memref<!tpu.dma_semaphore, #tpu.memory_space<semaphore_mem>>
      %dma_start3A_143 = arith.constant 0 : i32
      %dma_start3A_144 = tpu.memref_slice %arg18[%mul3A_4, %dma_start3A_143] : memref<10112x64xf32, #tpu.memory_space<vmem_shared>> -> memref<632x64xf32, #tpu.memory_space<vmem_shared>>
      %dma_start3A_145 = arith.constant 0 : i32
      %dma_start3A_146 = tpu.memref_slice %arg6[%mul3A_2, %dma_start3A_145] : memref<10112x64xf32, #tpu.memory_space<hbm>> -> memref<632x64xf32, #tpu.memory_space<hbm>>
      tpu.enqueue_dma source(%dma_start3A_146 : memref<632x64xf32, #tpu.memory_space<hbm>>) target(%dma_start3A_144 : memref<632x64xf32, #tpu.memory_space<vmem_shared>>) target_semaphore(%run_scoped3A_142 : memref<!tpu.dma_semaphore, #tpu.memory_space<semaphore_mem>>)
      %dma_wait3A_147 = arith.constant 0 : i32
      %dma_wait3A_148 = tpu.memref_slice %arg18[%mul3A_4, %dma_wait3A_147] : memref<10112x64xf32, #tpu.memory_space<vmem_shared>> -> memref<632x64xf32, #tpu.memory_space<vmem_shared>>
      %dma_wait3A_149 = arith.constant 0 : i32
      %dma_wait3A_150 = tpu.memref_slice %arg6[%mul3A_2, %dma_wait3A_149] : memref<10112x64xf32, #tpu.memory_space<hbm>> -> memref<632x64xf32, #tpu.memory_space<hbm>>
      tpu.wait_dma2 semaphore(%run_scoped3A_142 : memref<!tpu.dma_semaphore, #tpu.memory_space<semaphore_mem>>) src(%dma_wait3A_150 : memref<632x64xf32, #tpu.memory_space<hbm>>) dst(%dma_wait3A_148 : memref<632x64xf32, #tpu.memory_space<vmem_shared>>)
      tpu.yield
    }) : () -> ()
    %barrier3A = arith.constant 0 : index
    tpu.barrier barrier_id(%barrier3A)
    %dma_start3A = arith.constant 0 : i32
    %dma_start3A_5 = arith.constant 0 : i32
    %dma_start3A_6 = tpu.memref_slice %arg8[%dma_start3A, %dma_start3A_5] : memref<80x128xi32, #tpu.memory_space<vmem>> -> memref<1x128xi32, #tpu.memory_space<vmem>>
    %dma_start3A_7 = tpu.memref_squeeze %dma_start3A_6 : memref<1x128xi32, #tpu.memory_space<vmem>> -> memref<128xi32, #tpu.memory_space<vmem>>
    %dma_start3A_8 = arith.constant 0 : i32
    %dma_start3A_9 = arith.constant 0 : i32
    %dma_start3A_10 = tpu.memref_slice %arg2[%dma_start3A_8, %dma_start3A_9] : memref<10000x64xf32, #tpu.memory_space<hbm>> -> memref<10000x64xf32, #tpu.memory_space<hbm>>
    tpu.enqueue_indirect_dma source(%dma_start3A_10 : memref<10000x64xf32, #tpu.memory_space<hbm>>) target(%arg10 : memref<128x64xf32, #tpu.memory_space<vmem>>) offsets(%dma_start3A_7 : memref<128xi32, #tpu.memory_space<vmem>>) semaphore(%arg19 : memref<!tpu.dma_semaphore, #tpu.memory_space<semaphore_mem>>)
    %dma_start3A_11 = arith.constant 1 : i32
    %dma_start3A_12 = arith.constant 0 : i32
    %dma_start3A_13 = tpu.memref_slice %arg8[%dma_start3A_11, %dma_start3A_12] : memref<80x128xi32, #tpu.memory_space<vmem>> -> memref<1x128xi32, #tpu.memory_space<vmem>>
    %dma_start3A_14 = tpu.memref_squeeze %dma_start3A_13 : memref<1x128xi32, #tpu.memory_space<vmem>> -> memref<128xi32, #tpu.memory_space<vmem>>
    %dma_start3A_15 = arith.constant 0 : i32
    %dma_start3A_16 = arith.constant 0 : i32
    %dma_start3A_17 = tpu.memref_slice %arg2[%dma_start3A_15, %dma_start3A_16] : memref<10000x64xf32, #tpu.memory_space<hbm>> -> memref<10000x64xf32, #tpu.memory_space<hbm>>
    tpu.enqueue_indirect_dma source(%dma_start3A_17 : memref<10000x64xf32, #tpu.memory_space<hbm>>) target(%arg11 : memref<128x64xf32, #tpu.memory_space<vmem>>) offsets(%dma_start3A_14 : memref<128xi32, #tpu.memory_space<vmem>>) semaphore(%arg20 : memref<!tpu.dma_semaphore, #tpu.memory_space<semaphore_mem>>)
    %dma_start3A_18 = arith.constant 2 : i32
    %dma_start3A_19 = arith.constant 0 : i32
    %dma_start3A_20 = tpu.memref_slice %arg8[%dma_start3A_18, %dma_start3A_19] : memref<80x128xi32, #tpu.memory_space<vmem>> -> memref<1x128xi32, #tpu.memory_space<vmem>>
    %dma_start3A_21 = tpu.memref_squeeze %dma_start3A_20 : memref<1x128xi32, #tpu.memory_space<vmem>> -> memref<128xi32, #tpu.memory_space<vmem>>
    %dma_start3A_22 = arith.constant 0 : i32
    %dma_start3A_23 = arith.constant 0 : i32
    %dma_start3A_24 = tpu.memref_slice %arg2[%dma_start3A_22, %dma_start3A_23] : memref<10000x64xf32, #tpu.memory_space<hbm>> -> memref<10000x64xf32, #tpu.memory_space<hbm>>
    tpu.enqueue_indirect_dma source(%dma_start3A_24 : memref<10000x64xf32, #tpu.memory_space<hbm>>) target(%arg12 : memref<128x64xf32, #tpu.memory_space<vmem>>) offsets(%dma_start3A_21 : memref<128xi32, #tpu.memory_space<vmem>>) semaphore(%arg21 : memref<!tpu.dma_semaphore, #tpu.memory_space<semaphore_mem>>)
    %dma_start3A_25 = arith.constant 3 : i32
    %dma_start3A_26 = arith.constant 0 : i32
    %dma_start3A_27 = tpu.memref_slice %arg8[%dma_start3A_25, %dma_start3A_26] : memref<80x128xi32, #tpu.memory_space<vmem>> -> memref<1x128xi32, #tpu.memory_space<vmem>>
    %dma_start3A_28 = tpu.memref_squeeze %dma_start3A_27 : memref<1x128xi32, #tpu.memory_space<vmem>> -> memref<128xi32, #tpu.memory_space<vmem>>
    %dma_start3A_29 = arith.constant 0 : i32
    %dma_start3A_30 = arith.constant 0 : i32
    %dma_start3A_31 = tpu.memref_slice %arg2[%dma_start3A_29, %dma_start3A_30] : memref<10000x64xf32, #tpu.memory_space<hbm>> -> memref<10000x64xf32, #tpu.memory_space<hbm>>
    tpu.enqueue_indirect_dma source(%dma_start3A_31 : memref<10000x64xf32, #tpu.memory_space<hbm>>) target(%arg13 : memref<128x64xf32, #tpu.memory_space<vmem>>) offsets(%dma_start3A_28 : memref<128xi32, #tpu.memory_space<vmem>>) semaphore(%arg22 : memref<!tpu.dma_semaphore, #tpu.memory_space<semaphore_mem>>)
    %scan3A = arith.constant 0 : i32
    %scan3A_32 = arith.constant 0 : i32
    %scan3A_33 = arith.constant 10 : i32
    %scan3A_34 = arith.addi %scan3A_32, %scan3A_33 : i32
    %scan3A_35 = arith.constant 1 : i32
    scf.for %scan3A_142 = %scan3A_32 to %scan3A_34 step %scan3A_35  : i32 {
      %mul3A_143 = arith.constant 8 : i32
      %mul3A_144 = arith.muli %scan3A_142, %mul3A_143 : i32
      %add3A_145 = arith.constant 0 : i32
      %add3A_146 = arith.addi %mul3A_144, %add3A_145 : i32
      %ge3A = arith.constant 1 : i32
      %ge3A_147 = arith.cmpi sge, %scan3A_142, %ge3A : i32
      %convert_element_type3A = arith.extui %ge3A_147 : i1 to i32
      %cond3A = arith.constant 0 : i32
      %cond3A_148 = arith.cmpi ne, %convert_element_type3A, %cond3A : i32
      scf.if %cond3A_148 {
        %sub3A_356 = arith.constant 4 : i32
        %sub3A_357 = arith.subi %add3A_146, %sub3A_356 : i32
        %dma_wait3A_358 = arith.constant 0 : i32
        %dma_wait3A_359 = tpu.memref_slice %arg9[%sub3A_357, %dma_wait3A_358] : memref<80x128xi32, #tpu.memory_space<vmem>> -> memref<1x128xi32, #tpu.memory_space<vmem>>
        %dma_wait3A_360 = tpu.memref_squeeze %dma_wait3A_359 : memref<1x128xi32, #tpu.memory_space<vmem>> -> memref<128xi32, #tpu.memory_space<vmem>>
        %dma_wait3A_361 = arith.constant 0 : i32
        %dma_wait3A_362 = arith.constant 0 : i32
        %dma_wait3A_363 = tpu.memref_slice %arg18[%dma_wait3A_361, %dma_wait3A_362] : memref<10112x64xf32, #tpu.memory_space<vmem_shared>> -> memref<10112x64xf32, #tpu.memory_space<vmem_shared>>
        tpu.wait_indirect_dma semaphore(%arg23 : memref<!tpu.dma_semaphore, #tpu.memory_space<semaphore_mem>>) src(%arg14 : memref<128x64xf32, #tpu.memory_space<vmem>>) dst(%dma_wait3A_363 : memref<10112x64xf32, #tpu.memory_space<vmem_shared>>)
      } else {
      }
      %add3A_149 = arith.constant 4 : i32
      %add3A_150 = arith.addi %add3A_146, %add3A_149 : i32
      %dma_start3A_151 = arith.constant 0 : i32
      %dma_start3A_152 = tpu.memref_slice %arg8[%add3A_150, %dma_start3A_151] : memref<80x128xi32, #tpu.memory_space<vmem>> -> memref<1x128xi32, #tpu.memory_space<vmem>>
      %dma_start3A_153 = tpu.memref_squeeze %dma_start3A_152 : memref<1x128xi32, #tpu.memory_space<vmem>> -> memref<128xi32, #tpu.memory_space<vmem>>
      %dma_start3A_154 = arith.constant 0 : i32
      %dma_start3A_155 = arith.constant 0 : i32
      %dma_start3A_156 = tpu.memref_slice %arg2[%dma_start3A_154, %dma_start3A_155] : memref<10000x64xf32, #tpu.memory_space<hbm>> -> memref<10000x64xf32, #tpu.memory_space<hbm>>
      tpu.enqueue_indirect_dma source(%dma_start3A_156 : memref<10000x64xf32, #tpu.memory_space<hbm>>) target(%arg14 : memref<128x64xf32, #tpu.memory_space<vmem>>) offsets(%dma_start3A_153 : memref<128xi32, #tpu.memory_space<vmem>>) semaphore(%arg23 : memref<!tpu.dma_semaphore, #tpu.memory_space<semaphore_mem>>)
      %dma_wait3A_157 = arith.constant 0 : i32
      %dma_wait3A_158 = tpu.memref_slice %arg8[%add3A_146, %dma_wait3A_157] : memref<80x128xi32, #tpu.memory_space<vmem>> -> memref<1x128xi32, #tpu.memory_space<vmem>>
      %dma_wait3A_159 = tpu.memref_squeeze %dma_wait3A_158 : memref<1x128xi32, #tpu.memory_space<vmem>> -> memref<128xi32, #tpu.memory_space<vmem>>
      %dma_wait3A_160 = arith.constant 0 : i32
      %dma_wait3A_161 = arith.constant 0 : i32
      %dma_wait3A_162 = tpu.memref_slice %arg2[%dma_wait3A_160, %dma_wait3A_161] : memref<10000x64xf32, #tpu.memory_space<hbm>> -> memref<10000x64xf32, #tpu.memory_space<hbm>>
      tpu.wait_indirect_dma semaphore(%arg19 : memref<!tpu.dma_semaphore, #tpu.memory_space<semaphore_mem>>) src(%dma_wait3A_162 : memref<10000x64xf32, #tpu.memory_space<hbm>>) dst(%arg10 : memref<128x64xf32, #tpu.memory_space<vmem>>)
      %dma_start3A_163 = arith.constant 0 : i32
      %dma_start3A_164 = tpu.memref_slice %arg9[%add3A_146, %dma_start3A_163] : memref<80x128xi32, #tpu.memory_space<vmem>> -> memref<1x128xi32, #tpu.memory_space<vmem>>
      %dma_start3A_165 = tpu.memref_squeeze %dma_start3A_164 : memref<1x128xi32, #tpu.memory_space<vmem>> -> memref<128xi32, #tpu.memory_space<vmem>>
      %dma_start3A_166 = arith.constant 0 : i32
      %dma_start3A_167 = arith.constant 0 : i32
      %dma_start3A_168 = tpu.memref_slice %arg18[%dma_start3A_166, %dma_start3A_167] : memref<10112x64xf32, #tpu.memory_space<vmem_shared>> -> memref<10112x64xf32, #tpu.memory_space<vmem_shared>>
      tpu.enqueue_indirect_dma source(%arg10 : memref<128x64xf32, #tpu.memory_space<vmem>>) target(%dma_start3A_168 : memref<10112x64xf32, #tpu.memory_space<vmem_shared>>) offsets(%dma_start3A_165 : memref<128xi32, #tpu.memory_space<vmem>>) semaphore(%arg19 : memref<!tpu.dma_semaphore, #tpu.memory_space<semaphore_mem>>) {add = true}
      %add3A_169 = arith.constant 1 : i32
      %add3A_170 = arith.addi %mul3A_144, %add3A_169 : i32
      %ge3A_171 = arith.constant 1 : i32
      %ge3A_172 = arith.cmpi sge, %scan3A_142, %ge3A_171 : i32
      %convert_element_type3A_173 = arith.extui %ge3A_172 : i1 to i32
      %cond3A_174 = arith.constant 0 : i32
      %cond3A_175 = arith.cmpi ne, %convert_element_type3A_173, %cond3A_174 : i32
      scf.if %cond3A_175 {
        %sub3A_356 = arith.constant 4 : i32
        %sub3A_357 = arith.subi %add3A_170, %sub3A_356 : i32
        %dma_wait3A_358 = arith.constant 0 : i32
        %dma_wait3A_359 = tpu.memref_slice %arg9[%sub3A_357, %dma_wait3A_358] : memref<80x128xi32, #tpu.memory_space<vmem>> -> memref<1x128xi32, #tpu.memory_space<vmem>>
        %dma_wait3A_360 = tpu.memref_squeeze %dma_wait3A_359 : memref<1x128xi32, #tpu.memory_space<vmem>> -> memref<128xi32, #tpu.memory_space<vmem>>
        %dma_wait3A_361 = arith.constant 0 : i32
        %dma_wait3A_362 = arith.constant 0 : i32
        %dma_wait3A_363 = tpu.memref_slice %arg18[%dma_wait3A_361, %dma_wait3A_362] : memref<10112x64xf32, #tpu.memory_space<vmem_shared>> -> memref<10112x64xf32, #tpu.memory_space<vmem_shared>>
        tpu.wait_indirect_dma semaphore(%arg24 : memref<!tpu.dma_semaphore, #tpu.memory_space<semaphore_mem>>) src(%arg15 : memref<128x64xf32, #tpu.memory_space<vmem>>) dst(%dma_wait3A_363 : memref<10112x64xf32, #tpu.memory_space<vmem_shared>>)
      } else {
      }
      %add3A_176 = arith.constant 4 : i32
      %add3A_177 = arith.addi %add3A_170, %add3A_176 : i32
      %dma_start3A_178 = arith.constant 0 : i32
      %dma_start3A_179 = tpu.memref_slice %arg8[%add3A_177, %dma_start3A_178] : memref<80x128xi32, #tpu.memory_space<vmem>> -> memref<1x128xi32, #tpu.memory_space<vmem>>
      %dma_start3A_180 = tpu.memref_squeeze %dma_start3A_179 : memref<1x128xi32, #tpu.memory_space<vmem>> -> memref<128xi32, #tpu.memory_space<vmem>>
      %dma_start3A_181 = arith.constant 0 : i32
      %dma_start3A_182 = arith.constant 0 : i32
      %dma_start3A_183 = tpu.memref_slice %arg2[%dma_start3A_181, %dma_start3A_182] : memref<10000x64xf32, #tpu.memory_space<hbm>> -> memref<10000x64xf32, #tpu.memory_space<hbm>>
      tpu.enqueue_indirect_dma source(%dma_start3A_183 : memref<10000x64xf32, #tpu.memory_space<hbm>>) target(%arg15 : memref<128x64xf32, #tpu.memory_space<vmem>>) offsets(%dma_start3A_180 : memref<128xi32, #tpu.memory_space<vmem>>) semaphore(%arg24 : memref<!tpu.dma_semaphore, #tpu.memory_space<semaphore_mem>>)
      %dma_wait3A_184 = arith.constant 0 : i32
      %dma_wait3A_185 = tpu.memref_slice %arg8[%add3A_170, %dma_wait3A_184] : memref<80x128xi32, #tpu.memory_space<vmem>> -> memref<1x128xi32, #tpu.memory_space<vmem>>
      %dma_wait3A_186 = tpu.memref_squeeze %dma_wait3A_185 : memref<1x128xi32, #tpu.memory_space<vmem>> -> memref<128xi32, #tpu.memory_space<vmem>>
      %dma_wait3A_187 = arith.constant 0 : i32
      %dma_wait3A_188 = arith.constant 0 : i32
      %dma_wait3A_189 = tpu.memref_slice %arg2[%dma_wait3A_187, %dma_wait3A_188] : memref<10000x64xf32, #tpu.memory_space<hbm>> -> memref<10000x64xf32, #tpu.memory_space<hbm>>
      tpu.wait_indirect_dma semaphore(%arg20 : memref<!tpu.dma_semaphore, #tpu.memory_space<semaphore_mem>>) src(%dma_wait3A_189 : memref<10000x64xf32, #tpu.memory_space<hbm>>) dst(%arg11 : memref<128x64xf32, #tpu.memory_space<vmem>>)
      %dma_start3A_190 = arith.constant 0 : i32
      %dma_start3A_191 = tpu.memref_slice %arg9[%add3A_170, %dma_start3A_190] : memref<80x128xi32, #tpu.memory_space<vmem>> -> memref<1x128xi32, #tpu.memory_space<vmem>>
      %dma_start3A_192 = tpu.memref_squeeze %dma_start3A_191 : memref<1x128xi32, #tpu.memory_space<vmem>> -> memref<128xi32, #tpu.memory_space<vmem>>
      %dma_start3A_193 = arith.constant 0 : i32
      %dma_start3A_194 = arith.constant 0 : i32
      %dma_start3A_195 = tpu.memref_slice %arg18[%dma_start3A_193, %dma_start3A_194] : memref<10112x64xf32, #tpu.memory_space<vmem_shared>> -> memref<10112x64xf32, #tpu.memory_space<vmem_shared>>
      tpu.enqueue_indirect_dma source(%arg11 : memref<128x64xf32, #tpu.memory_space<vmem>>) target(%dma_start3A_195 : memref<10112x64xf32, #tpu.memory_space<vmem_shared>>) offsets(%dma_start3A_192 : memref<128xi32, #tpu.memory_space<vmem>>) semaphore(%arg20 : memref<!tpu.dma_semaphore, #tpu.memory_space<semaphore_mem>>) {add = true}
      %add3A_196 = arith.constant 2 : i32
      %add3A_197 = arith.addi %mul3A_144, %add3A_196 : i32
      %ge3A_198 = arith.constant 1 : i32
      %ge3A_199 = arith.cmpi sge, %scan3A_142, %ge3A_198 : i32
      %convert_element_type3A_200 = arith.extui %ge3A_199 : i1 to i32
      %cond3A_201 = arith.constant 0 : i32
      %cond3A_202 = arith.cmpi ne, %convert_element_type3A_200, %cond3A_201 : i32
      scf.if %cond3A_202 {
        %sub3A_356 = arith.constant 4 : i32
        %sub3A_357 = arith.subi %add3A_197, %sub3A_356 : i32
        %dma_wait3A_358 = arith.constant 0 : i32
        %dma_wait3A_359 = tpu.memref_slice %arg9[%sub3A_357, %dma_wait3A_358] : memref<80x128xi32, #tpu.memory_space<vmem>> -> memref<1x128xi32, #tpu.memory_space<vmem>>
        %dma_wait3A_360 = tpu.memref_squeeze %dma_wait3A_359 : memref<1x128xi32, #tpu.memory_space<vmem>> -> memref<128xi32, #tpu.memory_space<vmem>>
        %dma_wait3A_361 = arith.constant 0 : i32
        %dma_wait3A_362 = arith.constant 0 : i32
        %dma_wait3A_363 = tpu.memref_slice %arg18[%dma_wait3A_361, %dma_wait3A_362] : memref<10112x64xf32, #tpu.memory_space<vmem_shared>> -> memref<10112x64xf32, #tpu.memory_space<vmem_shared>>
        tpu.wait_indirect_dma semaphore(%arg25 : memref<!tpu.dma_semaphore, #tpu.memory_space<semaphore_mem>>) src(%arg16 : memref<128x64xf32, #tpu.memory_space<vmem>>) dst(%dma_wait3A_363 : memref<10112x64xf32, #tpu.memory_space<vmem_shared>>)
      } else {
      }
      %add3A_203 = arith.constant 4 : i32
      %add3A_204 = arith.addi %add3A_197, %add3A_203 : i32
      %dma_start3A_205 = arith.constant 0 : i32
      %dma_start3A_206 = tpu.memref_slice %arg8[%add3A_204, %dma_start3A_205] : memref<80x128xi32, #tpu.memory_space<vmem>> -> memref<1x128xi32, #tpu.memory_space<vmem>>
      %dma_start3A_207 = tpu.memref_squeeze %dma_start3A_206 : memref<1x128xi32, #tpu.memory_space<vmem>> -> memref<128xi32, #tpu.memory_space<vmem>>
      %dma_start3A_208 = arith.constant 0 : i32
      %dma_start3A_209 = arith.constant 0 : i32
      %dma_start3A_210 = tpu.memref_slice %arg2[%dma_start3A_208, %dma_start3A_209] : memref<10000x64xf32, #tpu.memory_space<hbm>> -> memref<10000x64xf32, #tpu.memory_space<hbm>>
      tpu.enqueue_indirect_dma source(%dma_start3A_210 : memref<10000x64xf32, #tpu.memory_space<hbm>>) target(%arg16 : memref<128x64xf32, #tpu.memory_space<vmem>>) offsets(%dma_start3A_207 : memref<128xi32, #tpu.memory_space<vmem>>) semaphore(%arg25 : memref<!tpu.dma_semaphore, #tpu.memory_space<semaphore_mem>>)
      %dma_wait3A_211 = arith.constant 0 : i32
      %dma_wait3A_212 = tpu.memref_slice %arg8[%add3A_197, %dma_wait3A_211] : memref<80x128xi32, #tpu.memory_space<vmem>> -> memref<1x128xi32, #tpu.memory_space<vmem>>
      %dma_wait3A_213 = tpu.memref_squeeze %dma_wait3A_212 : memref<1x128xi32, #tpu.memory_space<vmem>> -> memref<128xi32, #tpu.memory_space<vmem>>
      %dma_wait3A_214 = arith.constant 0 : i32
      %dma_wait3A_215 = arith.constant 0 : i32
      %dma_wait3A_216 = tpu.memref_slice %arg2[%dma_wait3A_214, %dma_wait3A_215] : memref<10000x64xf32, #tpu.memory_space<hbm>> -> memref<10000x64xf32, #tpu.memory_space<hbm>>
      tpu.wait_indirect_dma semaphore(%arg21 : memref<!tpu.dma_semaphore, #tpu.memory_space<semaphore_mem>>) src(%dma_wait3A_216 : memref<10000x64xf32, #tpu.memory_space<hbm>>) dst(%arg12 : memref<128x64xf32, #tpu.memory_space<vmem>>)
      %dma_start3A_217 = arith.constant 0 : i32
      %dma_start3A_218 = tpu.memref_slice %arg9[%add3A_197, %dma_start3A_217] : memref<80x128xi32, #tpu.memory_space<vmem>> -> memref<1x128xi32, #tpu.memory_space<vmem>>
      %dma_start3A_219 = tpu.memref_squeeze %dma_start3A_218 : memref<1x128xi32, #tpu.memory_space<vmem>> -> memref<128xi32, #tpu.memory_space<vmem>>
      %dma_start3A_220 = arith.constant 0 : i32
      %dma_start3A_221 = arith.constant 0 : i32
      %dma_start3A_222 = tpu.memref_slice %arg18[%dma_start3A_220, %dma_start3A_221] : memref<10112x64xf32, #tpu.memory_space<vmem_shared>> -> memref<10112x64xf32, #tpu.memory_space<vmem_shared>>
      tpu.enqueue_indirect_dma source(%arg12 : memref<128x64xf32, #tpu.memory_space<vmem>>) target(%dma_start3A_222 : memref<10112x64xf32, #tpu.memory_space<vmem_shared>>) offsets(%dma_start3A_219 : memref<128xi32, #tpu.memory_space<vmem>>) semaphore(%arg21 : memref<!tpu.dma_semaphore, #tpu.memory_space<semaphore_mem>>) {add = true}
      %add3A_223 = arith.constant 3 : i32
      %add3A_224 = arith.addi %mul3A_144, %add3A_223 : i32
      %ge3A_225 = arith.constant 1 : i32
      %ge3A_226 = arith.cmpi sge, %scan3A_142, %ge3A_225 : i32
      %convert_element_type3A_227 = arith.extui %ge3A_226 : i1 to i32
      %cond3A_228 = arith.constant 0 : i32
      %cond3A_229 = arith.cmpi ne, %convert_element_type3A_227, %cond3A_228 : i32
      scf.if %cond3A_229 {
        %sub3A_356 = arith.constant 4 : i32
        %sub3A_357 = arith.subi %add3A_224, %sub3A_356 : i32
        %dma_wait3A_358 = arith.constant 0 : i32
        %dma_wait3A_359 = tpu.memref_slice %arg9[%sub3A_357, %dma_wait3A_358] : memref<80x128xi32, #tpu.memory_space<vmem>> -> memref<1x128xi32, #tpu.memory_space<vmem>>
        %dma_wait3A_360 = tpu.memref_squeeze %dma_wait3A_359 : memref<1x128xi32, #tpu.memory_space<vmem>> -> memref<128xi32, #tpu.memory_space<vmem>>
        %dma_wait3A_361 = arith.constant 0 : i32
        %dma_wait3A_362 = arith.constant 0 : i32
        %dma_wait3A_363 = tpu.memref_slice %arg18[%dma_wait3A_361, %dma_wait3A_362] : memref<10112x64xf32, #tpu.memory_space<vmem_shared>> -> memref<10112x64xf32, #tpu.memory_space<vmem_shared>>
        tpu.wait_indirect_dma semaphore(%arg26 : memref<!tpu.dma_semaphore, #tpu.memory_space<semaphore_mem>>) src(%arg17 : memref<128x64xf32, #tpu.memory_space<vmem>>) dst(%dma_wait3A_363 : memref<10112x64xf32, #tpu.memory_space<vmem_shared>>)
      } else {
      }
      %add3A_230 = arith.constant 4 : i32
      %add3A_231 = arith.addi %add3A_224, %add3A_230 : i32
      %dma_start3A_232 = arith.constant 0 : i32
      %dma_start3A_233 = tpu.memref_slice %arg8[%add3A_231, %dma_start3A_232] : memref<80x128xi32, #tpu.memory_space<vmem>> -> memref<1x128xi32, #tpu.memory_space<vmem>>
      %dma_start3A_234 = tpu.memref_squeeze %dma_start3A_233 : memref<1x128xi32, #tpu.memory_space<vmem>> -> memref<128xi32, #tpu.memory_space<vmem>>
      %dma_start3A_235 = arith.constant 0 : i32
      %dma_start3A_236 = arith.constant 0 : i32
      %dma_start3A_237 = tpu.memref_slice %arg2[%dma_start3A_235, %dma_start3A_236] : memref<10000x64xf32, #tpu.memory_space<hbm>> -> memref<10000x64xf32, #tpu.memory_space<hbm>>
      tpu.enqueue_indirect_dma source(%dma_start3A_237 : memref<10000x64xf32, #tpu.memory_space<hbm>>) target(%arg17 : memref<128x64xf32, #tpu.memory_space<vmem>>) offsets(%dma_start3A_234 : memref<128xi32, #tpu.memory_space<vmem>>) semaphore(%arg26 : memref<!tpu.dma_semaphore, #tpu.memory_space<semaphore_mem>>)
      %dma_wait3A_238 = arith.constant 0 : i32
      %dma_wait3A_239 = tpu.memref_slice %arg8[%add3A_224, %dma_wait3A_238] : memref<80x128xi32, #tpu.memory_space<vmem>> -> memref<1x128xi32, #tpu.memory_space<vmem>>
      %dma_wait3A_240 = tpu.memref_squeeze %dma_wait3A_239 : memref<1x128xi32, #tpu.memory_space<vmem>> -> memref<128xi32, #tpu.memory_space<vmem>>
      %dma_wait3A_241 = arith.constant 0 : i32
      %dma_wait3A_242 = arith.constant 0 : i32
      %dma_wait3A_243 = tpu.memref_slice %arg2[%dma_wait3A_241, %dma_wait3A_242] : memref<10000x64xf32, #tpu.memory_space<hbm>> -> memref<10000x64xf32, #tpu.memory_space<hbm>>
      tpu.wait_indirect_dma semaphore(%arg22 : memref<!tpu.dma_semaphore, #tpu.memory_space<semaphore_mem>>) src(%dma_wait3A_243 : memref<10000x64xf32, #tpu.memory_space<hbm>>) dst(%arg13 : memref<128x64xf32, #tpu.memory_space<vmem>>)
      %dma_start3A_244 = arith.constant 0 : i32
      %dma_start3A_245 = tpu.memref_slice %arg9[%add3A_224, %dma_start3A_244] : memref<80x128xi32, #tpu.memory_space<vmem>> -> memref<1x128xi32, #tpu.memory_space<vmem>>
      %dma_start3A_246 = tpu.memref_squeeze %dma_start3A_245 : memref<1x128xi32, #tpu.memory_space<vmem>> -> memref<128xi32, #tpu.memory_space<vmem>>
      %dma_start3A_247 = arith.constant 0 : i32
      %dma_start3A_248 = arith.constant 0 : i32
      %dma_start3A_249 = tpu.memref_slice %arg18[%dma_start3A_247, %dma_start3A_248] : memref<10112x64xf32, #tpu.memory_space<vmem_shared>> -> memref<10112x64xf32, #tpu.memory_space<vmem_shared>>
      tpu.enqueue_indirect_dma source(%arg13 : memref<128x64xf32, #tpu.memory_space<vmem>>) target(%dma_start3A_249 : memref<10112x64xf32, #tpu.memory_space<vmem_shared>>) offsets(%dma_start3A_246 : memref<128xi32, #tpu.memory_space<vmem>>) semaphore(%arg22 : memref<!tpu.dma_semaphore, #tpu.memory_space<semaphore_mem>>) {add = true}
      %add3A_250 = arith.constant 4 : i32
      %add3A_251 = arith.addi %mul3A_144, %add3A_250 : i32
      %sub3A = arith.constant 4 : i32
      %sub3A_252 = arith.subi %add3A_251, %sub3A : i32
      %dma_wait3A_253 = arith.constant 0 : i32
      %dma_wait3A_254 = tpu.memref_slice %arg9[%sub3A_252, %dma_wait3A_253] : memref<80x128xi32, #tpu.memory_space<vmem>> -> memref<1x128xi32, #tpu.memory_space<vmem>>
      %dma_wait3A_255 = tpu.memref_squeeze %dma_wait3A_254 : memref<1x128xi32, #tpu.memory_space<vmem>> -> memref<128xi32, #tpu.memory_space<vmem>>
      %dma_wait3A_256 = arith.constant 0 : i32
      %dma_wait3A_257 = arith.constant 0 : i32
      %dma_wait3A_258 = tpu.memref_slice %arg18[%dma_wait3A_256, %dma_wait3A_257] : memref<10112x64xf32, #tpu.memory_space<vmem_shared>> -> memref<10112x64xf32, #tpu.memory_space<vmem_shared>>
      tpu.wait_indirect_dma semaphore(%arg19 : memref<!tpu.dma_semaphore, #tpu.memory_space<semaphore_mem>>) src(%arg10 : memref<128x64xf32, #tpu.memory_space<vmem>>) dst(%dma_wait3A_258 : memref<10112x64xf32, #tpu.memory_space<vmem_shared>>)
      %lt3A = arith.constant 9 : i32
      %lt3A_259 = arith.cmpi slt, %scan3A_142, %lt3A : i32
      %convert_element_type3A_260 = arith.extui %lt3A_259 : i1 to i32
      %cond3A_261 = arith.constant 0 : i32
      %cond3A_262 = arith.cmpi ne, %convert_element_type3A_260, %cond3A_261 : i32
      scf.if %cond3A_262 {
        %add3A_356 = arith.constant 4 : i32
        %add3A_357 = arith.addi %add3A_251, %add3A_356 : i32
        %dma_start3A_358 = arith.constant 0 : i32
        %dma_start3A_359 = tpu.memref_slice %arg8[%add3A_357, %dma_start3A_358] : memref<80x128xi32, #tpu.memory_space<vmem>> -> memref<1x128xi32, #tpu.memory_space<vmem>>
        %dma_start3A_360 = tpu.memref_squeeze %dma_start3A_359 : memref<1x128xi32, #tpu.memory_space<vmem>> -> memref<128xi32, #tpu.memory_space<vmem>>
        %dma_start3A_361 = arith.constant 0 : i32
        %dma_start3A_362 = arith.constant 0 : i32
        %dma_start3A_363 = tpu.memref_slice %arg2[%dma_start3A_361, %dma_start3A_362] : memref<10000x64xf32, #tpu.memory_space<hbm>> -> memref<10000x64xf32, #tpu.memory_space<hbm>>
        tpu.enqueue_indirect_dma source(%dma_start3A_363 : memref<10000x64xf32, #tpu.memory_space<hbm>>) target(%arg10 : memref<128x64xf32, #tpu.memory_space<vmem>>) offsets(%dma_start3A_360 : memref<128xi32, #tpu.memory_space<vmem>>) semaphore(%arg19 : memref<!tpu.dma_semaphore, #tpu.memory_space<semaphore_mem>>)
      } else {
      }
      %dma_wait3A_263 = arith.constant 0 : i32
      %dma_wait3A_264 = tpu.memref_slice %arg8[%add3A_251, %dma_wait3A_263] : memref<80x128xi32, #tpu.memory_space<vmem>> -> memref<1x128xi32, #tpu.memory_space<vmem>>
      %dma_wait3A_265 = tpu.memref_squeeze %dma_wait3A_264 : memref<1x128xi32, #tpu.memory_space<vmem>> -> memref<128xi32, #tpu.memory_space<vmem>>
      %dma_wait3A_266 = arith.constant 0 : i32
      %dma_wait3A_267 = arith.constant 0 : i32
      %dma_wait3A_268 = tpu.memref_slice %arg2[%dma_wait3A_266, %dma_wait3A_267] : memref<10000x64xf32, #tpu.memory_space<hbm>> -> memref<10000x64xf32, #tpu.memory_space<hbm>>
      tpu.wait_indirect_dma semaphore(%arg23 : memref<!tpu.dma_semaphore, #tpu.memory_space<semaphore_mem>>) src(%dma_wait3A_268 : memref<10000x64xf32, #tpu.memory_space<hbm>>) dst(%arg14 : memref<128x64xf32, #tpu.memory_space<vmem>>)
      %dma_start3A_269 = arith.constant 0 : i32
      %dma_start3A_270 = tpu.memref_slice %arg9[%add3A_251, %dma_start3A_269] : memref<80x128xi32, #tpu.memory_space<vmem>> -> memref<1x128xi32, #tpu.memory_space<vmem>>
      %dma_start3A_271 = tpu.memref_squeeze %dma_start3A_270 : memref<1x128xi32, #tpu.memory_space<vmem>> -> memref<128xi32, #tpu.memory_space<vmem>>
      %dma_start3A_272 = arith.constant 0 : i32
      %dma_start3A_273 = arith.constant 0 : i32
      %dma_start3A_274 = tpu.memref_slice %arg18[%dma_start3A_272, %dma_start3A_273] : memref<10112x64xf32, #tpu.memory_space<vmem_shared>> -> memref<10112x64xf32, #tpu.memory_space<vmem_shared>>
      tpu.enqueue_indirect_dma source(%arg14 : memref<128x64xf32, #tpu.memory_space<vmem>>) target(%dma_start3A_274 : memref<10112x64xf32, #tpu.memory_space<vmem_shared>>) offsets(%dma_start3A_271 : memref<128xi32, #tpu.memory_space<vmem>>) semaphore(%arg23 : memref<!tpu.dma_semaphore, #tpu.memory_space<semaphore_mem>>) {add = true}
      %add3A_275 = arith.constant 5 : i32
      %add3A_276 = arith.addi %mul3A_144, %add3A_275 : i32
      %sub3A_277 = arith.constant 4 : i32
      %sub3A_278 = arith.subi %add3A_276, %sub3A_277 : i32
      %dma_wait3A_279 = arith.constant 0 : i32
      %dma_wait3A_280 = tpu.memref_slice %arg9[%sub3A_278, %dma_wait3A_279] : memref<80x128xi32, #tpu.memory_space<vmem>> -> memref<1x128xi32, #tpu.memory_space<vmem>>
      %dma_wait3A_281 = tpu.memref_squeeze %dma_wait3A_280 : memref<1x128xi32, #tpu.memory_space<vmem>> -> memref<128xi32, #tpu.memory_space<vmem>>
      %dma_wait3A_282 = arith.constant 0 : i32
      %dma_wait3A_283 = arith.constant 0 : i32
      %dma_wait3A_284 = tpu.memref_slice %arg18[%dma_wait3A_282, %dma_wait3A_283] : memref<10112x64xf32, #tpu.memory_space<vmem_shared>> -> memref<10112x64xf32, #tpu.memory_space<vmem_shared>>
      tpu.wait_indirect_dma semaphore(%arg20 : memref<!tpu.dma_semaphore, #tpu.memory_space<semaphore_mem>>) src(%arg11 : memref<128x64xf32, #tpu.memory_space<vmem>>) dst(%dma_wait3A_284 : memref<10112x64xf32, #tpu.memory_space<vmem_shared>>)
      %lt3A_285 = arith.constant 9 : i32
      %lt3A_286 = arith.cmpi slt, %scan3A_142, %lt3A_285 : i32
      %convert_element_type3A_287 = arith.extui %lt3A_286 : i1 to i32
      %cond3A_288 = arith.constant 0 : i32
      %cond3A_289 = arith.cmpi ne, %convert_element_type3A_287, %cond3A_288 : i32
      scf.if %cond3A_289 {
        %add3A_356 = arith.constant 4 : i32
        %add3A_357 = arith.addi %add3A_276, %add3A_356 : i32
        %dma_start3A_358 = arith.constant 0 : i32
        %dma_start3A_359 = tpu.memref_slice %arg8[%add3A_357, %dma_start3A_358] : memref<80x128xi32, #tpu.memory_space<vmem>> -> memref<1x128xi32, #tpu.memory_space<vmem>>
        %dma_start3A_360 = tpu.memref_squeeze %dma_start3A_359 : memref<1x128xi32, #tpu.memory_space<vmem>> -> memref<128xi32, #tpu.memory_space<vmem>>
        %dma_start3A_361 = arith.constant 0 : i32
        %dma_start3A_362 = arith.constant 0 : i32
        %dma_start3A_363 = tpu.memref_slice %arg2[%dma_start3A_361, %dma_start3A_362] : memref<10000x64xf32, #tpu.memory_space<hbm>> -> memref<10000x64xf32, #tpu.memory_space<hbm>>
        tpu.enqueue_indirect_dma source(%dma_start3A_363 : memref<10000x64xf32, #tpu.memory_space<hbm>>) target(%arg11 : memref<128x64xf32, #tpu.memory_space<vmem>>) offsets(%dma_start3A_360 : memref<128xi32, #tpu.memory_space<vmem>>) semaphore(%arg20 : memref<!tpu.dma_semaphore, #tpu.memory_space<semaphore_mem>>)
      } else {
      }
      %dma_wait3A_290 = arith.constant 0 : i32
      %dma_wait3A_291 = tpu.memref_slice %arg8[%add3A_276, %dma_wait3A_290] : memref<80x128xi32, #tpu.memory_space<vmem>> -> memref<1x128xi32, #tpu.memory_space<vmem>>
      %dma_wait3A_292 = tpu.memref_squeeze %dma_wait3A_291 : memref<1x128xi32, #tpu.memory_space<vmem>> -> memref<128xi32, #tpu.memory_space<vmem>>
      %dma_wait3A_293 = arith.constant 0 : i32
      %dma_wait3A_294 = arith.constant 0 : i32
      %dma_wait3A_295 = tpu.memref_slice %arg2[%dma_wait3A_293, %dma_wait3A_294] : memref<10000x64xf32, #tpu.memory_space<hbm>> -> memref<10000x64xf32, #tpu.memory_space<hbm>>
      tpu.wait_indirect_dma semaphore(%arg24 : memref<!tpu.dma_semaphore, #tpu.memory_space<semaphore_mem>>) src(%dma_wait3A_295 : memref<10000x64xf32, #tpu.memory_space<hbm>>) dst(%arg15 : memref<128x64xf32, #tpu.memory_space<vmem>>)
      %dma_start3A_296 = arith.constant 0 : i32
      %dma_start3A_297 = tpu.memref_slice %arg9[%add3A_276, %dma_start3A_296] : memref<80x128xi32, #tpu.memory_space<vmem>> -> memref<1x128xi32, #tpu.memory_space<vmem>>
      %dma_start3A_298 = tpu.memref_squeeze %dma_start3A_297 : memref<1x128xi32, #tpu.memory_space<vmem>> -> memref<128xi32, #tpu.memory_space<vmem>>
      %dma_start3A_299 = arith.constant 0 : i32
      %dma_start3A_300 = arith.constant 0 : i32
      %dma_start3A_301 = tpu.memref_slice %arg18[%dma_start3A_299, %dma_start3A_300] : memref<10112x64xf32, #tpu.memory_space<vmem_shared>> -> memref<10112x64xf32, #tpu.memory_space<vmem_shared>>
      tpu.enqueue_indirect_dma source(%arg15 : memref<128x64xf32, #tpu.memory_space<vmem>>) target(%dma_start3A_301 : memref<10112x64xf32, #tpu.memory_space<vmem_shared>>) offsets(%dma_start3A_298 : memref<128xi32, #tpu.memory_space<vmem>>) semaphore(%arg24 : memref<!tpu.dma_semaphore, #tpu.memory_space<semaphore_mem>>) {add = true}
      %add3A_302 = arith.constant 6 : i32
      %add3A_303 = arith.addi %mul3A_144, %add3A_302 : i32
      %sub3A_304 = arith.constant 4 : i32
      %sub3A_305 = arith.subi %add3A_303, %sub3A_304 : i32
      %dma_wait3A_306 = arith.constant 0 : i32
      %dma_wait3A_307 = tpu.memref_slice %arg9[%sub3A_305, %dma_wait3A_306] : memref<80x128xi32, #tpu.memory_space<vmem>> -> memref<1x128xi32, #tpu.memory_space<vmem>>
      %dma_wait3A_308 = tpu.memref_squeeze %dma_wait3A_307 : memref<1x128xi32, #tpu.memory_space<vmem>> -> memref<128xi32, #tpu.memory_space<vmem>>
      %dma_wait3A_309 = arith.constant 0 : i32
      %dma_wait3A_310 = arith.constant 0 : i32
      %dma_wait3A_311 = tpu.memref_slice %arg18[%dma_wait3A_309, %dma_wait3A_310] : memref<10112x64xf32, #tpu.memory_space<vmem_shared>> -> memref<10112x64xf32, #tpu.memory_space<vmem_shared>>
      tpu.wait_indirect_dma semaphore(%arg21 : memref<!tpu.dma_semaphore, #tpu.memory_space<semaphore_mem>>) src(%arg12 : memref<128x64xf32, #tpu.memory_space<vmem>>) dst(%dma_wait3A_311 : memref<10112x64xf32, #tpu.memory_space<vmem_shared>>)
      %lt3A_312 = arith.constant 9 : i32
      %lt3A_313 = arith.cmpi slt, %scan3A_142, %lt3A_312 : i32
      %convert_element_type3A_314 = arith.extui %lt3A_313 : i1 to i32
      %cond3A_315 = arith.constant 0 : i32
      %cond3A_316 = arith.cmpi ne, %convert_element_type3A_314, %cond3A_315 : i32
      scf.if %cond3A_316 {
        %add3A_356 = arith.constant 4 : i32
        %add3A_357 = arith.addi %add3A_303, %add3A_356 : i32
        %dma_start3A_358 = arith.constant 0 : i32
        %dma_start3A_359 = tpu.memref_slice %arg8[%add3A_357, %dma_start3A_358] : memref<80x128xi32, #tpu.memory_space<vmem>> -> memref<1x128xi32, #tpu.memory_space<vmem>>
        %dma_start3A_360 = tpu.memref_squeeze %dma_start3A_359 : memref<1x128xi32, #tpu.memory_space<vmem>> -> memref<128xi32, #tpu.memory_space<vmem>>
        %dma_start3A_361 = arith.constant 0 : i32
        %dma_start3A_362 = arith.constant 0 : i32
        %dma_start3A_363 = tpu.memref_slice %arg2[%dma_start3A_361, %dma_start3A_362] : memref<10000x64xf32, #tpu.memory_space<hbm>> -> memref<10000x64xf32, #tpu.memory_space<hbm>>
        tpu.enqueue_indirect_dma source(%dma_start3A_363 : memref<10000x64xf32, #tpu.memory_space<hbm>>) target(%arg12 : memref<128x64xf32, #tpu.memory_space<vmem>>) offsets(%dma_start3A_360 : memref<128xi32, #tpu.memory_space<vmem>>) semaphore(%arg21 : memref<!tpu.dma_semaphore, #tpu.memory_space<semaphore_mem>>)
      } else {
      }
      %dma_wait3A_317 = arith.constant 0 : i32
      %dma_wait3A_318 = tpu.memref_slice %arg8[%add3A_303, %dma_wait3A_317] : memref<80x128xi32, #tpu.memory_space<vmem>> -> memref<1x128xi32, #tpu.memory_space<vmem>>
      %dma_wait3A_319 = tpu.memref_squeeze %dma_wait3A_318 : memref<1x128xi32, #tpu.memory_space<vmem>> -> memref<128xi32, #tpu.memory_space<vmem>>
      %dma_wait3A_320 = arith.constant 0 : i32
      %dma_wait3A_321 = arith.constant 0 : i32
      %dma_wait3A_322 = tpu.memref_slice %arg2[%dma_wait3A_320, %dma_wait3A_321] : memref<10000x64xf32, #tpu.memory_space<hbm>> -> memref<10000x64xf32, #tpu.memory_space<hbm>>
      tpu.wait_indirect_dma semaphore(%arg25 : memref<!tpu.dma_semaphore, #tpu.memory_space<semaphore_mem>>) src(%dma_wait3A_322 : memref<10000x64xf32, #tpu.memory_space<hbm>>) dst(%arg16 : memref<128x64xf32, #tpu.memory_space<vmem>>)
      %dma_start3A_323 = arith.constant 0 : i32
      %dma_start3A_324 = tpu.memref_slice %arg9[%add3A_303, %dma_start3A_323] : memref<80x128xi32, #tpu.memory_space<vmem>> -> memref<1x128xi32, #tpu.memory_space<vmem>>
      %dma_start3A_325 = tpu.memref_squeeze %dma_start3A_324 : memref<1x128xi32, #tpu.memory_space<vmem>> -> memref<128xi32, #tpu.memory_space<vmem>>
      %dma_start3A_326 = arith.constant 0 : i32
      %dma_start3A_327 = arith.constant 0 : i32
      %dma_start3A_328 = tpu.memref_slice %arg18[%dma_start3A_326, %dma_start3A_327] : memref<10112x64xf32, #tpu.memory_space<vmem_shared>> -> memref<10112x64xf32, #tpu.memory_space<vmem_shared>>
      tpu.enqueue_indirect_dma source(%arg16 : memref<128x64xf32, #tpu.memory_space<vmem>>) target(%dma_start3A_328 : memref<10112x64xf32, #tpu.memory_space<vmem_shared>>) offsets(%dma_start3A_325 : memref<128xi32, #tpu.memory_space<vmem>>) semaphore(%arg25 : memref<!tpu.dma_semaphore, #tpu.memory_space<semaphore_mem>>) {add = true}
      %add3A_329 = arith.constant 7 : i32
      %add3A_330 = arith.addi %mul3A_144, %add3A_329 : i32
      %sub3A_331 = arith.constant 4 : i32
      %sub3A_332 = arith.subi %add3A_330, %sub3A_331 : i32
      %dma_wait3A_333 = arith.constant 0 : i32
      %dma_wait3A_334 = tpu.memref_slice %arg9[%sub3A_332, %dma_wait3A_333] : memref<80x128xi32, #tpu.memory_space<vmem>> -> memref<1x128xi32, #tpu.memory_space<vmem>>
      %dma_wait3A_335 = tpu.memref_squeeze %dma_wait3A_334 : memref<1x128xi32, #tpu.memory_space<vmem>> -> memref<128xi32, #tpu.memory_space<vmem>>
      %dma_wait3A_336 = arith.constant 0 : i32
      %dma_wait3A_337 = arith.constant 0 : i32
      %dma_wait3A_338 = tpu.memref_slice %arg18[%dma_wait3A_336, %dma_wait3A_337] : memref<10112x64xf32, #tpu.memory_space<vmem_shared>> -> memref<10112x64xf32, #tpu.memory_space<vmem_shared>>
      tpu.wait_indirect_dma semaphore(%arg22 : memref<!tpu.dma_semaphore, #tpu.memory_space<semaphore_mem>>) src(%arg13 : memref<128x64xf32, #tpu.memory_space<vmem>>) dst(%dma_wait3A_338 : memref<10112x64xf32, #tpu.memory_space<vmem_shared>>)
      %lt3A_339 = arith.constant 9 : i32
      %lt3A_340 = arith.cmpi slt, %scan3A_142, %lt3A_339 : i32
      %convert_element_type3A_341 = arith.extui %lt3A_340 : i1 to i32
      %cond3A_342 = arith.constant 0 : i32
      %cond3A_343 = arith.cmpi ne, %convert_element_type3A_341, %cond3A_342 : i32
      scf.if %cond3A_343 {
        %add3A_356 = arith.constant 4 : i32
        %add3A_357 = arith.addi %add3A_330, %add3A_356 : i32
        %dma_start3A_358 = arith.constant 0 : i32
        %dma_start3A_359 = tpu.memref_slice %arg8[%add3A_357, %dma_start3A_358] : memref<80x128xi32, #tpu.memory_space<vmem>> -> memref<1x128xi32, #tpu.memory_space<vmem>>
        %dma_start3A_360 = tpu.memref_squeeze %dma_start3A_359 : memref<1x128xi32, #tpu.memory_space<vmem>> -> memref<128xi32, #tpu.memory_space<vmem>>
        %dma_start3A_361 = arith.constant 0 : i32
        %dma_start3A_362 = arith.constant 0 : i32
        %dma_start3A_363 = tpu.memref_slice %arg2[%dma_start3A_361, %dma_start3A_362] : memref<10000x64xf32, #tpu.memory_space<hbm>> -> memref<10000x64xf32, #tpu.memory_space<hbm>>
        tpu.enqueue_indirect_dma source(%dma_start3A_363 : memref<10000x64xf32, #tpu.memory_space<hbm>>) target(%arg13 : memref<128x64xf32, #tpu.memory_space<vmem>>) offsets(%dma_start3A_360 : memref<128xi32, #tpu.memory_space<vmem>>) semaphore(%arg22 : memref<!tpu.dma_semaphore, #tpu.memory_space<semaphore_mem>>)
      } else {
      }
      %dma_wait3A_344 = arith.constant 0 : i32
      %dma_wait3A_345 = tpu.memref_slice %arg8[%add3A_330, %dma_wait3A_344] : memref<80x128xi32, #tpu.memory_space<vmem>> -> memref<1x128xi32, #tpu.memory_space<vmem>>
      %dma_wait3A_346 = tpu.memref_squeeze %dma_wait3A_345 : memref<1x128xi32, #tpu.memory_space<vmem>> -> memref<128xi32, #tpu.memory_space<vmem>>
      %dma_wait3A_347 = arith.constant 0 : i32
      %dma_wait3A_348 = arith.constant 0 : i32
      %dma_wait3A_349 = tpu.memref_slice %arg2[%dma_wait3A_347, %dma_wait3A_348] : memref<10000x64xf32, #tpu.memory_space<hbm>> -> memref<10000x64xf32, #tpu.memory_space<hbm>>
      tpu.wait_indirect_dma semaphore(%arg26 : memref<!tpu.dma_semaphore, #tpu.memory_space<semaphore_mem>>) src(%dma_wait3A_349 : memref<10000x64xf32, #tpu.memory_space<hbm>>) dst(%arg17 : memref<128x64xf32, #tpu.memory_space<vmem>>)
      %dma_start3A_350 = arith.constant 0 : i32
      %dma_start3A_351 = tpu.memref_slice %arg9[%add3A_330, %dma_start3A_350] : memref<80x128xi32, #tpu.memory_space<vmem>> -> memref<1x128xi32, #tpu.memory_space<vmem>>
      %dma_start3A_352 = tpu.memref_squeeze %dma_start3A_351 : memref<1x128xi32, #tpu.memory_space<vmem>> -> memref<128xi32, #tpu.memory_space<vmem>>
      %dma_start3A_353 = arith.constant 0 : i32
      %dma_start3A_354 = arith.constant 0 : i32
      %dma_start3A_355 = tpu.memref_slice %arg18[%dma_start3A_353, %dma_start3A_354] : memref<10112x64xf32, #tpu.memory_space<vmem_shared>> -> memref<10112x64xf32, #tpu.memory_space<vmem_shared>>
      tpu.enqueue_indirect_dma source(%arg17 : memref<128x64xf32, #tpu.memory_space<vmem>>) target(%dma_start3A_355 : memref<10112x64xf32, #tpu.memory_space<vmem_shared>>) offsets(%dma_start3A_352 : memref<128xi32, #tpu.memory_space<vmem>>) semaphore(%arg26 : memref<!tpu.dma_semaphore, #tpu.memory_space<semaphore_mem>>) {add = true}
    }
    %scan3A_36 = arith.constant 10 : i32
    %dma_wait3A = arith.constant 76 : i32
    %dma_wait3A_37 = arith.constant 0 : i32
    %dma_wait3A_38 = tpu.memref_slice %arg9[%dma_wait3A, %dma_wait3A_37] : memref<80x128xi32, #tpu.memory_space<vmem>> -> memref<1x128xi32, #tpu.memory_space<vmem>>
    %dma_wait3A_39 = tpu.memref_squeeze %dma_wait3A_38 : memref<1x128xi32, #tpu.memory_space<vmem>> -> memref<128xi32, #tpu.memory_space<vmem>>
    %dma_wait3A_40 = arith.constant 0 : i32
    %dma_wait3A_41 = arith.constant 0 : i32
    %dma_wait3A_42 = tpu.memref_slice %arg18[%dma_wait3A_40, %dma_wait3A_41] : memref<10112x64xf32, #tpu.memory_space<vmem_shared>> -> memref<10112x64xf32, #tpu.memory_space<vmem_shared>>
    tpu.wait_indirect_dma semaphore(%arg23 : memref<!tpu.dma_semaphore, #tpu.memory_space<semaphore_mem>>) src(%arg14 : memref<128x64xf32, #tpu.memory_space<vmem>>) dst(%dma_wait3A_42 : memref<10112x64xf32, #tpu.memory_space<vmem_shared>>)
    %dma_wait3A_43 = arith.constant 77 : i32
    %dma_wait3A_44 = arith.constant 0 : i32
    %dma_wait3A_45 = tpu.memref_slice %arg9[%dma_wait3A_43, %dma_wait3A_44] : memref<80x128xi32, #tpu.memory_space<vmem>> -> memref<1x128xi32, #tpu.memory_space<vmem>>
    %dma_wait3A_46 = tpu.memref_squeeze %dma_wait3A_45 : memref<1x128xi32, #tpu.memory_space<vmem>> -> memref<128xi32, #tpu.memory_space<vmem>>
    %dma_wait3A_47 = arith.constant 0 : i32
    %dma_wait3A_48 = arith.constant 0 : i32
    %dma_wait3A_49 = tpu.memref_slice %arg18[%dma_wait3A_47, %dma_wait3A_48] : memref<10112x64xf32, #tpu.memory_space<vmem_shared>> -> memref<10112x64xf32, #tpu.memory_space<vmem_shared>>
    tpu.wait_indirect_dma semaphore(%arg24 : memref<!tpu.dma_semaphore, #tpu.memory_space<semaphore_mem>>) src(%arg15 : memref<128x64xf32, #tpu.memory_space<vmem>>) dst(%dma_wait3A_49 : memref<10112x64xf32, #tpu.memory_space<vmem_shared>>)
    %dma_wait3A_50 = arith.constant 78 : i32
    %dma_wait3A_51 = arith.constant 0 : i32
    %dma_wait3A_52 = tpu.memref_slice %arg9[%dma_wait3A_50, %dma_wait3A_51] : memref<80x128xi32, #tpu.memory_space<vmem>> -> memref<1x128xi32, #tpu.memory_space<vmem>>
    %dma_wait3A_53 = tpu.memref_squeeze %dma_wait3A_52 : memref<1x128xi32, #tpu.memory_space<vmem>> -> memref<128xi32, #tpu.memory_space<vmem>>
    %dma_wait3A_54 = arith.constant 0 : i32
    %dma_wait3A_55 = arith.constant 0 : i32
    %dma_wait3A_56 = tpu.memref_slice %arg18[%dma_wait3A_54, %dma_wait3A_55] : memref<10112x64xf32, #tpu.memory_space<vmem_shared>> -> memref<10112x64xf32, #tpu.memory_space<vmem_shared>>
    tpu.wait_indirect_dma semaphore(%arg25 : memref<!tpu.dma_semaphore, #tpu.memory_space<semaphore_mem>>) src(%arg16 : memref<128x64xf32, #tpu.memory_space<vmem>>) dst(%dma_wait3A_56 : memref<10112x64xf32, #tpu.memory_space<vmem_shared>>)
    %dma_wait3A_57 = arith.constant 79 : i32
    %dma_wait3A_58 = arith.constant 0 : i32
    %dma_wait3A_59 = tpu.memref_slice %arg9[%dma_wait3A_57, %dma_wait3A_58] : memref<80x128xi32, #tpu.memory_space<vmem>> -> memref<1x128xi32, #tpu.memory_space<vmem>>
    %dma_wait3A_60 = tpu.memref_squeeze %dma_wait3A_59 : memref<1x128xi32, #tpu.memory_space<vmem>> -> memref<128xi32, #tpu.memory_space<vmem>>
    %dma_wait3A_61 = arith.constant 0 : i32
    %dma_wait3A_62 = arith.constant 0 : i32
    %dma_wait3A_63 = tpu.memref_slice %arg18[%dma_wait3A_61, %dma_wait3A_62] : memref<10112x64xf32, #tpu.memory_space<vmem_shared>> -> memref<10112x64xf32, #tpu.memory_space<vmem_shared>>
    tpu.wait_indirect_dma semaphore(%arg26 : memref<!tpu.dma_semaphore, #tpu.memory_space<semaphore_mem>>) src(%arg17 : memref<128x64xf32, #tpu.memory_space<vmem>>) dst(%dma_wait3A_63 : memref<10112x64xf32, #tpu.memory_space<vmem_shared>>)
    %barrier3A_64 = arith.constant 0 : index
    tpu.barrier barrier_id(%barrier3A_64)
    %mul3A_65 = arith.constant 632 : i32
    %mul3A_66 = arith.muli %arg1, %mul3A_65 : i32
    %mul3A_67 = arith.constant 632 : i32
    %mul3A_68 = arith.muli %arg1, %mul3A_67 : i32
    %run_scoped3A = arith.constant 0 : i32
    "tpu.region"() ({
      %run_scoped3A_142 = tpu.sem_alloc : memref<!tpu.dma_semaphore, #tpu.memory_space<semaphore_mem>>
      %dma_start3A_143 = arith.constant 0 : i32
      %dma_start3A_144 = tpu.memref_slice %arg7[%run_scoped3A, %arg0, %mul3A_68, %dma_start3A_143] : memref<2x2x10112x64xf32, #tpu.memory_space<hbm>> -> memref<1x1x632x64xf32, #tpu.memory_space<hbm>>
      %dma_start3A_145 = tpu.memref_squeeze %dma_start3A_144 : memref<1x1x632x64xf32, #tpu.memory_space<hbm>> -> memref<632x64xf32, #tpu.memory_space<hbm>>
      %dma_start3A_146 = arith.constant 0 : i32
      %dma_start3A_147 = tpu.memref_slice %arg18[%mul3A_66, %dma_start3A_146] : memref<10112x64xf32, #tpu.memory_space<vmem_shared>> -> memref<632x64xf32, #tpu.memory_space<vmem_shared>>
      tpu.enqueue_dma source(%dma_start3A_147 : memref<632x64xf32, #tpu.memory_space<vmem_shared>>) target(%dma_start3A_145 : memref<632x64xf32, #tpu.memory_space<hbm>>) target_semaphore(%run_scoped3A_142 : memref<!tpu.dma_semaphore, #tpu.memory_space<semaphore_mem>>)
      %dma_wait3A_148 = arith.constant 0 : i32
      %dma_wait3A_149 = tpu.memref_slice %arg7[%run_scoped3A, %arg0, %mul3A_68, %dma_wait3A_148] : memref<2x2x10112x64xf32, #tpu.memory_space<hbm>> -> memref<1x1x632x64xf32, #tpu.memory_space<hbm>>
      %dma_wait3A_150 = tpu.memref_squeeze %dma_wait3A_149 : memref<1x1x632x64xf32, #tpu.memory_space<hbm>> -> memref<632x64xf32, #tpu.memory_space<hbm>>
      %dma_wait3A_151 = arith.constant 0 : i32
      %dma_wait3A_152 = tpu.memref_slice %arg18[%mul3A_66, %dma_wait3A_151] : memref<10112x64xf32, #tpu.memory_space<vmem_shared>> -> memref<632x64xf32, #tpu.memory_space<vmem_shared>>
      tpu.wait_dma2 semaphore(%run_scoped3A_142 : memref<!tpu.dma_semaphore, #tpu.memory_space<semaphore_mem>>) src(%dma_wait3A_152 : memref<632x64xf32, #tpu.memory_space<vmem_shared>>) dst(%dma_wait3A_150 : memref<632x64xf32, #tpu.memory_space<hbm>>)
      tpu.yield
    }) : () -> ()
    %mul3A_69 = arith.constant 632 : i32
    %mul3A_70 = arith.muli %arg1, %mul3A_69 : i32
    %mul3A_71 = arith.constant 632 : i32
    %mul3A_72 = arith.muli %arg1, %mul3A_71 : i32
    "tpu.region"() ({
      %run_scoped3A_142 = tpu.sem_alloc : memref<!tpu.dma_semaphore, #tpu.memory_space<semaphore_mem>>
      %dma_start3A_143 = arith.constant 0 : i32
      %dma_start3A_144 = tpu.memref_slice %arg18[%mul3A_72, %dma_start3A_143] : memref<10112x64xf32, #tpu.memory_space<vmem_shared>> -> memref<632x64xf32, #tpu.memory_space<vmem_shared>>
      %dma_start3A_145 = arith.constant 0 : i32
      %dma_start3A_146 = tpu.memref_slice %arg6[%mul3A_70, %dma_start3A_145] : memref<10112x64xf32, #tpu.memory_space<hbm>> -> memref<632x64xf32, #tpu.memory_space<hbm>>
      tpu.enqueue_dma source(%dma_start3A_146 : memref<632x64xf32, #tpu.memory_space<hbm>>) target(%dma_start3A_144 : memref<632x64xf32, #tpu.memory_space<vmem_shared>>) target_semaphore(%run_scoped3A_142 : memref<!tpu.dma_semaphore, #tpu.memory_space<semaphore_mem>>)
      %dma_wait3A_147 = arith.constant 0 : i32
      %dma_wait3A_148 = tpu.memref_slice %arg18[%mul3A_72, %dma_wait3A_147] : memref<10112x64xf32, #tpu.memory_space<vmem_shared>> -> memref<632x64xf32, #tpu.memory_space<vmem_shared>>
      %dma_wait3A_149 = arith.constant 0 : i32
      %dma_wait3A_150 = tpu.memref_slice %arg6[%mul3A_70, %dma_wait3A_149] : memref<10112x64xf32, #tpu.memory_space<hbm>> -> memref<632x64xf32, #tpu.memory_space<hbm>>
      tpu.wait_dma2 semaphore(%run_scoped3A_142 : memref<!tpu.dma_semaphore, #tpu.memory_space<semaphore_mem>>) src(%dma_wait3A_150 : memref<632x64xf32, #tpu.memory_space<hbm>>) dst(%dma_wait3A_148 : memref<632x64xf32, #tpu.memory_space<vmem_shared>>)
      tpu.yield
    }) : () -> ()
    %barrier3A_73 = arith.constant 0 : index
    tpu.barrier barrier_id(%barrier3A_73)
    %dma_start3A_74 = arith.constant 0 : i32
    %dma_start3A_75 = arith.constant 0 : i32
    %dma_start3A_76 = tpu.memref_slice %arg8[%dma_start3A_74, %dma_start3A_75] : memref<80x128xi32, #tpu.memory_space<vmem>> -> memref<1x128xi32, #tpu.memory_space<vmem>>
    %dma_start3A_77 = tpu.memref_squeeze %dma_start3A_76 : memref<1x128xi32, #tpu.memory_space<vmem>> -> memref<128xi32, #tpu.memory_space<vmem>>
    %dma_start3A_78 = arith.constant 0 : i32
    %dma_start3A_79 = arith.constant 0 : i32
    %dma_start3A_80 = tpu.memref_slice %arg3[%dma_start3A_78, %dma_start3A_79] : memref<10000x64xf32, #tpu.memory_space<hbm>> -> memref<10000x64xf32, #tpu.memory_space<hbm>>
    tpu.enqueue_indirect_dma source(%dma_start3A_80 : memref<10000x64xf32, #tpu.memory_space<hbm>>) target(%arg10 : memref<128x64xf32, #tpu.memory_space<vmem>>) offsets(%dma_start3A_77 : memref<128xi32, #tpu.memory_space<vmem>>) semaphore(%arg19 : memref<!tpu.dma_semaphore, #tpu.memory_space<semaphore_mem>>)
    %dma_start3A_81 = arith.constant 1 : i32
    %dma_start3A_82 = arith.constant 0 : i32
    %dma_start3A_83 = tpu.memref_slice %arg8[%dma_start3A_81, %dma_start3A_82] : memref<80x128xi32, #tpu.memory_space<vmem>> -> memref<1x128xi32, #tpu.memory_space<vmem>>
    %dma_start3A_84 = tpu.memref_squeeze %dma_start3A_83 : memref<1x128xi32, #tpu.memory_space<vmem>> -> memref<128xi32, #tpu.memory_space<vmem>>
    %dma_start3A_85 = arith.constant 0 : i32
    %dma_start3A_86 = arith.constant 0 : i32
    %dma_start3A_87 = tpu.memref_slice %arg3[%dma_start3A_85, %dma_start3A_86] : memref<10000x64xf32, #tpu.memory_space<hbm>> -> memref<10000x64xf32, #tpu.memory_space<hbm>>
    tpu.enqueue_indirect_dma source(%dma_start3A_87 : memref<10000x64xf32, #tpu.memory_space<hbm>>) target(%arg11 : memref<128x64xf32, #tpu.memory_space<vmem>>) offsets(%dma_start3A_84 : memref<128xi32, #tpu.memory_space<vmem>>) semaphore(%arg20 : memref<!tpu.dma_semaphore, #tpu.memory_space<semaphore_mem>>)
    %dma_start3A_88 = arith.constant 2 : i32
    %dma_start3A_89 = arith.constant 0 : i32
    %dma_start3A_90 = tpu.memref_slice %arg8[%dma_start3A_88, %dma_start3A_89] : memref<80x128xi32, #tpu.memory_space<vmem>> -> memref<1x128xi32, #tpu.memory_space<vmem>>
    %dma_start3A_91 = tpu.memref_squeeze %dma_start3A_90 : memref<1x128xi32, #tpu.memory_space<vmem>> -> memref<128xi32, #tpu.memory_space<vmem>>
    %dma_start3A_92 = arith.constant 0 : i32
    %dma_start3A_93 = arith.constant 0 : i32
    %dma_start3A_94 = tpu.memref_slice %arg3[%dma_start3A_92, %dma_start3A_93] : memref<10000x64xf32, #tpu.memory_space<hbm>> -> memref<10000x64xf32, #tpu.memory_space<hbm>>
    tpu.enqueue_indirect_dma source(%dma_start3A_94 : memref<10000x64xf32, #tpu.memory_space<hbm>>) target(%arg12 : memref<128x64xf32, #tpu.memory_space<vmem>>) offsets(%dma_start3A_91 : memref<128xi32, #tpu.memory_space<vmem>>) semaphore(%arg21 : memref<!tpu.dma_semaphore, #tpu.memory_space<semaphore_mem>>)
    %dma_start3A_95 = arith.constant 3 : i32
    %dma_start3A_96 = arith.constant 0 : i32
    %dma_start3A_97 = tpu.memref_slice %arg8[%dma_start3A_95, %dma_start3A_96] : memref<80x128xi32, #tpu.memory_space<vmem>> -> memref<1x128xi32, #tpu.memory_space<vmem>>
    %dma_start3A_98 = tpu.memref_squeeze %dma_start3A_97 : memref<1x128xi32, #tpu.memory_space<vmem>> -> memref<128xi32, #tpu.memory_space<vmem>>
    %dma_start3A_99 = arith.constant 0 : i32
    %dma_start3A_100 = arith.constant 0 : i32
    %dma_start3A_101 = tpu.memref_slice %arg3[%dma_start3A_99, %dma_start3A_100] : memref<10000x64xf32, #tpu.memory_space<hbm>> -> memref<10000x64xf32, #tpu.memory_space<hbm>>
    tpu.enqueue_indirect_dma source(%dma_start3A_101 : memref<10000x64xf32, #tpu.memory_space<hbm>>) target(%arg13 : memref<128x64xf32, #tpu.memory_space<vmem>>) offsets(%dma_start3A_98 : memref<128xi32, #tpu.memory_space<vmem>>) semaphore(%arg22 : memref<!tpu.dma_semaphore, #tpu.memory_space<semaphore_mem>>)
    %scan3A_102 = arith.constant 0 : i32
    %scan3A_103 = arith.constant 0 : i32
    %scan3A_104 = arith.constant 10 : i32
    %scan3A_105 = arith.addi %scan3A_103, %scan3A_104 : i32
    %scan3A_106 = arith.constant 1 : i32
    scf.for %scan3A_142 = %scan3A_103 to %scan3A_105 step %scan3A_106  : i32 {
      %mul3A_143 = arith.constant 8 : i32
      %mul3A_144 = arith.muli %scan3A_142, %mul3A_143 : i32
      %add3A_145 = arith.constant 0 : i32
      %add3A_146 = arith.addi %mul3A_144, %add3A_145 : i32
      %ge3A = arith.constant 1 : i32
      %ge3A_147 = arith.cmpi sge, %scan3A_142, %ge3A : i32
      %convert_element_type3A = arith.extui %ge3A_147 : i1 to i32
      %cond3A = arith.constant 0 : i32
      %cond3A_148 = arith.cmpi ne, %convert_element_type3A, %cond3A : i32
      scf.if %cond3A_148 {
        %sub3A_356 = arith.constant 4 : i32
        %sub3A_357 = arith.subi %add3A_146, %sub3A_356 : i32
        %dma_wait3A_358 = arith.constant 0 : i32
        %dma_wait3A_359 = tpu.memref_slice %arg9[%sub3A_357, %dma_wait3A_358] : memref<80x128xi32, #tpu.memory_space<vmem>> -> memref<1x128xi32, #tpu.memory_space<vmem>>
        %dma_wait3A_360 = tpu.memref_squeeze %dma_wait3A_359 : memref<1x128xi32, #tpu.memory_space<vmem>> -> memref<128xi32, #tpu.memory_space<vmem>>
        %dma_wait3A_361 = arith.constant 0 : i32
        %dma_wait3A_362 = arith.constant 0 : i32
        %dma_wait3A_363 = tpu.memref_slice %arg18[%dma_wait3A_361, %dma_wait3A_362] : memref<10112x64xf32, #tpu.memory_space<vmem_shared>> -> memref<10112x64xf32, #tpu.memory_space<vmem_shared>>
        tpu.wait_indirect_dma semaphore(%arg23 : memref<!tpu.dma_semaphore, #tpu.memory_space<semaphore_mem>>) src(%arg14 : memref<128x64xf32, #tpu.memory_space<vmem>>) dst(%dma_wait3A_363 : memref<10112x64xf32, #tpu.memory_space<vmem_shared>>)
      } else {
      }
      %add3A_149 = arith.constant 4 : i32
      %add3A_150 = arith.addi %add3A_146, %add3A_149 : i32
      %dma_start3A_151 = arith.constant 0 : i32
      %dma_start3A_152 = tpu.memref_slice %arg8[%add3A_150, %dma_start3A_151] : memref<80x128xi32, #tpu.memory_space<vmem>> -> memref<1x128xi32, #tpu.memory_space<vmem>>
      %dma_start3A_153 = tpu.memref_squeeze %dma_start3A_152 : memref<1x128xi32, #tpu.memory_space<vmem>> -> memref<128xi32, #tpu.memory_space<vmem>>
      %dma_start3A_154 = arith.constant 0 : i32
      %dma_start3A_155 = arith.constant 0 : i32
      %dma_start3A_156 = tpu.memref_slice %arg3[%dma_start3A_154, %dma_start3A_155] : memref<10000x64xf32, #tpu.memory_space<hbm>> -> memref<10000x64xf32, #tpu.memory_space<hbm>>
      tpu.enqueue_indirect_dma source(%dma_start3A_156 : memref<10000x64xf32, #tpu.memory_space<hbm>>) target(%arg14 : memref<128x64xf32, #tpu.memory_space<vmem>>) offsets(%dma_start3A_153 : memref<128xi32, #tpu.memory_space<vmem>>) semaphore(%arg23 : memref<!tpu.dma_semaphore, #tpu.memory_space<semaphore_mem>>)
      %dma_wait3A_157 = arith.constant 0 : i32
      %dma_wait3A_158 = tpu.memref_slice %arg8[%add3A_146, %dma_wait3A_157] : memref<80x128xi32, #tpu.memory_space<vmem>> -> memref<1x128xi32, #tpu.memory_space<vmem>>
      %dma_wait3A_159 = tpu.memref_squeeze %dma_wait3A_158 : memref<1x128xi32, #tpu.memory_space<vmem>> -> memref<128xi32, #tpu.memory_space<vmem>>
      %dma_wait3A_160 = arith.constant 0 : i32
      %dma_wait3A_161 = arith.constant 0 : i32
      %dma_wait3A_162 = tpu.memref_slice %arg3[%dma_wait3A_160, %dma_wait3A_161] : memref<10000x64xf32, #tpu.memory_space<hbm>> -> memref<10000x64xf32, #tpu.memory_space<hbm>>
      tpu.wait_indirect_dma semaphore(%arg19 : memref<!tpu.dma_semaphore, #tpu.memory_space<semaphore_mem>>) src(%dma_wait3A_162 : memref<10000x64xf32, #tpu.memory_space<hbm>>) dst(%arg10 : memref<128x64xf32, #tpu.memory_space<vmem>>)
      %dma_start3A_163 = arith.constant 0 : i32
      %dma_start3A_164 = tpu.memref_slice %arg9[%add3A_146, %dma_start3A_163] : memref<80x128xi32, #tpu.memory_space<vmem>> -> memref<1x128xi32, #tpu.memory_space<vmem>>
      %dma_start3A_165 = tpu.memref_squeeze %dma_start3A_164 : memref<1x128xi32, #tpu.memory_space<vmem>> -> memref<128xi32, #tpu.memory_space<vmem>>
      %dma_start3A_166 = arith.constant 0 : i32
      %dma_start3A_167 = arith.constant 0 : i32
      %dma_start3A_168 = tpu.memref_slice %arg18[%dma_start3A_166, %dma_start3A_167] : memref<10112x64xf32, #tpu.memory_space<vmem_shared>> -> memref<10112x64xf32, #tpu.memory_space<vmem_shared>>
      tpu.enqueue_indirect_dma source(%arg10 : memref<128x64xf32, #tpu.memory_space<vmem>>) target(%dma_start3A_168 : memref<10112x64xf32, #tpu.memory_space<vmem_shared>>) offsets(%dma_start3A_165 : memref<128xi32, #tpu.memory_space<vmem>>) semaphore(%arg19 : memref<!tpu.dma_semaphore, #tpu.memory_space<semaphore_mem>>) {add = true}
      %add3A_169 = arith.constant 1 : i32
      %add3A_170 = arith.addi %mul3A_144, %add3A_169 : i32
      %ge3A_171 = arith.constant 1 : i32
      %ge3A_172 = arith.cmpi sge, %scan3A_142, %ge3A_171 : i32
      %convert_element_type3A_173 = arith.extui %ge3A_172 : i1 to i32
      %cond3A_174 = arith.constant 0 : i32
      %cond3A_175 = arith.cmpi ne, %convert_element_type3A_173, %cond3A_174 : i32
      scf.if %cond3A_175 {
        %sub3A_356 = arith.constant 4 : i32
        %sub3A_357 = arith.subi %add3A_170, %sub3A_356 : i32
        %dma_wait3A_358 = arith.constant 0 : i32
        %dma_wait3A_359 = tpu.memref_slice %arg9[%sub3A_357, %dma_wait3A_358] : memref<80x128xi32, #tpu.memory_space<vmem>> -> memref<1x128xi32, #tpu.memory_space<vmem>>
        %dma_wait3A_360 = tpu.memref_squeeze %dma_wait3A_359 : memref<1x128xi32, #tpu.memory_space<vmem>> -> memref<128xi32, #tpu.memory_space<vmem>>
        %dma_wait3A_361 = arith.constant 0 : i32
        %dma_wait3A_362 = arith.constant 0 : i32
        %dma_wait3A_363 = tpu.memref_slice %arg18[%dma_wait3A_361, %dma_wait3A_362] : memref<10112x64xf32, #tpu.memory_space<vmem_shared>> -> memref<10112x64xf32, #tpu.memory_space<vmem_shared>>
        tpu.wait_indirect_dma semaphore(%arg24 : memref<!tpu.dma_semaphore, #tpu.memory_space<semaphore_mem>>) src(%arg15 : memref<128x64xf32, #tpu.memory_space<vmem>>) dst(%dma_wait3A_363 : memref<10112x64xf32, #tpu.memory_space<vmem_shared>>)
      } else {
      }
      %add3A_176 = arith.constant 4 : i32
      %add3A_177 = arith.addi %add3A_170, %add3A_176 : i32
      %dma_start3A_178 = arith.constant 0 : i32
      %dma_start3A_179 = tpu.memref_slice %arg8[%add3A_177, %dma_start3A_178] : memref<80x128xi32, #tpu.memory_space<vmem>> -> memref<1x128xi32, #tpu.memory_space<vmem>>
      %dma_start3A_180 = tpu.memref_squeeze %dma_start3A_179 : memref<1x128xi32, #tpu.memory_space<vmem>> -> memref<128xi32, #tpu.memory_space<vmem>>
      %dma_start3A_181 = arith.constant 0 : i32
      %dma_start3A_182 = arith.constant 0 : i32
      %dma_start3A_183 = tpu.memref_slice %arg3[%dma_start3A_181, %dma_start3A_182] : memref<10000x64xf32, #tpu.memory_space<hbm>> -> memref<10000x64xf32, #tpu.memory_space<hbm>>
      tpu.enqueue_indirect_dma source(%dma_start3A_183 : memref<10000x64xf32, #tpu.memory_space<hbm>>) target(%arg15 : memref<128x64xf32, #tpu.memory_space<vmem>>) offsets(%dma_start3A_180 : memref<128xi32, #tpu.memory_space<vmem>>) semaphore(%arg24 : memref<!tpu.dma_semaphore, #tpu.memory_space<semaphore_mem>>)
      %dma_wait3A_184 = arith.constant 0 : i32
      %dma_wait3A_185 = tpu.memref_slice %arg8[%add3A_170, %dma_wait3A_184] : memref<80x128xi32, #tpu.memory_space<vmem>> -> memref<1x128xi32, #tpu.memory_space<vmem>>
      %dma_wait3A_186 = tpu.memref_squeeze %dma_wait3A_185 : memref<1x128xi32, #tpu.memory_space<vmem>> -> memref<128xi32, #tpu.memory_space<vmem>>
      %dma_wait3A_187 = arith.constant 0 : i32
      %dma_wait3A_188 = arith.constant 0 : i32
      %dma_wait3A_189 = tpu.memref_slice %arg3[%dma_wait3A_187, %dma_wait3A_188] : memref<10000x64xf32, #tpu.memory_space<hbm>> -> memref<10000x64xf32, #tpu.memory_space<hbm>>
      tpu.wait_indirect_dma semaphore(%arg20 : memref<!tpu.dma_semaphore, #tpu.memory_space<semaphore_mem>>) src(%dma_wait3A_189 : memref<10000x64xf32, #tpu.memory_space<hbm>>) dst(%arg11 : memref<128x64xf32, #tpu.memory_space<vmem>>)
      %dma_start3A_190 = arith.constant 0 : i32
      %dma_start3A_191 = tpu.memref_slice %arg9[%add3A_170, %dma_start3A_190] : memref<80x128xi32, #tpu.memory_space<vmem>> -> memref<1x128xi32, #tpu.memory_space<vmem>>
      %dma_start3A_192 = tpu.memref_squeeze %dma_start3A_191 : memref<1x128xi32, #tpu.memory_space<vmem>> -> memref<128xi32, #tpu.memory_space<vmem>>
      %dma_start3A_193 = arith.constant 0 : i32
      %dma_start3A_194 = arith.constant 0 : i32
      %dma_start3A_195 = tpu.memref_slice %arg18[%dma_start3A_193, %dma_start3A_194] : memref<10112x64xf32, #tpu.memory_space<vmem_shared>> -> memref<10112x64xf32, #tpu.memory_space<vmem_shared>>
      tpu.enqueue_indirect_dma source(%arg11 : memref<128x64xf32, #tpu.memory_space<vmem>>) target(%dma_start3A_195 : memref<10112x64xf32, #tpu.memory_space<vmem_shared>>) offsets(%dma_start3A_192 : memref<128xi32, #tpu.memory_space<vmem>>) semaphore(%arg20 : memref<!tpu.dma_semaphore, #tpu.memory_space<semaphore_mem>>) {add = true}
      %add3A_196 = arith.constant 2 : i32
      %add3A_197 = arith.addi %mul3A_144, %add3A_196 : i32
      %ge3A_198 = arith.constant 1 : i32
      %ge3A_199 = arith.cmpi sge, %scan3A_142, %ge3A_198 : i32
      %convert_element_type3A_200 = arith.extui %ge3A_199 : i1 to i32
      %cond3A_201 = arith.constant 0 : i32
      %cond3A_202 = arith.cmpi ne, %convert_element_type3A_200, %cond3A_201 : i32
      scf.if %cond3A_202 {
        %sub3A_356 = arith.constant 4 : i32
        %sub3A_357 = arith.subi %add3A_197, %sub3A_356 : i32
        %dma_wait3A_358 = arith.constant 0 : i32
        %dma_wait3A_359 = tpu.memref_slice %arg9[%sub3A_357, %dma_wait3A_358] : memref<80x128xi32, #tpu.memory_space<vmem>> -> memref<1x128xi32, #tpu.memory_space<vmem>>
        %dma_wait3A_360 = tpu.memref_squeeze %dma_wait3A_359 : memref<1x128xi32, #tpu.memory_space<vmem>> -> memref<128xi32, #tpu.memory_space<vmem>>
        %dma_wait3A_361 = arith.constant 0 : i32
        %dma_wait3A_362 = arith.constant 0 : i32
        %dma_wait3A_363 = tpu.memref_slice %arg18[%dma_wait3A_361, %dma_wait3A_362] : memref<10112x64xf32, #tpu.memory_space<vmem_shared>> -> memref<10112x64xf32, #tpu.memory_space<vmem_shared>>
        tpu.wait_indirect_dma semaphore(%arg25 : memref<!tpu.dma_semaphore, #tpu.memory_space<semaphore_mem>>) src(%arg16 : memref<128x64xf32, #tpu.memory_space<vmem>>) dst(%dma_wait3A_363 : memref<10112x64xf32, #tpu.memory_space<vmem_shared>>)
      } else {
      }
      %add3A_203 = arith.constant 4 : i32
      %add3A_204 = arith.addi %add3A_197, %add3A_203 : i32
      %dma_start3A_205 = arith.constant 0 : i32
      %dma_start3A_206 = tpu.memref_slice %arg8[%add3A_204, %dma_start3A_205] : memref<80x128xi32, #tpu.memory_space<vmem>> -> memref<1x128xi32, #tpu.memory_space<vmem>>
      %dma_start3A_207 = tpu.memref_squeeze %dma_start3A_206 : memref<1x128xi32, #tpu.memory_space<vmem>> -> memref<128xi32, #tpu.memory_space<vmem>>
      %dma_start3A_208 = arith.constant 0 : i32
      %dma_start3A_209 = arith.constant 0 : i32
      %dma_start3A_210 = tpu.memref_slice %arg3[%dma_start3A_208, %dma_start3A_209] : memref<10000x64xf32, #tpu.memory_space<hbm>> -> memref<10000x64xf32, #tpu.memory_space<hbm>>
      tpu.enqueue_indirect_dma source(%dma_start3A_210 : memref<10000x64xf32, #tpu.memory_space<hbm>>) target(%arg16 : memref<128x64xf32, #tpu.memory_space<vmem>>) offsets(%dma_start3A_207 : memref<128xi32, #tpu.memory_space<vmem>>) semaphore(%arg25 : memref<!tpu.dma_semaphore, #tpu.memory_space<semaphore_mem>>)
      %dma_wait3A_211 = arith.constant 0 : i32
      %dma_wait3A_212 = tpu.memref_slice %arg8[%add3A_197, %dma_wait3A_211] : memref<80x128xi32, #tpu.memory_space<vmem>> -> memref<1x128xi32, #tpu.memory_space<vmem>>
      %dma_wait3A_213 = tpu.memref_squeeze %dma_wait3A_212 : memref<1x128xi32, #tpu.memory_space<vmem>> -> memref<128xi32, #tpu.memory_space<vmem>>
      %dma_wait3A_214 = arith.constant 0 : i32
      %dma_wait3A_215 = arith.constant 0 : i32
      %dma_wait3A_216 = tpu.memref_slice %arg3[%dma_wait3A_214, %dma_wait3A_215] : memref<10000x64xf32, #tpu.memory_space<hbm>> -> memref<10000x64xf32, #tpu.memory_space<hbm>>
      tpu.wait_indirect_dma semaphore(%arg21 : memref<!tpu.dma_semaphore, #tpu.memory_space<semaphore_mem>>) src(%dma_wait3A_216 : memref<10000x64xf32, #tpu.memory_space<hbm>>) dst(%arg12 : memref<128x64xf32, #tpu.memory_space<vmem>>)
      %dma_start3A_217 = arith.constant 0 : i32
      %dma_start3A_218 = tpu.memref_slice %arg9[%add3A_197, %dma_start3A_217] : memref<80x128xi32, #tpu.memory_space<vmem>> -> memref<1x128xi32, #tpu.memory_space<vmem>>
      %dma_start3A_219 = tpu.memref_squeeze %dma_start3A_218 : memref<1x128xi32, #tpu.memory_space<vmem>> -> memref<128xi32, #tpu.memory_space<vmem>>
      %dma_start3A_220 = arith.constant 0 : i32
      %dma_start3A_221 = arith.constant 0 : i32
      %dma_start3A_222 = tpu.memref_slice %arg18[%dma_start3A_220, %dma_start3A_221] : memref<10112x64xf32, #tpu.memory_space<vmem_shared>> -> memref<10112x64xf32, #tpu.memory_space<vmem_shared>>
      tpu.enqueue_indirect_dma source(%arg12 : memref<128x64xf32, #tpu.memory_space<vmem>>) target(%dma_start3A_222 : memref<10112x64xf32, #tpu.memory_space<vmem_shared>>) offsets(%dma_start3A_219 : memref<128xi32, #tpu.memory_space<vmem>>) semaphore(%arg21 : memref<!tpu.dma_semaphore, #tpu.memory_space<semaphore_mem>>) {add = true}
      %add3A_223 = arith.constant 3 : i32
      %add3A_224 = arith.addi %mul3A_144, %add3A_223 : i32
      %ge3A_225 = arith.constant 1 : i32
      %ge3A_226 = arith.cmpi sge, %scan3A_142, %ge3A_225 : i32
      %convert_element_type3A_227 = arith.extui %ge3A_226 : i1 to i32
      %cond3A_228 = arith.constant 0 : i32
      %cond3A_229 = arith.cmpi ne, %convert_element_type3A_227, %cond3A_228 : i32
      scf.if %cond3A_229 {
        %sub3A_356 = arith.constant 4 : i32
        %sub3A_357 = arith.subi %add3A_224, %sub3A_356 : i32
        %dma_wait3A_358 = arith.constant 0 : i32
        %dma_wait3A_359 = tpu.memref_slice %arg9[%sub3A_357, %dma_wait3A_358] : memref<80x128xi32, #tpu.memory_space<vmem>> -> memref<1x128xi32, #tpu.memory_space<vmem>>
        %dma_wait3A_360 = tpu.memref_squeeze %dma_wait3A_359 : memref<1x128xi32, #tpu.memory_space<vmem>> -> memref<128xi32, #tpu.memory_space<vmem>>
        %dma_wait3A_361 = arith.constant 0 : i32
        %dma_wait3A_362 = arith.constant 0 : i32
        %dma_wait3A_363 = tpu.memref_slice %arg18[%dma_wait3A_361, %dma_wait3A_362] : memref<10112x64xf32, #tpu.memory_space<vmem_shared>> -> memref<10112x64xf32, #tpu.memory_space<vmem_shared>>
        tpu.wait_indirect_dma semaphore(%arg26 : memref<!tpu.dma_semaphore, #tpu.memory_space<semaphore_mem>>) src(%arg17 : memref<128x64xf32, #tpu.memory_space<vmem>>) dst(%dma_wait3A_363 : memref<10112x64xf32, #tpu.memory_space<vmem_shared>>)
      } else {
      }
      %add3A_230 = arith.constant 4 : i32
      %add3A_231 = arith.addi %add3A_224, %add3A_230 : i32
      %dma_start3A_232 = arith.constant 0 : i32
      %dma_start3A_233 = tpu.memref_slice %arg8[%add3A_231, %dma_start3A_232] : memref<80x128xi32, #tpu.memory_space<vmem>> -> memref<1x128xi32, #tpu.memory_space<vmem>>
      %dma_start3A_234 = tpu.memref_squeeze %dma_start3A_233 : memref<1x128xi32, #tpu.memory_space<vmem>> -> memref<128xi32, #tpu.memory_space<vmem>>
      %dma_start3A_235 = arith.constant 0 : i32
      %dma_start3A_236 = arith.constant 0 : i32
      %dma_start3A_237 = tpu.memref_slice %arg3[%dma_start3A_235, %dma_start3A_236] : memref<10000x64xf32, #tpu.memory_space<hbm>> -> memref<10000x64xf32, #tpu.memory_space<hbm>>
      tpu.enqueue_indirect_dma source(%dma_start3A_237 : memref<10000x64xf32, #tpu.memory_space<hbm>>) target(%arg17 : memref<128x64xf32, #tpu.memory_space<vmem>>) offsets(%dma_start3A_234 : memref<128xi32, #tpu.memory_space<vmem>>) semaphore(%arg26 : memref<!tpu.dma_semaphore, #tpu.memory_space<semaphore_mem>>)
      %dma_wait3A_238 = arith.constant 0 : i32
      %dma_wait3A_239 = tpu.memref_slice %arg8[%add3A_224, %dma_wait3A_238] : memref<80x128xi32, #tpu.memory_space<vmem>> -> memref<1x128xi32, #tpu.memory_space<vmem>>
      %dma_wait3A_240 = tpu.memref_squeeze %dma_wait3A_239 : memref<1x128xi32, #tpu.memory_space<vmem>> -> memref<128xi32, #tpu.memory_space<vmem>>
      %dma_wait3A_241 = arith.constant 0 : i32
      %dma_wait3A_242 = arith.constant 0 : i32
      %dma_wait3A_243 = tpu.memref_slice %arg3[%dma_wait3A_241, %dma_wait3A_242] : memref<10000x64xf32, #tpu.memory_space<hbm>> -> memref<10000x64xf32, #tpu.memory_space<hbm>>
      tpu.wait_indirect_dma semaphore(%arg22 : memref<!tpu.dma_semaphore, #tpu.memory_space<semaphore_mem>>) src(%dma_wait3A_243 : memref<10000x64xf32, #tpu.memory_space<hbm>>) dst(%arg13 : memref<128x64xf32, #tpu.memory_space<vmem>>)
      %dma_start3A_244 = arith.constant 0 : i32
      %dma_start3A_245 = tpu.memref_slice %arg9[%add3A_224, %dma_start3A_244] : memref<80x128xi32, #tpu.memory_space<vmem>> -> memref<1x128xi32, #tpu.memory_space<vmem>>
      %dma_start3A_246 = tpu.memref_squeeze %dma_start3A_245 : memref<1x128xi32, #tpu.memory_space<vmem>> -> memref<128xi32, #tpu.memory_space<vmem>>
      %dma_start3A_247 = arith.constant 0 : i32
      %dma_start3A_248 = arith.constant 0 : i32
      %dma_start3A_249 = tpu.memref_slice %arg18[%dma_start3A_247, %dma_start3A_248] : memref<10112x64xf32, #tpu.memory_space<vmem_shared>> -> memref<10112x64xf32, #tpu.memory_space<vmem_shared>>
      tpu.enqueue_indirect_dma source(%arg13 : memref<128x64xf32, #tpu.memory_space<vmem>>) target(%dma_start3A_249 : memref<10112x64xf32, #tpu.memory_space<vmem_shared>>) offsets(%dma_start3A_246 : memref<128xi32, #tpu.memory_space<vmem>>) semaphore(%arg22 : memref<!tpu.dma_semaphore, #tpu.memory_space<semaphore_mem>>) {add = true}
      %add3A_250 = arith.constant 4 : i32
      %add3A_251 = arith.addi %mul3A_144, %add3A_250 : i32
      %sub3A = arith.constant 4 : i32
      %sub3A_252 = arith.subi %add3A_251, %sub3A : i32
      %dma_wait3A_253 = arith.constant 0 : i32
      %dma_wait3A_254 = tpu.memref_slice %arg9[%sub3A_252, %dma_wait3A_253] : memref<80x128xi32, #tpu.memory_space<vmem>> -> memref<1x128xi32, #tpu.memory_space<vmem>>
      %dma_wait3A_255 = tpu.memref_squeeze %dma_wait3A_254 : memref<1x128xi32, #tpu.memory_space<vmem>> -> memref<128xi32, #tpu.memory_space<vmem>>
      %dma_wait3A_256 = arith.constant 0 : i32
      %dma_wait3A_257 = arith.constant 0 : i32
      %dma_wait3A_258 = tpu.memref_slice %arg18[%dma_wait3A_256, %dma_wait3A_257] : memref<10112x64xf32, #tpu.memory_space<vmem_shared>> -> memref<10112x64xf32, #tpu.memory_space<vmem_shared>>
      tpu.wait_indirect_dma semaphore(%arg19 : memref<!tpu.dma_semaphore, #tpu.memory_space<semaphore_mem>>) src(%arg10 : memref<128x64xf32, #tpu.memory_space<vmem>>) dst(%dma_wait3A_258 : memref<10112x64xf32, #tpu.memory_space<vmem_shared>>)
      %lt3A = arith.constant 9 : i32
      %lt3A_259 = arith.cmpi slt, %scan3A_142, %lt3A : i32
      %convert_element_type3A_260 = arith.extui %lt3A_259 : i1 to i32
      %cond3A_261 = arith.constant 0 : i32
      %cond3A_262 = arith.cmpi ne, %convert_element_type3A_260, %cond3A_261 : i32
      scf.if %cond3A_262 {
        %add3A_356 = arith.constant 4 : i32
        %add3A_357 = arith.addi %add3A_251, %add3A_356 : i32
        %dma_start3A_358 = arith.constant 0 : i32
        %dma_start3A_359 = tpu.memref_slice %arg8[%add3A_357, %dma_start3A_358] : memref<80x128xi32, #tpu.memory_space<vmem>> -> memref<1x128xi32, #tpu.memory_space<vmem>>
        %dma_start3A_360 = tpu.memref_squeeze %dma_start3A_359 : memref<1x128xi32, #tpu.memory_space<vmem>> -> memref<128xi32, #tpu.memory_space<vmem>>
        %dma_start3A_361 = arith.constant 0 : i32
        %dma_start3A_362 = arith.constant 0 : i32
        %dma_start3A_363 = tpu.memref_slice %arg3[%dma_start3A_361, %dma_start3A_362] : memref<10000x64xf32, #tpu.memory_space<hbm>> -> memref<10000x64xf32, #tpu.memory_space<hbm>>
        tpu.enqueue_indirect_dma source(%dma_start3A_363 : memref<10000x64xf32, #tpu.memory_space<hbm>>) target(%arg10 : memref<128x64xf32, #tpu.memory_space<vmem>>) offsets(%dma_start3A_360 : memref<128xi32, #tpu.memory_space<vmem>>) semaphore(%arg19 : memref<!tpu.dma_semaphore, #tpu.memory_space<semaphore_mem>>)
      } else {
      }
      %dma_wait3A_263 = arith.constant 0 : i32
      %dma_wait3A_264 = tpu.memref_slice %arg8[%add3A_251, %dma_wait3A_263] : memref<80x128xi32, #tpu.memory_space<vmem>> -> memref<1x128xi32, #tpu.memory_space<vmem>>
      %dma_wait3A_265 = tpu.memref_squeeze %dma_wait3A_264 : memref<1x128xi32, #tpu.memory_space<vmem>> -> memref<128xi32, #tpu.memory_space<vmem>>
      %dma_wait3A_266 = arith.constant 0 : i32
      %dma_wait3A_267 = arith.constant 0 : i32
      %dma_wait3A_268 = tpu.memref_slice %arg3[%dma_wait3A_266, %dma_wait3A_267] : memref<10000x64xf32, #tpu.memory_space<hbm>> -> memref<10000x64xf32, #tpu.memory_space<hbm>>
      tpu.wait_indirect_dma semaphore(%arg23 : memref<!tpu.dma_semaphore, #tpu.memory_space<semaphore_mem>>) src(%dma_wait3A_268 : memref<10000x64xf32, #tpu.memory_space<hbm>>) dst(%arg14 : memref<128x64xf32, #tpu.memory_space<vmem>>)
      %dma_start3A_269 = arith.constant 0 : i32
      %dma_start3A_270 = tpu.memref_slice %arg9[%add3A_251, %dma_start3A_269] : memref<80x128xi32, #tpu.memory_space<vmem>> -> memref<1x128xi32, #tpu.memory_space<vmem>>
      %dma_start3A_271 = tpu.memref_squeeze %dma_start3A_270 : memref<1x128xi32, #tpu.memory_space<vmem>> -> memref<128xi32, #tpu.memory_space<vmem>>
      %dma_start3A_272 = arith.constant 0 : i32
      %dma_start3A_273 = arith.constant 0 : i32
      %dma_start3A_274 = tpu.memref_slice %arg18[%dma_start3A_272, %dma_start3A_273] : memref<10112x64xf32, #tpu.memory_space<vmem_shared>> -> memref<10112x64xf32, #tpu.memory_space<vmem_shared>>
      tpu.enqueue_indirect_dma source(%arg14 : memref<128x64xf32, #tpu.memory_space<vmem>>) target(%dma_start3A_274 : memref<10112x64xf32, #tpu.memory_space<vmem_shared>>) offsets(%dma_start3A_271 : memref<128xi32, #tpu.memory_space<vmem>>) semaphore(%arg23 : memref<!tpu.dma_semaphore, #tpu.memory_space<semaphore_mem>>) {add = true}
      %add3A_275 = arith.constant 5 : i32
      %add3A_276 = arith.addi %mul3A_144, %add3A_275 : i32
      %sub3A_277 = arith.constant 4 : i32
      %sub3A_278 = arith.subi %add3A_276, %sub3A_277 : i32
      %dma_wait3A_279 = arith.constant 0 : i32
      %dma_wait3A_280 = tpu.memref_slice %arg9[%sub3A_278, %dma_wait3A_279] : memref<80x128xi32, #tpu.memory_space<vmem>> -> memref<1x128xi32, #tpu.memory_space<vmem>>
      %dma_wait3A_281 = tpu.memref_squeeze %dma_wait3A_280 : memref<1x128xi32, #tpu.memory_space<vmem>> -> memref<128xi32, #tpu.memory_space<vmem>>
      %dma_wait3A_282 = arith.constant 0 : i32
      %dma_wait3A_283 = arith.constant 0 : i32
      %dma_wait3A_284 = tpu.memref_slice %arg18[%dma_wait3A_282, %dma_wait3A_283] : memref<10112x64xf32, #tpu.memory_space<vmem_shared>> -> memref<10112x64xf32, #tpu.memory_space<vmem_shared>>
      tpu.wait_indirect_dma semaphore(%arg20 : memref<!tpu.dma_semaphore, #tpu.memory_space<semaphore_mem>>) src(%arg11 : memref<128x64xf32, #tpu.memory_space<vmem>>) dst(%dma_wait3A_284 : memref<10112x64xf32, #tpu.memory_space<vmem_shared>>)
      %lt3A_285 = arith.constant 9 : i32
      %lt3A_286 = arith.cmpi slt, %scan3A_142, %lt3A_285 : i32
      %convert_element_type3A_287 = arith.extui %lt3A_286 : i1 to i32
      %cond3A_288 = arith.constant 0 : i32
      %cond3A_289 = arith.cmpi ne, %convert_element_type3A_287, %cond3A_288 : i32
      scf.if %cond3A_289 {
        %add3A_356 = arith.constant 4 : i32
        %add3A_357 = arith.addi %add3A_276, %add3A_356 : i32
        %dma_start3A_358 = arith.constant 0 : i32
        %dma_start3A_359 = tpu.memref_slice %arg8[%add3A_357, %dma_start3A_358] : memref<80x128xi32, #tpu.memory_space<vmem>> -> memref<1x128xi32, #tpu.memory_space<vmem>>
        %dma_start3A_360 = tpu.memref_squeeze %dma_start3A_359 : memref<1x128xi32, #tpu.memory_space<vmem>> -> memref<128xi32, #tpu.memory_space<vmem>>
        %dma_start3A_361 = arith.constant 0 : i32
        %dma_start3A_362 = arith.constant 0 : i32
        %dma_start3A_363 = tpu.memref_slice %arg3[%dma_start3A_361, %dma_start3A_362] : memref<10000x64xf32, #tpu.memory_space<hbm>> -> memref<10000x64xf32, #tpu.memory_space<hbm>>
        tpu.enqueue_indirect_dma source(%dma_start3A_363 : memref<10000x64xf32, #tpu.memory_space<hbm>>) target(%arg11 : memref<128x64xf32, #tpu.memory_space<vmem>>) offsets(%dma_start3A_360 : memref<128xi32, #tpu.memory_space<vmem>>) semaphore(%arg20 : memref<!tpu.dma_semaphore, #tpu.memory_space<semaphore_mem>>)
      } else {
      }
      %dma_wait3A_290 = arith.constant 0 : i32
      %dma_wait3A_291 = tpu.memref_slice %arg8[%add3A_276, %dma_wait3A_290] : memref<80x128xi32, #tpu.memory_space<vmem>> -> memref<1x128xi32, #tpu.memory_space<vmem>>
      %dma_wait3A_292 = tpu.memref_squeeze %dma_wait3A_291 : memref<1x128xi32, #tpu.memory_space<vmem>> -> memref<128xi32, #tpu.memory_space<vmem>>
      %dma_wait3A_293 = arith.constant 0 : i32
      %dma_wait3A_294 = arith.constant 0 : i32
      %dma_wait3A_295 = tpu.memref_slice %arg3[%dma_wait3A_293, %dma_wait3A_294] : memref<10000x64xf32, #tpu.memory_space<hbm>> -> memref<10000x64xf32, #tpu.memory_space<hbm>>
      tpu.wait_indirect_dma semaphore(%arg24 : memref<!tpu.dma_semaphore, #tpu.memory_space<semaphore_mem>>) src(%dma_wait3A_295 : memref<10000x64xf32, #tpu.memory_space<hbm>>) dst(%arg15 : memref<128x64xf32, #tpu.memory_space<vmem>>)
      %dma_start3A_296 = arith.constant 0 : i32
      %dma_start3A_297 = tpu.memref_slice %arg9[%add3A_276, %dma_start3A_296] : memref<80x128xi32, #tpu.memory_space<vmem>> -> memref<1x128xi32, #tpu.memory_space<vmem>>
      %dma_start3A_298 = tpu.memref_squeeze %dma_start3A_297 : memref<1x128xi32, #tpu.memory_space<vmem>> -> memref<128xi32, #tpu.memory_space<vmem>>
      %dma_start3A_299 = arith.constant 0 : i32
      %dma_start3A_300 = arith.constant 0 : i32
      %dma_start3A_301 = tpu.memref_slice %arg18[%dma_start3A_299, %dma_start3A_300] : memref<10112x64xf32, #tpu.memory_space<vmem_shared>> -> memref<10112x64xf32, #tpu.memory_space<vmem_shared>>
      tpu.enqueue_indirect_dma source(%arg15 : memref<128x64xf32, #tpu.memory_space<vmem>>) target(%dma_start3A_301 : memref<10112x64xf32, #tpu.memory_space<vmem_shared>>) offsets(%dma_start3A_298 : memref<128xi32, #tpu.memory_space<vmem>>) semaphore(%arg24 : memref<!tpu.dma_semaphore, #tpu.memory_space<semaphore_mem>>) {add = true}
      %add3A_302 = arith.constant 6 : i32
      %add3A_303 = arith.addi %mul3A_144, %add3A_302 : i32
      %sub3A_304 = arith.constant 4 : i32
      %sub3A_305 = arith.subi %add3A_303, %sub3A_304 : i32
      %dma_wait3A_306 = arith.constant 0 : i32
      %dma_wait3A_307 = tpu.memref_slice %arg9[%sub3A_305, %dma_wait3A_306] : memref<80x128xi32, #tpu.memory_space<vmem>> -> memref<1x128xi32, #tpu.memory_space<vmem>>
      %dma_wait3A_308 = tpu.memref_squeeze %dma_wait3A_307 : memref<1x128xi32, #tpu.memory_space<vmem>> -> memref<128xi32, #tpu.memory_space<vmem>>
      %dma_wait3A_309 = arith.constant 0 : i32
      %dma_wait3A_310 = arith.constant 0 : i32
      %dma_wait3A_311 = tpu.memref_slice %arg18[%dma_wait3A_309, %dma_wait3A_310] : memref<10112x64xf32, #tpu.memory_space<vmem_shared>> -> memref<10112x64xf32, #tpu.memory_space<vmem_shared>>
      tpu.wait_indirect_dma semaphore(%arg21 : memref<!tpu.dma_semaphore, #tpu.memory_space<semaphore_mem>>) src(%arg12 : memref<128x64xf32, #tpu.memory_space<vmem>>) dst(%dma_wait3A_311 : memref<10112x64xf32, #tpu.memory_space<vmem_shared>>)
      %lt3A_312 = arith.constant 9 : i32
      %lt3A_313 = arith.cmpi slt, %scan3A_142, %lt3A_312 : i32
      %convert_element_type3A_314 = arith.extui %lt3A_313 : i1 to i32
      %cond3A_315 = arith.constant 0 : i32
      %cond3A_316 = arith.cmpi ne, %convert_element_type3A_314, %cond3A_315 : i32
      scf.if %cond3A_316 {
        %add3A_356 = arith.constant 4 : i32
        %add3A_357 = arith.addi %add3A_303, %add3A_356 : i32
        %dma_start3A_358 = arith.constant 0 : i32
        %dma_start3A_359 = tpu.memref_slice %arg8[%add3A_357, %dma_start3A_358] : memref<80x128xi32, #tpu.memory_space<vmem>> -> memref<1x128xi32, #tpu.memory_space<vmem>>
        %dma_start3A_360 = tpu.memref_squeeze %dma_start3A_359 : memref<1x128xi32, #tpu.memory_space<vmem>> -> memref<128xi32, #tpu.memory_space<vmem>>
        %dma_start3A_361 = arith.constant 0 : i32
        %dma_start3A_362 = arith.constant 0 : i32
        %dma_start3A_363 = tpu.memref_slice %arg3[%dma_start3A_361, %dma_start3A_362] : memref<10000x64xf32, #tpu.memory_space<hbm>> -> memref<10000x64xf32, #tpu.memory_space<hbm>>
        tpu.enqueue_indirect_dma source(%dma_start3A_363 : memref<10000x64xf32, #tpu.memory_space<hbm>>) target(%arg12 : memref<128x64xf32, #tpu.memory_space<vmem>>) offsets(%dma_start3A_360 : memref<128xi32, #tpu.memory_space<vmem>>) semaphore(%arg21 : memref<!tpu.dma_semaphore, #tpu.memory_space<semaphore_mem>>)
      } else {
      }
      %dma_wait3A_317 = arith.constant 0 : i32
      %dma_wait3A_318 = tpu.memref_slice %arg8[%add3A_303, %dma_wait3A_317] : memref<80x128xi32, #tpu.memory_space<vmem>> -> memref<1x128xi32, #tpu.memory_space<vmem>>
      %dma_wait3A_319 = tpu.memref_squeeze %dma_wait3A_318 : memref<1x128xi32, #tpu.memory_space<vmem>> -> memref<128xi32, #tpu.memory_space<vmem>>
      %dma_wait3A_320 = arith.constant 0 : i32
      %dma_wait3A_321 = arith.constant 0 : i32
      %dma_wait3A_322 = tpu.memref_slice %arg3[%dma_wait3A_320, %dma_wait3A_321] : memref<10000x64xf32, #tpu.memory_space<hbm>> -> memref<10000x64xf32, #tpu.memory_space<hbm>>
      tpu.wait_indirect_dma semaphore(%arg25 : memref<!tpu.dma_semaphore, #tpu.memory_space<semaphore_mem>>) src(%dma_wait3A_322 : memref<10000x64xf32, #tpu.memory_space<hbm>>) dst(%arg16 : memref<128x64xf32, #tpu.memory_space<vmem>>)
      %dma_start3A_323 = arith.constant 0 : i32
      %dma_start3A_324 = tpu.memref_slice %arg9[%add3A_303, %dma_start3A_323] : memref<80x128xi32, #tpu.memory_space<vmem>> -> memref<1x128xi32, #tpu.memory_space<vmem>>
      %dma_start3A_325 = tpu.memref_squeeze %dma_start3A_324 : memref<1x128xi32, #tpu.memory_space<vmem>> -> memref<128xi32, #tpu.memory_space<vmem>>
      %dma_start3A_326 = arith.constant 0 : i32
      %dma_start3A_327 = arith.constant 0 : i32
      %dma_start3A_328 = tpu.memref_slice %arg18[%dma_start3A_326, %dma_start3A_327] : memref<10112x64xf32, #tpu.memory_space<vmem_shared>> -> memref<10112x64xf32, #tpu.memory_space<vmem_shared>>
      tpu.enqueue_indirect_dma source(%arg16 : memref<128x64xf32, #tpu.memory_space<vmem>>) target(%dma_start3A_328 : memref<10112x64xf32, #tpu.memory_space<vmem_shared>>) offsets(%dma_start3A_325 : memref<128xi32, #tpu.memory_space<vmem>>) semaphore(%arg25 : memref<!tpu.dma_semaphore, #tpu.memory_space<semaphore_mem>>) {add = true}
      %add3A_329 = arith.constant 7 : i32
      %add3A_330 = arith.addi %mul3A_144, %add3A_329 : i32
      %sub3A_331 = arith.constant 4 : i32
      %sub3A_332 = arith.subi %add3A_330, %sub3A_331 : i32
      %dma_wait3A_333 = arith.constant 0 : i32
      %dma_wait3A_334 = tpu.memref_slice %arg9[%sub3A_332, %dma_wait3A_333] : memref<80x128xi32, #tpu.memory_space<vmem>> -> memref<1x128xi32, #tpu.memory_space<vmem>>
      %dma_wait3A_335 = tpu.memref_squeeze %dma_wait3A_334 : memref<1x128xi32, #tpu.memory_space<vmem>> -> memref<128xi32, #tpu.memory_space<vmem>>
      %dma_wait3A_336 = arith.constant 0 : i32
      %dma_wait3A_337 = arith.constant 0 : i32
      %dma_wait3A_338 = tpu.memref_slice %arg18[%dma_wait3A_336, %dma_wait3A_337] : memref<10112x64xf32, #tpu.memory_space<vmem_shared>> -> memref<10112x64xf32, #tpu.memory_space<vmem_shared>>
      tpu.wait_indirect_dma semaphore(%arg22 : memref<!tpu.dma_semaphore, #tpu.memory_space<semaphore_mem>>) src(%arg13 : memref<128x64xf32, #tpu.memory_space<vmem>>) dst(%dma_wait3A_338 : memref<10112x64xf32, #tpu.memory_space<vmem_shared>>)
      %lt3A_339 = arith.constant 9 : i32
      %lt3A_340 = arith.cmpi slt, %scan3A_142, %lt3A_339 : i32
      %convert_element_type3A_341 = arith.extui %lt3A_340 : i1 to i32
      %cond3A_342 = arith.constant 0 : i32
      %cond3A_343 = arith.cmpi ne, %convert_element_type3A_341, %cond3A_342 : i32
      scf.if %cond3A_343 {
        %add3A_356 = arith.constant 4 : i32
        %add3A_357 = arith.addi %add3A_330, %add3A_356 : i32
        %dma_start3A_358 = arith.constant 0 : i32
        %dma_start3A_359 = tpu.memref_slice %arg8[%add3A_357, %dma_start3A_358] : memref<80x128xi32, #tpu.memory_space<vmem>> -> memref<1x128xi32, #tpu.memory_space<vmem>>
        %dma_start3A_360 = tpu.memref_squeeze %dma_start3A_359 : memref<1x128xi32, #tpu.memory_space<vmem>> -> memref<128xi32, #tpu.memory_space<vmem>>
        %dma_start3A_361 = arith.constant 0 : i32
        %dma_start3A_362 = arith.constant 0 : i32
        %dma_start3A_363 = tpu.memref_slice %arg3[%dma_start3A_361, %dma_start3A_362] : memref<10000x64xf32, #tpu.memory_space<hbm>> -> memref<10000x64xf32, #tpu.memory_space<hbm>>
        tpu.enqueue_indirect_dma source(%dma_start3A_363 : memref<10000x64xf32, #tpu.memory_space<hbm>>) target(%arg13 : memref<128x64xf32, #tpu.memory_space<vmem>>) offsets(%dma_start3A_360 : memref<128xi32, #tpu.memory_space<vmem>>) semaphore(%arg22 : memref<!tpu.dma_semaphore, #tpu.memory_space<semaphore_mem>>)
      } else {
      }
      %dma_wait3A_344 = arith.constant 0 : i32
      %dma_wait3A_345 = tpu.memref_slice %arg8[%add3A_330, %dma_wait3A_344] : memref<80x128xi32, #tpu.memory_space<vmem>> -> memref<1x128xi32, #tpu.memory_space<vmem>>
      %dma_wait3A_346 = tpu.memref_squeeze %dma_wait3A_345 : memref<1x128xi32, #tpu.memory_space<vmem>> -> memref<128xi32, #tpu.memory_space<vmem>>
      %dma_wait3A_347 = arith.constant 0 : i32
      %dma_wait3A_348 = arith.constant 0 : i32
      %dma_wait3A_349 = tpu.memref_slice %arg3[%dma_wait3A_347, %dma_wait3A_348] : memref<10000x64xf32, #tpu.memory_space<hbm>> -> memref<10000x64xf32, #tpu.memory_space<hbm>>
      tpu.wait_indirect_dma semaphore(%arg26 : memref<!tpu.dma_semaphore, #tpu.memory_space<semaphore_mem>>) src(%dma_wait3A_349 : memref<10000x64xf32, #tpu.memory_space<hbm>>) dst(%arg17 : memref<128x64xf32, #tpu.memory_space<vmem>>)
      %dma_start3A_350 = arith.constant 0 : i32
      %dma_start3A_351 = tpu.memref_slice %arg9[%add3A_330, %dma_start3A_350] : memref<80x128xi32, #tpu.memory_space<vmem>> -> memref<1x128xi32, #tpu.memory_space<vmem>>
      %dma_start3A_352 = tpu.memref_squeeze %dma_start3A_351 : memref<1x128xi32, #tpu.memory_space<vmem>> -> memref<128xi32, #tpu.memory_space<vmem>>
      %dma_start3A_353 = arith.constant 0 : i32
      %dma_start3A_354 = arith.constant 0 : i32
      %dma_start3A_355 = tpu.memref_slice %arg18[%dma_start3A_353, %dma_start3A_354] : memref<10112x64xf32, #tpu.memory_space<vmem_shared>> -> memref<10112x64xf32, #tpu.memory_space<vmem_shared>>
      tpu.enqueue_indirect_dma source(%arg17 : memref<128x64xf32, #tpu.memory_space<vmem>>) target(%dma_start3A_355 : memref<10112x64xf32, #tpu.memory_space<vmem_shared>>) offsets(%dma_start3A_352 : memref<128xi32, #tpu.memory_space<vmem>>) semaphore(%arg26 : memref<!tpu.dma_semaphore, #tpu.memory_space<semaphore_mem>>) {add = true}
    }
    %scan3A_107 = arith.constant 10 : i32
    %dma_wait3A_108 = arith.constant 76 : i32
    %dma_wait3A_109 = arith.constant 0 : i32
    %dma_wait3A_110 = tpu.memref_slice %arg9[%dma_wait3A_108, %dma_wait3A_109] : memref<80x128xi32, #tpu.memory_space<vmem>> -> memref<1x128xi32, #tpu.memory_space<vmem>>
    %dma_wait3A_111 = tpu.memref_squeeze %dma_wait3A_110 : memref<1x128xi32, #tpu.memory_space<vmem>> -> memref<128xi32, #tpu.memory_space<vmem>>
    %dma_wait3A_112 = arith.constant 0 : i32
    %dma_wait3A_113 = arith.constant 0 : i32
    %dma_wait3A_114 = tpu.memref_slice %arg18[%dma_wait3A_112, %dma_wait3A_113] : memref<10112x64xf32, #tpu.memory_space<vmem_shared>> -> memref<10112x64xf32, #tpu.memory_space<vmem_shared>>
    tpu.wait_indirect_dma semaphore(%arg23 : memref<!tpu.dma_semaphore, #tpu.memory_space<semaphore_mem>>) src(%arg14 : memref<128x64xf32, #tpu.memory_space<vmem>>) dst(%dma_wait3A_114 : memref<10112x64xf32, #tpu.memory_space<vmem_shared>>)
    %dma_wait3A_115 = arith.constant 77 : i32
    %dma_wait3A_116 = arith.constant 0 : i32
    %dma_wait3A_117 = tpu.memref_slice %arg9[%dma_wait3A_115, %dma_wait3A_116] : memref<80x128xi32, #tpu.memory_space<vmem>> -> memref<1x128xi32, #tpu.memory_space<vmem>>
    %dma_wait3A_118 = tpu.memref_squeeze %dma_wait3A_117 : memref<1x128xi32, #tpu.memory_space<vmem>> -> memref<128xi32, #tpu.memory_space<vmem>>
    %dma_wait3A_119 = arith.constant 0 : i32
    %dma_wait3A_120 = arith.constant 0 : i32
    %dma_wait3A_121 = tpu.memref_slice %arg18[%dma_wait3A_119, %dma_wait3A_120] : memref<10112x64xf32, #tpu.memory_space<vmem_shared>> -> memref<10112x64xf32, #tpu.memory_space<vmem_shared>>
    tpu.wait_indirect_dma semaphore(%arg24 : memref<!tpu.dma_semaphore, #tpu.memory_space<semaphore_mem>>) src(%arg15 : memref<128x64xf32, #tpu.memory_space<vmem>>) dst(%dma_wait3A_121 : memref<10112x64xf32, #tpu.memory_space<vmem_shared>>)
    %dma_wait3A_122 = arith.constant 78 : i32
    %dma_wait3A_123 = arith.constant 0 : i32
    %dma_wait3A_124 = tpu.memref_slice %arg9[%dma_wait3A_122, %dma_wait3A_123] : memref<80x128xi32, #tpu.memory_space<vmem>> -> memref<1x128xi32, #tpu.memory_space<vmem>>
    %dma_wait3A_125 = tpu.memref_squeeze %dma_wait3A_124 : memref<1x128xi32, #tpu.memory_space<vmem>> -> memref<128xi32, #tpu.memory_space<vmem>>
    %dma_wait3A_126 = arith.constant 0 : i32
    %dma_wait3A_127 = arith.constant 0 : i32
    %dma_wait3A_128 = tpu.memref_slice %arg18[%dma_wait3A_126, %dma_wait3A_127] : memref<10112x64xf32, #tpu.memory_space<vmem_shared>> -> memref<10112x64xf32, #tpu.memory_space<vmem_shared>>
    tpu.wait_indirect_dma semaphore(%arg25 : memref<!tpu.dma_semaphore, #tpu.memory_space<semaphore_mem>>) src(%arg16 : memref<128x64xf32, #tpu.memory_space<vmem>>) dst(%dma_wait3A_128 : memref<10112x64xf32, #tpu.memory_space<vmem_shared>>)
    %dma_wait3A_129 = arith.constant 79 : i32
    %dma_wait3A_130 = arith.constant 0 : i32
    %dma_wait3A_131 = tpu.memref_slice %arg9[%dma_wait3A_129, %dma_wait3A_130] : memref<80x128xi32, #tpu.memory_space<vmem>> -> memref<1x128xi32, #tpu.memory_space<vmem>>
    %dma_wait3A_132 = tpu.memref_squeeze %dma_wait3A_131 : memref<1x128xi32, #tpu.memory_space<vmem>> -> memref<128xi32, #tpu.memory_space<vmem>>
    %dma_wait3A_133 = arith.constant 0 : i32
    %dma_wait3A_134 = arith.constant 0 : i32
    %dma_wait3A_135 = tpu.memref_slice %arg18[%dma_wait3A_133, %dma_wait3A_134] : memref<10112x64xf32, #tpu.memory_space<vmem_shared>> -> memref<10112x64xf32, #tpu.memory_space<vmem_shared>>
    tpu.wait_indirect_dma semaphore(%arg26 : memref<!tpu.dma_semaphore, #tpu.memory_space<semaphore_mem>>) src(%arg17 : memref<128x64xf32, #tpu.memory_space<vmem>>) dst(%dma_wait3A_135 : memref<10112x64xf32, #tpu.memory_space<vmem_shared>>)
    %barrier3A_136 = arith.constant 0 : index
    tpu.barrier barrier_id(%barrier3A_136)
    %mul3A_137 = arith.constant 632 : i32
    %mul3A_138 = arith.muli %arg1, %mul3A_137 : i32
    %mul3A_139 = arith.constant 632 : i32
    %mul3A_140 = arith.muli %arg1, %mul3A_139 : i32
    %run_scoped3A_141 = arith.constant 1 : i32
    "tpu.region"() ({
      %run_scoped3A_142 = tpu.sem_alloc : memref<!tpu.dma_semaphore, #tpu.memory_space<semaphore_mem>>
      %dma_start3A_143 = arith.constant 0 : i32
      %dma_start3A_144 = tpu.memref_slice %arg7[%run_scoped3A_141, %arg0, %mul3A_140, %dma_start3A_143] : memref<2x2x10112x64xf32, #tpu.memory_space<hbm>> -> memref<1x1x632x64xf32, #tpu.memory_space<hbm>>
      %dma_start3A_145 = tpu.memref_squeeze %dma_start3A_144 : memref<1x1x632x64xf32, #tpu.memory_space<hbm>> -> memref<632x64xf32, #tpu.memory_space<hbm>>
      %dma_start3A_146 = arith.constant 0 : i32
      %dma_start3A_147 = tpu.memref_slice %arg18[%mul3A_138, %dma_start3A_146] : memref<10112x64xf32, #tpu.memory_space<vmem_shared>> -> memref<632x64xf32, #tpu.memory_space<vmem_shared>>
      tpu.enqueue_dma source(%dma_start3A_147 : memref<632x64xf32, #tpu.memory_space<vmem_shared>>) target(%dma_start3A_145 : memref<632x64xf32, #tpu.memory_space<hbm>>) target_semaphore(%run_scoped3A_142 : memref<!tpu.dma_semaphore, #tpu.memory_space<semaphore_mem>>)
      %dma_wait3A_148 = arith.constant 0 : i32
      %dma_wait3A_149 = tpu.memref_slice %arg7[%run_scoped3A_141, %arg0, %mul3A_140, %dma_wait3A_148] : memref<2x2x10112x64xf32, #tpu.memory_space<hbm>> -> memref<1x1x632x64xf32, #tpu.memory_space<hbm>>
      %dma_wait3A_150 = tpu.memref_squeeze %dma_wait3A_149 : memref<1x1x632x64xf32, #tpu.memory_space<hbm>> -> memref<632x64xf32, #tpu.memory_space<hbm>>
      %dma_wait3A_151 = arith.constant 0 : i32
      %dma_wait3A_152 = tpu.memref_slice %arg18[%mul3A_138, %dma_wait3A_151] : memref<10112x64xf32, #tpu.memory_space<vmem_shared>> -> memref<632x64xf32, #tpu.memory_space<vmem_shared>>
      tpu.wait_dma2 semaphore(%run_scoped3A_142 : memref<!tpu.dma_semaphore, #tpu.memory_space<semaphore_mem>>) src(%dma_wait3A_152 : memref<632x64xf32, #tpu.memory_space<vmem_shared>>) dst(%dma_wait3A_150 : memref<632x64xf32, #tpu.memory_space<hbm>>)
      tpu.yield
    }) : () -> ()
    return
  }
}

#map = affine_map<(d0, d1) -> (0, 0)>
#map1 = affine_map<(d0, d1) -> (0, 0, 0)>
#map2 = affine_map<(d0, d1) -> (0, 0, 0, 0)>
module attributes {stable_mosaic.version = 14 : i64} {
  func.func @seg(%arg0: i32, %arg1: i32, %arg2: memref<10000x24xf32, #tpu.memory_space<hbm>>, %arg3: memref<32x80x128xi32, #tpu.memory_space<hbm>>, %arg4: memref<32x80x128xi32, #tpu.memory_space<hbm>>, %arg5: memref<10112x24xf32, #tpu.memory_space<hbm>>, %arg6: memref<1x2x10112x24xf32, #tpu.memory_space<hbm>>, %arg7: memref<80x128xi32, #tpu.memory_space<vmem>>, %arg8: memref<80x128xi32, #tpu.memory_space<vmem>>, %arg9: memref<128x24xf32, #tpu.memory_space<vmem>>, %arg10: memref<128x24xf32, #tpu.memory_space<vmem>>, %arg11: memref<128x24xf32, #tpu.memory_space<vmem>>, %arg12: memref<128x24xf32, #tpu.memory_space<vmem>>, %arg13: memref<128x24xf32, #tpu.memory_space<vmem>>, %arg14: memref<128x24xf32, #tpu.memory_space<vmem>>, %arg15: memref<128x24xf32, #tpu.memory_space<vmem>>, %arg16: memref<128x24xf32, #tpu.memory_space<vmem>>, %arg17: memref<10112x24xf32, #tpu.memory_space<vmem_shared>>, %arg18: memref<!tpu.dma_semaphore, #tpu.memory_space<semaphore_mem>>, %arg19: memref<!tpu.dma_semaphore, #tpu.memory_space<semaphore_mem>>, %arg20: memref<!tpu.dma_semaphore, #tpu.memory_space<semaphore_mem>>, %arg21: memref<!tpu.dma_semaphore, #tpu.memory_space<semaphore_mem>>, %arg22: memref<!tpu.dma_semaphore, #tpu.memory_space<semaphore_mem>>, %arg23: memref<!tpu.dma_semaphore, #tpu.memory_space<semaphore_mem>>, %arg24: memref<!tpu.dma_semaphore, #tpu.memory_space<semaphore_mem>>, %arg25: memref<!tpu.dma_semaphore, #tpu.memory_space<semaphore_mem>>) attributes {dimension_semantics = [#tpu.dimension_semantics<core_parallel>, #tpu.dimension_semantics<subcore_parallel>], iteration_bounds = array<i64: 2, 16>, scalar_prefetch = 0 : i64, scratch_operands = 19 : i64, tpu.core_type = #tpu.core_type<sc_vector_subcore>, window_params = [{transform_indices = #map}, {transform_indices = #map1}, {transform_indices = #map1}, {transform_indices = #map}, {transform_indices = #map2}]} {
    %mul3A = arith.constant 2 : i32
    %mul3A_0 = arith.muli %arg1, %mul3A : i32
    %add3A = arith.addi %mul3A_0, %arg0 : i32
    "tpu.region"() ({
      %run_scoped3A_69 = tpu.sem_alloc : memref<!tpu.dma_semaphore, #tpu.memory_space<semaphore_mem>>
      %dma_start3A_70 = arith.constant 0 : i32
      %dma_start3A_71 = arith.constant 0 : i32
      %dma_start3A_72 = tpu.memref_slice %arg3[%add3A, %dma_start3A_70, %dma_start3A_71] : memref<32x80x128xi32, #tpu.memory_space<hbm>> -> memref<1x80x128xi32, #tpu.memory_space<hbm>>
      %dma_start3A_73 = tpu.memref_squeeze %dma_start3A_72 : memref<1x80x128xi32, #tpu.memory_space<hbm>> -> memref<80x128xi32, #tpu.memory_space<hbm>>
      %dma_start3A_74 = arith.constant 0 : i32
      %dma_start3A_75 = arith.constant 0 : i32
      %dma_start3A_76 = tpu.memref_slice %arg3[%add3A, %dma_start3A_74, %dma_start3A_75] : memref<32x80x128xi32, #tpu.memory_space<hbm>> -> memref<1x80x128xi32, #tpu.memory_space<hbm>>
      %dma_start3A_77 = tpu.memref_squeeze %dma_start3A_76 : memref<1x80x128xi32, #tpu.memory_space<hbm>> -> memref<80x128xi32, #tpu.memory_space<hbm>>
      tpu.enqueue_dma source(%dma_start3A_77 : memref<80x128xi32, #tpu.memory_space<hbm>>) target(%arg7 : memref<80x128xi32, #tpu.memory_space<vmem>>) target_semaphore(%run_scoped3A_69 : memref<!tpu.dma_semaphore, #tpu.memory_space<semaphore_mem>>)
      %dma_wait3A_78 = arith.constant 0 : i32
      %dma_wait3A_79 = arith.constant 0 : i32
      %dma_wait3A_80 = tpu.memref_slice %arg3[%add3A, %dma_wait3A_78, %dma_wait3A_79] : memref<32x80x128xi32, #tpu.memory_space<hbm>> -> memref<1x80x128xi32, #tpu.memory_space<hbm>>
      %dma_wait3A_81 = tpu.memref_squeeze %dma_wait3A_80 : memref<1x80x128xi32, #tpu.memory_space<hbm>> -> memref<80x128xi32, #tpu.memory_space<hbm>>
      %dma_wait3A_82 = arith.constant 0 : i32
      %dma_wait3A_83 = arith.constant 0 : i32
      %dma_wait3A_84 = tpu.memref_slice %arg3[%add3A, %dma_wait3A_82, %dma_wait3A_83] : memref<32x80x128xi32, #tpu.memory_space<hbm>> -> memref<1x80x128xi32, #tpu.memory_space<hbm>>
      %dma_wait3A_85 = tpu.memref_squeeze %dma_wait3A_84 : memref<1x80x128xi32, #tpu.memory_space<hbm>> -> memref<80x128xi32, #tpu.memory_space<hbm>>
      tpu.wait_dma2 semaphore(%run_scoped3A_69 : memref<!tpu.dma_semaphore, #tpu.memory_space<semaphore_mem>>) src(%dma_wait3A_85 : memref<80x128xi32, #tpu.memory_space<hbm>>) dst(%arg7 : memref<80x128xi32, #tpu.memory_space<vmem>>)
      tpu.yield
    }) : () -> ()
    "tpu.region"() ({
      %run_scoped3A_69 = tpu.sem_alloc : memref<!tpu.dma_semaphore, #tpu.memory_space<semaphore_mem>>
      %dma_start3A_70 = arith.constant 0 : i32
      %dma_start3A_71 = arith.constant 0 : i32
      %dma_start3A_72 = tpu.memref_slice %arg4[%add3A, %dma_start3A_70, %dma_start3A_71] : memref<32x80x128xi32, #tpu.memory_space<hbm>> -> memref<1x80x128xi32, #tpu.memory_space<hbm>>
      %dma_start3A_73 = tpu.memref_squeeze %dma_start3A_72 : memref<1x80x128xi32, #tpu.memory_space<hbm>> -> memref<80x128xi32, #tpu.memory_space<hbm>>
      %dma_start3A_74 = arith.constant 0 : i32
      %dma_start3A_75 = arith.constant 0 : i32
      %dma_start3A_76 = tpu.memref_slice %arg4[%add3A, %dma_start3A_74, %dma_start3A_75] : memref<32x80x128xi32, #tpu.memory_space<hbm>> -> memref<1x80x128xi32, #tpu.memory_space<hbm>>
      %dma_start3A_77 = tpu.memref_squeeze %dma_start3A_76 : memref<1x80x128xi32, #tpu.memory_space<hbm>> -> memref<80x128xi32, #tpu.memory_space<hbm>>
      tpu.enqueue_dma source(%dma_start3A_77 : memref<80x128xi32, #tpu.memory_space<hbm>>) target(%arg8 : memref<80x128xi32, #tpu.memory_space<vmem>>) target_semaphore(%run_scoped3A_69 : memref<!tpu.dma_semaphore, #tpu.memory_space<semaphore_mem>>)
      %dma_wait3A_78 = arith.constant 0 : i32
      %dma_wait3A_79 = arith.constant 0 : i32
      %dma_wait3A_80 = tpu.memref_slice %arg4[%add3A, %dma_wait3A_78, %dma_wait3A_79] : memref<32x80x128xi32, #tpu.memory_space<hbm>> -> memref<1x80x128xi32, #tpu.memory_space<hbm>>
      %dma_wait3A_81 = tpu.memref_squeeze %dma_wait3A_80 : memref<1x80x128xi32, #tpu.memory_space<hbm>> -> memref<80x128xi32, #tpu.memory_space<hbm>>
      %dma_wait3A_82 = arith.constant 0 : i32
      %dma_wait3A_83 = arith.constant 0 : i32
      %dma_wait3A_84 = tpu.memref_slice %arg4[%add3A, %dma_wait3A_82, %dma_wait3A_83] : memref<32x80x128xi32, #tpu.memory_space<hbm>> -> memref<1x80x128xi32, #tpu.memory_space<hbm>>
      %dma_wait3A_85 = tpu.memref_squeeze %dma_wait3A_84 : memref<1x80x128xi32, #tpu.memory_space<hbm>> -> memref<80x128xi32, #tpu.memory_space<hbm>>
      tpu.wait_dma2 semaphore(%run_scoped3A_69 : memref<!tpu.dma_semaphore, #tpu.memory_space<semaphore_mem>>) src(%dma_wait3A_85 : memref<80x128xi32, #tpu.memory_space<hbm>>) dst(%arg8 : memref<80x128xi32, #tpu.memory_space<vmem>>)
      tpu.yield
    }) : () -> ()
    %mul3A_1 = arith.constant 632 : i32
    %mul3A_2 = arith.muli %arg1, %mul3A_1 : i32
    %mul3A_3 = arith.constant 632 : i32
    %mul3A_4 = arith.muli %arg1, %mul3A_3 : i32
    "tpu.region"() ({
      %run_scoped3A_69 = tpu.sem_alloc : memref<!tpu.dma_semaphore, #tpu.memory_space<semaphore_mem>>
      %dma_start3A_70 = arith.constant 0 : i32
      %dma_start3A_71 = tpu.memref_slice %arg17[%mul3A_4, %dma_start3A_70] : memref<10112x24xf32, #tpu.memory_space<vmem_shared>> -> memref<632x24xf32, #tpu.memory_space<vmem_shared>>
      %dma_start3A_72 = arith.constant 0 : i32
      %dma_start3A_73 = tpu.memref_slice %arg5[%mul3A_2, %dma_start3A_72] : memref<10112x24xf32, #tpu.memory_space<hbm>> -> memref<632x24xf32, #tpu.memory_space<hbm>>
      tpu.enqueue_dma source(%dma_start3A_73 : memref<632x24xf32, #tpu.memory_space<hbm>>) target(%dma_start3A_71 : memref<632x24xf32, #tpu.memory_space<vmem_shared>>) target_semaphore(%run_scoped3A_69 : memref<!tpu.dma_semaphore, #tpu.memory_space<semaphore_mem>>)
      %dma_wait3A_74 = arith.constant 0 : i32
      %dma_wait3A_75 = tpu.memref_slice %arg17[%mul3A_4, %dma_wait3A_74] : memref<10112x24xf32, #tpu.memory_space<vmem_shared>> -> memref<632x24xf32, #tpu.memory_space<vmem_shared>>
      %dma_wait3A_76 = arith.constant 0 : i32
      %dma_wait3A_77 = tpu.memref_slice %arg5[%mul3A_2, %dma_wait3A_76] : memref<10112x24xf32, #tpu.memory_space<hbm>> -> memref<632x24xf32, #tpu.memory_space<hbm>>
      tpu.wait_dma2 semaphore(%run_scoped3A_69 : memref<!tpu.dma_semaphore, #tpu.memory_space<semaphore_mem>>) src(%dma_wait3A_77 : memref<632x24xf32, #tpu.memory_space<hbm>>) dst(%dma_wait3A_75 : memref<632x24xf32, #tpu.memory_space<vmem_shared>>)
      tpu.yield
    }) : () -> ()
    %barrier3A = arith.constant 0 : index
    tpu.barrier barrier_id(%barrier3A)
    %dma_start3A = arith.constant 0 : i32
    %dma_start3A_5 = arith.constant 0 : i32
    %dma_start3A_6 = tpu.memref_slice %arg7[%dma_start3A, %dma_start3A_5] : memref<80x128xi32, #tpu.memory_space<vmem>> -> memref<1x128xi32, #tpu.memory_space<vmem>>
    %dma_start3A_7 = tpu.memref_squeeze %dma_start3A_6 : memref<1x128xi32, #tpu.memory_space<vmem>> -> memref<128xi32, #tpu.memory_space<vmem>>
    %dma_start3A_8 = arith.constant 0 : i32
    %dma_start3A_9 = arith.constant 0 : i32
    %dma_start3A_10 = tpu.memref_slice %arg2[%dma_start3A_8, %dma_start3A_9] : memref<10000x24xf32, #tpu.memory_space<hbm>> -> memref<10000x24xf32, #tpu.memory_space<hbm>>
    tpu.enqueue_indirect_dma source(%dma_start3A_10 : memref<10000x24xf32, #tpu.memory_space<hbm>>) target(%arg9 : memref<128x24xf32, #tpu.memory_space<vmem>>) offsets(%dma_start3A_7 : memref<128xi32, #tpu.memory_space<vmem>>) semaphore(%arg18 : memref<!tpu.dma_semaphore, #tpu.memory_space<semaphore_mem>>)
    %dma_start3A_11 = arith.constant 1 : i32
    %dma_start3A_12 = arith.constant 0 : i32
    %dma_start3A_13 = tpu.memref_slice %arg7[%dma_start3A_11, %dma_start3A_12] : memref<80x128xi32, #tpu.memory_space<vmem>> -> memref<1x128xi32, #tpu.memory_space<vmem>>
    %dma_start3A_14 = tpu.memref_squeeze %dma_start3A_13 : memref<1x128xi32, #tpu.memory_space<vmem>> -> memref<128xi32, #tpu.memory_space<vmem>>
    %dma_start3A_15 = arith.constant 0 : i32
    %dma_start3A_16 = arith.constant 0 : i32
    %dma_start3A_17 = tpu.memref_slice %arg2[%dma_start3A_15, %dma_start3A_16] : memref<10000x24xf32, #tpu.memory_space<hbm>> -> memref<10000x24xf32, #tpu.memory_space<hbm>>
    tpu.enqueue_indirect_dma source(%dma_start3A_17 : memref<10000x24xf32, #tpu.memory_space<hbm>>) target(%arg10 : memref<128x24xf32, #tpu.memory_space<vmem>>) offsets(%dma_start3A_14 : memref<128xi32, #tpu.memory_space<vmem>>) semaphore(%arg19 : memref<!tpu.dma_semaphore, #tpu.memory_space<semaphore_mem>>)
    %dma_start3A_18 = arith.constant 2 : i32
    %dma_start3A_19 = arith.constant 0 : i32
    %dma_start3A_20 = tpu.memref_slice %arg7[%dma_start3A_18, %dma_start3A_19] : memref<80x128xi32, #tpu.memory_space<vmem>> -> memref<1x128xi32, #tpu.memory_space<vmem>>
    %dma_start3A_21 = tpu.memref_squeeze %dma_start3A_20 : memref<1x128xi32, #tpu.memory_space<vmem>> -> memref<128xi32, #tpu.memory_space<vmem>>
    %dma_start3A_22 = arith.constant 0 : i32
    %dma_start3A_23 = arith.constant 0 : i32
    %dma_start3A_24 = tpu.memref_slice %arg2[%dma_start3A_22, %dma_start3A_23] : memref<10000x24xf32, #tpu.memory_space<hbm>> -> memref<10000x24xf32, #tpu.memory_space<hbm>>
    tpu.enqueue_indirect_dma source(%dma_start3A_24 : memref<10000x24xf32, #tpu.memory_space<hbm>>) target(%arg11 : memref<128x24xf32, #tpu.memory_space<vmem>>) offsets(%dma_start3A_21 : memref<128xi32, #tpu.memory_space<vmem>>) semaphore(%arg20 : memref<!tpu.dma_semaphore, #tpu.memory_space<semaphore_mem>>)
    %dma_start3A_25 = arith.constant 3 : i32
    %dma_start3A_26 = arith.constant 0 : i32
    %dma_start3A_27 = tpu.memref_slice %arg7[%dma_start3A_25, %dma_start3A_26] : memref<80x128xi32, #tpu.memory_space<vmem>> -> memref<1x128xi32, #tpu.memory_space<vmem>>
    %dma_start3A_28 = tpu.memref_squeeze %dma_start3A_27 : memref<1x128xi32, #tpu.memory_space<vmem>> -> memref<128xi32, #tpu.memory_space<vmem>>
    %dma_start3A_29 = arith.constant 0 : i32
    %dma_start3A_30 = arith.constant 0 : i32
    %dma_start3A_31 = tpu.memref_slice %arg2[%dma_start3A_29, %dma_start3A_30] : memref<10000x24xf32, #tpu.memory_space<hbm>> -> memref<10000x24xf32, #tpu.memory_space<hbm>>
    tpu.enqueue_indirect_dma source(%dma_start3A_31 : memref<10000x24xf32, #tpu.memory_space<hbm>>) target(%arg12 : memref<128x24xf32, #tpu.memory_space<vmem>>) offsets(%dma_start3A_28 : memref<128xi32, #tpu.memory_space<vmem>>) semaphore(%arg21 : memref<!tpu.dma_semaphore, #tpu.memory_space<semaphore_mem>>)
    %scan3A = arith.constant 0 : i32
    %scan3A_32 = arith.constant 0 : i32
    %scan3A_33 = arith.constant 10 : i32
    %scan3A_34 = arith.addi %scan3A_32, %scan3A_33 : i32
    %scan3A_35 = arith.constant 1 : i32
    scf.for %scan3A_69 = %scan3A_32 to %scan3A_34 step %scan3A_35  : i32 {
      %mul3A_70 = arith.constant 8 : i32
      %mul3A_71 = arith.muli %scan3A_69, %mul3A_70 : i32
      %add3A_72 = arith.constant 0 : i32
      %add3A_73 = arith.addi %mul3A_71, %add3A_72 : i32
      %ge3A = arith.constant 1 : i32
      %ge3A_74 = arith.cmpi sge, %scan3A_69, %ge3A : i32
      %convert_element_type3A = arith.extui %ge3A_74 : i1 to i32
      %cond3A = arith.constant 0 : i32
      %cond3A_75 = arith.cmpi ne, %convert_element_type3A, %cond3A : i32
      scf.if %cond3A_75 {
        %sub3A_283 = arith.constant 4 : i32
        %sub3A_284 = arith.subi %add3A_73, %sub3A_283 : i32
        %dma_wait3A_285 = arith.constant 0 : i32
        %dma_wait3A_286 = tpu.memref_slice %arg8[%sub3A_284, %dma_wait3A_285] : memref<80x128xi32, #tpu.memory_space<vmem>> -> memref<1x128xi32, #tpu.memory_space<vmem>>
        %dma_wait3A_287 = tpu.memref_squeeze %dma_wait3A_286 : memref<1x128xi32, #tpu.memory_space<vmem>> -> memref<128xi32, #tpu.memory_space<vmem>>
        %dma_wait3A_288 = arith.constant 0 : i32
        %dma_wait3A_289 = arith.constant 0 : i32
        %dma_wait3A_290 = tpu.memref_slice %arg17[%dma_wait3A_288, %dma_wait3A_289] : memref<10112x24xf32, #tpu.memory_space<vmem_shared>> -> memref<10112x24xf32, #tpu.memory_space<vmem_shared>>
        tpu.wait_indirect_dma semaphore(%arg22 : memref<!tpu.dma_semaphore, #tpu.memory_space<semaphore_mem>>) src(%arg13 : memref<128x24xf32, #tpu.memory_space<vmem>>) dst(%dma_wait3A_290 : memref<10112x24xf32, #tpu.memory_space<vmem_shared>>)
      } else {
      }
      %add3A_76 = arith.constant 4 : i32
      %add3A_77 = arith.addi %add3A_73, %add3A_76 : i32
      %dma_start3A_78 = arith.constant 0 : i32
      %dma_start3A_79 = tpu.memref_slice %arg7[%add3A_77, %dma_start3A_78] : memref<80x128xi32, #tpu.memory_space<vmem>> -> memref<1x128xi32, #tpu.memory_space<vmem>>
      %dma_start3A_80 = tpu.memref_squeeze %dma_start3A_79 : memref<1x128xi32, #tpu.memory_space<vmem>> -> memref<128xi32, #tpu.memory_space<vmem>>
      %dma_start3A_81 = arith.constant 0 : i32
      %dma_start3A_82 = arith.constant 0 : i32
      %dma_start3A_83 = tpu.memref_slice %arg2[%dma_start3A_81, %dma_start3A_82] : memref<10000x24xf32, #tpu.memory_space<hbm>> -> memref<10000x24xf32, #tpu.memory_space<hbm>>
      tpu.enqueue_indirect_dma source(%dma_start3A_83 : memref<10000x24xf32, #tpu.memory_space<hbm>>) target(%arg13 : memref<128x24xf32, #tpu.memory_space<vmem>>) offsets(%dma_start3A_80 : memref<128xi32, #tpu.memory_space<vmem>>) semaphore(%arg22 : memref<!tpu.dma_semaphore, #tpu.memory_space<semaphore_mem>>)
      %dma_wait3A_84 = arith.constant 0 : i32
      %dma_wait3A_85 = tpu.memref_slice %arg7[%add3A_73, %dma_wait3A_84] : memref<80x128xi32, #tpu.memory_space<vmem>> -> memref<1x128xi32, #tpu.memory_space<vmem>>
      %dma_wait3A_86 = tpu.memref_squeeze %dma_wait3A_85 : memref<1x128xi32, #tpu.memory_space<vmem>> -> memref<128xi32, #tpu.memory_space<vmem>>
      %dma_wait3A_87 = arith.constant 0 : i32
      %dma_wait3A_88 = arith.constant 0 : i32
      %dma_wait3A_89 = tpu.memref_slice %arg2[%dma_wait3A_87, %dma_wait3A_88] : memref<10000x24xf32, #tpu.memory_space<hbm>> -> memref<10000x24xf32, #tpu.memory_space<hbm>>
      tpu.wait_indirect_dma semaphore(%arg18 : memref<!tpu.dma_semaphore, #tpu.memory_space<semaphore_mem>>) src(%dma_wait3A_89 : memref<10000x24xf32, #tpu.memory_space<hbm>>) dst(%arg9 : memref<128x24xf32, #tpu.memory_space<vmem>>)
      %dma_start3A_90 = arith.constant 0 : i32
      %dma_start3A_91 = tpu.memref_slice %arg8[%add3A_73, %dma_start3A_90] : memref<80x128xi32, #tpu.memory_space<vmem>> -> memref<1x128xi32, #tpu.memory_space<vmem>>
      %dma_start3A_92 = tpu.memref_squeeze %dma_start3A_91 : memref<1x128xi32, #tpu.memory_space<vmem>> -> memref<128xi32, #tpu.memory_space<vmem>>
      %dma_start3A_93 = arith.constant 0 : i32
      %dma_start3A_94 = arith.constant 0 : i32
      %dma_start3A_95 = tpu.memref_slice %arg17[%dma_start3A_93, %dma_start3A_94] : memref<10112x24xf32, #tpu.memory_space<vmem_shared>> -> memref<10112x24xf32, #tpu.memory_space<vmem_shared>>
      tpu.enqueue_indirect_dma source(%arg9 : memref<128x24xf32, #tpu.memory_space<vmem>>) target(%dma_start3A_95 : memref<10112x24xf32, #tpu.memory_space<vmem_shared>>) offsets(%dma_start3A_92 : memref<128xi32, #tpu.memory_space<vmem>>) semaphore(%arg18 : memref<!tpu.dma_semaphore, #tpu.memory_space<semaphore_mem>>) {add = true}
      %add3A_96 = arith.constant 1 : i32
      %add3A_97 = arith.addi %mul3A_71, %add3A_96 : i32
      %ge3A_98 = arith.constant 1 : i32
      %ge3A_99 = arith.cmpi sge, %scan3A_69, %ge3A_98 : i32
      %convert_element_type3A_100 = arith.extui %ge3A_99 : i1 to i32
      %cond3A_101 = arith.constant 0 : i32
      %cond3A_102 = arith.cmpi ne, %convert_element_type3A_100, %cond3A_101 : i32
      scf.if %cond3A_102 {
        %sub3A_283 = arith.constant 4 : i32
        %sub3A_284 = arith.subi %add3A_97, %sub3A_283 : i32
        %dma_wait3A_285 = arith.constant 0 : i32
        %dma_wait3A_286 = tpu.memref_slice %arg8[%sub3A_284, %dma_wait3A_285] : memref<80x128xi32, #tpu.memory_space<vmem>> -> memref<1x128xi32, #tpu.memory_space<vmem>>
        %dma_wait3A_287 = tpu.memref_squeeze %dma_wait3A_286 : memref<1x128xi32, #tpu.memory_space<vmem>> -> memref<128xi32, #tpu.memory_space<vmem>>
        %dma_wait3A_288 = arith.constant 0 : i32
        %dma_wait3A_289 = arith.constant 0 : i32
        %dma_wait3A_290 = tpu.memref_slice %arg17[%dma_wait3A_288, %dma_wait3A_289] : memref<10112x24xf32, #tpu.memory_space<vmem_shared>> -> memref<10112x24xf32, #tpu.memory_space<vmem_shared>>
        tpu.wait_indirect_dma semaphore(%arg23 : memref<!tpu.dma_semaphore, #tpu.memory_space<semaphore_mem>>) src(%arg14 : memref<128x24xf32, #tpu.memory_space<vmem>>) dst(%dma_wait3A_290 : memref<10112x24xf32, #tpu.memory_space<vmem_shared>>)
      } else {
      }
      %add3A_103 = arith.constant 4 : i32
      %add3A_104 = arith.addi %add3A_97, %add3A_103 : i32
      %dma_start3A_105 = arith.constant 0 : i32
      %dma_start3A_106 = tpu.memref_slice %arg7[%add3A_104, %dma_start3A_105] : memref<80x128xi32, #tpu.memory_space<vmem>> -> memref<1x128xi32, #tpu.memory_space<vmem>>
      %dma_start3A_107 = tpu.memref_squeeze %dma_start3A_106 : memref<1x128xi32, #tpu.memory_space<vmem>> -> memref<128xi32, #tpu.memory_space<vmem>>
      %dma_start3A_108 = arith.constant 0 : i32
      %dma_start3A_109 = arith.constant 0 : i32
      %dma_start3A_110 = tpu.memref_slice %arg2[%dma_start3A_108, %dma_start3A_109] : memref<10000x24xf32, #tpu.memory_space<hbm>> -> memref<10000x24xf32, #tpu.memory_space<hbm>>
      tpu.enqueue_indirect_dma source(%dma_start3A_110 : memref<10000x24xf32, #tpu.memory_space<hbm>>) target(%arg14 : memref<128x24xf32, #tpu.memory_space<vmem>>) offsets(%dma_start3A_107 : memref<128xi32, #tpu.memory_space<vmem>>) semaphore(%arg23 : memref<!tpu.dma_semaphore, #tpu.memory_space<semaphore_mem>>)
      %dma_wait3A_111 = arith.constant 0 : i32
      %dma_wait3A_112 = tpu.memref_slice %arg7[%add3A_97, %dma_wait3A_111] : memref<80x128xi32, #tpu.memory_space<vmem>> -> memref<1x128xi32, #tpu.memory_space<vmem>>
      %dma_wait3A_113 = tpu.memref_squeeze %dma_wait3A_112 : memref<1x128xi32, #tpu.memory_space<vmem>> -> memref<128xi32, #tpu.memory_space<vmem>>
      %dma_wait3A_114 = arith.constant 0 : i32
      %dma_wait3A_115 = arith.constant 0 : i32
      %dma_wait3A_116 = tpu.memref_slice %arg2[%dma_wait3A_114, %dma_wait3A_115] : memref<10000x24xf32, #tpu.memory_space<hbm>> -> memref<10000x24xf32, #tpu.memory_space<hbm>>
      tpu.wait_indirect_dma semaphore(%arg19 : memref<!tpu.dma_semaphore, #tpu.memory_space<semaphore_mem>>) src(%dma_wait3A_116 : memref<10000x24xf32, #tpu.memory_space<hbm>>) dst(%arg10 : memref<128x24xf32, #tpu.memory_space<vmem>>)
      %dma_start3A_117 = arith.constant 0 : i32
      %dma_start3A_118 = tpu.memref_slice %arg8[%add3A_97, %dma_start3A_117] : memref<80x128xi32, #tpu.memory_space<vmem>> -> memref<1x128xi32, #tpu.memory_space<vmem>>
      %dma_start3A_119 = tpu.memref_squeeze %dma_start3A_118 : memref<1x128xi32, #tpu.memory_space<vmem>> -> memref<128xi32, #tpu.memory_space<vmem>>
      %dma_start3A_120 = arith.constant 0 : i32
      %dma_start3A_121 = arith.constant 0 : i32
      %dma_start3A_122 = tpu.memref_slice %arg17[%dma_start3A_120, %dma_start3A_121] : memref<10112x24xf32, #tpu.memory_space<vmem_shared>> -> memref<10112x24xf32, #tpu.memory_space<vmem_shared>>
      tpu.enqueue_indirect_dma source(%arg10 : memref<128x24xf32, #tpu.memory_space<vmem>>) target(%dma_start3A_122 : memref<10112x24xf32, #tpu.memory_space<vmem_shared>>) offsets(%dma_start3A_119 : memref<128xi32, #tpu.memory_space<vmem>>) semaphore(%arg19 : memref<!tpu.dma_semaphore, #tpu.memory_space<semaphore_mem>>) {add = true}
      %add3A_123 = arith.constant 2 : i32
      %add3A_124 = arith.addi %mul3A_71, %add3A_123 : i32
      %ge3A_125 = arith.constant 1 : i32
      %ge3A_126 = arith.cmpi sge, %scan3A_69, %ge3A_125 : i32
      %convert_element_type3A_127 = arith.extui %ge3A_126 : i1 to i32
      %cond3A_128 = arith.constant 0 : i32
      %cond3A_129 = arith.cmpi ne, %convert_element_type3A_127, %cond3A_128 : i32
      scf.if %cond3A_129 {
        %sub3A_283 = arith.constant 4 : i32
        %sub3A_284 = arith.subi %add3A_124, %sub3A_283 : i32
        %dma_wait3A_285 = arith.constant 0 : i32
        %dma_wait3A_286 = tpu.memref_slice %arg8[%sub3A_284, %dma_wait3A_285] : memref<80x128xi32, #tpu.memory_space<vmem>> -> memref<1x128xi32, #tpu.memory_space<vmem>>
        %dma_wait3A_287 = tpu.memref_squeeze %dma_wait3A_286 : memref<1x128xi32, #tpu.memory_space<vmem>> -> memref<128xi32, #tpu.memory_space<vmem>>
        %dma_wait3A_288 = arith.constant 0 : i32
        %dma_wait3A_289 = arith.constant 0 : i32
        %dma_wait3A_290 = tpu.memref_slice %arg17[%dma_wait3A_288, %dma_wait3A_289] : memref<10112x24xf32, #tpu.memory_space<vmem_shared>> -> memref<10112x24xf32, #tpu.memory_space<vmem_shared>>
        tpu.wait_indirect_dma semaphore(%arg24 : memref<!tpu.dma_semaphore, #tpu.memory_space<semaphore_mem>>) src(%arg15 : memref<128x24xf32, #tpu.memory_space<vmem>>) dst(%dma_wait3A_290 : memref<10112x24xf32, #tpu.memory_space<vmem_shared>>)
      } else {
      }
      %add3A_130 = arith.constant 4 : i32
      %add3A_131 = arith.addi %add3A_124, %add3A_130 : i32
      %dma_start3A_132 = arith.constant 0 : i32
      %dma_start3A_133 = tpu.memref_slice %arg7[%add3A_131, %dma_start3A_132] : memref<80x128xi32, #tpu.memory_space<vmem>> -> memref<1x128xi32, #tpu.memory_space<vmem>>
      %dma_start3A_134 = tpu.memref_squeeze %dma_start3A_133 : memref<1x128xi32, #tpu.memory_space<vmem>> -> memref<128xi32, #tpu.memory_space<vmem>>
      %dma_start3A_135 = arith.constant 0 : i32
      %dma_start3A_136 = arith.constant 0 : i32
      %dma_start3A_137 = tpu.memref_slice %arg2[%dma_start3A_135, %dma_start3A_136] : memref<10000x24xf32, #tpu.memory_space<hbm>> -> memref<10000x24xf32, #tpu.memory_space<hbm>>
      tpu.enqueue_indirect_dma source(%dma_start3A_137 : memref<10000x24xf32, #tpu.memory_space<hbm>>) target(%arg15 : memref<128x24xf32, #tpu.memory_space<vmem>>) offsets(%dma_start3A_134 : memref<128xi32, #tpu.memory_space<vmem>>) semaphore(%arg24 : memref<!tpu.dma_semaphore, #tpu.memory_space<semaphore_mem>>)
      %dma_wait3A_138 = arith.constant 0 : i32
      %dma_wait3A_139 = tpu.memref_slice %arg7[%add3A_124, %dma_wait3A_138] : memref<80x128xi32, #tpu.memory_space<vmem>> -> memref<1x128xi32, #tpu.memory_space<vmem>>
      %dma_wait3A_140 = tpu.memref_squeeze %dma_wait3A_139 : memref<1x128xi32, #tpu.memory_space<vmem>> -> memref<128xi32, #tpu.memory_space<vmem>>
      %dma_wait3A_141 = arith.constant 0 : i32
      %dma_wait3A_142 = arith.constant 0 : i32
      %dma_wait3A_143 = tpu.memref_slice %arg2[%dma_wait3A_141, %dma_wait3A_142] : memref<10000x24xf32, #tpu.memory_space<hbm>> -> memref<10000x24xf32, #tpu.memory_space<hbm>>
      tpu.wait_indirect_dma semaphore(%arg20 : memref<!tpu.dma_semaphore, #tpu.memory_space<semaphore_mem>>) src(%dma_wait3A_143 : memref<10000x24xf32, #tpu.memory_space<hbm>>) dst(%arg11 : memref<128x24xf32, #tpu.memory_space<vmem>>)
      %dma_start3A_144 = arith.constant 0 : i32
      %dma_start3A_145 = tpu.memref_slice %arg8[%add3A_124, %dma_start3A_144] : memref<80x128xi32, #tpu.memory_space<vmem>> -> memref<1x128xi32, #tpu.memory_space<vmem>>
      %dma_start3A_146 = tpu.memref_squeeze %dma_start3A_145 : memref<1x128xi32, #tpu.memory_space<vmem>> -> memref<128xi32, #tpu.memory_space<vmem>>
      %dma_start3A_147 = arith.constant 0 : i32
      %dma_start3A_148 = arith.constant 0 : i32
      %dma_start3A_149 = tpu.memref_slice %arg17[%dma_start3A_147, %dma_start3A_148] : memref<10112x24xf32, #tpu.memory_space<vmem_shared>> -> memref<10112x24xf32, #tpu.memory_space<vmem_shared>>
      tpu.enqueue_indirect_dma source(%arg11 : memref<128x24xf32, #tpu.memory_space<vmem>>) target(%dma_start3A_149 : memref<10112x24xf32, #tpu.memory_space<vmem_shared>>) offsets(%dma_start3A_146 : memref<128xi32, #tpu.memory_space<vmem>>) semaphore(%arg20 : memref<!tpu.dma_semaphore, #tpu.memory_space<semaphore_mem>>) {add = true}
      %add3A_150 = arith.constant 3 : i32
      %add3A_151 = arith.addi %mul3A_71, %add3A_150 : i32
      %ge3A_152 = arith.constant 1 : i32
      %ge3A_153 = arith.cmpi sge, %scan3A_69, %ge3A_152 : i32
      %convert_element_type3A_154 = arith.extui %ge3A_153 : i1 to i32
      %cond3A_155 = arith.constant 0 : i32
      %cond3A_156 = arith.cmpi ne, %convert_element_type3A_154, %cond3A_155 : i32
      scf.if %cond3A_156 {
        %sub3A_283 = arith.constant 4 : i32
        %sub3A_284 = arith.subi %add3A_151, %sub3A_283 : i32
        %dma_wait3A_285 = arith.constant 0 : i32
        %dma_wait3A_286 = tpu.memref_slice %arg8[%sub3A_284, %dma_wait3A_285] : memref<80x128xi32, #tpu.memory_space<vmem>> -> memref<1x128xi32, #tpu.memory_space<vmem>>
        %dma_wait3A_287 = tpu.memref_squeeze %dma_wait3A_286 : memref<1x128xi32, #tpu.memory_space<vmem>> -> memref<128xi32, #tpu.memory_space<vmem>>
        %dma_wait3A_288 = arith.constant 0 : i32
        %dma_wait3A_289 = arith.constant 0 : i32
        %dma_wait3A_290 = tpu.memref_slice %arg17[%dma_wait3A_288, %dma_wait3A_289] : memref<10112x24xf32, #tpu.memory_space<vmem_shared>> -> memref<10112x24xf32, #tpu.memory_space<vmem_shared>>
        tpu.wait_indirect_dma semaphore(%arg25 : memref<!tpu.dma_semaphore, #tpu.memory_space<semaphore_mem>>) src(%arg16 : memref<128x24xf32, #tpu.memory_space<vmem>>) dst(%dma_wait3A_290 : memref<10112x24xf32, #tpu.memory_space<vmem_shared>>)
      } else {
      }
      %add3A_157 = arith.constant 4 : i32
      %add3A_158 = arith.addi %add3A_151, %add3A_157 : i32
      %dma_start3A_159 = arith.constant 0 : i32
      %dma_start3A_160 = tpu.memref_slice %arg7[%add3A_158, %dma_start3A_159] : memref<80x128xi32, #tpu.memory_space<vmem>> -> memref<1x128xi32, #tpu.memory_space<vmem>>
      %dma_start3A_161 = tpu.memref_squeeze %dma_start3A_160 : memref<1x128xi32, #tpu.memory_space<vmem>> -> memref<128xi32, #tpu.memory_space<vmem>>
      %dma_start3A_162 = arith.constant 0 : i32
      %dma_start3A_163 = arith.constant 0 : i32
      %dma_start3A_164 = tpu.memref_slice %arg2[%dma_start3A_162, %dma_start3A_163] : memref<10000x24xf32, #tpu.memory_space<hbm>> -> memref<10000x24xf32, #tpu.memory_space<hbm>>
      tpu.enqueue_indirect_dma source(%dma_start3A_164 : memref<10000x24xf32, #tpu.memory_space<hbm>>) target(%arg16 : memref<128x24xf32, #tpu.memory_space<vmem>>) offsets(%dma_start3A_161 : memref<128xi32, #tpu.memory_space<vmem>>) semaphore(%arg25 : memref<!tpu.dma_semaphore, #tpu.memory_space<semaphore_mem>>)
      %dma_wait3A_165 = arith.constant 0 : i32
      %dma_wait3A_166 = tpu.memref_slice %arg7[%add3A_151, %dma_wait3A_165] : memref<80x128xi32, #tpu.memory_space<vmem>> -> memref<1x128xi32, #tpu.memory_space<vmem>>
      %dma_wait3A_167 = tpu.memref_squeeze %dma_wait3A_166 : memref<1x128xi32, #tpu.memory_space<vmem>> -> memref<128xi32, #tpu.memory_space<vmem>>
      %dma_wait3A_168 = arith.constant 0 : i32
      %dma_wait3A_169 = arith.constant 0 : i32
      %dma_wait3A_170 = tpu.memref_slice %arg2[%dma_wait3A_168, %dma_wait3A_169] : memref<10000x24xf32, #tpu.memory_space<hbm>> -> memref<10000x24xf32, #tpu.memory_space<hbm>>
      tpu.wait_indirect_dma semaphore(%arg21 : memref<!tpu.dma_semaphore, #tpu.memory_space<semaphore_mem>>) src(%dma_wait3A_170 : memref<10000x24xf32, #tpu.memory_space<hbm>>) dst(%arg12 : memref<128x24xf32, #tpu.memory_space<vmem>>)
      %dma_start3A_171 = arith.constant 0 : i32
      %dma_start3A_172 = tpu.memref_slice %arg8[%add3A_151, %dma_start3A_171] : memref<80x128xi32, #tpu.memory_space<vmem>> -> memref<1x128xi32, #tpu.memory_space<vmem>>
      %dma_start3A_173 = tpu.memref_squeeze %dma_start3A_172 : memref<1x128xi32, #tpu.memory_space<vmem>> -> memref<128xi32, #tpu.memory_space<vmem>>
      %dma_start3A_174 = arith.constant 0 : i32
      %dma_start3A_175 = arith.constant 0 : i32
      %dma_start3A_176 = tpu.memref_slice %arg17[%dma_start3A_174, %dma_start3A_175] : memref<10112x24xf32, #tpu.memory_space<vmem_shared>> -> memref<10112x24xf32, #tpu.memory_space<vmem_shared>>
      tpu.enqueue_indirect_dma source(%arg12 : memref<128x24xf32, #tpu.memory_space<vmem>>) target(%dma_start3A_176 : memref<10112x24xf32, #tpu.memory_space<vmem_shared>>) offsets(%dma_start3A_173 : memref<128xi32, #tpu.memory_space<vmem>>) semaphore(%arg21 : memref<!tpu.dma_semaphore, #tpu.memory_space<semaphore_mem>>) {add = true}
      %add3A_177 = arith.constant 4 : i32
      %add3A_178 = arith.addi %mul3A_71, %add3A_177 : i32
      %sub3A = arith.constant 4 : i32
      %sub3A_179 = arith.subi %add3A_178, %sub3A : i32
      %dma_wait3A_180 = arith.constant 0 : i32
      %dma_wait3A_181 = tpu.memref_slice %arg8[%sub3A_179, %dma_wait3A_180] : memref<80x128xi32, #tpu.memory_space<vmem>> -> memref<1x128xi32, #tpu.memory_space<vmem>>
      %dma_wait3A_182 = tpu.memref_squeeze %dma_wait3A_181 : memref<1x128xi32, #tpu.memory_space<vmem>> -> memref<128xi32, #tpu.memory_space<vmem>>
      %dma_wait3A_183 = arith.constant 0 : i32
      %dma_wait3A_184 = arith.constant 0 : i32
      %dma_wait3A_185 = tpu.memref_slice %arg17[%dma_wait3A_183, %dma_wait3A_184] : memref<10112x24xf32, #tpu.memory_space<vmem_shared>> -> memref<10112x24xf32, #tpu.memory_space<vmem_shared>>
      tpu.wait_indirect_dma semaphore(%arg18 : memref<!tpu.dma_semaphore, #tpu.memory_space<semaphore_mem>>) src(%arg9 : memref<128x24xf32, #tpu.memory_space<vmem>>) dst(%dma_wait3A_185 : memref<10112x24xf32, #tpu.memory_space<vmem_shared>>)
      %lt3A = arith.constant 9 : i32
      %lt3A_186 = arith.cmpi slt, %scan3A_69, %lt3A : i32
      %convert_element_type3A_187 = arith.extui %lt3A_186 : i1 to i32
      %cond3A_188 = arith.constant 0 : i32
      %cond3A_189 = arith.cmpi ne, %convert_element_type3A_187, %cond3A_188 : i32
      scf.if %cond3A_189 {
        %add3A_283 = arith.constant 4 : i32
        %add3A_284 = arith.addi %add3A_178, %add3A_283 : i32
        %dma_start3A_285 = arith.constant 0 : i32
        %dma_start3A_286 = tpu.memref_slice %arg7[%add3A_284, %dma_start3A_285] : memref<80x128xi32, #tpu.memory_space<vmem>> -> memref<1x128xi32, #tpu.memory_space<vmem>>
        %dma_start3A_287 = tpu.memref_squeeze %dma_start3A_286 : memref<1x128xi32, #tpu.memory_space<vmem>> -> memref<128xi32, #tpu.memory_space<vmem>>
        %dma_start3A_288 = arith.constant 0 : i32
        %dma_start3A_289 = arith.constant 0 : i32
        %dma_start3A_290 = tpu.memref_slice %arg2[%dma_start3A_288, %dma_start3A_289] : memref<10000x24xf32, #tpu.memory_space<hbm>> -> memref<10000x24xf32, #tpu.memory_space<hbm>>
        tpu.enqueue_indirect_dma source(%dma_start3A_290 : memref<10000x24xf32, #tpu.memory_space<hbm>>) target(%arg9 : memref<128x24xf32, #tpu.memory_space<vmem>>) offsets(%dma_start3A_287 : memref<128xi32, #tpu.memory_space<vmem>>) semaphore(%arg18 : memref<!tpu.dma_semaphore, #tpu.memory_space<semaphore_mem>>)
      } else {
      }
      %dma_wait3A_190 = arith.constant 0 : i32
      %dma_wait3A_191 = tpu.memref_slice %arg7[%add3A_178, %dma_wait3A_190] : memref<80x128xi32, #tpu.memory_space<vmem>> -> memref<1x128xi32, #tpu.memory_space<vmem>>
      %dma_wait3A_192 = tpu.memref_squeeze %dma_wait3A_191 : memref<1x128xi32, #tpu.memory_space<vmem>> -> memref<128xi32, #tpu.memory_space<vmem>>
      %dma_wait3A_193 = arith.constant 0 : i32
      %dma_wait3A_194 = arith.constant 0 : i32
      %dma_wait3A_195 = tpu.memref_slice %arg2[%dma_wait3A_193, %dma_wait3A_194] : memref<10000x24xf32, #tpu.memory_space<hbm>> -> memref<10000x24xf32, #tpu.memory_space<hbm>>
      tpu.wait_indirect_dma semaphore(%arg22 : memref<!tpu.dma_semaphore, #tpu.memory_space<semaphore_mem>>) src(%dma_wait3A_195 : memref<10000x24xf32, #tpu.memory_space<hbm>>) dst(%arg13 : memref<128x24xf32, #tpu.memory_space<vmem>>)
      %dma_start3A_196 = arith.constant 0 : i32
      %dma_start3A_197 = tpu.memref_slice %arg8[%add3A_178, %dma_start3A_196] : memref<80x128xi32, #tpu.memory_space<vmem>> -> memref<1x128xi32, #tpu.memory_space<vmem>>
      %dma_start3A_198 = tpu.memref_squeeze %dma_start3A_197 : memref<1x128xi32, #tpu.memory_space<vmem>> -> memref<128xi32, #tpu.memory_space<vmem>>
      %dma_start3A_199 = arith.constant 0 : i32
      %dma_start3A_200 = arith.constant 0 : i32
      %dma_start3A_201 = tpu.memref_slice %arg17[%dma_start3A_199, %dma_start3A_200] : memref<10112x24xf32, #tpu.memory_space<vmem_shared>> -> memref<10112x24xf32, #tpu.memory_space<vmem_shared>>
      tpu.enqueue_indirect_dma source(%arg13 : memref<128x24xf32, #tpu.memory_space<vmem>>) target(%dma_start3A_201 : memref<10112x24xf32, #tpu.memory_space<vmem_shared>>) offsets(%dma_start3A_198 : memref<128xi32, #tpu.memory_space<vmem>>) semaphore(%arg22 : memref<!tpu.dma_semaphore, #tpu.memory_space<semaphore_mem>>) {add = true}
      %add3A_202 = arith.constant 5 : i32
      %add3A_203 = arith.addi %mul3A_71, %add3A_202 : i32
      %sub3A_204 = arith.constant 4 : i32
      %sub3A_205 = arith.subi %add3A_203, %sub3A_204 : i32
      %dma_wait3A_206 = arith.constant 0 : i32
      %dma_wait3A_207 = tpu.memref_slice %arg8[%sub3A_205, %dma_wait3A_206] : memref<80x128xi32, #tpu.memory_space<vmem>> -> memref<1x128xi32, #tpu.memory_space<vmem>>
      %dma_wait3A_208 = tpu.memref_squeeze %dma_wait3A_207 : memref<1x128xi32, #tpu.memory_space<vmem>> -> memref<128xi32, #tpu.memory_space<vmem>>
      %dma_wait3A_209 = arith.constant 0 : i32
      %dma_wait3A_210 = arith.constant 0 : i32
      %dma_wait3A_211 = tpu.memref_slice %arg17[%dma_wait3A_209, %dma_wait3A_210] : memref<10112x24xf32, #tpu.memory_space<vmem_shared>> -> memref<10112x24xf32, #tpu.memory_space<vmem_shared>>
      tpu.wait_indirect_dma semaphore(%arg19 : memref<!tpu.dma_semaphore, #tpu.memory_space<semaphore_mem>>) src(%arg10 : memref<128x24xf32, #tpu.memory_space<vmem>>) dst(%dma_wait3A_211 : memref<10112x24xf32, #tpu.memory_space<vmem_shared>>)
      %lt3A_212 = arith.constant 9 : i32
      %lt3A_213 = arith.cmpi slt, %scan3A_69, %lt3A_212 : i32
      %convert_element_type3A_214 = arith.extui %lt3A_213 : i1 to i32
      %cond3A_215 = arith.constant 0 : i32
      %cond3A_216 = arith.cmpi ne, %convert_element_type3A_214, %cond3A_215 : i32
      scf.if %cond3A_216 {
        %add3A_283 = arith.constant 4 : i32
        %add3A_284 = arith.addi %add3A_203, %add3A_283 : i32
        %dma_start3A_285 = arith.constant 0 : i32
        %dma_start3A_286 = tpu.memref_slice %arg7[%add3A_284, %dma_start3A_285] : memref<80x128xi32, #tpu.memory_space<vmem>> -> memref<1x128xi32, #tpu.memory_space<vmem>>
        %dma_start3A_287 = tpu.memref_squeeze %dma_start3A_286 : memref<1x128xi32, #tpu.memory_space<vmem>> -> memref<128xi32, #tpu.memory_space<vmem>>
        %dma_start3A_288 = arith.constant 0 : i32
        %dma_start3A_289 = arith.constant 0 : i32
        %dma_start3A_290 = tpu.memref_slice %arg2[%dma_start3A_288, %dma_start3A_289] : memref<10000x24xf32, #tpu.memory_space<hbm>> -> memref<10000x24xf32, #tpu.memory_space<hbm>>
        tpu.enqueue_indirect_dma source(%dma_start3A_290 : memref<10000x24xf32, #tpu.memory_space<hbm>>) target(%arg10 : memref<128x24xf32, #tpu.memory_space<vmem>>) offsets(%dma_start3A_287 : memref<128xi32, #tpu.memory_space<vmem>>) semaphore(%arg19 : memref<!tpu.dma_semaphore, #tpu.memory_space<semaphore_mem>>)
      } else {
      }
      %dma_wait3A_217 = arith.constant 0 : i32
      %dma_wait3A_218 = tpu.memref_slice %arg7[%add3A_203, %dma_wait3A_217] : memref<80x128xi32, #tpu.memory_space<vmem>> -> memref<1x128xi32, #tpu.memory_space<vmem>>
      %dma_wait3A_219 = tpu.memref_squeeze %dma_wait3A_218 : memref<1x128xi32, #tpu.memory_space<vmem>> -> memref<128xi32, #tpu.memory_space<vmem>>
      %dma_wait3A_220 = arith.constant 0 : i32
      %dma_wait3A_221 = arith.constant 0 : i32
      %dma_wait3A_222 = tpu.memref_slice %arg2[%dma_wait3A_220, %dma_wait3A_221] : memref<10000x24xf32, #tpu.memory_space<hbm>> -> memref<10000x24xf32, #tpu.memory_space<hbm>>
      tpu.wait_indirect_dma semaphore(%arg23 : memref<!tpu.dma_semaphore, #tpu.memory_space<semaphore_mem>>) src(%dma_wait3A_222 : memref<10000x24xf32, #tpu.memory_space<hbm>>) dst(%arg14 : memref<128x24xf32, #tpu.memory_space<vmem>>)
      %dma_start3A_223 = arith.constant 0 : i32
      %dma_start3A_224 = tpu.memref_slice %arg8[%add3A_203, %dma_start3A_223] : memref<80x128xi32, #tpu.memory_space<vmem>> -> memref<1x128xi32, #tpu.memory_space<vmem>>
      %dma_start3A_225 = tpu.memref_squeeze %dma_start3A_224 : memref<1x128xi32, #tpu.memory_space<vmem>> -> memref<128xi32, #tpu.memory_space<vmem>>
      %dma_start3A_226 = arith.constant 0 : i32
      %dma_start3A_227 = arith.constant 0 : i32
      %dma_start3A_228 = tpu.memref_slice %arg17[%dma_start3A_226, %dma_start3A_227] : memref<10112x24xf32, #tpu.memory_space<vmem_shared>> -> memref<10112x24xf32, #tpu.memory_space<vmem_shared>>
      tpu.enqueue_indirect_dma source(%arg14 : memref<128x24xf32, #tpu.memory_space<vmem>>) target(%dma_start3A_228 : memref<10112x24xf32, #tpu.memory_space<vmem_shared>>) offsets(%dma_start3A_225 : memref<128xi32, #tpu.memory_space<vmem>>) semaphore(%arg23 : memref<!tpu.dma_semaphore, #tpu.memory_space<semaphore_mem>>) {add = true}
      %add3A_229 = arith.constant 6 : i32
      %add3A_230 = arith.addi %mul3A_71, %add3A_229 : i32
      %sub3A_231 = arith.constant 4 : i32
      %sub3A_232 = arith.subi %add3A_230, %sub3A_231 : i32
      %dma_wait3A_233 = arith.constant 0 : i32
      %dma_wait3A_234 = tpu.memref_slice %arg8[%sub3A_232, %dma_wait3A_233] : memref<80x128xi32, #tpu.memory_space<vmem>> -> memref<1x128xi32, #tpu.memory_space<vmem>>
      %dma_wait3A_235 = tpu.memref_squeeze %dma_wait3A_234 : memref<1x128xi32, #tpu.memory_space<vmem>> -> memref<128xi32, #tpu.memory_space<vmem>>
      %dma_wait3A_236 = arith.constant 0 : i32
      %dma_wait3A_237 = arith.constant 0 : i32
      %dma_wait3A_238 = tpu.memref_slice %arg17[%dma_wait3A_236, %dma_wait3A_237] : memref<10112x24xf32, #tpu.memory_space<vmem_shared>> -> memref<10112x24xf32, #tpu.memory_space<vmem_shared>>
      tpu.wait_indirect_dma semaphore(%arg20 : memref<!tpu.dma_semaphore, #tpu.memory_space<semaphore_mem>>) src(%arg11 : memref<128x24xf32, #tpu.memory_space<vmem>>) dst(%dma_wait3A_238 : memref<10112x24xf32, #tpu.memory_space<vmem_shared>>)
      %lt3A_239 = arith.constant 9 : i32
      %lt3A_240 = arith.cmpi slt, %scan3A_69, %lt3A_239 : i32
      %convert_element_type3A_241 = arith.extui %lt3A_240 : i1 to i32
      %cond3A_242 = arith.constant 0 : i32
      %cond3A_243 = arith.cmpi ne, %convert_element_type3A_241, %cond3A_242 : i32
      scf.if %cond3A_243 {
        %add3A_283 = arith.constant 4 : i32
        %add3A_284 = arith.addi %add3A_230, %add3A_283 : i32
        %dma_start3A_285 = arith.constant 0 : i32
        %dma_start3A_286 = tpu.memref_slice %arg7[%add3A_284, %dma_start3A_285] : memref<80x128xi32, #tpu.memory_space<vmem>> -> memref<1x128xi32, #tpu.memory_space<vmem>>
        %dma_start3A_287 = tpu.memref_squeeze %dma_start3A_286 : memref<1x128xi32, #tpu.memory_space<vmem>> -> memref<128xi32, #tpu.memory_space<vmem>>
        %dma_start3A_288 = arith.constant 0 : i32
        %dma_start3A_289 = arith.constant 0 : i32
        %dma_start3A_290 = tpu.memref_slice %arg2[%dma_start3A_288, %dma_start3A_289] : memref<10000x24xf32, #tpu.memory_space<hbm>> -> memref<10000x24xf32, #tpu.memory_space<hbm>>
        tpu.enqueue_indirect_dma source(%dma_start3A_290 : memref<10000x24xf32, #tpu.memory_space<hbm>>) target(%arg11 : memref<128x24xf32, #tpu.memory_space<vmem>>) offsets(%dma_start3A_287 : memref<128xi32, #tpu.memory_space<vmem>>) semaphore(%arg20 : memref<!tpu.dma_semaphore, #tpu.memory_space<semaphore_mem>>)
      } else {
      }
      %dma_wait3A_244 = arith.constant 0 : i32
      %dma_wait3A_245 = tpu.memref_slice %arg7[%add3A_230, %dma_wait3A_244] : memref<80x128xi32, #tpu.memory_space<vmem>> -> memref<1x128xi32, #tpu.memory_space<vmem>>
      %dma_wait3A_246 = tpu.memref_squeeze %dma_wait3A_245 : memref<1x128xi32, #tpu.memory_space<vmem>> -> memref<128xi32, #tpu.memory_space<vmem>>
      %dma_wait3A_247 = arith.constant 0 : i32
      %dma_wait3A_248 = arith.constant 0 : i32
      %dma_wait3A_249 = tpu.memref_slice %arg2[%dma_wait3A_247, %dma_wait3A_248] : memref<10000x24xf32, #tpu.memory_space<hbm>> -> memref<10000x24xf32, #tpu.memory_space<hbm>>
      tpu.wait_indirect_dma semaphore(%arg24 : memref<!tpu.dma_semaphore, #tpu.memory_space<semaphore_mem>>) src(%dma_wait3A_249 : memref<10000x24xf32, #tpu.memory_space<hbm>>) dst(%arg15 : memref<128x24xf32, #tpu.memory_space<vmem>>)
      %dma_start3A_250 = arith.constant 0 : i32
      %dma_start3A_251 = tpu.memref_slice %arg8[%add3A_230, %dma_start3A_250] : memref<80x128xi32, #tpu.memory_space<vmem>> -> memref<1x128xi32, #tpu.memory_space<vmem>>
      %dma_start3A_252 = tpu.memref_squeeze %dma_start3A_251 : memref<1x128xi32, #tpu.memory_space<vmem>> -> memref<128xi32, #tpu.memory_space<vmem>>
      %dma_start3A_253 = arith.constant 0 : i32
      %dma_start3A_254 = arith.constant 0 : i32
      %dma_start3A_255 = tpu.memref_slice %arg17[%dma_start3A_253, %dma_start3A_254] : memref<10112x24xf32, #tpu.memory_space<vmem_shared>> -> memref<10112x24xf32, #tpu.memory_space<vmem_shared>>
      tpu.enqueue_indirect_dma source(%arg15 : memref<128x24xf32, #tpu.memory_space<vmem>>) target(%dma_start3A_255 : memref<10112x24xf32, #tpu.memory_space<vmem_shared>>) offsets(%dma_start3A_252 : memref<128xi32, #tpu.memory_space<vmem>>) semaphore(%arg24 : memref<!tpu.dma_semaphore, #tpu.memory_space<semaphore_mem>>) {add = true}
      %add3A_256 = arith.constant 7 : i32
      %add3A_257 = arith.addi %mul3A_71, %add3A_256 : i32
      %sub3A_258 = arith.constant 4 : i32
      %sub3A_259 = arith.subi %add3A_257, %sub3A_258 : i32
      %dma_wait3A_260 = arith.constant 0 : i32
      %dma_wait3A_261 = tpu.memref_slice %arg8[%sub3A_259, %dma_wait3A_260] : memref<80x128xi32, #tpu.memory_space<vmem>> -> memref<1x128xi32, #tpu.memory_space<vmem>>
      %dma_wait3A_262 = tpu.memref_squeeze %dma_wait3A_261 : memref<1x128xi32, #tpu.memory_space<vmem>> -> memref<128xi32, #tpu.memory_space<vmem>>
      %dma_wait3A_263 = arith.constant 0 : i32
      %dma_wait3A_264 = arith.constant 0 : i32
      %dma_wait3A_265 = tpu.memref_slice %arg17[%dma_wait3A_263, %dma_wait3A_264] : memref<10112x24xf32, #tpu.memory_space<vmem_shared>> -> memref<10112x24xf32, #tpu.memory_space<vmem_shared>>
      tpu.wait_indirect_dma semaphore(%arg21 : memref<!tpu.dma_semaphore, #tpu.memory_space<semaphore_mem>>) src(%arg12 : memref<128x24xf32, #tpu.memory_space<vmem>>) dst(%dma_wait3A_265 : memref<10112x24xf32, #tpu.memory_space<vmem_shared>>)
      %lt3A_266 = arith.constant 9 : i32
      %lt3A_267 = arith.cmpi slt, %scan3A_69, %lt3A_266 : i32
      %convert_element_type3A_268 = arith.extui %lt3A_267 : i1 to i32
      %cond3A_269 = arith.constant 0 : i32
      %cond3A_270 = arith.cmpi ne, %convert_element_type3A_268, %cond3A_269 : i32
      scf.if %cond3A_270 {
        %add3A_283 = arith.constant 4 : i32
        %add3A_284 = arith.addi %add3A_257, %add3A_283 : i32
        %dma_start3A_285 = arith.constant 0 : i32
        %dma_start3A_286 = tpu.memref_slice %arg7[%add3A_284, %dma_start3A_285] : memref<80x128xi32, #tpu.memory_space<vmem>> -> memref<1x128xi32, #tpu.memory_space<vmem>>
        %dma_start3A_287 = tpu.memref_squeeze %dma_start3A_286 : memref<1x128xi32, #tpu.memory_space<vmem>> -> memref<128xi32, #tpu.memory_space<vmem>>
        %dma_start3A_288 = arith.constant 0 : i32
        %dma_start3A_289 = arith.constant 0 : i32
        %dma_start3A_290 = tpu.memref_slice %arg2[%dma_start3A_288, %dma_start3A_289] : memref<10000x24xf32, #tpu.memory_space<hbm>> -> memref<10000x24xf32, #tpu.memory_space<hbm>>
        tpu.enqueue_indirect_dma source(%dma_start3A_290 : memref<10000x24xf32, #tpu.memory_space<hbm>>) target(%arg12 : memref<128x24xf32, #tpu.memory_space<vmem>>) offsets(%dma_start3A_287 : memref<128xi32, #tpu.memory_space<vmem>>) semaphore(%arg21 : memref<!tpu.dma_semaphore, #tpu.memory_space<semaphore_mem>>)
      } else {
      }
      %dma_wait3A_271 = arith.constant 0 : i32
      %dma_wait3A_272 = tpu.memref_slice %arg7[%add3A_257, %dma_wait3A_271] : memref<80x128xi32, #tpu.memory_space<vmem>> -> memref<1x128xi32, #tpu.memory_space<vmem>>
      %dma_wait3A_273 = tpu.memref_squeeze %dma_wait3A_272 : memref<1x128xi32, #tpu.memory_space<vmem>> -> memref<128xi32, #tpu.memory_space<vmem>>
      %dma_wait3A_274 = arith.constant 0 : i32
      %dma_wait3A_275 = arith.constant 0 : i32
      %dma_wait3A_276 = tpu.memref_slice %arg2[%dma_wait3A_274, %dma_wait3A_275] : memref<10000x24xf32, #tpu.memory_space<hbm>> -> memref<10000x24xf32, #tpu.memory_space<hbm>>
      tpu.wait_indirect_dma semaphore(%arg25 : memref<!tpu.dma_semaphore, #tpu.memory_space<semaphore_mem>>) src(%dma_wait3A_276 : memref<10000x24xf32, #tpu.memory_space<hbm>>) dst(%arg16 : memref<128x24xf32, #tpu.memory_space<vmem>>)
      %dma_start3A_277 = arith.constant 0 : i32
      %dma_start3A_278 = tpu.memref_slice %arg8[%add3A_257, %dma_start3A_277] : memref<80x128xi32, #tpu.memory_space<vmem>> -> memref<1x128xi32, #tpu.memory_space<vmem>>
      %dma_start3A_279 = tpu.memref_squeeze %dma_start3A_278 : memref<1x128xi32, #tpu.memory_space<vmem>> -> memref<128xi32, #tpu.memory_space<vmem>>
      %dma_start3A_280 = arith.constant 0 : i32
      %dma_start3A_281 = arith.constant 0 : i32
      %dma_start3A_282 = tpu.memref_slice %arg17[%dma_start3A_280, %dma_start3A_281] : memref<10112x24xf32, #tpu.memory_space<vmem_shared>> -> memref<10112x24xf32, #tpu.memory_space<vmem_shared>>
      tpu.enqueue_indirect_dma source(%arg16 : memref<128x24xf32, #tpu.memory_space<vmem>>) target(%dma_start3A_282 : memref<10112x24xf32, #tpu.memory_space<vmem_shared>>) offsets(%dma_start3A_279 : memref<128xi32, #tpu.memory_space<vmem>>) semaphore(%arg25 : memref<!tpu.dma_semaphore, #tpu.memory_space<semaphore_mem>>) {add = true}
    }
    %scan3A_36 = arith.constant 10 : i32
    %dma_wait3A = arith.constant 76 : i32
    %dma_wait3A_37 = arith.constant 0 : i32
    %dma_wait3A_38 = tpu.memref_slice %arg8[%dma_wait3A, %dma_wait3A_37] : memref<80x128xi32, #tpu.memory_space<vmem>> -> memref<1x128xi32, #tpu.memory_space<vmem>>
    %dma_wait3A_39 = tpu.memref_squeeze %dma_wait3A_38 : memref<1x128xi32, #tpu.memory_space<vmem>> -> memref<128xi32, #tpu.memory_space<vmem>>
    %dma_wait3A_40 = arith.constant 0 : i32
    %dma_wait3A_41 = arith.constant 0 : i32
    %dma_wait3A_42 = tpu.memref_slice %arg17[%dma_wait3A_40, %dma_wait3A_41] : memref<10112x24xf32, #tpu.memory_space<vmem_shared>> -> memref<10112x24xf32, #tpu.memory_space<vmem_shared>>
    tpu.wait_indirect_dma semaphore(%arg22 : memref<!tpu.dma_semaphore, #tpu.memory_space<semaphore_mem>>) src(%arg13 : memref<128x24xf32, #tpu.memory_space<vmem>>) dst(%dma_wait3A_42 : memref<10112x24xf32, #tpu.memory_space<vmem_shared>>)
    %dma_wait3A_43 = arith.constant 77 : i32
    %dma_wait3A_44 = arith.constant 0 : i32
    %dma_wait3A_45 = tpu.memref_slice %arg8[%dma_wait3A_43, %dma_wait3A_44] : memref<80x128xi32, #tpu.memory_space<vmem>> -> memref<1x128xi32, #tpu.memory_space<vmem>>
    %dma_wait3A_46 = tpu.memref_squeeze %dma_wait3A_45 : memref<1x128xi32, #tpu.memory_space<vmem>> -> memref<128xi32, #tpu.memory_space<vmem>>
    %dma_wait3A_47 = arith.constant 0 : i32
    %dma_wait3A_48 = arith.constant 0 : i32
    %dma_wait3A_49 = tpu.memref_slice %arg17[%dma_wait3A_47, %dma_wait3A_48] : memref<10112x24xf32, #tpu.memory_space<vmem_shared>> -> memref<10112x24xf32, #tpu.memory_space<vmem_shared>>
    tpu.wait_indirect_dma semaphore(%arg23 : memref<!tpu.dma_semaphore, #tpu.memory_space<semaphore_mem>>) src(%arg14 : memref<128x24xf32, #tpu.memory_space<vmem>>) dst(%dma_wait3A_49 : memref<10112x24xf32, #tpu.memory_space<vmem_shared>>)
    %dma_wait3A_50 = arith.constant 78 : i32
    %dma_wait3A_51 = arith.constant 0 : i32
    %dma_wait3A_52 = tpu.memref_slice %arg8[%dma_wait3A_50, %dma_wait3A_51] : memref<80x128xi32, #tpu.memory_space<vmem>> -> memref<1x128xi32, #tpu.memory_space<vmem>>
    %dma_wait3A_53 = tpu.memref_squeeze %dma_wait3A_52 : memref<1x128xi32, #tpu.memory_space<vmem>> -> memref<128xi32, #tpu.memory_space<vmem>>
    %dma_wait3A_54 = arith.constant 0 : i32
    %dma_wait3A_55 = arith.constant 0 : i32
    %dma_wait3A_56 = tpu.memref_slice %arg17[%dma_wait3A_54, %dma_wait3A_55] : memref<10112x24xf32, #tpu.memory_space<vmem_shared>> -> memref<10112x24xf32, #tpu.memory_space<vmem_shared>>
    tpu.wait_indirect_dma semaphore(%arg24 : memref<!tpu.dma_semaphore, #tpu.memory_space<semaphore_mem>>) src(%arg15 : memref<128x24xf32, #tpu.memory_space<vmem>>) dst(%dma_wait3A_56 : memref<10112x24xf32, #tpu.memory_space<vmem_shared>>)
    %dma_wait3A_57 = arith.constant 79 : i32
    %dma_wait3A_58 = arith.constant 0 : i32
    %dma_wait3A_59 = tpu.memref_slice %arg8[%dma_wait3A_57, %dma_wait3A_58] : memref<80x128xi32, #tpu.memory_space<vmem>> -> memref<1x128xi32, #tpu.memory_space<vmem>>
    %dma_wait3A_60 = tpu.memref_squeeze %dma_wait3A_59 : memref<1x128xi32, #tpu.memory_space<vmem>> -> memref<128xi32, #tpu.memory_space<vmem>>
    %dma_wait3A_61 = arith.constant 0 : i32
    %dma_wait3A_62 = arith.constant 0 : i32
    %dma_wait3A_63 = tpu.memref_slice %arg17[%dma_wait3A_61, %dma_wait3A_62] : memref<10112x24xf32, #tpu.memory_space<vmem_shared>> -> memref<10112x24xf32, #tpu.memory_space<vmem_shared>>
    tpu.wait_indirect_dma semaphore(%arg25 : memref<!tpu.dma_semaphore, #tpu.memory_space<semaphore_mem>>) src(%arg16 : memref<128x24xf32, #tpu.memory_space<vmem>>) dst(%dma_wait3A_63 : memref<10112x24xf32, #tpu.memory_space<vmem_shared>>)
    %barrier3A_64 = arith.constant 0 : index
    tpu.barrier barrier_id(%barrier3A_64)
    %mul3A_65 = arith.constant 632 : i32
    %mul3A_66 = arith.muli %arg1, %mul3A_65 : i32
    %mul3A_67 = arith.constant 632 : i32
    %mul3A_68 = arith.muli %arg1, %mul3A_67 : i32
    %run_scoped3A = arith.constant 0 : i32
    "tpu.region"() ({
      %run_scoped3A_69 = tpu.sem_alloc : memref<!tpu.dma_semaphore, #tpu.memory_space<semaphore_mem>>
      %dma_start3A_70 = arith.constant 0 : i32
      %dma_start3A_71 = tpu.memref_slice %arg6[%run_scoped3A, %arg0, %mul3A_68, %dma_start3A_70] : memref<1x2x10112x24xf32, #tpu.memory_space<hbm>> -> memref<1x1x632x24xf32, #tpu.memory_space<hbm>>
      %dma_start3A_72 = tpu.memref_squeeze %dma_start3A_71 : memref<1x1x632x24xf32, #tpu.memory_space<hbm>> -> memref<632x24xf32, #tpu.memory_space<hbm>>
      %dma_start3A_73 = arith.constant 0 : i32
      %dma_start3A_74 = tpu.memref_slice %arg17[%mul3A_66, %dma_start3A_73] : memref<10112x24xf32, #tpu.memory_space<vmem_shared>> -> memref<632x24xf32, #tpu.memory_space<vmem_shared>>
      tpu.enqueue_dma source(%dma_start3A_74 : memref<632x24xf32, #tpu.memory_space<vmem_shared>>) target(%dma_start3A_72 : memref<632x24xf32, #tpu.memory_space<hbm>>) target_semaphore(%run_scoped3A_69 : memref<!tpu.dma_semaphore, #tpu.memory_space<semaphore_mem>>)
      %dma_wait3A_75 = arith.constant 0 : i32
      %dma_wait3A_76 = tpu.memref_slice %arg6[%run_scoped3A, %arg0, %mul3A_68, %dma_wait3A_75] : memref<1x2x10112x24xf32, #tpu.memory_space<hbm>> -> memref<1x1x632x24xf32, #tpu.memory_space<hbm>>
      %dma_wait3A_77 = tpu.memref_squeeze %dma_wait3A_76 : memref<1x1x632x24xf32, #tpu.memory_space<hbm>> -> memref<632x24xf32, #tpu.memory_space<hbm>>
      %dma_wait3A_78 = arith.constant 0 : i32
      %dma_wait3A_79 = tpu.memref_slice %arg17[%mul3A_66, %dma_wait3A_78] : memref<10112x24xf32, #tpu.memory_space<vmem_shared>> -> memref<632x24xf32, #tpu.memory_space<vmem_shared>>
      tpu.wait_dma2 semaphore(%run_scoped3A_69 : memref<!tpu.dma_semaphore, #tpu.memory_space<semaphore_mem>>) src(%dma_wait3A_79 : memref<632x24xf32, #tpu.memory_space<vmem_shared>>) dst(%dma_wait3A_77 : memref<632x24xf32, #tpu.memory_space<hbm>>)
      tpu.yield
    }) : () -> ()
    return
  }
}

module attributes {stable_mosaic.version = 14 : i64} {
  func.func @_pos_table_body(%arg0: i32, %arg1: memref<1000x24xf32, #tpu.memory_space<vmem>>, %arg2: memref<1000x1xi32, #tpu.memory_space<vmem>>, %arg3: memref<1000x24xf32, #tpu.memory_space<vmem>>) attributes {dimension_semantics = [#tpu.dimension_semantics<arbitrary>], iteration_bounds = array<i64: 10>, scalar_prefetch = 0 : i64, scratch_operands = 0 : i64, tpu.core_type = #tpu.core_type<tc>, window_params = [{transform_indices = @transform_0, window_bounds = array<i64: 1000, 24>}, {transform_indices = @transform_1, window_bounds = array<i64: 1000, 1>}, {transform_indices = @transform_2, window_bounds = array<i64: 1000, 24>}]} {
    %get3A = arith.constant 0 : index
    %get3A_0 = arith.constant 0 : index
    %get3A_1 = vector.load %arg2[%get3A, %get3A_0] : memref<1000x1xi32, #tpu.memory_space<vmem>>, vector<1000x1xi32>
    %eq3A = arith.constant 0 : i32
    %eq3A_2 = vector.broadcast %eq3A : i32 to vector<1000x1xi32>
    %eq3A_3 = arith.cmpi eq, %get3A_1, %eq3A_2 : vector<1000x1xi32>
    %convert_element_type3A = arith.extui %eq3A_3 : vector<1000x1xi1> to vector<1000x1xi32>
    %convert_element_type3A_4 = arith.sitofp %convert_element_type3A : vector<1000x1xi32> to vector<1000x1xf32>
    %eq3A_5 = arith.constant 1 : i32
    %eq3A_6 = vector.broadcast %eq3A_5 : i32 to vector<1000x1xi32>
    %eq3A_7 = arith.cmpi eq, %get3A_1, %eq3A_6 : vector<1000x1xi32>
    %convert_element_type3A_8 = arith.extui %eq3A_7 : vector<1000x1xi1> to vector<1000x1xi32>
    %convert_element_type3A_9 = arith.sitofp %convert_element_type3A_8 : vector<1000x1xi32> to vector<1000x1xf32>
    %sub3A = arith.subf %convert_element_type3A_4, %convert_element_type3A_9 : vector<1000x1xf32>
    %iota3A = tpu.iota {dimensions = array<i32: 1>} : vector<1000x24xi32>
    %lt3A = arith.constant 16 : i32
    %lt3A_10 = vector.broadcast %lt3A : i32 to vector<1000x24xi32>
    %lt3A_11 = arith.cmpi slt, %iota3A, %lt3A_10 : vector<1000x24xi32>
    %jit3A = arith.constant 1.000000e+00 : f32
    %broadcast_in_dim3A = vector.shape_cast %sub3A : vector<1000x1xf32> to vector<1000x1xf32>
    %broadcast_in_dim3A_12 = vector.broadcast %broadcast_in_dim3A : vector<1000x1xf32> to vector<1000x24xf32>
    %broadcast_in_dim3A_13 = vector.broadcast %jit3A : f32 to vector<1000x24xf32>
    %select_n3A = arith.select %lt3A_11, %broadcast_in_dim3A_12, %broadcast_in_dim3A_13 : vector<1000x24xi1>, vector<1000x24xf32>
    %get3A_14 = arith.constant 0 : index
    %get3A_15 = arith.constant 0 : index
    %get3A_16 = vector.load %arg1[%get3A_14, %get3A_15] : memref<1000x24xf32, #tpu.memory_space<vmem>>, vector<1000x24xf32>
    %mul3A = arith.mulf %get3A_16, %select_n3A : vector<1000x24xf32>
    %swap3A = arith.constant 0 : index
    %swap3A_17 = arith.constant 0 : index
    %swap3A_18 = vector.load %arg3[%swap3A, %swap3A_17] : memref<1000x24xf32, #tpu.memory_space<vmem>>, vector<1000x24xf32>
    tpu.vector_store %arg3[%swap3A, %swap3A_17], %mul3A {strides = array<i32>} : memref<1000x24xf32, #tpu.memory_space<vmem>>, vector<1000x24xf32>,
    return
  }
  func.func @transform_0(%arg0: i32) -> (i32, i32) {
    %c0_i32 = arith.constant 0 : i32
    %c0_i32_0 = arith.constant 0 : i32
    return %arg0, %c0_i32 : i32, i32
  }
  func.func @transform_1(%arg0: i32) -> (i32, i32) {
    %c0_i32 = arith.constant 0 : i32
    %c0_i32_0 = arith.constant 0 : i32
    return %arg0, %c0_i32 : i32, i32
  }
  func.func @transform_2(%arg0: i32) -> (i32, i32) {
    %c0_i32 = arith.constant 0 : i32
    %c0_i32_0 = arith.constant 0 : i32
    return %arg0, %c0_i32 : i32, i32
  }
}

module attributes {stable_mosaic.version = 14 : i64} {
  func.func @_node_state_body(%arg0: i32, %arg1: memref<1x2x1000x24xf32, #tpu.memory_space<vmem>>, %arg2: memref<1000x128xf32, #tpu.memory_space<vmem>>, %arg3: memref<1000x1xi32, #tpu.memory_space<vmem>>, %arg4: memref<16x128xf32, #tpu.memory_space<vmem>>, %arg5: memref<1x128xf32, #tpu.memory_space<vmem>>, %arg6: memref<128x128xf32, #tpu.memory_space<vmem>>, %arg7: memref<128x128xf32, #tpu.memory_space<vmem>>, %arg8: memref<1x128xf32, #tpu.memory_space<vmem>>, %arg9: memref<128x128xf32, #tpu.memory_space<vmem>>, %arg10: memref<1x128xf32, #tpu.memory_space<vmem>>, %arg11: memref<128x128xf32, #tpu.memory_space<vmem>>, %arg12: memref<1x128xf32, #tpu.memory_space<vmem>>, %arg13: memref<1000x64xf32, #tpu.memory_space<vmem>>, %arg14: memref<1000x64xf32, #tpu.memory_space<vmem>>) attributes {dimension_semantics = [#tpu.dimension_semantics<arbitrary>], iteration_bounds = array<i64: 10>, scalar_prefetch = 0 : i64, scratch_operands = 0 : i64, tpu.core_type = #tpu.core_type<tc>, window_params = [{transform_indices = @transform_0, window_bounds = array<i64: 1, 2, 1000, 24>}, {transform_indices = @transform_1, window_bounds = array<i64: 1000, 128>}, {transform_indices = @transform_2, window_bounds = array<i64: 1000, 1>}, {pipeline_mode = #tpu.pipeline_mode<synchronous>, transform_indices = @transform_3, window_bounds = array<i64: 16, 128>}, {pipeline_mode = #tpu.pipeline_mode<synchronous>, transform_indices = @transform_4, window_bounds = array<i64: 1, 128>}, {pipeline_mode = #tpu.pipeline_mode<synchronous>, transform_indices = @transform_5, window_bounds = array<i64: 128, 128>}, {pipeline_mode = #tpu.pipeline_mode<synchronous>, transform_indices = @transform_6, window_bounds = array<i64: 128, 128>}, {pipeline_mode = #tpu.pipeline_mode<synchronous>, transform_indices = @transform_7, window_bounds = array<i64: 1, 128>}, {pipeline_mode = #tpu.pipeline_mode<synchronous>, transform_indices = @transform_8, window_bounds = array<i64: 128, 128>}, {pipeline_mode = #tpu.pipeline_mode<synchronous>, transform_indices = @transform_9, window_bounds = array<i64: 1, 128>}, {pipeline_mode = #tpu.pipeline_mode<synchronous>, transform_indices = @transform_10, window_bounds = array<i64: 128, 128>}, {pipeline_mode = #tpu.pipeline_mode<synchronous>, transform_indices = @transform_11, window_bounds = array<i64: 1, 128>}, {transform_indices = @transform_12, window_bounds = array<i64: 1000, 64>}, {transform_indices = @transform_13, window_bounds = array<i64: 1000, 64>}]} {
    %get3A = arith.constant 0 : index
    %get3A_0 = arith.constant 0 : index
    %get3A_1 = arith.constant 0 : index
    %get3A_2 = arith.constant 0 : index
    %get3A_3 = vector.load %arg1[%get3A, %get3A_0, %get3A_1, %get3A_2] : memref<1x2x1000x24xf32, #tpu.memory_space<vmem>>, vector<1x2x1000x24xf32>
    %slice3A = vector.extract_strided_slice %get3A_3 {offsets = [0, 0, 0, 0], sizes = [1, 1, 1000, 16], strides = [1, 1, 1, 1]} : vector<1x2x1000x24xf32> to vector<1x1x1000x16xf32>
    %squeeze3A = vector.shape_cast %slice3A : vector<1x1x1000x16xf32> to vector<1000x16xf32>
    %slice3A_4 = vector.extract_strided_slice %get3A_3 {offsets = [0, 1, 0, 0], sizes = [1, 1, 1000, 16], strides = [1, 1, 1, 1]} : vector<1x2x1000x24xf32> to vector<1x1x1000x16xf32>
    %squeeze3A_5 = vector.shape_cast %slice3A_4 : vector<1x1x1000x16xf32> to vector<1000x16xf32>
    %add3A = arith.addf %squeeze3A, %squeeze3A_5 : vector<1000x16xf32>
    %slice3A_6 = vector.extract_strided_slice %get3A_3 {offsets = [0, 0, 0, 16], sizes = [1, 1, 1000, 1], strides = [1, 1, 1, 1]} : vector<1x2x1000x24xf32> to vector<1x1x1000x1xf32>
    %squeeze3A_7 = vector.shape_cast %slice3A_6 : vector<1x1x1000x1xf32> to vector<1000x1xf32>
    %slice3A_8 = vector.extract_strided_slice %get3A_3 {offsets = [0, 1, 0, 16], sizes = [1, 1, 1000, 1], strides = [1, 1, 1, 1]} : vector<1x2x1000x24xf32> to vector<1x1x1000x1xf32>
    %squeeze3A_9 = vector.shape_cast %slice3A_8 : vector<1x1x1000x1xf32> to vector<1000x1xf32>
    %add3A_10 = arith.addf %squeeze3A_7, %squeeze3A_9 : vector<1000x1xf32>
    %get3A_11 = arith.constant 0 : index
    %get3A_12 = arith.constant 0 : index
    %get3A_13 = vector.load %arg4[%get3A_11, %get3A_12] : memref<16x128xf32, #tpu.memory_space<vmem>>, vector<16x128xf32>
    %dot_general3A = arith.constant dense<0.000000e+00> : vector<1000x128xf32>
    %dot_general3A_14 = tpu.matmul %add3A, %get3A_13, %dot_general3A {dimension_numbers = #tpu.dot_dimension_numbers<[1], [0], [0], [1], [0, 0, 1, 1], [], []>, transpose_lhs_hint = false} : vector<1000x16xf32>, vector<16x128xf32>, vector<1000x128xf32> -> vector<1000x128xf32>
    %get3A_15 = arith.constant 0 : index
    %get3A_16 = arith.constant 0 : index
    %get3A_17 = vector.load %arg5[%get3A_15, %get3A_16] : memref<1x128xf32, #tpu.memory_space<vmem>>, vector<1x128xf32>
    %mul3A = vector.broadcast %add3A_10 : vector<1000x1xf32> to vector<1000x128xf32>
    %mul3A_18 = vector.broadcast %get3A_17 : vector<1x128xf32> to vector<1000x128xf32>
    %mul3A_19 = arith.mulf %mul3A, %mul3A_18 : vector<1000x128xf32>
    %add3A_20 = arith.addf %dot_general3A_14, %mul3A_19 : vector<1000x128xf32>
    %get3A_21 = arith.constant 0 : index
    %get3A_22 = arith.constant 0 : index
    %get3A_23 = vector.load %arg6[%get3A_21, %get3A_22] : memref<128x128xf32, #tpu.memory_space<vmem>>, vector<128x128xf32>
    %dot_general3A_24 = arith.constant dense<0.000000e+00> : vector<1000x128xf32>
    %dot_general3A_25 = tpu.matmul %add3A_20, %get3A_23, %dot_general3A_24 {dimension_numbers = #tpu.dot_dimension_numbers<[1], [0], [0], [1], [0, 0, 1, 1], [], []>, transpose_lhs_hint = false} : vector<1000x128xf32>, vector<128x128xf32>, vector<1000x128xf32> -> vector<1000x128xf32>
    %get3A_26 = arith.constant 0 : index
    %get3A_27 = arith.constant 0 : index
    %get3A_28 = vector.load %arg2[%get3A_26, %get3A_27] : memref<1000x128xf32, #tpu.memory_space<vmem>>, vector<1000x128xf32>
    %get3A_29 = arith.constant 0 : index
    %get3A_30 = arith.constant 0 : index
    %get3A_31 = vector.load %arg7[%get3A_29, %get3A_30] : memref<128x128xf32, #tpu.memory_space<vmem>>, vector<128x128xf32>
    %dot_general3A_32 = arith.constant dense<0.000000e+00> : vector<1000x128xf32>
    %dot_general3A_33 = tpu.matmul %get3A_28, %get3A_31, %dot_general3A_32 {dimension_numbers = #tpu.dot_dimension_numbers<[1], [0], [0], [1], [0, 0, 1, 1], [], []>, transpose_lhs_hint = false} : vector<1000x128xf32>, vector<128x128xf32>, vector<1000x128xf32> -> vector<1000x128xf32>
    %add3A_34 = arith.addf %dot_general3A_25, %dot_general3A_33 : vector<1000x128xf32>
    %get3A_35 = arith.constant 0 : index
    %get3A_36 = arith.constant 0 : index
    %get3A_37 = vector.load %arg8[%get3A_35, %get3A_36] : memref<1x128xf32, #tpu.memory_space<vmem>>, vector<1x128xf32>
    %add3A_38 = vector.broadcast %get3A_37 : vector<1x128xf32> to vector<1000x128xf32>
    %add3A_39 = arith.addf %add3A_34, %add3A_38 : vector<1000x128xf32>
    %max3A = arith.constant 0.000000e+00 : f32
    %max3A_40 = vector.broadcast %max3A : f32 to vector<1000x128xf32>
    %max3A_41 = arith.maximumf %add3A_39, %max3A_40 : vector<1000x128xf32>
    %get3A_42 = arith.constant 0 : index
    %get3A_43 = arith.constant 0 : index
    %get3A_44 = vector.load %arg9[%get3A_42, %get3A_43] : memref<128x128xf32, #tpu.memory_space<vmem>>, vector<128x128xf32>
    %dot_general3A_45 = arith.constant dense<0.000000e+00> : vector<1000x128xf32>
    %dot_general3A_46 = tpu.matmul %max3A_41, %get3A_44, %dot_general3A_45 {dimension_numbers = #tpu.dot_dimension_numbers<[1], [0], [0], [1], [0, 0, 1, 1], [], []>, transpose_lhs_hint = false} : vector<1000x128xf32>, vector<128x128xf32>, vector<1000x128xf32> -> vector<1000x128xf32>
    %get3A_47 = arith.constant 0 : index
    %get3A_48 = arith.constant 0 : index
    %get3A_49 = vector.load %arg10[%get3A_47, %get3A_48] : memref<1x128xf32, #tpu.memory_space<vmem>>, vector<1x128xf32>
    %add3A_50 = vector.broadcast %get3A_49 : vector<1x128xf32> to vector<1000x128xf32>
    %add3A_51 = arith.addf %dot_general3A_46, %add3A_50 : vector<1000x128xf32>
    %max3A_52 = arith.constant 0.000000e+00 : f32
    %max3A_53 = vector.broadcast %max3A_52 : f32 to vector<1000x128xf32>
    %max3A_54 = arith.maximumf %add3A_51, %max3A_53 : vector<1000x128xf32>
    %get3A_55 = arith.constant 0 : index
    %get3A_56 = arith.constant 0 : index
    %get3A_57 = vector.load %arg11[%get3A_55, %get3A_56] : memref<128x128xf32, #tpu.memory_space<vmem>>, vector<128x128xf32>
    %dot_general3A_58 = arith.constant dense<0.000000e+00> : vector<1000x128xf32>
    %dot_general3A_59 = tpu.matmul %max3A_54, %get3A_57, %dot_general3A_58 {dimension_numbers = #tpu.dot_dimension_numbers<[1], [0], [0], [1], [0, 0, 1, 1], [], []>, transpose_lhs_hint = false} : vector<1000x128xf32>, vector<128x128xf32>, vector<1000x128xf32> -> vector<1000x128xf32>
    %get3A_60 = arith.constant 0 : index
    %get3A_61 = arith.constant 0 : index
    %get3A_62 = vector.load %arg12[%get3A_60, %get3A_61] : memref<1x128xf32, #tpu.memory_space<vmem>>, vector<1x128xf32>
    %add3A_63 = vector.broadcast %get3A_62 : vector<1x128xf32> to vector<1000x128xf32>
    %add3A_64 = arith.addf %dot_general3A_59, %add3A_63 : vector<1000x128xf32>
    %get3A_65 = arith.constant 0 : index
    %get3A_66 = arith.constant 0 : index
    %get3A_67 = vector.load %arg3[%get3A_65, %get3A_66] : memref<1000x1xi32, #tpu.memory_space<vmem>>, vector<1000x1xi32>
    %ne3A = arith.constant 2 : i32
    %ne3A_68 = vector.broadcast %ne3A : i32 to vector<1000x1xi32>
    %ne3A_69 = arith.cmpi ne, %get3A_67, %ne3A_68 : vector<1000x1xi32>
    %convert_element_type3A = arith.extui %ne3A_69 : vector<1000x1xi1> to vector<1000x1xi32>
    %convert_element_type3A_70 = arith.sitofp %convert_element_type3A : vector<1000x1xi32> to vector<1000x1xf32>
    %mul3A_71 = vector.broadcast %convert_element_type3A_70 : vector<1000x1xf32> to vector<1000x128xf32>
    %mul3A_72 = arith.mulf %add3A_64, %mul3A_71 : vector<1000x128xf32>
    %slice3A_73 = vector.extract_strided_slice %mul3A_72 {offsets = [0, 0], sizes = [1000, 64], strides = [1, 1]} : vector<1000x128xf32> to vector<1000x64xf32>
    %swap3A = arith.constant 0 : index
    %swap3A_74 = arith.constant 0 : index
    %swap3A_75 = vector.load %arg13[%swap3A, %swap3A_74] : memref<1000x64xf32, #tpu.memory_space<vmem>>, vector<1000x64xf32>
    tpu.vector_store %arg13[%swap3A, %swap3A_74], %slice3A_73 {strides = array<i32>} : memref<1000x64xf32, #tpu.memory_space<vmem>>, vector<1000x64xf32>,
    %slice3A_76 = vector.extract_strided_slice %mul3A_72 {offsets = [0, 64], sizes = [1000, 64], strides = [1, 1]} : vector<1000x128xf32> to vector<1000x64xf32>
    %swap3A_77 = arith.constant 0 : index
    %swap3A_78 = arith.constant 0 : index
    %swap3A_79 = vector.load %arg14[%swap3A_77, %swap3A_78] : memref<1000x64xf32, #tpu.memory_space<vmem>>, vector<1000x64xf32>
    tpu.vector_store %arg14[%swap3A_77, %swap3A_78], %slice3A_76 {strides = array<i32>} : memref<1000x64xf32, #tpu.memory_space<vmem>>, vector<1000x64xf32>,
    return
  }
  func.func @transform_0(%arg0: i32) -> (i32, i32, i32, i32) {
    %c0_i32 = arith.constant 0 : i32
    %c0_i32_0 = arith.constant 0 : i32
    %c0_i32_1 = arith.constant 0 : i32
    %c0_i32_2 = arith.constant 0 : i32
    return %c0_i32, %c0_i32_0, %arg0, %c0_i32_1 : i32, i32, i32, i32
  }
  func.func @transform_1(%arg0: i32) -> (i32, i32) {
    %c0_i32 = arith.constant 0 : i32
    %c0_i32_0 = arith.constant 0 : i32
    return %arg0, %c0_i32 : i32, i32
  }
  func.func @transform_2(%arg0: i32) -> (i32, i32) {
    %c0_i32 = arith.constant 0 : i32
    %c0_i32_0 = arith.constant 0 : i32
    return %arg0, %c0_i32 : i32, i32
  }
  func.func @transform_3(%arg0: i32) -> (i32, i32) {
    %c0_i32 = arith.constant 0 : i32
    %c0_i32_0 = arith.constant 0 : i32
    %c0_i32_1 = arith.constant 0 : i32
    return %c0_i32, %c0_i32_0 : i32, i32
  }
  func.func @transform_4(%arg0: i32) -> (i32, i32) {
    %c0_i32 = arith.constant 0 : i32
    %c0_i32_0 = arith.constant 0 : i32
    %c0_i32_1 = arith.constant 0 : i32
    return %c0_i32, %c0_i32_0 : i32, i32
  }
  func.func @transform_5(%arg0: i32) -> (i32, i32) {
    %c0_i32 = arith.constant 0 : i32
    %c0_i32_0 = arith.constant 0 : i32
    %c0_i32_1 = arith.constant 0 : i32
    return %c0_i32, %c0_i32_0 : i32, i32
  }
  func.func @transform_6(%arg0: i32) -> (i32, i32) {
    %c0_i32 = arith.constant 0 : i32
    %c0_i32_0 = arith.constant 0 : i32
    %c0_i32_1 = arith.constant 0 : i32
    return %c0_i32, %c0_i32_0 : i32, i32
  }
  func.func @transform_7(%arg0: i32) -> (i32, i32) {
    %c0_i32 = arith.constant 0 : i32
    %c0_i32_0 = arith.constant 0 : i32
    %c0_i32_1 = arith.constant 0 : i32
    return %c0_i32, %c0_i32_0 : i32, i32
  }
  func.func @transform_8(%arg0: i32) -> (i32, i32) {
    %c0_i32 = arith.constant 0 : i32
    %c0_i32_0 = arith.constant 0 : i32
    %c0_i32_1 = arith.constant 0 : i32
    return %c0_i32, %c0_i32_0 : i32, i32
  }
  func.func @transform_9(%arg0: i32) -> (i32, i32) {
    %c0_i32 = arith.constant 0 : i32
    %c0_i32_0 = arith.constant 0 : i32
    %c0_i32_1 = arith.constant 0 : i32
    return %c0_i32, %c0_i32_0 : i32, i32
  }
  func.func @transform_10(%arg0: i32) -> (i32, i32) {
    %c0_i32 = arith.constant 0 : i32
    %c0_i32_0 = arith.constant 0 : i32
    %c0_i32_1 = arith.constant 0 : i32
    return %c0_i32, %c0_i32_0 : i32, i32
  }
  func.func @transform_11(%arg0: i32) -> (i32, i32) {
    %c0_i32 = arith.constant 0 : i32
    %c0_i32_0 = arith.constant 0 : i32
    %c0_i32_1 = arith.constant 0 : i32
    return %c0_i32, %c0_i32_0 : i32, i32
  }
  func.func @transform_12(%arg0: i32) -> (i32, i32) {
    %c0_i32 = arith.constant 0 : i32
    %c0_i32_0 = arith.constant 0 : i32
    return %arg0, %c0_i32 : i32, i32
  }
  func.func @transform_13(%arg0: i32) -> (i32, i32) {
    %c0_i32 = arith.constant 0 : i32
    %c0_i32_0 = arith.constant 0 : i32
    return %arg0, %c0_i32 : i32, i32
  }
}

module attributes {stable_mosaic.version = 14 : i64} {
  func.func @_final_body(%arg0: i32, %arg1: memref<2x2x1000x64xf32, #tpu.memory_space<vmem>>, %arg2: memref<1x2x1000x24xf32, #tpu.memory_space<vmem>>, %arg3: memref<1000x128xf32, #tpu.memory_space<vmem>>, %arg4: memref<1000x1xi32, #tpu.memory_space<vmem>>, %arg5: memref<1000x64xf32, #tpu.memory_space<vmem>>, %arg6: memref<1000x64xf32, #tpu.memory_space<vmem>>, %arg7: memref<128x128xf32, #tpu.memory_space<vmem>>, %arg8: memref<1x128xf32, #tpu.memory_space<vmem>>, %arg9: memref<128x128xf32, #tpu.memory_space<vmem>>, %arg10: memref<128x128xf32, #tpu.memory_space<vmem>>, %arg11: memref<1x128xf32, #tpu.memory_space<vmem>>, %arg12: memref<128x128xf32, #tpu.memory_space<vmem>>, %arg13: memref<1x128xf32, #tpu.memory_space<vmem>>, %arg14: memref<128x128xf32, #tpu.memory_space<vmem>>, %arg15: memref<1x128xf32, #tpu.memory_space<vmem>>, %arg16: memref<128x128xf32, #tpu.memory_space<vmem>>, %arg17: memref<1x128xf32, #tpu.memory_space<vmem>>, %arg18: memref<128x128xf32, #tpu.memory_space<vmem>>, %arg19: memref<1x128xf32, #tpu.memory_space<vmem>>, %arg20: memref<128x2xf32, #tpu.memory_space<vmem>>, %arg21: memref<1x2xf32, #tpu.memory_space<vmem>>, %arg22: memref<1000x2xf32, #tpu.memory_space<vmem>>) attributes {dimension_semantics = [#tpu.dimension_semantics<arbitrary>], iteration_bounds = array<i64: 10>, scalar_prefetch = 0 : i64, scratch_operands = 0 : i64, tpu.core_type = #tpu.core_type<tc>, window_params = [{transform_indices = @transform_0, window_bounds = array<i64: 2, 2, 1000, 64>}, {transform_indices = @transform_1, window_bounds = array<i64: 1, 2, 1000, 24>}, {transform_indices = @transform_2, window_bounds = array<i64: 1000, 128>}, {transform_indices = @transform_3, window_bounds = array<i64: 1000, 1>}, {transform_indices = @transform_4, window_bounds = array<i64: 1000, 64>}, {transform_indices = @transform_5, window_bounds = array<i64: 1000, 64>}, {pipeline_mode = #tpu.pipeline_mode<synchronous>, transform_indices = @transform_6, window_bounds = array<i64: 128, 128>}, {pipeline_mode = #tpu.pipeline_mode<synchronous>, transform_indices = @transform_7, window_bounds = array<i64: 1, 128>}, {pipeline_mode = #tpu.pipeline_mode<synchronous>, transform_indices = @transform_8, window_bounds = array<i64: 128, 128>}, {pipeline_mode = #tpu.pipeline_mode<synchronous>, transform_indices = @transform_9, window_bounds = array<i64: 128, 128>}, {pipeline_mode = #tpu.pipeline_mode<synchronous>, transform_indices = @transform_10, window_bounds = array<i64: 1, 128>}, {pipeline_mode = #tpu.pipeline_mode<synchronous>, transform_indices = @transform_11, window_bounds = array<i64: 128, 128>}, {pipeline_mode = #tpu.pipeline_mode<synchronous>, transform_indices = @transform_12, window_bounds = array<i64: 1, 128>}, {pipeline_mode = #tpu.pipeline_mode<synchronous>, transform_indices = @transform_13, window_bounds = array<i64: 128, 128>}, {pipeline_mode = #tpu.pipeline_mode<synchronous>, transform_indices = @transform_14, window_bounds = array<i64: 1, 128>}, {pipeline_mode = #tpu.pipeline_mode<synchronous>, transform_indices = @transform_15, window_bounds = array<i64: 128, 128>}, {pipeline_mode = #tpu.pipeline_mode<synchronous>, transform_indices = @transform_16, window_bounds = array<i64: 1, 128>}, {pipeline_mode = #tpu.pipeline_mode<synchronous>, transform_indices = @transform_17, window_bounds = array<i64: 128, 128>}, {pipeline_mode = #tpu.pipeline_mode<synchronous>, transform_indices = @transform_18, window_bounds = array<i64: 1, 128>}, {pipeline_mode = #tpu.pipeline_mode<synchronous>, transform_indices = @transform_19, window_bounds = array<i64: 128, 2>}, {pipeline_mode = #tpu.pipeline_mode<synchronous>, transform_indices = @transform_20, window_bounds = array<i64: 1, 2>}, {transform_indices = @transform_21, window_bounds = array<i64: 1000, 2>}]} {
    %get3A = arith.constant 0 : index
    %get3A_0 = arith.constant 0 : index
    %get3A_1 = arith.constant 0 : index
    %get3A_2 = arith.constant 0 : index
    %get3A_3 = vector.load %arg1[%get3A, %get3A_0, %get3A_1, %get3A_2] : memref<2x2x1000x64xf32, #tpu.memory_space<vmem>>, vector<2x2x1000x64xf32>
    %get3A_4 = arith.constant 0 : index
    %get3A_5 = arith.constant 0 : index
    %get3A_6 = arith.constant 0 : index
    %get3A_7 = arith.constant 0 : index
    %get3A_8 = vector.load %arg2[%get3A_4, %get3A_5, %get3A_6, %get3A_7] : memref<1x2x1000x24xf32, #tpu.memory_space<vmem>>, vector<1x2x1000x24xf32>
    %slice3A = vector.extract_strided_slice %get3A_3 {offsets = [0, 0, 0, 0], sizes = [1, 1, 1000, 64], strides = [1, 1, 1, 1]} : vector<2x2x1000x64xf32> to vector<1x1x1000x64xf32>
    %squeeze3A = vector.shape_cast %slice3A : vector<1x1x1000x64xf32> to vector<1000x64xf32>
    %slice3A_9 = vector.extract_strided_slice %get3A_3 {offsets = [0, 1, 0, 0], sizes = [1, 1, 1000, 64], strides = [1, 1, 1, 1]} : vector<2x2x1000x64xf32> to vector<1x1x1000x64xf32>
    %squeeze3A_10 = vector.shape_cast %slice3A_9 : vector<1x1x1000x64xf32> to vector<1000x64xf32>
    %add3A = arith.addf %squeeze3A, %squeeze3A_10 : vector<1000x64xf32>
    %slice3A_11 = vector.extract_strided_slice %get3A_3 {offsets = [1, 0, 0, 0], sizes = [1, 1, 1000, 64], strides = [1, 1, 1, 1]} : vector<2x2x1000x64xf32> to vector<1x1x1000x64xf32>
    %squeeze3A_12 = vector.shape_cast %slice3A_11 : vector<1x1x1000x64xf32> to vector<1000x64xf32>
    %slice3A_13 = vector.extract_strided_slice %get3A_3 {offsets = [1, 1, 0, 0], sizes = [1, 1, 1000, 64], strides = [1, 1, 1, 1]} : vector<2x2x1000x64xf32> to vector<1x1x1000x64xf32>
    %squeeze3A_14 = vector.shape_cast %slice3A_13 : vector<1x1x1000x64xf32> to vector<1000x64xf32>
    %add3A_15 = arith.addf %squeeze3A_12, %squeeze3A_14 : vector<1000x64xf32>
    %concatenate3A = tpu.concatenate %add3A, %add3A_15 in 1 : vector<1000x64xf32>, vector<1000x64xf32> -> vector<1000x128xf32>
    %slice3A_16 = vector.extract_strided_slice %get3A_8 {offsets = [0, 0, 0, 16], sizes = [1, 1, 1000, 1], strides = [1, 1, 1, 1]} : vector<1x2x1000x24xf32> to vector<1x1x1000x1xf32>
    %squeeze3A_17 = vector.shape_cast %slice3A_16 : vector<1x1x1000x1xf32> to vector<1000x1xf32>
    %slice3A_18 = vector.extract_strided_slice %get3A_8 {offsets = [0, 1, 0, 16], sizes = [1, 1, 1000, 1], strides = [1, 1, 1, 1]} : vector<1x2x1000x24xf32> to vector<1x1x1000x1xf32>
    %squeeze3A_19 = vector.shape_cast %slice3A_18 : vector<1x1x1000x1xf32> to vector<1000x1xf32>
    %add3A_20 = arith.addf %squeeze3A_17, %squeeze3A_19 : vector<1000x1xf32>
    %get3A_21 = arith.constant 0 : index
    %get3A_22 = arith.constant 0 : index
    %get3A_23 = vector.load %arg7[%get3A_21, %get3A_22] : memref<128x128xf32, #tpu.memory_space<vmem>>, vector<128x128xf32>
    %dot_general3A = arith.constant dense<0.000000e+00> : vector<1000x128xf32>
    %dot_general3A_24 = tpu.matmul %concatenate3A, %get3A_23, %dot_general3A {dimension_numbers = #tpu.dot_dimension_numbers<[1], [0], [0], [1], [0, 0, 1, 1], [], []>, transpose_lhs_hint = false} : vector<1000x128xf32>, vector<128x128xf32>, vector<1000x128xf32> -> vector<1000x128xf32>
    %get3A_25 = arith.constant 0 : index
    %get3A_26 = arith.constant 0 : index
    %get3A_27 = vector.load %arg8[%get3A_25, %get3A_26] : memref<1x128xf32, #tpu.memory_space<vmem>>, vector<1x128xf32>
    %mul3A = vector.broadcast %add3A_20 : vector<1000x1xf32> to vector<1000x128xf32>
    %mul3A_28 = vector.broadcast %get3A_27 : vector<1x128xf32> to vector<1000x128xf32>
    %mul3A_29 = arith.mulf %mul3A, %mul3A_28 : vector<1000x128xf32>
    %add3A_30 = arith.addf %dot_general3A_24, %mul3A_29 : vector<1000x128xf32>
    %get3A_31 = arith.constant 0 : index
    %get3A_32 = arith.constant 0 : index
    %get3A_33 = vector.load %arg9[%get3A_31, %get3A_32] : memref<128x128xf32, #tpu.memory_space<vmem>>, vector<128x128xf32>
    %dot_general3A_34 = arith.constant dense<0.000000e+00> : vector<1000x128xf32>
    %dot_general3A_35 = tpu.matmul %add3A_30, %get3A_33, %dot_general3A_34 {dimension_numbers = #tpu.dot_dimension_numbers<[1], [0], [0], [1], [0, 0, 1, 1], [], []>, transpose_lhs_hint = false} : vector<1000x128xf32>, vector<128x128xf32>, vector<1000x128xf32> -> vector<1000x128xf32>
    %get3A_36 = arith.constant 0 : index
    %get3A_37 = arith.constant 0 : index
    %get3A_38 = vector.load %arg3[%get3A_36, %get3A_37] : memref<1000x128xf32, #tpu.memory_space<vmem>>, vector<1000x128xf32>
    %get3A_39 = arith.constant 0 : index
    %get3A_40 = arith.constant 0 : index
    %get3A_41 = vector.load %arg10[%get3A_39, %get3A_40] : memref<128x128xf32, #tpu.memory_space<vmem>>, vector<128x128xf32>
    %dot_general3A_42 = arith.constant dense<0.000000e+00> : vector<1000x128xf32>
    %dot_general3A_43 = tpu.matmul %get3A_38, %get3A_41, %dot_general3A_42 {dimension_numbers = #tpu.dot_dimension_numbers<[1], [0], [0], [1], [0, 0, 1, 1], [], []>, transpose_lhs_hint = false} : vector<1000x128xf32>, vector<128x128xf32>, vector<1000x128xf32> -> vector<1000x128xf32>
    %add3A_44 = arith.addf %dot_general3A_35, %dot_general3A_43 : vector<1000x128xf32>
    %get3A_45 = arith.constant 0 : index
    %get3A_46 = arith.constant 0 : index
    %get3A_47 = vector.load %arg11[%get3A_45, %get3A_46] : memref<1x128xf32, #tpu.memory_space<vmem>>, vector<1x128xf32>
    %add3A_48 = vector.broadcast %get3A_47 : vector<1x128xf32> to vector<1000x128xf32>
    %add3A_49 = arith.addf %add3A_44, %add3A_48 : vector<1000x128xf32>
    %max3A = arith.constant 0.000000e+00 : f32
    %max3A_50 = vector.broadcast %max3A : f32 to vector<1000x128xf32>
    %max3A_51 = arith.maximumf %add3A_49, %max3A_50 : vector<1000x128xf32>
    %get3A_52 = arith.constant 0 : index
    %get3A_53 = arith.constant 0 : index
    %get3A_54 = vector.load %arg12[%get3A_52, %get3A_53] : memref<128x128xf32, #tpu.memory_space<vmem>>, vector<128x128xf32>
    %dot_general3A_55 = arith.constant dense<0.000000e+00> : vector<1000x128xf32>
    %dot_general3A_56 = tpu.matmul %max3A_51, %get3A_54, %dot_general3A_55 {dimension_numbers = #tpu.dot_dimension_numbers<[1], [0], [0], [1], [0, 0, 1, 1], [], []>, transpose_lhs_hint = false} : vector<1000x128xf32>, vector<128x128xf32>, vector<1000x128xf32> -> vector<1000x128xf32>
    %get3A_57 = arith.constant 0 : index
    %get3A_58 = arith.constant 0 : index
    %get3A_59 = vector.load %arg13[%get3A_57, %get3A_58] : memref<1x128xf32, #tpu.memory_space<vmem>>, vector<1x128xf32>
    %add3A_60 = vector.broadcast %get3A_59 : vector<1x128xf32> to vector<1000x128xf32>
    %add3A_61 = arith.addf %dot_general3A_56, %add3A_60 : vector<1000x128xf32>
    %max3A_62 = arith.constant 0.000000e+00 : f32
    %max3A_63 = vector.broadcast %max3A_62 : f32 to vector<1000x128xf32>
    %max3A_64 = arith.maximumf %add3A_61, %max3A_63 : vector<1000x128xf32>
    %get3A_65 = arith.constant 0 : index
    %get3A_66 = arith.constant 0 : index
    %get3A_67 = vector.load %arg14[%get3A_65, %get3A_66] : memref<128x128xf32, #tpu.memory_space<vmem>>, vector<128x128xf32>
    %dot_general3A_68 = arith.constant dense<0.000000e+00> : vector<1000x128xf32>
    %dot_general3A_69 = tpu.matmul %max3A_64, %get3A_67, %dot_general3A_68 {dimension_numbers = #tpu.dot_dimension_numbers<[1], [0], [0], [1], [0, 0, 1, 1], [], []>, transpose_lhs_hint = false} : vector<1000x128xf32>, vector<128x128xf32>, vector<1000x128xf32> -> vector<1000x128xf32>
    %get3A_70 = arith.constant 0 : index
    %get3A_71 = arith.constant 0 : index
    %get3A_72 = vector.load %arg15[%get3A_70, %get3A_71] : memref<1x128xf32, #tpu.memory_space<vmem>>, vector<1x128xf32>
    %add3A_73 = vector.broadcast %get3A_72 : vector<1x128xf32> to vector<1000x128xf32>
    %add3A_74 = arith.addf %dot_general3A_69, %add3A_73 : vector<1000x128xf32>
    %get3A_75 = arith.constant 0 : index
    %get3A_76 = arith.constant 0 : index
    %get3A_77 = vector.load %arg4[%get3A_75, %get3A_76] : memref<1000x1xi32, #tpu.memory_space<vmem>>, vector<1000x1xi32>
    %eq3A = arith.constant 2 : i32
    %eq3A_78 = vector.broadcast %eq3A : i32 to vector<1000x1xi32>
    %eq3A_79 = arith.cmpi eq, %get3A_77, %eq3A_78 : vector<1000x1xi32>
    %convert_element_type3A = arith.extui %eq3A_79 : vector<1000x1xi1> to vector<1000x1xi32>
    %convert_element_type3A_80 = arith.sitofp %convert_element_type3A : vector<1000x1xi32> to vector<1000x1xf32>
    %get3A_81 = arith.constant 0 : index
    %get3A_82 = arith.constant 0 : index
    %get3A_83 = vector.load %arg5[%get3A_81, %get3A_82] : memref<1000x64xf32, #tpu.memory_space<vmem>>, vector<1000x64xf32>
    %get3A_84 = arith.constant 0 : index
    %get3A_85 = arith.constant 0 : index
    %get3A_86 = vector.load %arg6[%get3A_84, %get3A_85] : memref<1000x64xf32, #tpu.memory_space<vmem>>, vector<1000x64xf32>
    %concatenate3A_87 = tpu.concatenate %get3A_83, %get3A_86 in 1 : vector<1000x64xf32>, vector<1000x64xf32> -> vector<1000x128xf32>
    %mul3A_88 = vector.broadcast %convert_element_type3A_80 : vector<1000x1xf32> to vector<1000x128xf32>
    %mul3A_89 = arith.mulf %add3A_74, %mul3A_88 : vector<1000x128xf32>
    %sub3A = arith.constant 1.000000e+00 : f32
    %sub3A_90 = vector.broadcast %sub3A : f32 to vector<1000x1xf32>
    %sub3A_91 = arith.subf %sub3A_90, %convert_element_type3A_80 : vector<1000x1xf32>
    %mul3A_92 = vector.broadcast %sub3A_91 : vector<1000x1xf32> to vector<1000x128xf32>
    %mul3A_93 = arith.mulf %concatenate3A_87, %mul3A_92 : vector<1000x128xf32>
    %add3A_94 = arith.addf %mul3A_89, %mul3A_93 : vector<1000x128xf32>
    %get3A_95 = arith.constant 0 : index
    %get3A_96 = arith.constant 0 : index
    %get3A_97 = vector.load %arg16[%get3A_95, %get3A_96] : memref<128x128xf32, #tpu.memory_space<vmem>>, vector<128x128xf32>
    %dot_general3A_98 = arith.constant dense<0.000000e+00> : vector<1000x128xf32>
    %dot_general3A_99 = tpu.matmul %add3A_94, %get3A_97, %dot_general3A_98 {dimension_numbers = #tpu.dot_dimension_numbers<[1], [0], [0], [1], [0, 0, 1, 1], [], []>, transpose_lhs_hint = false} : vector<1000x128xf32>, vector<128x128xf32>, vector<1000x128xf32> -> vector<1000x128xf32>
    %get3A_100 = arith.constant 0 : index
    %get3A_101 = arith.constant 0 : index
    %get3A_102 = vector.load %arg17[%get3A_100, %get3A_101] : memref<1x128xf32, #tpu.memory_space<vmem>>, vector<1x128xf32>
    %add3A_103 = vector.broadcast %get3A_102 : vector<1x128xf32> to vector<1000x128xf32>
    %add3A_104 = arith.addf %dot_general3A_99, %add3A_103 : vector<1000x128xf32>
    %max3A_105 = arith.constant 0.000000e+00 : f32
    %max3A_106 = vector.broadcast %max3A_105 : f32 to vector<1000x128xf32>
    %max3A_107 = arith.maximumf %add3A_104, %max3A_106 : vector<1000x128xf32>
    %get3A_108 = arith.constant 0 : index
    %get3A_109 = arith.constant 0 : index
    %get3A_110 = vector.load %arg18[%get3A_108, %get3A_109] : memref<128x128xf32, #tpu.memory_space<vmem>>, vector<128x128xf32>
    %dot_general3A_111 = arith.constant dense<0.000000e+00> : vector<1000x128xf32>
    %dot_general3A_112 = tpu.matmul %max3A_107, %get3A_110, %dot_general3A_111 {dimension_numbers = #tpu.dot_dimension_numbers<[1], [0], [0], [1], [0, 0, 1, 1], [], []>, transpose_lhs_hint = false} : vector<1000x128xf32>, vector<128x128xf32>, vector<1000x128xf32> -> vector<1000x128xf32>
    %get3A_113 = arith.constant 0 : index
    %get3A_114 = arith.constant 0 : index
    %get3A_115 = vector.load %arg19[%get3A_113, %get3A_114] : memref<1x128xf32, #tpu.memory_space<vmem>>, vector<1x128xf32>
    %add3A_116 = vector.broadcast %get3A_115 : vector<1x128xf32> to vector<1000x128xf32>
    %add3A_117 = arith.addf %dot_general3A_112, %add3A_116 : vector<1000x128xf32>
    %max3A_118 = arith.constant 0.000000e+00 : f32
    %max3A_119 = vector.broadcast %max3A_118 : f32 to vector<1000x128xf32>
    %max3A_120 = arith.maximumf %add3A_117, %max3A_119 : vector<1000x128xf32>
    %get3A_121 = arith.constant 0 : index
    %get3A_122 = arith.constant 0 : index
    %get3A_123 = vector.load %arg20[%get3A_121, %get3A_122] : memref<128x2xf32, #tpu.memory_space<vmem>>, vector<128x2xf32>
    %dot_general3A_124 = arith.constant dense<0.000000e+00> : vector<1000x2xf32>
    %dot_general3A_125 = tpu.matmul %max3A_120, %get3A_123, %dot_general3A_124 {dimension_numbers = #tpu.dot_dimension_numbers<[1], [0], [0], [1], [0, 0, 1, 1], [], []>, transpose_lhs_hint = false} : vector<1000x128xf32>, vector<128x2xf32>, vector<1000x2xf32> -> vector<1000x2xf32>
    %get3A_126 = arith.constant 0 : index
    %get3A_127 = arith.constant 0 : index
    %get3A_128 = vector.load %arg21[%get3A_126, %get3A_127] : memref<1x2xf32, #tpu.memory_space<vmem>>, vector<1x2xf32>
    %add3A_129 = vector.broadcast %get3A_128 : vector<1x2xf32> to vector<1000x2xf32>
    %add3A_130 = arith.addf %dot_general3A_125, %add3A_129 : vector<1000x2xf32>
    %swap3A = arith.constant 0 : index
    %swap3A_131 = arith.constant 0 : index
    %swap3A_132 = vector.load %arg22[%swap3A, %swap3A_131] : memref<1000x2xf32, #tpu.memory_space<vmem>>, vector<1000x2xf32>
    tpu.vector_store %arg22[%swap3A, %swap3A_131], %add3A_130 {strides = array<i32>} : memref<1000x2xf32, #tpu.memory_space<vmem>>, vector<1000x2xf32>,
    return
  }
  func.func @transform_0(%arg0: i32) -> (i32, i32, i32, i32) {
    %c0_i32 = arith.constant 0 : i32
    %c0_i32_0 = arith.constant 0 : i32
    %c0_i32_1 = arith.constant 0 : i32
    %c0_i32_2 = arith.constant 0 : i32
    return %c0_i32, %c0_i32_0, %arg0, %c0_i32_1 : i32, i32, i32, i32
  }
  func.func @transform_1(%arg0: i32) -> (i32, i32, i32, i32) {
    %c0_i32 = arith.constant 0 : i32
    %c0_i32_0 = arith.constant 0 : i32
    %c0_i32_1 = arith.constant 0 : i32
    %c0_i32_2 = arith.constant 0 : i32
    return %c0_i32, %c0_i32_0, %arg0, %c0_i32_1 : i32, i32, i32, i32
  }
  func.func @transform_2(%arg0: i32) -> (i32, i32) {
    %c0_i32 = arith.constant 0 : i32
    %c0_i32_0 = arith.constant 0 : i32
    return %arg0, %c0_i32 : i32, i32
  }
  func.func @transform_3(%arg0: i32) -> (i32, i32) {
    %c0_i32 = arith.constant 0 : i32
    %c0_i32_0 = arith.constant 0 : i32
    return %arg0, %c0_i32 : i32, i32
  }
  func.func @transform_4(%arg0: i32) -> (i32, i32) {
    %c0_i32 = arith.constant 0 : i32
    %c0_i32_0 = arith.constant 0 : i32
    return %arg0, %c0_i32 : i32, i32
  }
  func.func @transform_5(%arg0: i32) -> (i32, i32) {
    %c0_i32 = arith.constant 0 : i32
    %c0_i32_0 = arith.constant 0 : i32
    return %arg0, %c0_i32 : i32, i32
  }
  func.func @transform_6(%arg0: i32) -> (i32, i32) {
    %c0_i32 = arith.constant 0 : i32
    %c0_i32_0 = arith.constant 0 : i32
    %c0_i32_1 = arith.constant 0 : i32
    return %c0_i32, %c0_i32_0 : i32, i32
  }
  func.func @transform_7(%arg0: i32) -> (i32, i32) {
    %c0_i32 = arith.constant 0 : i32
    %c0_i32_0 = arith.constant 0 : i32
    %c0_i32_1 = arith.constant 0 : i32
    return %c0_i32, %c0_i32_0 : i32, i32
  }
  func.func @transform_8(%arg0: i32) -> (i32, i32) {
    %c0_i32 = arith.constant 0 : i32
    %c0_i32_0 = arith.constant 0 : i32
    %c0_i32_1 = arith.constant 0 : i32
    return %c0_i32, %c0_i32_0 : i32, i32
  }
  func.func @transform_9(%arg0: i32) -> (i32, i32) {
    %c0_i32 = arith.constant 0 : i32
    %c0_i32_0 = arith.constant 0 : i32
    %c0_i32_1 = arith.constant 0 : i32
    return %c0_i32, %c0_i32_0 : i32, i32
  }
  func.func @transform_10(%arg0: i32) -> (i32, i32) {
    %c0_i32 = arith.constant 0 : i32
    %c0_i32_0 = arith.constant 0 : i32
    %c0_i32_1 = arith.constant 0 : i32
    return %c0_i32, %c0_i32_0 : i32, i32
  }
  func.func @transform_11(%arg0: i32) -> (i32, i32) {
    %c0_i32 = arith.constant 0 : i32
    %c0_i32_0 = arith.constant 0 : i32
    %c0_i32_1 = arith.constant 0 : i32
    return %c0_i32, %c0_i32_0 : i32, i32
  }
  func.func @transform_12(%arg0: i32) -> (i32, i32) {
    %c0_i32 = arith.constant 0 : i32
    %c0_i32_0 = arith.constant 0 : i32
    %c0_i32_1 = arith.constant 0 : i32
    return %c0_i32, %c0_i32_0 : i32, i32
  }
  func.func @transform_13(%arg0: i32) -> (i32, i32) {
    %c0_i32 = arith.constant 0 : i32
    %c0_i32_0 = arith.constant 0 : i32
    %c0_i32_1 = arith.constant 0 : i32
    return %c0_i32, %c0_i32_0 : i32, i32
  }
  func.func @transform_14(%arg0: i32) -> (i32, i32) {
    %c0_i32 = arith.constant 0 : i32
    %c0_i32_0 = arith.constant 0 : i32
    %c0_i32_1 = arith.constant 0 : i32
    return %c0_i32, %c0_i32_0 : i32, i32
  }
  func.func @transform_15(%arg0: i32) -> (i32, i32) {
    %c0_i32 = arith.constant 0 : i32
    %c0_i32_0 = arith.constant 0 : i32
    %c0_i32_1 = arith.constant 0 : i32
    return %c0_i32, %c0_i32_0 : i32, i32
  }
  func.func @transform_16(%arg0: i32) -> (i32, i32) {
    %c0_i32 = arith.constant 0 : i32
    %c0_i32_0 = arith.constant 0 : i32
    %c0_i32_1 = arith.constant 0 : i32
    return %c0_i32, %c0_i32_0 : i32, i32
  }
  func.func @transform_17(%arg0: i32) -> (i32, i32) {
    %c0_i32 = arith.constant 0 : i32
    %c0_i32_0 = arith.constant 0 : i32
    %c0_i32_1 = arith.constant 0 : i32
    return %c0_i32, %c0_i32_0 : i32, i32
  }
  func.func @transform_18(%arg0: i32) -> (i32, i32) {
    %c0_i32 = arith.constant 0 : i32
    %c0_i32_0 = arith.constant 0 : i32
    %c0_i32_1 = arith.constant 0 : i32
    return %c0_i32, %c0_i32_0 : i32, i32
  }
  func.func @transform_19(%arg0: i32) -> (i32, i32) {
    %c0_i32 = arith.constant 0 : i32
    %c0_i32_0 = arith.constant 0 : i32
    %c0_i32_1 = arith.constant 0 : i32
    return %c0_i32, %c0_i32_0 : i32, i32
  }
  func.func @transform_20(%arg0: i32) -> (i32, i32) {
    %c0_i32 = arith.constant 0 : i32
    %c0_i32_0 = arith.constant 0 : i32
    %c0_i32_1 = arith.constant 0 : i32
    return %c0_i32, %c0_i32_0 : i32, i32
  }
  func.func @transform_21(%arg0: i32) -> (i32, i32) {
    %c0_i32 = arith.constant 0 : i32
    %c0_i32_0 = arith.constant 0 : i32
    return %arg0, %c0_i32 : i32, i32
  }
}

</mosaic_0001>

<sc_bundles>
// kernel: kernel.10.cloned.1.call-start
scs
__scs_entry_jumppad:
0x0: {  	(pc) =	sbr.rel $0x88, $3  }
0x1: {  	(tag) =	ssettag $0x0;
	lr =	simm.s32 $0x1  }
0x2: {  	[smem:$0x3F8D] =	sst lr;
	_ =	strace $0xD0000000  }
0x3: {  	_ = 	snop  }
0x4: {  	_ = 	snop  }
0x5: {  	_ = 	snop  }
0x6: {  	_ = 	snop  }
0x7: {  	_ = 	snop  }
__scs_overlays_trampoline_lowered:
0x8: {  	[smem:$0x3F9C] =	sst s0  }
0x9: {  	[smem:$0x3F9D] =	sst s1  }
0xa: {  	[smem:$0x3F9E] =	sst s2  }
0xb: {  	[smem:$0x3F9F] =	sst s3  }
0xc: {  	[smem:$0x3FA0] =	sst s4  }
0xd: {  	[smem:$0x3FA1] =	sst s5  }
0xe: {  	[smem:$0x3FA2] =	sst s6  }
0xf: {  	[smem:$0x3FA3] =	sst s7  }
0x10: {  	[smem:$0x3FA4] =	sst s8  }
0x11: {  	[smem:$0x3FA5] =	sst s9;
	s0 =	simm.s32 @!p0 $0x0  }
0x12: {  	s1 =	sld [smem:$0x3F8B];
	s0 =	simm.s32 @p0 $0x1  }
0x13: {  	[smem:$0x3FA6] =	sst s0;
	s0 =	simm.s32 @!p1 $0x0  }
0x14: {  	s2 =	sld [smem:$0x3F8A];
	s0 =	simm.s32 @p1 $0x1  }
0x15: {  	[smem:$0x3FA7] =	sst s0;
	s0 =	simm.s32 @!p2 $0x0  }
0x16: {  	s3 =	sld [smem:$0x3FDB];
	s0 =	simm.s32 @p2 $0x1  }
0x17: {  	s4 =	simm.s32 $0x1BF5;
	[smem:$0x3FA9] =	sst s0  }
0x18: {  	s0 =	sld [smem:$0x3F8C];
	_ =	swait.ge [sflag:s4], $0x0  }
0x19: {  	s7 =	sld [smem:$0x3F8D]  }
0x1a: {  	s8 =	sadd.s32 $0xFFFFE003, lr  }
0x1b: {  	s9 =	sadd.s32 $0xFFFFFEF7, lr;
	s5 =	simm.s32 $0xFFFFFFFF;
	p2 =	slt.u32 s8, $0xFFFFF086  }
0x1c: {  	p1 =	slt.u32 s9, $0xF7A;
	s5 =	simm.s32 @!p2 $0x0  }
0x1d: {  	s5 =	simm.s32 @p1 $0x1;
	p0 =	seq.s32 s7, s2  }
0x1e: {  	s7 =	smul.u32 @!p0 $0xF7A, s2;
	p2 =	seq.s32 @!p0 s5, $0x0  }
0x1f: {  	s9 =	smul.u32 $0xF7A, s1;
	s8 =	simm.s32 @!p0 $0x1BF5;
	p2 =	por !p2, p0  }
0x20: {  	[sflag:s8] =	ssyncset.s32 @!p0 $0xFFFFF086;
	s6 =	sadd.s32 @!p0 s3, s7;
	s7 =	simm.s32 @!p0 $0x108  }
0x21: {  	s3 =	sadd.s32 s3, s9;
	s6 =	sadd.s32 @!p0 $0x88, s6;
	s7 =	simm.s32 @p2 $0x1082  }
0x22: {  	[simem:s7], [sflag:s8] =	dma.local @!p0 [hbm:s6], $0xF7A  }
0x23: {  	s9 =	sor.u32 $0xD0000000, s2;
	s6 =	simm.s32 $0x108;
	_ =	swait.ge @!p0 [sflag:s8], $0x0  }
0x24: {  	s3 =	sadd.s32 $0x88, s3;
	s6 =	simm.s32 @!p1 $0x1082;
	[sflag:s4] =	ssyncset.s32 $0xFFFFF086  }
0x25: {  	[simem:s6], [sflag:s4] =	dma.local [hbm:s3], $0xF7A  }
0x26: {  	[smem:$0x3F8D] =	sst s1;
	(tag) =	ssettag s2;
	_ =	strace s9  }
0x27: {  	s1 =	sld [smem:$0x3F9D]  }
0x28: {  	s2 =	sld [smem:$0x3F9E]  }
0x29: {  	s4 =	sld [smem:$0x3FA0]  }
0x2a: {  	p0 =	seq.s32 s5, $0x0;
	s5 =	sld [smem:$0x3FA1]  }
0x2b: {  	s6 =	sld [smem:$0x3FA2]  }
0x2c: {  	s7 =	sld [smem:$0x3FA3]  }
0x2d: {  	s3 =	simm.s32 $0x108;
	s8 =	sld [smem:$0x3FA4]  }
0x2e: {  	s3 =	simm.s32 @!p0 $0x1082;
	s9 =	sld [smem:$0x3FA5]  }
0x2f: {  	lr =	sadd.s32 s0, s3;
	s0 =	sld [smem:$0x3F9C]  }
0x30: {  	s3 =	sld [smem:$0x3F9F]  }
0x31: {  	[smem:$0x3FA8] =	sst s10  }
0x32: {  	s10 =	sld [smem:$0x3FA6];
	_ =	sdelay $0x3  }
0x33: {  	p0 =	seq.s32 s10, $0x1;
	s10 =	sld [smem:$0x3FA8];
	_ =	sdelay $0x3  }
0x34: {  	[smem:$0x3FA8] =	sst s10  }
0x35: {  	s10 =	sld [smem:$0x3FA7];
	_ =	sdelay $0x3  }
0x36: {  	p1 =	seq.s32 s10, $0x1;
	s10 =	sld [smem:$0x3FA8];
	_ =	sdelay $0x3  }
0x37: {  	[smem:$0x3FA8] =	sst s10  }
0x38: {  	s10 =	sld [smem:$0x3FA9]  }
0x39: {  	_ = 	snop;
	(pc) =	sbr.ind lr, $3  }
0x3a: {  	_ = 	snop  }
0x3b: {  	_ = 	snop  }
0x3c: {  	p2 =	seq.s32 s10, $0x1;
	s10 =	sld [smem:$0x3FA8]  }
0x3d: {  	_ =	shalt  }
0x3e: {  	_ =	shalt  }
0x3f: {  	_ =	shalt  }
0x40: {  	_ =	shalt  }
0x41: {  	_ =	shalt  }
0x42: {  	_ =	shalt  }
0x43: {  	_ =	shalt  }
0x44: {  	_ =	shalt  }
0x45: {  	_ =	shalt  }
0x46: {  	_ =	shalt  }
0x47: {  	_ =	shalt  }
0x48: {  	_ =	shalt  }
0x49: {  	_ =	shalt  }
0x4a: {  	_ =	shalt  }
0x4b: {  	_ =	shalt  }
0x4c: {  	_ =	shalt  }
0x4d: {  	_ =	shalt  }
0x4e: {  	_ =	shalt  }
0x4f: {  	_ =	shalt  }
0x50: {  	_ =	shalt  }
0x51: {  	_ =	shalt  }
0x52: {  	_ =	shalt  }
0x53: {  	_ =	shalt  }
0x54: {  	_ =	shalt  }
0x55: {  	_ =	shalt  }
0x56: {  	_ =	shalt  }
0x57: {  	_ =	shalt  }
0x58: {  	_ =	shalt  }
0x59: {  	_ =	shalt  }
0x5a: {  	_ =	shalt  }
0x5b: {  	_ =	shalt  }
0x5c: {  	_ =	shalt  }
0x5d: {  	_ =	shalt  }
0x5e: {  	_ =	shalt  }
0x5f: {  	_ =	shalt  }
0x60: {  	_ =	shalt  }
0x61: {  	_ =	shalt  }
0x62: {  	_ =	shalt  }
0x63: {  	_ =	shalt  }
0x64: {  	_ =	shalt  }
0x65: {  	_ =	shalt  }
0x66: {  	_ =	shalt  }
0x67: {  	_ =	shalt  }
0x68: {  	_ =	shalt  }
0x69: {  	_ =	shalt  }
0x6a: {  	_ =	shalt  }
0x6b: {  	_ =	shalt  }
0x6c: {  	_ =	shalt  }
0x6d: {  	_ =	shalt  }
0x6e: {  	_ =	shalt  }
0x6f: {  	_ =	shalt  }
0x70: {  	_ =	shalt  }
0x71: {  	_ =	shalt  }
0x72: {  	_ =	shalt  }
0x73: {  	_ =	shalt  }
0x74: {  	_ =	shalt  }
0x75: {  	_ =	shalt  }
0x76: {  	_ =	shalt  }
0x77: {  	_ =	shalt  }
0x78: {  	_ =	shalt  }
0x79: {  	_ =	shalt  }
0x7a: {  	_ =	shalt  }
0x7b: {  	_ =	shalt  }
0x7c: {  	_ =	shalt  }
0x7d: {  	_ =	shalt  }
0x7e: {  	_ =	shalt  }
0x7f: {  	_ =	shalt  }
0x80: {  	_ =	shalt  }
0x81: {  	_ =	shalt  }
0x82: {  	_ =	shalt  }
0x83: {  	_ =	shalt  }
0x84: {  	_ =	shalt  }
0x85: {  	_ =	shalt  }
0x86: {  	_ =	shalt  }
0x87: {  	_ =	shalt  }
.Lfunc_end0:
.L_simem_size_0:
called_computation.1_lowered:
.L_overlay_start_0:
0x88: {  	s2 =	sld [smem:$0x3FD9]  }
0x89: {  	s3 =	sld [smem:$0x3FFE];
	_ =	sdelay $0x1  }
0x8a: {  	s1 =	srdreg.scid  }
0x8b: {  	s0 =	sand.u32 $0x1, s1  }
0x8c: {  	s16 =	sshll.u32 s0, $0xA;
	s2 =	sadd.s32 s3, s2  }
0x8d: {  	s2 =	sadd.s32 s2, s16  }
0x8e: {  	[smem:$0x3FB4] =	sst s2  }
0x8f: {  	_ = 	snop  }
0x90: {  	(tm) =	ssettm $0x1  }
0x91: {  	s17 =	sld [smem:$0x3FFB];
	_ =	sdelay $0x3  }
0x92: {  	_ =	strace s17  }
0x93: {  	s2 =	sld [smem:$0x3FFC];
	_ =	sdelay $0x3  }
0x94: {  	_ =	strace s2  }
0x95: {  	s2 =	sld [smem:$0x3FFD];
	_ =	sdelay $0x3  }
0x96: {  	_ =	strace s2  }
0x97: {  	_ =	strace $0x8FFFFFFF  }
0x98: {  	s18 =	sld [smem:$0x3FDB];
	_ =	sdelay $0x1  }
0x99: {  	s19 =	simm.s32 $_scs_section_size  }
0x9a: {  	s4 =	simm.s32 $_size__tile_overlayer_lowered;
	s5 =	simm.s32 $_tile_overlayer_lowered  }
0x9b: {  	s22 =	simm.s32 $0x1BFF;
	s21 =	sshll.u32 s5, $0x1;
	s2 =	sadd.s32 s19, s18  }
0x9c: {  	s6 =	simm.s32 $0x0;
	s20 =	sshll.u32 s4, $0x1;
	s4 =	sadd.s32 s21, s2  }
0x9d: {  	[timem:s6], [sflag:s22] =	dma.local [hbm:s4], s20  }
0x9e: {  	_ =	swait.ge [sflag:s22], s20  }
0x9f: {  	s3 =	ssub.s32 $0x0, s20;
	[sflag:s22] =	ssyncset.done $0x0  }
0xa0: {  	[sflag:s22] =	ssyncadd.s32 s3;
	_ =	sdelay $0x1  }
0xa1: {  	s23 =	simm.s32 $0x1B8B  }
0xa2: {  	_ =	swait.ge [sflag:s23], $0x1  }
0xa3: {  	[sflag:s23] =	ssyncset.done $0x0  }
0xa4: {  	s25 =	simm.s32 $0x1B8E;
	s24 =	sld [smem:$0x3FFE];
	[sflag:s23] =	ssyncadd.s32 $0xFFFFFFFF  }
0xa5: {  	s26 =	simm.s32 $execute0_lowered;
	[smem:$0x3FD2] =	sst s25  }
0xa6: {  	s4 =	sshll.u32 s26, $0x1;
	_ =	strace $0x80000049;
	[dreg:$0x1] =	wrdreg $0xFFFFFFFF  }
0xa7: {  	s28 =	simm.s32 $_size_execute0_lowered;
	s2 =	sadd.s32 s2, s4;
	[dreg:$0x0] =	wrdreg $0x0  }
0xa8: {  	s4 =	sshll.u32 s28, $0x1;
	[dreg:$0x2] =	wrdreg s2  }
0xa9: {  	[dreg:$0x3] =	wrdreg s4  }
0xaa: {  	[dreg:$0x4] =	wrdreg $0xC0  }
0xab: {  	_ =	task [dreg:s6], $0x5FFFF  }
0xac: {  	[dreg:$0x1] =	wrdreg $0xFFFFFFFF  }
0xad: {  	[dreg:$0x0] =	wrdreg $0x60  }
0xae: {  	[dreg:$0x2] =	wrdreg s24  }
0xaf: {  	[dreg:$0x3] =	wrdreg $0x150000  }
0xb0: {  	[dreg:$0x4] =	wrdreg $0x9  }
0xb1: {  	_ =	task.clear_ibuf [dreg:s6], $0x5FFFF;
	_ =	strace $0x90000049  }
0xb2: {  	s29 =	simm.s32 $0x9;
	_ =	strace $0x8000004B  }
0xb3: {  	_ =	swait.ge [sflag:s29], $0x1  }
0xb4: {  	[sflag:s29] =	ssyncadd.s32 $0xFFFFFFFF  }
0xb5: {  	_ =	strace $0x9000004B  }
0xb6: {  	_ =	sfence  }
0xb7: {  	s30 =	sld [smem:$0x0];
	_ =	sdelay $0x2  }
0xb8: {  	s31 =	sshll.u32 s1, $0xD;
	s1 =	sshrl.u32 s1, $0x2  }
0xb9: {  	s3 =	sand.u32 $0x4000, s31;
	s1 =	sadd.s32 s1, s30  }
0xba: {  	s0 =	sor.u32 s3, s0;
	s1 =	sshll.u32 s1, $0x11  }
0xbb: {  	s0 =	sor.u32 s1, s0  }
0xbc: {  	s0 =	sadd.s32 $0x8F2B, s0  }
0xbd: {  	[sflag:s0] =	ssyncadd.remote.s32 $0x1  }
0xbe: {  	_ =	sfence.sel $0xFFFF  }
0xbf: {  	[dreg:$0x0] =	wrdreg $0xFFFFFFFF;
	(pc) =	sbr.abs _section_cstart, $3  }
0xc0: {  	[dreg:$0x1] =	wrdreg $0xFFFFFFFF  }
0xc1: {  	_ =	task.clear_ibuf [dreg:s6], $0x2FFFF;
	_ =	strace $0x9FFFFFFF  }
0xc2: {  	(tm) =	ssettm $0x7FFFFFFF  }
0xc3: {  	_ =	shalt  }
tec
execute0_lowered:
.L_overlay_start_1:
0x0: {  	(tag) =	ssettag $0x1  }
0x1: {  	s0 =	srdreg.scid;
	s3 =	rddreg [dreg:$0x0]  }
0x2: {  	s9 =	stileid.u32;
	s2 =	rddreg [dreg:$0x1];
	s4 =	simm.s32 $0x0  }
0x3: {  	s16 =	simm.s32 $0x80;
	s17 =	simm.s32 $0x5000;
	s18 =	simm.s32 $0x7000  }
0x4: {  	s20 =	simm.s32 $0x9000;
	s28 =	simm.s32 $0x11000;
	s29 =	simm.s32 $0x3  }
0x5: {  	s30 =	simm.s32 $0x13000;
	s31 =	simm.s32 $0x4;
	s0 =	sand.u32 $0x1, s0  }
0x6: {  	s1 =	sshll.u32 s9, $0x1;
	s6 =	smul.u32 $0x9E00, s9;
	[smem:$0x7FF] =	sst s4  }
0x7: {  	s4 =	sadd.s32 $0xAB800, s3;
	s5 =	sadd.s32 $0x1F000, s3;
	s26 =	sshll.u32 s9, $0x6  }
0x8: {  	s1 =	sor.u32 s0, s1;
	s7 =	smul.u32 $0x9E000, s0;
	_ =	strace $0x8000004A  }
0x9: {  	s0 =	ssub.s32 $0x2, s0;
	s9 =	sor.u32 $0x1C09, s26;
	s26 =	simm.s32 $0x2  }
0xa: {  	s1 =	smul.u32 $0x500, s1;
	s8 =	sshrl.u32 s6, $0x3;
	s21 =	sshrl.u32 s0, $0x1  }
0xb: {  	s23 =	sadd.s32 s6, s2;
	[dreg:$0x9] =	wrdreg s9;
	s7 =	sadd.s32 s6, s7  }
0xc: {  	s8 =	sadd.s32 s8, s3;
	s0 =	ssub.s32 s0, s21;
	s10 =	sshrl.u32 s23, $0x3  }
0xd: {  	s23 =	simm.s32 $0xD000;
	s6 =	simm.s32 $0x0;
	s1 =	sadd.s32 s1, s3  }
0xe: {  	s7 =	sshrl.u32 s7, $0x3;
	s24 =	sadd.s32 $0xBF200, s8;
	[dreg:$0xa] =	wrdreg s10  }
0xf: {  	s0 =	smax.u32 s0, $0x1;
	s3 =	sadd.s32 s7, s3;
	[dreg:$0x5] =	wrdreg s24  }
0x10: {  	s22 =	sadd.s32 $0xB000, s1;
	s1 =	sadd.s32 $0x15000, s1;
	[dreg:$0x8] =	wrdreg s0  }
0x11: {  	s7 =	simm.s32 $0x9;
	s24 =	simm.s32 $0x1;
	[dreg:$0x3] =	wrdreg s22  }
0x12: {  	s0 =	simm.s32 $0x8;
	[dreg:$0x4] =	wrdreg s1;
	s25 =	sadd.s32 $0xD2E00, s3  }
0x13: {  	s3 =	sadd.s32 $0xFA600, s3;
	s22 =	simm.s32 $0xB000;
	[dreg:$0x6] =	wrdreg s25  }
0x14: {  	s1 =	simm.s32 $0x6;
	[dreg:$0x7] =	wrdreg s3;
	s25 =	simm.s32 $0xF000  }
.LBB2_1:
0x15: {  	[dreg:$0xb] =	wrdreg s6  }
0x16: {  	s3 =	simm.s32 $0x0;
	s15 =	rddreg [dreg:$0x3]  }
0x17: {  	[tilespmem:s3], [sflag:$0x9] =	stream.linear.gather [hbm4b:s15+s3], $0x2800, $0x38;
	[tilespmem:$0x1EE00] =	vst v63  }
0x18: {  	_ =	swait.ge [sflag:s7], $0x2800  }
0x19: {  	[sflag:s7] =	ssyncset.done $0x0  }
0x1a: {  	s8 =	simm.s32 $0x2800;
	s19 =	rddreg [dreg:$0x4];
	[sflag:s7] =	ssyncadd.s32 $0xFFFFD800  }
0x1b: {  	[tilespmem:s8], [sflag:$0x9] =	stream.linear.gather [hbm4b:s19+s3], $0x2800, $0x38;
	[tilespmem:$0x1EE00] =	vst v63  }
0x1c: {  	_ =	swait.ge [sflag:s7], $0x2800  }
0x1d: {  	[sflag:s7] =	ssyncset.done $0x0  }
0x1e: {  	s21 =	rddreg [dreg:$0x5];
	[sflag:s7] =	ssyncadd.s32 $0xFFFFD800  }
0x1f: {  	[spmem:s10], [sflag:s9] =	dma.local [hbm:s21], $0x13C0  }
0x20: {  	_ =	swait.ge [sflag:s7], $0x13C0  }
0x21: {  	[sflag:s7] =	ssyncset.done $0x0  }
0x22: {  	[sflag:s7] =	ssyncadd.s32 $0xFFFFEC40  }
0x23: {  	[bflag:$0x0] =	sbarrier.arrive $0xFFFF  }
0x24: {  	[tilespmem:s17], [sflag:$0x1] =	stream.indirect.gather [hbm4b:s4+s16], $0x40, s3, s16, $0xb8;
	[tilespmem:$0x1EE00] =	vst v63  }
0x25: {  	_ = 	snop  }
0x26: {  	[tilespmem:s18], [sflag:$0x2] =	stream.indirect.gather [hbm4b:s4+s16], $0x40, s16, s16, $0xb8;
	[tilespmem:$0x1EE00] =	vst v63  }
0x27: {  	p0 =	por $0x1, $0x1;
	s7 =	simm.s32 $0x100  }
0x28: {  	[tilespmem:s20], [sflag:$0x3] =	stream.indirect.gather [hbm4b:s4+s16], $0x40, s7, s16, $0xb8;
	[tilespmem:$0x1EE00] =	vst v63  }
0x29: {  	s8 =	simm.s32 $0x180;
	s3 =	simm.s32 @!p0 $0x5  }
0x2a: {  	[tilespmem:s22], [sflag:$0x4] =	stream.indirect.gather [hbm4b:s4+s16], $0x40, s8, s16, $0xb8;
	[tilespmem:$0x1EE00] =	vst v63  }
0x2b: {  	_ =	swait.ge @!p0 [sflag:s3], $0x2000  }
0x2c: {  	[sflag:s3] =	ssyncset.done @!p0 $0x0  }
0x2d: {  	s9 =	simm.s32 $0x200;
	[sflag:s3] =	ssyncadd.s32 @!p0 $0xFFFFE000  }
0x2e: {  	[tilespmem:s23], [sflag:$0x5] =	stream.indirect.gather [hbm4b:s4+s16], $0x40, s9, s16, $0xb8;
	[tilespmem:$0x1EE00] =	vst v63  }
0x2f: {  	_ =	swait.ge [sflag:s24], $0x2000  }
0x30: {  	[sflag:s24] =	ssyncset.done $0x0  }
0x31: {  	s10 =	simm.s32 $0x2800;
	s7 =	simm.s32 @!p0 $0x6;
	[sflag:s24] =	ssyncadd.s32 $0xFFFFE000  }
0x32: {  	[spmem:s2] =	stream.indirect.scatter.add.f32 [tilespmem:s17], [sflag:$0x1], $0x40, s10, s16, $0xb8;
	[tilespmem:$0x1EE00] =	vst v63  }
0x33: {  	_ =	swait.ge @!p0 [sflag:s7], $0x2000  }
0x34: {  	[sflag:s7] =	ssyncset.done @!p0 $0x0  }
0x35: {  	s11 =	simm.s32 $0x280;
	[sflag:s7] =	ssyncadd.s32 @!p0 $0xFFFFE000  }
0x36: {  	[tilespmem:s25], [sflag:$0x6] =	stream.indirect.gather [hbm4b:s4+s16], $0x40, s11, s16, $0xb8;
	[tilespmem:$0x1EE00] =	vst v63  }
0x37: {  	_ =	swait.ge [sflag:s26], $0x2000  }
0x38: {  	[sflag:s26] =	ssyncset.done $0x0  }
0x39: {  	s12 =	simm.s32 $0x2880;
	s7 =	simm.s32 @!p0 $0x7;
	[sflag:s26] =	ssyncadd.s32 $0xFFFFE000  }
0x3a: {  	[spmem:s2] =	stream.indirect.scatter.add.f32 [tilespmem:s18], [sflag:$0x2], $0x40, s12, s16, $0xb8;
	[tilespmem:$0x1EE00] =	vst v63  }
0x3b: {  	_ =	swait.ge @!p0 [sflag:s7], $0x2000  }
0x3c: {  	[sflag:s7] =	ssyncset.done @!p0 $0x0  }
0x3d: {  	s13 =	simm.s32 $0x300;
	[sflag:s7] =	ssyncadd.s32 @!p0 $0xFFFFE000  }
0x3e: {  	[tilespmem:s28], [sflag:$0x7] =	stream.indirect.gather [hbm4b:s4+s16], $0x40, s13, s16, $0xb8;
	[tilespmem:$0x1EE00] =	vst v63  }
0x3f: {  	_ =	swait.ge [sflag:s29], $0x2000  }
0x40: {  	[sflag:s29] =	ssyncset.done $0x0  }
0x41: {  	s14 =	simm.s32 $0x2900;
	s7 =	simm.s32 @!p0 $0x8;
	[sflag:s29] =	ssyncadd.s32 $0xFFFFE000  }
0x42: {  	[spmem:s2] =	stream.indirect.scatter.add.f32 [tilespmem:s20], [sflag:$0x3], $0x40, s14, s16, $0xb8;
	[tilespmem:$0x1EE00] =	vst v63  }
0x43: {  	_ =	swait.ge @!p0 [sflag:s7], $0x2000  }
0x44: {  	[sflag:s7] =	ssyncset.done @!p0 $0x0  }
0x45: {  	s15 =	simm.s32 $0x380;
	[sflag:s7] =	ssyncadd.s32 @!p0 $0xFFFFE000  }
0x46: {  	[tilespmem:s30], [sflag:$0x8] =	stream.indirect.gather [hbm4b:s4+s16], $0x40, s15, s16, $0xb8;
	[tilespmem:$0x1EE00] =	vst v63  }
0x47: {  	_ =	swait.ge [sflag:s31], $0x2000  }
0x48: {  	[sflag:s31] =	ssyncset.done $0x0  }
0x49: {  	s19 =	simm.s32 $0x2980;
	[sflag:s31] =	ssyncadd.s32 $0xFFFFE000  }
0x4a: {  	[spmem:s2] =	stream.indirect.scatter.add.f32 [tilespmem:s22], [sflag:$0x4], $0x40, s19, s16, $0xb8;
	[tilespmem:$0x1EE00] =	vst v63  }
0x4b: {  	_ =	swait.ge [sflag:s24], $0x2000  }
0x4c: {  	p0 =	por $0x0, $0x0;
	[sflag:s24] =	ssyncset.done $0x0  }
0x4d: {  	s3 =	simm.s32 @p0 $0x5;
	[sflag:s24] =	ssyncadd.s32 $0xFFFFE000  }
0x4e: {  	_ =	swait.ge @p0 [sflag:s3], $0x2000  }
0x4f: {  	s7 =	simm.s32 @p0 $0x2A00;
	s9 =	simm.s32 @p0 $0x2;
	[sflag:s3] =	ssyncset.done @p0 $0x0  }
0x50: {  	s10 =	simm.s32 @p0 $0xD000;
	[sflag:s3] =	ssyncadd.s32 @p0 $0xFFFFE000;
	s3 =	simm.s32 @p0 $0x80  }
0x51: {  	[spmem:s2] =	stream.indirect.scatter.add.f32 @p0 [tilespmem:s10], [sflag:$0x5], $0x40, s7, s3, $0xb8;
	[tilespmem:$0x1EE00] =	vst v63  }
0x52: {  	_ =	swait.ge @p0 [sflag:s9], $0x2000  }
0x53: {  	s7 =	simm.s32 @!p0 $0x5000;
	[sflag:s9] =	ssyncset.done @p0 $0x0  }
0x54: {  	s10 =	simm.s32 @!p0 $0x80;
	[sflag:s9] =	ssyncadd.s32 @p0 $0xFFFFE000;
	s9 =	simm.s32 @!p0 $0x400  }
0x55: {  	[tilespmem:s7], [sflag:$0x1] =	stream.indirect.gather @!p0 [hbm4b:s4+s10], $0x40, s9, s10, $0xb8;
	[tilespmem:$0x1EE00] =	vst v63  }
0x56: {  	s7 =	simm.s32 @!p0 $0x5  }
0x57: {  	_ =	swait.ge @!p0 [sflag:s7], $0x2000  }
0x58: {  	[sflag:s7] =	ssyncset.done @!p0 $0x0  }
0x59: {  	s9 =	simm.s32 @!p0 $0xD000;
	[sflag:s7] =	ssyncadd.s32 @!p0 $0xFFFFE000;
	s7 =	simm.s32 @!p0 $0x2A00  }
0x5a: {  	[spmem:s2] =	stream.indirect.scatter.add.f32 @!p0 [tilespmem:s9], [sflag:$0x5], $0x40, s7, s10, $0xb8;
	[tilespmem:$0x1EE00] =	vst v63  }
0x5b: {  	s7 =	simm.s32 @!p0 $0x2  }
0x5c: {  	_ =	swait.ge @!p0 [sflag:s7], $0x2000  }
0x5d: {  	[sflag:s7] =	ssyncset.done @!p0 $0x0  }
0x5e: {  	s9 =	simm.s32 @!p0 $0x480;
	[sflag:s7] =	ssyncadd.s32 @!p0 $0xFFFFE000;
	s7 =	simm.s32 @!p0 $0x7000  }
0x5f: {  	[tilespmem:s7], [sflag:$0x2] =	stream.indirect.gather @!p0 [hbm4b:s4+s10], $0x40, s9, s10, $0xb8;
	[tilespmem:$0x1EE00] =	vst v63  }
0x60: {  	_ =	swait.ge [sflag:s1], $0x2000  }
0x61: {  	[sflag:s1] =	ssyncset.done $0x0  }
0x62: {  	s21 =	simm.s32 $0x2A80;
	[sflag:s1] =	ssyncadd.s32 $0xFFFFE000  }
0x63: {  	[spmem:s2] =	stream.indirect.scatter.add.f32 [tilespmem:s25], [sflag:$0x6], $0x40, s21, s16, $0xb8;
	[tilespmem:$0x1EE00] =	vst v63  }
0x64: {  	_ =	swait.ge [sflag:s29], $0x2000  }
0x65: {  	[sflag:s29] =	ssyncset.done $0x0  }
0x66: {  	s7 =	simm.s32 @p0 $0x7;
	[sflag:s29] =	ssyncadd.s32 $0xFFFFE000  }
0x67: {  	_ =	swait.ge @p0 [sflag:s7], $0x2000  }
0x68: {  	[sflag:s7] =	ssyncset.done @p0 $0x0  }
0x69: {  	s9 =	simm.s32 @p0 $0x2B00;
	[sflag:s7] =	ssyncadd.s32 @p0 $0xFFFFE000;
	s7 =	simm.s32 @p0 $0x11000  }
0x6a: {  	[spmem:s2] =	stream.indirect.scatter.add.f32 @p0 [tilespmem:s7], [sflag:$0x7], $0x40, s9, s3, $0xb8;
	[tilespmem:$0x1EE00] =	vst v63  }
0x6b: {  	s3 =	simm.s32 @p0 $0x4  }
0x6c: {  	_ =	swait.ge @p0 [sflag:s3], $0x2000  }
0x6d: {  	[sflag:s3] =	ssyncset.done @p0 $0x0  }
0x6e: {  	s7 =	simm.s32 @!p0 $0x500;
	[sflag:s3] =	ssyncadd.s32 @p0 $0xFFFFE000;
	s3 =	simm.s32 @!p0 $0x9000  }
0x6f: {  	[tilespmem:s3], [sflag:$0x3] =	stream.indirect.gather @!p0 [hbm4b:s4+s10], $0x40, s7, s10, $0xb8;
	[tilespmem:$0x1EE00] =	vst v63  }
0x70: {  	s3 =	simm.s32 @!p0 $0x7  }
0x71: {  	_ =	swait.ge @!p0 [sflag:s3], $0x2000  }
0x72: {  	[sflag:s3] =	ssyncset.done @!p0 $0x0  }
0x73: {  	s7 =	simm.s32 @!p0 $0x2B00;
	[sflag:s3] =	ssyncadd.s32 @!p0 $0xFFFFE000;
	s3 =	simm.s32 @!p0 $0x11000  }
0x74: {  	[spmem:s2] =	stream.indirect.scatter.add.f32 @!p0 [tilespmem:s3], [sflag:$0x7], $0x40, s7, s10, $0xb8;
	[tilespmem:$0x1EE00] =	vst v63  }
0x75: {  	s3 =	simm.s32 @!p0 $0x4  }
0x76: {  	_ =	swait.ge @!p0 [sflag:s3], $0x2000  }
0x77: {  	[sflag:s3] =	ssyncset.done @!p0 $0x0  }
0x78: {  	s7 =	simm.s32 @!p0 $0x580;
	[sflag:s3] =	ssyncadd.s32 @!p0 $0xFFFFE000;
	s3 =	simm.s32 @!p0 $0xB000  }
0x79: {  	[tilespmem:s3], [sflag:$0x4] =	stream.indirect.gather @!p0 [hbm4b:s4+s10], $0x40, s7, s10, $0xb8;
	[tilespmem:$0x1EE00] =	vst v63  }
0x7a: {  	p1 =	por $0x0, $0x0;
	s21 =	simm.s32 $0x2000;
	_ =	swait.ge [sflag:s0], $0x2000  }
0x7b: {  	s7 =	simm.s32 $0x1000;
	s3 =	simm.s32 $0x2B80;
	[sflag:s0] =	ssyncset.done $0x0  }
.LBB2_2:
0x7c: {  	s11 =	simm.s32 @!p1 $0x5  }
0x7d: {  	[sflag:s0] =	ssyncadd.s32 $0xFFFFE000;
	s10 =	smov.u32 s21;
	s21 =	sadd.s32 $0x1000, s21  }
0x7e: {  	[spmem:s2] =	stream.indirect.scatter.add.f32 [tilespmem:s30], [sflag:$0x8], $0x40, s3, s16, $0xb8;
	[tilespmem:$0x1EE00] =	vst v63  }
0x7f: {  	p0 =	sne.s32 s21, $0xA000;
	_ =	swait.ge @!p1 [sflag:s11], $0x2000  }
0x80: {  	s9 =	sshra.s32 s7, $0x2;
	[sflag:s11] =	ssyncset.done @!p1 $0x0  }
0x81: {  	s3 =	sadd.s32 $0x200, s9;
	[sflag:s11] =	ssyncadd.s32 @!p1 $0xFFFFE000  }
0x82: {  	[tilespmem:s23], [sflag:$0x5] =	stream.indirect.gather [hbm4b:s4+s16], $0x40, s3, s16, $0xb8;
	[tilespmem:$0x1EE00] =	vst v63  }
0x83: {  	_ =	swait.ge [sflag:s24], $0x2000  }
0x84: {  	[sflag:s24] =	ssyncset.done $0x0  }
0x85: {  	s11 =	simm.s32 @!p1 $0x6;
	s3 =	sadd.s32 $0x2800, s9;
	[sflag:s24] =	ssyncadd.s32 $0xFFFFE000  }
0x86: {  	[spmem:s2] =	stream.indirect.scatter.add.f32 [tilespmem:s17], [sflag:$0x1], $0x40, s3, s16, $0xb8;
	[tilespmem:$0x1EE00] =	vst v63  }
0x87: {  	_ =	swait.ge @!p1 [sflag:s11], $0x2000  }
0x88: {  	[sflag:s11] =	ssyncset.done @!p1 $0x0  }
0x89: {  	s3 =	sadd.s32 $0x280, s9;
	[sflag:s11] =	ssyncadd.s32 @!p1 $0xFFFFE000  }
0x8a: {  	[tilespmem:s25], [sflag:$0x6] =	stream.indirect.gather [hbm4b:s4+s16], $0x40, s3, s16, $0xb8;
	[tilespmem:$0x1EE00] =	vst v63  }
0x8b: {  	_ =	swait.ge [sflag:s26], $0x2000  }
0x8c: {  	[sflag:s26] =	ssyncset.done $0x0  }
0x8d: {  	s11 =	simm.s32 @!p1 $0x7;
	s3 =	sadd.s32 $0x2880, s9;
	[sflag:s26] =	ssyncadd.s32 $0xFFFFE000  }
0x8e: {  	[spmem:s2] =	stream.indirect.scatter.add.f32 [tilespmem:s18], [sflag:$0x2], $0x40, s3, s16, $0xb8;
	[tilespmem:$0x1EE00] =	vst v63  }
0x8f: {  	_ =	swait.ge @!p1 [sflag:s11], $0x2000  }
0x90: {  	[sflag:s11] =	ssyncset.done @!p1 $0x0  }
0x91: {  	s3 =	sadd.s32 $0x300, s9;
	[sflag:s11] =	ssyncadd.s32 @!p1 $0xFFFFE000  }
0x92: {  	[tilespmem:s28], [sflag:$0x7] =	stream.indirect.gather [hbm4b:s4+s16], $0x40, s3, s16, $0xb8;
	[tilespmem:$0x1EE00] =	vst v63  }
0x93: {  	_ =	swait.ge [sflag:s29], $0x2000  }
0x94: {  	[sflag:s29] =	ssyncset.done $0x0  }
0x95: {  	s11 =	simm.s32 @!p1 $0x8;
	s3 =	sadd.s32 $0x2900, s9;
	[sflag:s29] =	ssyncadd.s32 $0xFFFFE000  }
0x96: {  	[spmem:s2] =	stream.indirect.scatter.add.f32 [tilespmem:s20], [sflag:$0x3], $0x40, s3, s16, $0xb8;
	[tilespmem:$0x1EE00] =	vst v63  }
0x97: {  	_ =	swait.ge @!p1 [sflag:s11], $0x2000  }
0x98: {  	[sflag:s11] =	ssyncset.done @!p1 $0x0  }
0x99: {  	s3 =	sadd.s32 $0x380, s9;
	[sflag:s11] =	ssyncadd.s32 @!p1 $0xFFFFE000  }
0x9a: {  	[tilespmem:s30], [sflag:$0x8] =	stream.indirect.gather [hbm4b:s4+s16], $0x40, s3, s16, $0xb8;
	[tilespmem:$0x1EE00] =	vst v63  }
0x9b: {  	_ =	swait.ge [sflag:s31], $0x2000  }
0x9c: {  	[sflag:s31] =	ssyncset.done $0x0  }
0x9d: {  	s3 =	sadd.s32 $0x2980, s9;
	[sflag:s31] =	ssyncadd.s32 $0xFFFFE000  }
0x9e: {  	[spmem:s2] =	stream.indirect.scatter.add.f32 [tilespmem:s22], [sflag:$0x4], $0x40, s3, s16, $0xb8;
	[tilespmem:$0x1EE00] =	vst v63  }
0x9f: {  	_ =	swait.ge [sflag:s24], $0x2000  }
0xa0: {  	p1 =	seq.s32 s7, $0x9000;
	[sflag:s24] =	ssyncset.done $0x0  }
0xa1: {  	s11 =	sshra.s32 @p1 s7, $0x2;
	s3 =	simm.s32 @p1 $0x5;
	[sflag:s24] =	ssyncadd.s32 $0xFFFFE000  }
0xa2: {  	s8 =	sadd.s32 @p1 $0x2A00, s11;
	s11 =	sadd.s32 @p1 $0x2B00, s11;
	_ =	swait.ge @p1 [sflag:s3], $0x2000  }
0xa3: {  	s13 =	simm.s32 @p1 $0x2;
	[sflag:s3] =	ssyncset.done @p1 $0x0  }
0xa4: {  	s19 =	simm.s32 @p1 $0xD000;
	[sflag:s3] =	ssyncadd.s32 @p1 $0xFFFFE000;
	s3 =	simm.s32 @p1 $0x80  }
0xa5: {  	[spmem:s2] =	stream.indirect.scatter.add.f32 @p1 [tilespmem:s19], [sflag:$0x5], $0x40, s8, s3, $0xb8;
	[tilespmem:$0x1EE00] =	vst v63  }
0xa6: {  	s8 =	sshra.s32 @!p1 s7, $0x2;
	s7 =	smov.u32 s10;
	_ =	swait.ge @p1 [sflag:s13], $0x2000  }
0xa7: {  	s14 =	simm.s32 @!p1 $0x5;
	s19 =	simm.s32 @!p1 $0x5000;
	[sflag:s13] =	ssyncset.done @p1 $0x0  }
0xa8: {  	s10 =	simm.s32 @!p1 $0x80;
	[sflag:s13] =	ssyncadd.s32 @p1 $0xFFFFE000;
	s13 =	sadd.s32 @!p1 $0x400, s8  }
0xa9: {  	[tilespmem:s19], [sflag:$0x1] =	stream.indirect.gather @!p1 [hbm4b:s4+s10], $0x40, s13, s10, $0xb8;
	[tilespmem:$0x1EE00] =	vst v63  }
0xaa: {  	s13 =	sadd.s32 @!p1 $0x480, s8;
	s19 =	sadd.s32 @!p1 $0x500, s8;
	_ =	swait.ge @!p1 [sflag:s14], $0x2000  }
0xab: {  	s15 =	simm.s32 @!p1 $0x2;
	s6 =	sadd.s32 @!p1 $0x2B00, s8;
	[sflag:s14] =	ssyncset.done @!p1 $0x0  }
0xac: {  	s12 =	simm.s32 @!p1 $0xD000;
	[sflag:s14] =	ssyncadd.s32 @!p1 $0xFFFFE000;
	s14 =	sadd.s32 @!p1 $0x2A00, s8  }
0xad: {  	[spmem:s2] =	stream.indirect.scatter.add.f32 @!p1 [tilespmem:s12], [sflag:$0x5], $0x40, s14, s10, $0xb8;
	[tilespmem:$0x1EE00] =	vst v63  }
0xae: {  	s8 =	sadd.s32 @!p1 $0x580, s8;
	_ =	swait.ge @!p1 [sflag:s15], $0x2000  }
0xaf: {  	[sflag:s15] =	ssyncset.done @!p1 $0x0  }
0xb0: {  	s12 =	simm.s32 @!p1 $0x7000;
	[sflag:s15] =	ssyncadd.s32 @!p1 $0xFFFFE000  }
0xb1: {  	[tilespmem:s12], [sflag:$0x2] =	stream.indirect.gather @!p1 [hbm4b:s4+s10], $0x40, s13, s10, $0xb8;
	[tilespmem:$0x1EE00] =	vst v63  }
0xb2: {  	_ =	swait.ge [sflag:s1], $0x2000  }
0xb3: {  	[sflag:s1] =	ssyncset.done $0x0  }
0xb4: {  	s12 =	sadd.s32 $0x2A80, s9;
	[sflag:s1] =	ssyncadd.s32 $0xFFFFE000  }
0xb5: {  	[spmem:s2] =	stream.indirect.scatter.add.f32 [tilespmem:s25], [sflag:$0x6], $0x40, s12, s16, $0xb8;
	[tilespmem:$0x1EE00] =	vst v63  }
0xb6: {  	_ =	swait.ge [sflag:s29], $0x2000  }
0xb7: {  	[sflag:s29] =	ssyncset.done $0x0  }
0xb8: {  	s12 =	simm.s32 @p1 $0x7;
	[sflag:s29] =	ssyncadd.s32 $0xFFFFE000  }
0xb9: {  	_ =	swait.ge @p1 [sflag:s12], $0x2000  }
0xba: {  	[sflag:s12] =	ssyncset.done @p1 $0x0  }
0xbb: {  	s13 =	simm.s32 @p1 $0x4;
	[sflag:s12] =	ssyncadd.s32 @p1 $0xFFFFE000;
	s12 =	simm.s32 @p1 $0x11000  }
0xbc: {  	[spmem:s2] =	stream.indirect.scatter.add.f32 @p1 [tilespmem:s12], [sflag:$0x7], $0x40, s11, s3, $0xb8;
	[tilespmem:$0x1EE00] =	vst v63  }
0xbd: {  	_ =	swait.ge @p1 [sflag:s13], $0x2000  }
0xbe: {  	[sflag:s13] =	ssyncset.done @p1 $0x0  }
0xbf: {  	s3 =	simm.s32 @!p1 $0x9000;
	s11 =	simm.s32 @!p1 $0x7;
	[sflag:s13] =	ssyncadd.s32 @p1 $0xFFFFE000  }
0xc0: {  	[tilespmem:s3], [sflag:$0x3] =	stream.indirect.gather @!p1 [hbm4b:s4+s10], $0x40, s19, s10, $0xb8;
	[tilespmem:$0x1EE00] =	vst v63  }
0xc1: {  	_ =	swait.ge @!p1 [sflag:s11], $0x2000  }
0xc2: {  	[sflag:s11] =	ssyncset.done @!p1 $0x0  }
0xc3: {  	s3 =	simm.s32 @!p1 $0x11000;
	[sflag:s11] =	ssyncadd.s32 @!p1 $0xFFFFE000;
	s11 =	simm.s32 @!p1 $0x4  }
0xc4: {  	[spmem:s2] =	stream.indirect.scatter.add.f32 @!p1 [tilespmem:s3], [sflag:$0x7], $0x40, s6, s10, $0xb8;
	[tilespmem:$0x1EE00] =	vst v63  }
0xc5: {  	_ =	swait.ge @!p1 [sflag:s11], $0x2000  }
.Ltmp0:
0xc6: {  	[sflag:s11] =	ssyncset.done @!p1 $0x0;
	(pc) =	sbr.rel @p0 .LBB2_2-.Ltmp0, $4  }
0xc7: {  	s3 =	simm.s32 @!p1 $0xB000;
	[sflag:s11] =	ssyncadd.s32 @!p1 $0xFFFFE000  }
0xc8: {  	[tilespmem:s3], [sflag:$0x4] =	stream.indirect.gather @!p1 [hbm4b:s4+s10], $0x40, s8, s10, $0xb8;
	[tilespmem:$0x1EE00] =	vst v63  }
0xc9: {  	_ =	swait.ge [sflag:s0], $0x2000  }
0xca: {  	p1 =	seq.s32 s7, $0x0;
	s3 =	sadd.s32 $0x2B80, s9;
	[sflag:s0] =	ssyncset.done $0x0  }
0xcb: {  	s6 =	simm.s32 @!p1 $0x5;
	[sflag:s0] =	ssyncadd.s32 $0xFFFFE000  }
0xcc: {  	[spmem:s2] =	stream.indirect.scatter.add.f32 [tilespmem:s30], [sflag:$0x8], $0x40, s3, s16, $0xb8;
	[tilespmem:$0x1EE00] =	vst v63  }
0xcd: {  	_ =	swait.ge @!p1 [sflag:s6], $0x2000  }
0xce: {  	s9 =	sshra.s32 s7, $0x2;
	[sflag:s6] =	ssyncset.done @!p1 $0x0  }
0xcf: {  	s8 =	sadd.s32 $0x200, s9;
	[sflag:s6] =	ssyncadd.s32 @!p1 $0xFFFFE000  }
0xd0: {  	[tilespmem:s23], [sflag:$0x5] =	stream.indirect.gather [hbm4b:s4+s16], $0x40, s8, s16, $0xb8;
	[tilespmem:$0x1EE00] =	vst v63  }
0xd1: {  	_ =	swait.ge [sflag:s24], $0x2000  }
0xd2: {  	[sflag:s24] =	ssyncset.done $0x0  }
0xd3: {  	s10 =	sadd.s32 $0x2800, s9;
	s6 =	simm.s32 @!p1 $0x6;
	[sflag:s24] =	ssyncadd.s32 $0xFFFFE000  }
0xd4: {  	[spmem:s2] =	stream.indirect.scatter.add.f32 [tilespmem:s17], [sflag:$0x1], $0x40, s10, s16, $0xb8;
	[tilespmem:$0x1EE00] =	vst v63  }
0xd5: {  	_ =	swait.ge @!p1 [sflag:s6], $0x2000  }
0xd6: {  	[sflag:s6] =	ssyncset.done @!p1 $0x0  }
0xd7: {  	s11 =	sadd.s32 $0x280, s9;
	[sflag:s6] =	ssyncadd.s32 @!p1 $0xFFFFE000  }
0xd8: {  	[tilespmem:s25], [sflag:$0x6] =	stream.indirect.gather [hbm4b:s4+s16], $0x40, s11, s16, $0xb8;
	[tilespmem:$0x1EE00] =	vst v63  }
0xd9: {  	_ =	swait.ge [sflag:s26], $0x2000  }
0xda: {  	[sflag:s26] =	ssyncset.done $0x0  }
0xdb: {  	s12 =	sadd.s32 $0x2880, s9;
	s6 =	simm.s32 @!p1 $0x7;
	[sflag:s26] =	ssyncadd.s32 $0xFFFFE000  }
0xdc: {  	[spmem:s2] =	stream.indirect.scatter.add.f32 [tilespmem:s18], [sflag:$0x2], $0x40, s12, s16, $0xb8;
	[tilespmem:$0x1EE00] =	vst v63  }
0xdd: {  	_ =	swait.ge @!p1 [sflag:s6], $0x2000  }
0xde: {  	[sflag:s6] =	ssyncset.done @!p1 $0x0  }
0xdf: {  	s13 =	sadd.s32 $0x300, s9;
	[sflag:s6] =	ssyncadd.s32 @!p1 $0xFFFFE000  }
0xe0: {  	[tilespmem:s28], [sflag:$0x7] =	stream.indirect.gather [hbm4b:s4+s16], $0x40, s13, s16, $0xb8;
	[tilespmem:$0x1EE00] =	vst v63  }
0xe1: {  	_ =	swait.ge [sflag:s29], $0x2000  }
0xe2: {  	[sflag:s29] =	ssyncset.done $0x0  }
0xe3: {  	s14 =	sadd.s32 $0x2900, s9;
	s6 =	simm.s32 @!p1 $0x8;
	[sflag:s29] =	ssyncadd.s32 $0xFFFFE000  }
0xe4: {  	[spmem:s2] =	stream.indirect.scatter.add.f32 [tilespmem:s20], [sflag:$0x3], $0x40, s14, s16, $0xb8;
	[tilespmem:$0x1EE00] =	vst v63  }
0xe5: {  	_ =	swait.ge @!p1 [sflag:s6], $0x2000  }
0xe6: {  	[sflag:s6] =	ssyncset.done @!p1 $0x0  }
0xe7: {  	s15 =	sadd.s32 $0x380, s9;
	[sflag:s6] =	ssyncadd.s32 @!p1 $0xFFFFE000  }
0xe8: {  	[tilespmem:s30], [sflag:$0x8] =	stream.indirect.gather [hbm4b:s4+s16], $0x40, s15, s16, $0xb8;
	[tilespmem:$0x1EE00] =	vst v63  }
0xe9: {  	_ =	swait.ge [sflag:s31], $0x2000  }
0xea: {  	[sflag:s31] =	ssyncset.done $0x0  }
0xeb: {  	s19 =	sadd.s32 $0x2980, s9;
	[sflag:s31] =	ssyncadd.s32 $0xFFFFE000  }
0xec: {  	[spmem:s2] =	stream.indirect.scatter.add.f32 [tilespmem:s22], [sflag:$0x4], $0x40, s19, s16, $0xb8;
	[tilespmem:$0x1EE00] =	vst v63  }
0xed: {  	_ =	swait.ge [sflag:s24], $0x2000  }
0xee: {  	p0 =	seq.s32 s7, $0x9000;
	[sflag:s24] =	ssyncset.done $0x0  }
0xef: {  	s3 =	simm.s32 @p0 $0x5;
	[sflag:s24] =	ssyncadd.s32 $0xFFFFE000  }
0xf0: {  	s10 =	simm.s32 @p0 $0x2;
	_ =	swait.ge @p0 [sflag:s3], $0x2000  }
0xf1: {  	s11 =	simm.s32 @p0 $0xD000;
	s6 =	sshra.s32 @p0 s7, $0x2;
	[sflag:s3] =	ssyncset.done @p0 $0x0  }
0xf2: {  	s8 =	sadd.s32 @p0 $0x2A00, s6;
	[sflag:s3] =	ssyncadd.s32 @p0 $0xFFFFE000;
	s3 =	simm.s32 @p0 $0x80  }
0xf3: {  	[spmem:s2] =	stream.indirect.scatter.add.f32 @p0 [tilespmem:s11], [sflag:$0x5], $0x40, s8, s3, $0xb8;
	[tilespmem:$0x1EE00] =	vst v63  }
0xf4: {  	_ =	swait.ge @p0 [sflag:s10], $0x2000  }
0xf5: {  	s7 =	sshra.s32 @!p0 s7, $0x2;
	s8 =	simm.s32 @!p0 $0x5000;
	[sflag:s10] =	ssyncset.done @p0 $0x0  }
0xf6: {  	s11 =	simm.s32 @!p0 $0x80;
	[sflag:s10] =	ssyncadd.s32 @p0 $0xFFFFE000;
	s10 =	sadd.s32 @!p0 $0x400, s7  }
0xf7: {  	[tilespmem:s8], [sflag:$0x1] =	stream.indirect.gather @!p0 [hbm4b:s4+s11], $0x40, s10, s11, $0xb8;
	[tilespmem:$0x1EE00] =	vst v63  }
0xf8: {  	s8 =	simm.s32 @!p0 $0x5  }
0xf9: {  	_ =	swait.ge @!p0 [sflag:s8], $0x2000  }
0xfa: {  	[sflag:s8] =	ssyncset.done @!p0 $0x0  }
0xfb: {  	s10 =	simm.s32 @!p0 $0xD000;
	[sflag:s8] =	ssyncadd.s32 @!p0 $0xFFFFE000;
	s8 =	sadd.s32 @!p0 $0x2A00, s7  }
0xfc: {  	[spmem:s2] =	stream.indirect.scatter.add.f32 @!p0 [tilespmem:s10], [sflag:$0x5], $0x40, s8, s11, $0xb8;
	[tilespmem:$0x1EE00] =	vst v63  }
0xfd: {  	s8 =	simm.s32 @!p0 $0x2  }
0xfe: {  	_ =	swait.ge @!p0 [sflag:s8], $0x2000  }
0xff: {  	[sflag:s8] =	ssyncset.done @!p0 $0x0  }
0x100: {  	s10 =	sadd.s32 @!p0 $0x480, s7;
	[sflag:s8] =	ssyncadd.s32 @!p0 $0xFFFFE000;
	s8 =	simm.s32 @!p0 $0x7000  }
0x101: {  	[tilespmem:s8], [sflag:$0x2] =	stream.indirect.gather @!p0 [hbm4b:s4+s11], $0x40, s10, s11, $0xb8;
	[tilespmem:$0x1EE00] =	vst v63  }
0x102: {  	_ =	swait.ge [sflag:s1], $0x2000  }
0x103: {  	[sflag:s1] =	ssyncset.done $0x0  }
0x104: {  	s21 =	sadd.s32 $0x2A80, s9;
	[sflag:s1] =	ssyncadd.s32 $0xFFFFE000  }
0x105: {  	[spmem:s2] =	stream.indirect.scatter.add.f32 [tilespmem:s25], [sflag:$0x6], $0x40, s21, s16, $0xb8;
	[tilespmem:$0x1EE00] =	vst v63  }
0x106: {  	_ =	swait.ge [sflag:s29], $0x2000  }
0x107: {  	[sflag:s29] =	ssyncset.done $0x0  }
0x108: {  	s8 =	simm.s32 @p0 $0x7;
	[sflag:s29] =	ssyncadd.s32 $0xFFFFE000  }
0x109: {  	_ =	swait.ge @p0 [sflag:s8], $0x2000  }
0x10a: {  	[sflag:s8] =	ssyncset.done @p0 $0x0  }
0x10b: {  	s6 =	sadd.s32 @p0 $0x2B00, s6;
	[sflag:s8] =	ssyncadd.s32 @p0 $0xFFFFE000;
	s8 =	simm.s32 @p0 $0x11000  }
0x10c: {  	[spmem:s2] =	stream.indirect.scatter.add.f32 @p0 [tilespmem:s8], [sflag:$0x7], $0x40, s6, s3, $0xb8;
	[tilespmem:$0x1EE00] =	vst v63  }
0x10d: {  	s3 =	simm.s32 @p0 $0x4  }
0x10e: {  	_ =	swait.ge @p0 [sflag:s3], $0x2000  }
0x10f: {  	[sflag:s3] =	ssyncset.done @p0 $0x0  }
0x110: {  	s6 =	sadd.s32 @!p0 $0x500, s7;
	[sflag:s3] =	ssyncadd.s32 @p0 $0xFFFFE000;
	s3 =	simm.s32 @!p0 $0x9000  }
0x111: {  	[tilespmem:s3], [sflag:$0x3] =	stream.indirect.gather @!p0 [hbm4b:s4+s11], $0x40, s6, s11, $0xb8;
	[tilespmem:$0x1EE00] =	vst v63  }
0x112: {  	s3 =	simm.s32 @!p0 $0x7  }
0x113: {  	_ =	swait.ge @!p0 [sflag:s3], $0x2000  }
0x114: {  	[sflag:s3] =	ssyncset.done @!p0 $0x0  }
0x115: {  	s6 =	sadd.s32 @!p0 $0x2B00, s7;
	[sflag:s3] =	ssyncadd.s32 @!p0 $0xFFFFE000;
	s3 =	simm.s32 @!p0 $0x11000  }
0x116: {  	[spmem:s2] =	stream.indirect.scatter.add.f32 @!p0 [tilespmem:s3], [sflag:$0x7], $0x40, s6, s11, $0xb8;
	[tilespmem:$0x1EE00] =	vst v63  }
0x117: {  	s3 =	simm.s32 @!p0 $0x4  }
0x118: {  	_ =	swait.ge @!p0 [sflag:s3], $0x2000  }
0x119: {  	[sflag:s3] =	ssyncset.done @!p0 $0x0  }
0x11a: {  	s6 =	sadd.s32 @!p0 $0x580, s7;
	[sflag:s3] =	ssyncadd.s32 @!p0 $0xFFFFE000;
	s3 =	simm.s32 @!p0 $0xB000  }
0x11b: {  	[tilespmem:s3], [sflag:$0x4] =	stream.indirect.gather @!p0 [hbm4b:s4+s11], $0x40, s6, s11, $0xb8;
	[tilespmem:$0x1EE00] =	vst v63  }
0x11c: {  	_ =	swait.ge [sflag:s0], $0x2000  }
0x11d: {  	[sflag:s0] =	ssyncset.done $0x0  }
0x11e: {  	s10 =	sadd.s32 $0x2B80, s9;
	s11 =	simm.s32 $0x5;
	[sflag:s0] =	ssyncadd.s32 $0xFFFFE000  }
0x11f: {  	[spmem:s2] =	stream.indirect.scatter.add.f32 [tilespmem:s30], [sflag:$0x8], $0x40, s10, s16, $0xb8;
	[tilespmem:$0x1EE00] =	vst v63  }
0x120: {  	_ =	swait.ge [sflag:s11], $0x2000  }
0x121: {  	[sflag:s11] =	ssyncset.done $0x0  }
0x122: {  	[sflag:s11] =	ssyncadd.s32 $0xFFFFE000  }
0x123: {  	_ =	swait.ge [sflag:s1], $0x2000  }
0x124: {  	[sflag:s1] =	ssyncset.done $0x0  }
0x125: {  	s12 =	simm.s32 $0x7;
	[sflag:s1] =	ssyncadd.s32 $0xFFFFE000  }
0x126: {  	_ =	swait.ge [sflag:s12], $0x2000  }
0x127: {  	[sflag:s12] =	ssyncset.done $0x0  }
0x128: {  	[sflag:s12] =	ssyncadd.s32 $0xFFFFE000  }
0x129: {  	_ =	swait.ge [sflag:s0], $0x2000  }
0x12a: {  	[sflag:s0] =	ssyncset.done $0x0  }
0x12b: {  	[sflag:s0] =	ssyncadd.s32 $0xFFFFE000  }
0x12c: {  	[bflag:$0x0] =	sbarrier.arrive $0xFFFF  }
0x12d: {  	s13 =	rddreg [dreg:$0x6]  }
0x12e: {  	s14 =	rddreg [dreg:$0x9]  }
0x12f: {  	s19 =	simm.s32 $0x9;
	s15 =	rddreg [dreg:$0xa]  }
0x130: {  	[hbm:s13], [sflag:s14] =	dma.local [spmem:s15], $0x13C0  }
0x131: {  	_ =	swait.ge [sflag:s19], $0x13C0  }
0x132: {  	[sflag:s19] =	ssyncset.done $0x0  }
0x133: {  	s21 =	rddreg [dreg:$0x5];
	[sflag:s19] =	ssyncadd.s32 $0xFFFFEC40  }
0x134: {  	[spmem:s15], [sflag:s14] =	dma.local [hbm:s21], $0x13C0  }
0x135: {  	_ =	swait.ge [sflag:s19], $0x13C0  }
0x136: {  	[sflag:s19] =	ssyncset.done $0x0  }
0x137: {  	[sflag:s19] =	ssyncadd.s32 $0xFFFFEC40  }
0x138: {  	s6 =	simm.s32 $0x0;
	[bflag:$0x0] =	sbarrier.arrive $0xFFFF  }
0x139: {  	[tilespmem:s17], [sflag:$0x1] =	stream.indirect.gather [hbm4b:s5+s16], $0x40, s6, s16, $0xb8;
	[tilespmem:$0x1EE00] =	vst v63  }
0x13a: {  	_ = 	snop  }
0x13b: {  	[tilespmem:s18], [sflag:$0x2] =	stream.indirect.gather [hbm4b:s5+s16], $0x40, s16, s16, $0xb8;
	[tilespmem:$0x1EE00] =	vst v63  }
0x13c: {  	s7 =	simm.s32 $0x100;
	p0 =	por $0x1, $0x1  }
0x13d: {  	[tilespmem:s20], [sflag:$0x3] =	stream.indirect.gather [hbm4b:s5+s16], $0x40, s7, s16, $0xb8;
	[tilespmem:$0x1EE00] =	vst v63  }
0x13e: {  	s8 =	simm.s32 $0x180;
	s3 =	simm.s32 @!p0 $0x5  }
0x13f: {  	[tilespmem:s22], [sflag:$0x4] =	stream.indirect.gather [hbm4b:s5+s16], $0x40, s8, s16, $0xb8;
	[tilespmem:$0x1EE00] =	vst v63  }
0x140: {  	_ =	swait.ge @!p0 [sflag:s3], $0x2000  }
0x141: {  	[sflag:s3] =	ssyncset.done @!p0 $0x0  }
0x142: {  	s9 =	simm.s32 $0x200;
	[sflag:s3] =	ssyncadd.s32 @!p0 $0xFFFFE000  }
0x143: {  	[tilespmem:s23], [sflag:$0x5] =	stream.indirect.gather [hbm4b:s5+s16], $0x40, s9, s16, $0xb8;
	[tilespmem:$0x1EE00] =	vst v63  }
0x144: {  	_ =	swait.ge [sflag:s24], $0x2000  }
0x145: {  	[sflag:s24] =	ssyncset.done $0x0  }
0x146: {  	s10 =	simm.s32 $0x2800;
	s6 =	simm.s32 @!p0 $0x6;
	[sflag:s24] =	ssyncadd.s32 $0xFFFFE000  }
0x147: {  	[spmem:s2] =	stream.indirect.scatter.add.f32 [tilespmem:s17], [sflag:$0x1], $0x40, s10, s16, $0xb8;
	[tilespmem:$0x1EE00] =	vst v63  }
0x148: {  	_ =	swait.ge @!p0 [sflag:s6], $0x2000  }
0x149: {  	[sflag:s6] =	ssyncset.done @!p0 $0x0  }
0x14a: {  	s11 =	simm.s32 $0x280;
	[sflag:s6] =	ssyncadd.s32 @!p0 $0xFFFFE000  }
0x14b: {  	[tilespmem:s25], [sflag:$0x6] =	stream.indirect.gather [hbm4b:s5+s16], $0x40, s11, s16, $0xb8;
	[tilespmem:$0x1EE00] =	vst v63  }
0x14c: {  	_ =	swait.ge [sflag:s26], $0x2000  }
0x14d: {  	[sflag:s26] =	ssyncset.done $0x0  }
0x14e: {  	s12 =	simm.s32 $0x2880;
	s6 =	simm.s32 @!p0 $0x7;
	[sflag:s26] =	ssyncadd.s32 $0xFFFFE000  }
0x14f: {  	[spmem:s2] =	stream.indirect.scatter.add.f32 [tilespmem:s18], [sflag:$0x2], $0x40, s12, s16, $0xb8;
	[tilespmem:$0x1EE00] =	vst v63  }
0x150: {  	_ =	swait.ge @!p0 [sflag:s6], $0x2000  }
0x151: {  	[sflag:s6] =	ssyncset.done @!p0 $0x0  }
0x152: {  	s13 =	simm.s32 $0x300;
	[sflag:s6] =	ssyncadd.s32 @!p0 $0xFFFFE000  }
0x153: {  	[tilespmem:s28], [sflag:$0x7] =	stream.indirect.gather [hbm4b:s5+s16], $0x40, s13, s16, $0xb8;
	[tilespmem:$0x1EE00] =	vst v63  }
0x154: {  	_ =	swait.ge [sflag:s29], $0x2000  }
0x155: {  	[sflag:s29] =	ssyncset.done $0x0  }
0x156: {  	s14 =	simm.s32 $0x2900;
	s6 =	simm.s32 @!p0 $0x8;
	[sflag:s29] =	ssyncadd.s32 $0xFFFFE000  }
0x157: {  	[spmem:s2] =	stream.indirect.scatter.add.f32 [tilespmem:s20], [sflag:$0x3], $0x40, s14, s16, $0xb8;
	[tilespmem:$0x1EE00] =	vst v63  }
0x158: {  	_ =	swait.ge @!p0 [sflag:s6], $0x2000  }
0x159: {  	[sflag:s6] =	ssyncset.done @!p0 $0x0  }
0x15a: {  	s15 =	simm.s32 $0x380;
	[sflag:s6] =	ssyncadd.s32 @!p0 $0xFFFFE000  }
0x15b: {  	[tilespmem:s30], [sflag:$0x8] =	stream.indirect.gather [hbm4b:s5+s16], $0x40, s15, s16, $0xb8;
	[tilespmem:$0x1EE00] =	vst v63  }
0x15c: {  	_ =	swait.ge [sflag:s31], $0x2000  }
0x15d: {  	[sflag:s31] =	ssyncset.done $0x0  }
0x15e: {  	s19 =	simm.s32 $0x2980;
	[sflag:s31] =	ssyncadd.s32 $0xFFFFE000  }
0x15f: {  	[spmem:s2] =	stream.indirect.scatter.add.f32 [tilespmem:s22], [sflag:$0x4], $0x40, s19, s16, $0xb8;
	[tilespmem:$0x1EE00] =	vst v63  }
0x160: {  	_ =	swait.ge [sflag:s24], $0x2000  }
0x161: {  	p0 =	por $0x0, $0x0;
	[sflag:s24] =	ssyncset.done $0x0  }
0x162: {  	s3 =	simm.s32 @p0 $0x5;
	[sflag:s24] =	ssyncadd.s32 $0xFFFFE000  }
0x163: {  	_ =	swait.ge @p0 [sflag:s3], $0x2000  }
0x164: {  	s6 =	simm.s32 @p0 $0x2A00;
	s7 =	simm.s32 @p0 $0x2;
	[sflag:s3] =	ssyncset.done @p0 $0x0  }
0x165: {  	s8 =	simm.s32 @p0 $0xD000;
	[sflag:s3] =	ssyncadd.s32 @p0 $0xFFFFE000;
	s3 =	simm.s32 @p0 $0x80  }
0x166: {  	[spmem:s2] =	stream.indirect.scatter.add.f32 @p0 [tilespmem:s8], [sflag:$0x5], $0x40, s6, s3, $0xb8;
	[tilespmem:$0x1EE00] =	vst v63  }
0x167: {  	_ =	swait.ge @p0 [sflag:s7], $0x2000  }
0x168: {  	s6 =	simm.s32 @!p0 $0x5000;
	[sflag:s7] =	ssyncset.done @p0 $0x0  }
0x169: {  	s8 =	simm.s32 @!p0 $0x80;
	[sflag:s7] =	ssyncadd.s32 @p0 $0xFFFFE000;
	s7 =	simm.s32 @!p0 $0x400  }
0x16a: {  	[tilespmem:s6], [sflag:$0x1] =	stream.indirect.gather @!p0 [hbm4b:s5+s8], $0x40, s7, s8, $0xb8;
	[tilespmem:$0x1EE00] =	vst v63  }
0x16b: {  	s6 =	simm.s32 @!p0 $0x5  }
0x16c: {  	_ =	swait.ge @!p0 [sflag:s6], $0x2000  }
0x16d: {  	[sflag:s6] =	ssyncset.done @!p0 $0x0  }
0x16e: {  	s7 =	simm.s32 @!p0 $0xD000;
	[sflag:s6] =	ssyncadd.s32 @!p0 $0xFFFFE000;
	s6 =	simm.s32 @!p0 $0x2A00  }
0x16f: {  	[spmem:s2] =	stream.indirect.scatter.add.f32 @!p0 [tilespmem:s7], [sflag:$0x5], $0x40, s6, s8, $0xb8;
	[tilespmem:$0x1EE00] =	vst v63  }
0x170: {  	s6 =	simm.s32 @!p0 $0x2  }
0x171: {  	_ =	swait.ge @!p0 [sflag:s6], $0x2000  }
0x172: {  	[sflag:s6] =	ssyncset.done @!p0 $0x0  }
0x173: {  	s7 =	simm.s32 @!p0 $0x480;
	[sflag:s6] =	ssyncadd.s32 @!p0 $0xFFFFE000;
	s6 =	simm.s32 @!p0 $0x7000  }
0x174: {  	[tilespmem:s6], [sflag:$0x2] =	stream.indirect.gather @!p0 [hbm4b:s5+s8], $0x40, s7, s8, $0xb8;
	[tilespmem:$0x1EE00] =	vst v63  }
0x175: {  	_ =	swait.ge [sflag:s1], $0x2000  }
0x176: {  	[sflag:s1] =	ssyncset.done $0x0  }
0x177: {  	s21 =	simm.s32 $0x2A80;
	[sflag:s1] =	ssyncadd.s32 $0xFFFFE000  }
0x178: {  	[spmem:s2] =	stream.indirect.scatter.add.f32 [tilespmem:s25], [sflag:$0x6], $0x40, s21, s16, $0xb8;
	[tilespmem:$0x1EE00] =	vst v63  }
0x179: {  	_ =	swait.ge [sflag:s29], $0x2000  }
0x17a: {  	[sflag:s29] =	ssyncset.done $0x0  }
0x17b: {  	s6 =	simm.s32 @p0 $0x7;
	[sflag:s29] =	ssyncadd.s32 $0xFFFFE000  }
0x17c: {  	_ =	swait.ge @p0 [sflag:s6], $0x2000  }
0x17d: {  	[sflag:s6] =	ssyncset.done @p0 $0x0  }
0x17e: {  	s7 =	simm.s32 @p0 $0x2B00;
	[sflag:s6] =	ssyncadd.s32 @p0 $0xFFFFE000;
	s6 =	simm.s32 @p0 $0x11000  }
0x17f: {  	[spmem:s2] =	stream.indirect.scatter.add.f32 @p0 [tilespmem:s6], [sflag:$0x7], $0x40, s7, s3, $0xb8;
	[tilespmem:$0x1EE00] =	vst v63  }
0x180: {  	s3 =	simm.s32 @p0 $0x4  }
0x181: {  	_ =	swait.ge @p0 [sflag:s3], $0x2000  }
0x182: {  	[sflag:s3] =	ssyncset.done @p0 $0x0  }
0x183: {  	s6 =	simm.s32 @!p0 $0x500;
	[sflag:s3] =	ssyncadd.s32 @p0 $0xFFFFE000;
	s3 =	simm.s32 @!p0 $0x9000  }
0x184: {  	[tilespmem:s3], [sflag:$0x3] =	stream.indirect.gather @!p0 [hbm4b:s5+s8], $0x40, s6, s8, $0xb8;
	[tilespmem:$0x1EE00] =	vst v63  }
0x185: {  	s3 =	simm.s32 @!p0 $0x7  }
0x186: {  	_ =	swait.ge @!p0 [sflag:s3], $0x2000  }
0x187: {  	[sflag:s3] =	ssyncset.done @!p0 $0x0  }
0x188: {  	s6 =	simm.s32 @!p0 $0x2B00;
	[sflag:s3] =	ssyncadd.s32 @!p0 $0xFFFFE000;
	s3 =	simm.s32 @!p0 $0x11000  }
0x189: {  	[spmem:s2] =	stream.indirect.scatter.add.f32 @!p0 [tilespmem:s3], [sflag:$0x7], $0x40, s6, s8, $0xb8;
	[tilespmem:$0x1EE00] =	vst v63  }
0x18a: {  	s3 =	simm.s32 @!p0 $0x4  }
0x18b: {  	_ =	swait.ge @!p0 [sflag:s3], $0x2000  }
0x18c: {  	[sflag:s3] =	ssyncset.done @!p0 $0x0  }
0x18d: {  	s6 =	simm.s32 @!p0 $0x580;
	[sflag:s3] =	ssyncadd.s32 @!p0 $0xFFFFE000;
	s3 =	simm.s32 @!p0 $0xB000  }
0x18e: {  	[tilespmem:s3], [sflag:$0x4] =	stream.indirect.gather @!p0 [hbm4b:s5+s8], $0x40, s6, s8, $0xb8;
	[tilespmem:$0x1EE00] =	vst v63  }
0x18f: {  	p1 =	por $0x0, $0x0;
	s21 =	simm.s32 $0x2000;
	_ =	swait.ge [sflag:s0], $0x2000  }
0x190: {  	s7 =	simm.s32 $0x1000;
	s3 =	simm.s32 $0x2B80;
	[sflag:s0] =	ssyncset.done $0x0  }
.LBB2_4:
0x191: {  	s6 =	simm.s32 @!p1 $0x5  }
0x192: {  	[sflag:s0] =	ssyncadd.s32 $0xFFFFE000;
	s10 =	smov.u32 s21;
	s21 =	sadd.s32 $0x1000, s21  }
0x193: {  	[spmem:s2] =	stream.indirect.scatter.add.f32 [tilespmem:s30], [sflag:$0x8], $0x40, s3, s16, $0xb8;
	[tilespmem:$0x1EE00] =	vst v63  }
0x194: {  	p0 =	sne.s32 s21, $0xA000;
	_ =	swait.ge @!p1 [sflag:s6], $0x2000  }
0x195: {  	s9 =	sshra.s32 s7, $0x2;
	[sflag:s6] =	ssyncset.done @!p1 $0x0  }
0x196: {  	s3 =	sadd.s32 $0x200, s9;
	[sflag:s6] =	ssyncadd.s32 @!p1 $0xFFFFE000  }
0x197: {  	[tilespmem:s23], [sflag:$0x5] =	stream.indirect.gather [hbm4b:s5+s16], $0x40, s3, s16, $0xb8;
	[tilespmem:$0x1EE00] =	vst v63  }
0x198: {  	_ =	swait.ge [sflag:s24], $0x2000  }
0x199: {  	[sflag:s24] =	ssyncset.done $0x0  }
0x19a: {  	s6 =	simm.s32 @!p1 $0x6;
	s3 =	sadd.s32 $0x2800, s9;
	[sflag:s24] =	ssyncadd.s32 $0xFFFFE000  }
0x19b: {  	[spmem:s2] =	stream.indirect.scatter.add.f32 [tilespmem:s17], [sflag:$0x1], $0x40, s3, s16, $0xb8;
	[tilespmem:$0x1EE00] =	vst v63  }
0x19c: {  	_ =	swait.ge @!p1 [sflag:s6], $0x2000  }
0x19d: {  	[sflag:s6] =	ssyncset.done @!p1 $0x0  }
0x19e: {  	s3 =	sadd.s32 $0x280, s9;
	[sflag:s6] =	ssyncadd.s32 @!p1 $0xFFFFE000  }
0x19f: {  	[tilespmem:s25], [sflag:$0x6] =	stream.indirect.gather [hbm4b:s5+s16], $0x40, s3, s16, $0xb8;
	[tilespmem:$0x1EE00] =	vst v63  }
0x1a0: {  	_ =	swait.ge [sflag:s26], $0x2000  }
0x1a1: {  	[sflag:s26] =	ssyncset.done $0x0  }
0x1a2: {  	s6 =	simm.s32 @!p1 $0x7;
	s3 =	sadd.s32 $0x2880, s9;
	[sflag:s26] =	ssyncadd.s32 $0xFFFFE000  }
0x1a3: {  	[spmem:s2] =	stream.indirect.scatter.add.f32 [tilespmem:s18], [sflag:$0x2], $0x40, s3, s16, $0xb8;
	[tilespmem:$0x1EE00] =	vst v63  }
0x1a4: {  	_ =	swait.ge @!p1 [sflag:s6], $0x2000  }
0x1a5: {  	[sflag:s6] =	ssyncset.done @!p1 $0x0  }
0x1a6: {  	s3 =	sadd.s32 $0x300, s9;
	[sflag:s6] =	ssyncadd.s32 @!p1 $0xFFFFE000  }
0x1a7: {  	[tilespmem:s28], [sflag:$0x7] =	stream.indirect.gather [hbm4b:s5+s16], $0x40, s3, s16, $0xb8;
	[tilespmem:$0x1EE00] =	vst v63  }
0x1a8: {  	_ =	swait.ge [sflag:s29], $0x2000  }
0x1a9: {  	[sflag:s29] =	ssyncset.done $0x0  }
0x1aa: {  	s6 =	simm.s32 @!p1 $0x8;
	s3 =	sadd.s32 $0x2900, s9;
	[sflag:s29] =	ssyncadd.s32 $0xFFFFE000  }
0x1ab: {  	[spmem:s2] =	stream.indirect.scatter.add.f32 [tilespmem:s20], [sflag:$0x3], $0x40, s3, s16, $0xb8;
	[tilespmem:$0x1EE00] =	vst v63  }
0x1ac: {  	_ =	swait.ge @!p1 [sflag:s6], $0x2000  }
0x1ad: {  	[sflag:s6] =	ssyncset.done @!p1 $0x0  }
0x1ae: {  	s3 =	sadd.s32 $0x380, s9;
	[sflag:s6] =	ssyncadd.s32 @!p1 $0xFFFFE000  }
0x1af: {  	[tilespmem:s30], [sflag:$0x8] =	stream.indirect.gather [hbm4b:s5+s16], $0x40, s3, s16, $0xb8;
	[tilespmem:$0x1EE00] =	vst v63  }
0x1b0: {  	_ =	swait.ge [sflag:s31], $0x2000  }
0x1b1: {  	[sflag:s31] =	ssyncset.done $0x0  }
0x1b2: {  	s3 =	sadd.s32 $0x2980, s9;
	[sflag:s31] =	ssyncadd.s32 $0xFFFFE000  }
0x1b3: {  	[spmem:s2] =	stream.indirect.scatter.add.f32 [tilespmem:s22], [sflag:$0x4], $0x40, s3, s16, $0xb8;
	[tilespmem:$0x1EE00] =	vst v63  }
0x1b4: {  	_ =	swait.ge [sflag:s24], $0x2000  }
0x1b5: {  	p1 =	seq.s32 s7, $0x9000;
	[sflag:s24] =	ssyncset.done $0x0  }
0x1b6: {  	s6 =	sshra.s32 @p1 s7, $0x2;
	s3 =	simm.s32 @p1 $0x5;
	[sflag:s24] =	ssyncadd.s32 $0xFFFFE000  }
0x1b7: {  	s8 =	sadd.s32 @p1 $0x2A00, s6;
	s11 =	sadd.s32 @p1 $0x2B00, s6;
	_ =	swait.ge @p1 [sflag:s3], $0x2000  }
0x1b8: {  	s6 =	simm.s32 @p1 $0x2;
	[sflag:s3] =	ssyncset.done @p1 $0x0  }
0x1b9: {  	s12 =	simm.s32 @p1 $0xD000;
	[sflag:s3] =	ssyncadd.s32 @p1 $0xFFFFE000;
	s3 =	simm.s32 @p1 $0x80  }
0x1ba: {  	[spmem:s2] =	stream.indirect.scatter.add.f32 @p1 [tilespmem:s12], [sflag:$0x5], $0x40, s8, s3, $0xb8;
	[tilespmem:$0x1EE00] =	vst v63  }
0x1bb: {  	s8 =	sshra.s32 @!p1 s7, $0x2;
	s7 =	smov.u32 s10;
	_ =	swait.ge @p1 [sflag:s6], $0x2000  }
0x1bc: {  	s13 =	simm.s32 @!p1 $0x5;
	s12 =	simm.s32 @!p1 $0x5000;
	[sflag:s6] =	ssyncset.done @p1 $0x0  }
0x1bd: {  	s10 =	simm.s32 @!p1 $0x80;
	[sflag:s6] =	ssyncadd.s32 @p1 $0xFFFFE000;
	s6 =	sadd.s32 @!p1 $0x400, s8  }
0x1be: {  	[tilespmem:s12], [sflag:$0x1] =	stream.indirect.gather @!p1 [hbm4b:s5+s10], $0x40, s6, s10, $0xb8;
	[tilespmem:$0x1EE00] =	vst v63  }
0x1bf: {  	s6 =	sadd.s32 @!p1 $0x480, s8;
	s12 =	sadd.s32 @!p1 $0x500, s8;
	_ =	swait.ge @!p1 [sflag:s13], $0x2000  }
0x1c0: {  	s14 =	simm.s32 @!p1 $0x2;
	s15 =	sadd.s32 @!p1 $0x2B00, s8;
	[sflag:s13] =	ssyncset.done @!p1 $0x0  }
0x1c1: {  	s19 =	simm.s32 @!p1 $0xD000;
	[sflag:s13] =	ssyncadd.s32 @!p1 $0xFFFFE000;
	s13 =	sadd.s32 @!p1 $0x2A00, s8  }
0x1c2: {  	[spmem:s2] =	stream.indirect.scatter.add.f32 @!p1 [tilespmem:s19], [sflag:$0x5], $0x40, s13, s10, $0xb8;
	[tilespmem:$0x1EE00] =	vst v63  }
0x1c3: {  	s8 =	sadd.s32 @!p1 $0x580, s8;
	_ =	swait.ge @!p1 [sflag:s14], $0x2000  }
0x1c4: {  	[sflag:s14] =	ssyncset.done @!p1 $0x0  }
0x1c5: {  	s13 =	simm.s32 @!p1 $0x7000;
	[sflag:s14] =	ssyncadd.s32 @!p1 $0xFFFFE000  }
0x1c6: {  	[tilespmem:s13], [sflag:$0x2] =	stream.indirect.gather @!p1 [hbm4b:s5+s10], $0x40, s6, s10, $0xb8;
	[tilespmem:$0x1EE00] =	vst v63  }
0x1c7: {  	_ =	swait.ge [sflag:s1], $0x2000  }
0x1c8: {  	[sflag:s1] =	ssyncset.done $0x0  }
0x1c9: {  	s6 =	sadd.s32 $0x2A80, s9;
	[sflag:s1] =	ssyncadd.s32 $0xFFFFE000  }
0x1ca: {  	[spmem:s2] =	stream.indirect.scatter.add.f32 [tilespmem:s25], [sflag:$0x6], $0x40, s6, s16, $0xb8;
	[tilespmem:$0x1EE00] =	vst v63  }
0x1cb: {  	_ =	swait.ge [sflag:s29], $0x2000  }
0x1cc: {  	[sflag:s29] =	ssyncset.done $0x0  }
0x1cd: {  	s6 =	simm.s32 @p1 $0x7;
	[sflag:s29] =	ssyncadd.s32 $0xFFFFE000  }
0x1ce: {  	_ =	swait.ge @p1 [sflag:s6], $0x2000  }
0x1cf: {  	[sflag:s6] =	ssyncset.done @p1 $0x0  }
0x1d0: {  	s13 =	simm.s32 @p1 $0x4;
	[sflag:s6] =	ssyncadd.s32 @p1 $0xFFFFE000;
	s6 =	simm.s32 @p1 $0x11000  }
0x1d1: {  	[spmem:s2] =	stream.indirect.scatter.add.f32 @p1 [tilespmem:s6], [sflag:$0x7], $0x40, s11, s3, $0xb8;
	[tilespmem:$0x1EE00] =	vst v63  }
0x1d2: {  	_ =	swait.ge @p1 [sflag:s13], $0x2000  }
0x1d3: {  	[sflag:s13] =	ssyncset.done @p1 $0x0  }
0x1d4: {  	s3 =	simm.s32 @!p1 $0x9000;
	s6 =	simm.s32 @!p1 $0x7;
	[sflag:s13] =	ssyncadd.s32 @p1 $0xFFFFE000  }
0x1d5: {  	[tilespmem:s3], [sflag:$0x3] =	stream.indirect.gather @!p1 [hbm4b:s5+s10], $0x40, s12, s10, $0xb8;
	[tilespmem:$0x1EE00] =	vst v63  }
0x1d6: {  	_ =	swait.ge @!p1 [sflag:s6], $0x2000  }
0x1d7: {  	[sflag:s6] =	ssyncset.done @!p1 $0x0  }
0x1d8: {  	s3 =	simm.s32 @!p1 $0x11000;
	[sflag:s6] =	ssyncadd.s32 @!p1 $0xFFFFE000;
	s6 =	simm.s32 @!p1 $0x4  }
0x1d9: {  	[spmem:s2] =	stream.indirect.scatter.add.f32 @!p1 [tilespmem:s3], [sflag:$0x7], $0x40, s15, s10, $0xb8;
	[tilespmem:$0x1EE00] =	vst v63  }
0x1da: {  	_ =	swait.ge @!p1 [sflag:s6], $0x2000  }
.Ltmp1:
0x1db: {  	[sflag:s6] =	ssyncset.done @!p1 $0x0;
	(pc) =	sbr.rel @p0 .LBB2_4-.Ltmp1, $4  }
0x1dc: {  	s3 =	simm.s32 @!p1 $0xB000;
	[sflag:s6] =	ssyncadd.s32 @!p1 $0xFFFFE000  }
0x1dd: {  	[tilespmem:s3], [sflag:$0x4] =	stream.indirect.gather @!p1 [hbm4b:s5+s10], $0x40, s8, s10, $0xb8;
	[tilespmem:$0x1EE00] =	vst v63  }
0x1de: {  	_ =	swait.ge [sflag:s0], $0x2000  }
0x1df: {  	p1 =	seq.s32 s7, $0x0;
	s3 =	sadd.s32 $0x2B80, s9;
	[sflag:s0] =	ssyncset.done $0x0  }
0x1e0: {  	s6 =	simm.s32 @!p1 $0x5;
	[sflag:s0] =	ssyncadd.s32 $0xFFFFE000  }
0x1e1: {  	[spmem:s2] =	stream.indirect.scatter.add.f32 [tilespmem:s30], [sflag:$0x8], $0x40, s3, s16, $0xb8;
	[tilespmem:$0x1EE00] =	vst v63  }
0x1e2: {  	_ =	swait.ge @!p1 [sflag:s6], $0x2000  }
0x1e3: {  	s9 =	sshra.s32 s7, $0x2;
	[sflag:s6] =	ssyncset.done @!p1 $0x0  }
0x1e4: {  	s12 =	sadd.s32 $0x200, s9;
	[sflag:s6] =	ssyncadd.s32 @!p1 $0xFFFFE000  }
0x1e5: {  	[tilespmem:s23], [sflag:$0x5] =	stream.indirect.gather [hbm4b:s5+s16], $0x40, s12, s16, $0xb8;
	[tilespmem:$0x1EE00] =	vst v63  }
0x1e6: {  	_ =	swait.ge [sflag:s24], $0x2000  }
0x1e7: {  	[sflag:s24] =	ssyncset.done $0x0  }
0x1e8: {  	s13 =	sadd.s32 $0x2800, s9;
	s6 =	simm.s32 @!p1 $0x6;
	[sflag:s24] =	ssyncadd.s32 $0xFFFFE000  }
0x1e9: {  	[spmem:s2] =	stream.indirect.scatter.add.f32 [tilespmem:s17], [sflag:$0x1], $0x40, s13, s16, $0xb8;
	[tilespmem:$0x1EE00] =	vst v63  }
0x1ea: {  	_ =	swait.ge @!p1 [sflag:s6], $0x2000  }
0x1eb: {  	[sflag:s6] =	ssyncset.done @!p1 $0x0  }
0x1ec: {  	s14 =	sadd.s32 $0x280, s9;
	[sflag:s6] =	ssyncadd.s32 @!p1 $0xFFFFE000  }
0x1ed: {  	[tilespmem:s25], [sflag:$0x6] =	stream.indirect.gather [hbm4b:s5+s16], $0x40, s14, s16, $0xb8;
	[tilespmem:$0x1EE00] =	vst v63  }
0x1ee: {  	_ =	swait.ge [sflag:s26], $0x2000  }
0x1ef: {  	[sflag:s26] =	ssyncset.done $0x0  }
0x1f0: {  	s15 =	sadd.s32 $0x2880, s9;
	s6 =	simm.s32 @!p1 $0x7;
	[sflag:s26] =	ssyncadd.s32 $0xFFFFE000  }
0x1f1: {  	[spmem:s2] =	stream.indirect.scatter.add.f32 [tilespmem:s18], [sflag:$0x2], $0x40, s15, s16, $0xb8;
	[tilespmem:$0x1EE00] =	vst v63  }
0x1f2: {  	_ =	swait.ge @!p1 [sflag:s6], $0x2000  }
0x1f3: {  	[sflag:s6] =	ssyncset.done @!p1 $0x0  }
0x1f4: {  	s19 =	sadd.s32 $0x300, s9;
	[sflag:s6] =	ssyncadd.s32 @!p1 $0xFFFFE000  }
0x1f5: {  	[tilespmem:s28], [sflag:$0x7] =	stream.indirect.gather [hbm4b:s5+s16], $0x40, s19, s16, $0xb8;
	[tilespmem:$0x1EE00] =	vst v63  }
0x1f6: {  	_ =	swait.ge [sflag:s29], $0x2000  }
0x1f7: {  	[sflag:s29] =	ssyncset.done $0x0  }
0x1f8: {  	s21 =	sadd.s32 $0x2900, s9;
	s6 =	simm.s32 @!p1 $0x8;
	[sflag:s29] =	ssyncadd.s32 $0xFFFFE000  }
0x1f9: {  	[spmem:s2] =	stream.indirect.scatter.add.f32 [tilespmem:s20], [sflag:$0x3], $0x40, s21, s16, $0xb8;
	[tilespmem:$0x1EE00] =	vst v63  }
0x1fa: {  	_ =	swait.ge @!p1 [sflag:s6], $0x2000  }
0x1fb: {  	[sflag:s6] =	ssyncset.done @!p1 $0x0  }
0x1fc: {  	[sflag:s6] =	ssyncadd.s32 @!p1 $0xFFFFE000;
	s6 =	sadd.s32 $0x380, s9  }
0x1fd: {  	[tilespmem:s30], [sflag:$0x8] =	stream.indirect.gather [hbm4b:s5+s16], $0x40, s6, s16, $0xb8;
	[tilespmem:$0x1EE00] =	vst v63  }
0x1fe: {  	_ =	swait.ge [sflag:s31], $0x2000  }
0x1ff: {  	[sflag:s31] =	ssyncset.done $0x0  }
0x200: {  	s8 =	sadd.s32 $0x2980, s9;
	[sflag:s31] =	ssyncadd.s32 $0xFFFFE000  }
0x201: {  	[spmem:s2] =	stream.indirect.scatter.add.f32 [tilespmem:s22], [sflag:$0x4], $0x40, s8, s16, $0xb8;
	[tilespmem:$0x1EE00] =	vst v63  }
0x202: {  	_ =	swait.ge [sflag:s24], $0x2000  }
0x203: {  	p0 =	seq.s32 s7, $0x9000;
	[sflag:s24] =	ssyncset.done $0x0  }
0x204: {  	s3 =	simm.s32 @p0 $0x5;
	[sflag:s24] =	ssyncadd.s32 $0xFFFFE000  }
0x205: {  	s10 =	simm.s32 @p0 $0x2;
	_ =	swait.ge @p0 [sflag:s3], $0x2000  }
0x206: {  	s11 =	simm.s32 @p0 $0xD000;
	s6 =	sshra.s32 @p0 s7, $0x2;
	[sflag:s3] =	ssyncset.done @p0 $0x0  }
0x207: {  	s8 =	sadd.s32 @p0 $0x2A00, s6;
	[sflag:s3] =	ssyncadd.s32 @p0 $0xFFFFE000;
	s3 =	simm.s32 @p0 $0x80  }
0x208: {  	[spmem:s2] =	stream.indirect.scatter.add.f32 @p0 [tilespmem:s11], [sflag:$0x5], $0x40, s8, s3, $0xb8;
	[tilespmem:$0x1EE00] =	vst v63  }
0x209: {  	_ =	swait.ge @p0 [sflag:s10], $0x2000  }
0x20a: {  	s7 =	sshra.s32 @!p0 s7, $0x2;
	s8 =	simm.s32 @!p0 $0x5000;
	[sflag:s10] =	ssyncset.done @p0 $0x0  }
0x20b: {  	s11 =	simm.s32 @!p0 $0x80;
	[sflag:s10] =	ssyncadd.s32 @p0 $0xFFFFE000;
	s10 =	sadd.s32 @!p0 $0x400, s7  }
0x20c: {  	[tilespmem:s8], [sflag:$0x1] =	stream.indirect.gather @!p0 [hbm4b:s5+s11], $0x40, s10, s11, $0xb8;
	[tilespmem:$0x1EE00] =	vst v63  }
0x20d: {  	s8 =	simm.s32 @!p0 $0x5  }
0x20e: {  	_ =	swait.ge @!p0 [sflag:s8], $0x2000  }
0x20f: {  	[sflag:s8] =	ssyncset.done @!p0 $0x0  }
0x210: {  	s10 =	simm.s32 @!p0 $0xD000;
	[sflag:s8] =	ssyncadd.s32 @!p0 $0xFFFFE000;
	s8 =	sadd.s32 @!p0 $0x2A00, s7  }
0x211: {  	[spmem:s2] =	stream.indirect.scatter.add.f32 @!p0 [tilespmem:s10], [sflag:$0x5], $0x40, s8, s11, $0xb8;
	[tilespmem:$0x1EE00] =	vst v63  }
0x212: {  	s8 =	simm.s32 @!p0 $0x2  }
0x213: {  	_ =	swait.ge @!p0 [sflag:s8], $0x2000  }
0x214: {  	[sflag:s8] =	ssyncset.done @!p0 $0x0  }
0x215: {  	s10 =	sadd.s32 @!p0 $0x480, s7;
	[sflag:s8] =	ssyncadd.s32 @!p0 $0xFFFFE000;
	s8 =	simm.s32 @!p0 $0x7000  }
0x216: {  	[tilespmem:s8], [sflag:$0x2] =	stream.indirect.gather @!p0 [hbm4b:s5+s11], $0x40, s10, s11, $0xb8;
	[tilespmem:$0x1EE00] =	vst v63  }
0x217: {  	_ =	swait.ge [sflag:s1], $0x2000  }
0x218: {  	[sflag:s1] =	ssyncset.done $0x0  }
0x219: {  	s10 =	sadd.s32 $0x2A80, s9;
	[sflag:s1] =	ssyncadd.s32 $0xFFFFE000  }
0x21a: {  	[spmem:s2] =	stream.indirect.scatter.add.f32 [tilespmem:s25], [sflag:$0x6], $0x40, s10, s16, $0xb8;
	[tilespmem:$0x1EE00] =	vst v63  }
0x21b: {  	_ =	swait.ge [sflag:s29], $0x2000  }
0x21c: {  	[sflag:s29] =	ssyncset.done $0x0  }
0x21d: {  	s8 =	simm.s32 @p0 $0x7;
	[sflag:s29] =	ssyncadd.s32 $0xFFFFE000  }
0x21e: {  	_ =	swait.ge @p0 [sflag:s8], $0x2000  }
0x21f: {  	[sflag:s8] =	ssyncset.done @p0 $0x0  }
0x220: {  	s6 =	sadd.s32 @p0 $0x2B00, s6;
	[sflag:s8] =	ssyncadd.s32 @p0 $0xFFFFE000;
	s8 =	simm.s32 @p0 $0x11000  }
0x221: {  	[spmem:s2] =	stream.indirect.scatter.add.f32 @p0 [tilespmem:s8], [sflag:$0x7], $0x40, s6, s3, $0xb8;
	[tilespmem:$0x1EE00] =	vst v63  }
0x222: {  	s3 =	simm.s32 @p0 $0x4  }
0x223: {  	_ =	swait.ge @p0 [sflag:s3], $0x2000  }
0x224: {  	[sflag:s3] =	ssyncset.done @p0 $0x0  }
0x225: {  	s6 =	sadd.s32 @!p0 $0x500, s7;
	[sflag:s3] =	ssyncadd.s32 @p0 $0xFFFFE000;
	s3 =	simm.s32 @!p0 $0x9000  }
0x226: {  	[tilespmem:s3], [sflag:$0x3] =	stream.indirect.gather @!p0 [hbm4b:s5+s11], $0x40, s6, s11, $0xb8;
	[tilespmem:$0x1EE00] =	vst v63  }
0x227: {  	s3 =	simm.s32 @!p0 $0x7  }
0x228: {  	_ =	swait.ge @!p0 [sflag:s3], $0x2000  }
0x229: {  	[sflag:s3] =	ssyncset.done @!p0 $0x0  }
0x22a: {  	s6 =	sadd.s32 @!p0 $0x2B00, s7;
	[sflag:s3] =	ssyncadd.s32 @!p0 $0xFFFFE000;
	s3 =	simm.s32 @!p0 $0x11000  }
0x22b: {  	[spmem:s2] =	stream.indirect.scatter.add.f32 @!p0 [tilespmem:s3], [sflag:$0x7], $0x40, s6, s11, $0xb8;
	[tilespmem:$0x1EE00] =	vst v63  }
0x22c: {  	s3 =	simm.s32 @!p0 $0x4  }
0x22d: {  	_ =	swait.ge @!p0 [sflag:s3], $0x2000  }
0x22e: {  	[sflag:s3] =	ssyncset.done @!p0 $0x0  }
0x22f: {  	s6 =	sadd.s32 @!p0 $0x580, s7;
	[sflag:s3] =	ssyncadd.s32 @!p0 $0xFFFFE000;
	s3 =	simm.s32 @!p0 $0xB000  }
0x230: {  	[tilespmem:s3], [sflag:$0x4] =	stream.indirect.gather @!p0 [hbm4b:s5+s11], $0x40, s6, s11, $0xb8;
	[tilespmem:$0x1EE00] =	vst v63  }
0x231: {  	_ =	swait.ge [sflag:s0], $0x2000  }
0x232: {  	[sflag:s0] =	ssyncset.done $0x0  }
0x233: {  	s12 =	sadd.s32 $0x2B80, s9;
	s13 =	simm.s32 $0x5;
	[sflag:s0] =	ssyncadd.s32 $0xFFFFE000  }
0x234: {  	[spmem:s2] =	stream.indirect.scatter.add.f32 [tilespmem:s30], [sflag:$0x8], $0x40, s12, s16, $0xb8;
	[tilespmem:$0x1EE00] =	vst v63  }
0x235: {  	_ =	swait.ge [sflag:s13], $0x2000  }
0x236: {  	[sflag:s13] =	ssyncset.done $0x0  }
0x237: {  	[sflag:s13] =	ssyncadd.s32 $0xFFFFE000  }
0x238: {  	_ =	swait.ge [sflag:s1], $0x2000  }
0x239: {  	[sflag:s1] =	ssyncset.done $0x0  }
0x23a: {  	s14 =	simm.s32 $0x7;
	[sflag:s1] =	ssyncadd.s32 $0xFFFFE000  }
0x23b: {  	_ =	swait.ge [sflag:s14], $0x2000  }
0x23c: {  	[sflag:s14] =	ssyncset.done $0x0  }
0x23d: {  	[sflag:s14] =	ssyncadd.s32 $0xFFFFE000  }
0x23e: {  	_ =	swait.ge [sflag:s0], $0x2000  }
0x23f: {  	[sflag:s0] =	ssyncset.done $0x0  }
0x240: {  	[sflag:s0] =	ssyncadd.s32 $0xFFFFE000  }
0x241: {  	[bflag:$0x0] =	sbarrier.arrive $0xFFFF  }
0x242: {  	s15 =	rddreg [dreg:$0x7]  }
0x243: {  	s9 =	rddreg [dreg:$0x9]  }
0x244: {  	s7 =	simm.s32 $0x9;
	s10 =	rddreg [dreg:$0xa]  }
0x245: {  	[hbm:s15], [sflag:s9] =	dma.local [spmem:s10], $0x13C0  }
0x246: {  	_ =	swait.ge [sflag:s7], $0x13C0  }
0x247: {  	s19 =	rddreg [dreg:$0xb]  }
0x248: {  	s21 =	rddreg [dreg:$0x8];
	s6 =	sadd.s32 $0x1, s19  }
0x249: {  	p0 =	sne.s32 s6, s21  }
.Ltmp2:
0x24a: {  	_ = 	snop;
	(pc) =	sbr.rel @p0 .LBB2_1-.Ltmp2, $3  }
0x24b: {  	_ =	sdelay $0x1  }
0x24c: {  	[sflag:s7] =	ssyncset.done $0x0  }
0x24d: {  	[sflag:s7] =	ssyncadd.s32 $0xFFFFEC40  }
0x24e: {  	_ =	sfence.sel $0x180000  }
0x24f: {  	[bflag:$0x0] =	sbarrier.arrive $0xFFFF  }
0x250: {  	_ =	strace $0x9000004A  }
0x251: {  	s0 =	stileid.u32;
	[bflag:$0x2] =	sbarrier.arrive $0xFFFF  }
0x252: {  	p0 =	sne.s32 s0, $0x0;
	s0 =	rddreg [dreg:$0x2]  }
0x253: {  	s0 =	sadd.s32 @!p0 $0x100000, s0  }
0x254: {  	[sflag:s0] =	ssyncadd.tile.s32 @!p0 $0x1;
	_ =	shalt  }
.Lfunc_end2:
_tile_overlayer_lowered:
.L_overlay_start_2:
0x255: {  	(tag) =	ssettag $0x2  }
0x256: {  	s0 =	rddreg [dreg:$0x0];
	s2 =	stileid.u32  }
0x257: {  	s1 =	rddreg [dreg:$0x1];
	p0 =	sne.s32 s2, $0x0  }
0x258: {  	s3 =	rddreg [dreg:$0x2];
	[bflag:$0x3] =	sbarrier.arrive $0xFFFF;
	s2 =	simm.s32 @!p0 $0x1C09  }
0x259: {  	[timem:s3], [sflag:s2] =	dma.local @!p0 [hbm:s0], s1  }
0x25a: {  	s0 =	simm.s32 @!p0 $0x9  }
0x25b: {  	_ =	swait.ge @!p0 [sflag:s0], s1  }
0x25c: {  	s1 =	ssub.s32 @!p0 $0x0, s1;
	[sflag:s0] =	ssyncset.done @!p0 $0x0  }
0x25d: {  	[sflag:s0] =	ssyncadd.s32 @!p0 s1  }
0x25e: {  	[bflag:$0x3] =	sbarrier.arrive $0xFFFF  }
0x25f: {  	_ =	shalt  }

// kernel: kernel.7.cloned.1.call-start
scs
__scs_entry_jumppad:
0x0: {  	(pc) =	sbr.rel $0x88, $3  }
0x1: {  	(tag) =	ssettag $0x0;
	lr =	simm.s32 $0x1  }
0x2: {  	[smem:$0x3F8D] =	sst lr;
	_ =	strace $0xD0000000  }
0x3: {  	_ = 	snop  }
0x4: {  	_ = 	snop  }
0x5: {  	_ = 	snop  }
0x6: {  	_ = 	snop  }
0x7: {  	_ = 	snop  }
__scs_overlays_trampoline_lowered:
0x8: {  	[smem:$0x3F9C] =	sst s0  }
0x9: {  	[smem:$0x3F9D] =	sst s1  }
0xa: {  	[smem:$0x3F9E] =	sst s2  }
0xb: {  	[smem:$0x3F9F] =	sst s3  }
0xc: {  	[smem:$0x3FA0] =	sst s4  }
0xd: {  	[smem:$0x3FA1] =	sst s5  }
0xe: {  	[smem:$0x3FA2] =	sst s6  }
0xf: {  	[smem:$0x3FA3] =	sst s7  }
0x10: {  	[smem:$0x3FA4] =	sst s8  }
0x11: {  	[smem:$0x3FA5] =	sst s9;
	s0 =	simm.s32 @!p0 $0x0  }
0x12: {  	s1 =	sld [smem:$0x3F8B];
	s0 =	simm.s32 @p0 $0x1  }
0x13: {  	[smem:$0x3FA6] =	sst s0;
	s0 =	simm.s32 @!p1 $0x0  }
0x14: {  	s2 =	sld [smem:$0x3F8A];
	s0 =	simm.s32 @p1 $0x1  }
0x15: {  	[smem:$0x3FA7] =	sst s0;
	s0 =	simm.s32 @!p2 $0x0  }
0x16: {  	s3 =	sld [smem:$0x3FDB];
	s0 =	simm.s32 @p2 $0x1  }
0x17: {  	s4 =	simm.s32 $0x1BF5;
	[smem:$0x3FA9] =	sst s0  }
0x18: {  	s0 =	sld [smem:$0x3F8C];
	_ =	swait.ge [sflag:s4], $0x0  }
0x19: {  	s7 =	sld [smem:$0x3F8D]  }
0x1a: {  	s8 =	sadd.s32 $0xFFFFE003, lr  }
0x1b: {  	s9 =	sadd.s32 $0xFFFFFEF7, lr;
	s5 =	simm.s32 $0xFFFFFFFF;
	p2 =	slt.u32 s8, $0xFFFFF086  }
0x1c: {  	p1 =	slt.u32 s9, $0xF7A;
	s5 =	simm.s32 @!p2 $0x0  }
0x1d: {  	s5 =	simm.s32 @p1 $0x1;
	p0 =	seq.s32 s7, s2  }
0x1e: {  	s7 =	smul.u32 @!p0 $0xF7A, s2;
	p2 =	seq.s32 @!p0 s5, $0x0  }
0x1f: {  	s9 =	smul.u32 $0xF7A, s1;
	s8 =	simm.s32 @!p0 $0x1BF5;
	p2 =	por !p2, p0  }
0x20: {  	[sflag:s8] =	ssyncset.s32 @!p0 $0xFFFFF086;
	s6 =	sadd.s32 @!p0 s3, s7;
	s7 =	simm.s32 @!p0 $0x108  }
0x21: {  	s3 =	sadd.s32 s3, s9;
	s6 =	sadd.s32 @!p0 $0x88, s6;
	s7 =	simm.s32 @p2 $0x1082  }
0x22: {  	[simem:s7], [sflag:s8] =	dma.local @!p0 [hbm:s6], $0xF7A  }
0x23: {  	s9 =	sor.u32 $0xD0000000, s2;
	s6 =	simm.s32 $0x108;
	_ =	swait.ge @!p0 [sflag:s8], $0x0  }
0x24: {  	s3 =	sadd.s32 $0x88, s3;
	s6 =	simm.s32 @!p1 $0x1082;
	[sflag:s4] =	ssyncset.s32 $0xFFFFF086  }
0x25: {  	[simem:s6], [sflag:s4] =	dma.local [hbm:s3], $0xF7A  }
0x26: {  	[smem:$0x3F8D] =	sst s1;
	(tag) =	ssettag s2;
	_ =	strace s9  }
0x27: {  	s1 =	sld [smem:$0x3F9D]  }
0x28: {  	s2 =	sld [smem:$0x3F9E]  }
0x29: {  	s4 =	sld [smem:$0x3FA0]  }
0x2a: {  	p0 =	seq.s32 s5, $0x0;
	s5 =	sld [smem:$0x3FA1]  }
0x2b: {  	s6 =	sld [smem:$0x3FA2]  }
0x2c: {  	s7 =	sld [smem:$0x3FA3]  }
0x2d: {  	s3 =	simm.s32 $0x108;
	s8 =	sld [smem:$0x3FA4]  }
0x2e: {  	s3 =	simm.s32 @!p0 $0x1082;
	s9 =	sld [smem:$0x3FA5]  }
0x2f: {  	lr =	sadd.s32 s0, s3;
	s0 =	sld [smem:$0x3F9C]  }
0x30: {  	s3 =	sld [smem:$0x3F9F]  }
0x31: {  	[smem:$0x3FA8] =	sst s10  }
0x32: {  	s10 =	sld [smem:$0x3FA6];
	_ =	sdelay $0x3  }
0x33: {  	p0 =	seq.s32 s10, $0x1;
	s10 =	sld [smem:$0x3FA8];
	_ =	sdelay $0x3  }
0x34: {  	[smem:$0x3FA8] =	sst s10  }
0x35: {  	s10 =	sld [smem:$0x3FA7];
	_ =	sdelay $0x3  }
0x36: {  	p1 =	seq.s32 s10, $0x1;
	s10 =	sld [smem:$0x3FA8];
	_ =	sdelay $0x3  }
0x37: {  	[smem:$0x3FA8] =	sst s10  }
0x38: {  	s10 =	sld [smem:$0x3FA9]  }
0x39: {  	_ = 	snop;
	(pc) =	sbr.ind lr, $3  }
0x3a: {  	_ = 	snop  }
0x3b: {  	_ = 	snop  }
0x3c: {  	p2 =	seq.s32 s10, $0x1;
	s10 =	sld [smem:$0x3FA8]  }
0x3d: {  	_ =	shalt  }
0x3e: {  	_ =	shalt  }
0x3f: {  	_ =	shalt  }
0x40: {  	_ =	shalt  }
0x41: {  	_ =	shalt  }
0x42: {  	_ =	shalt  }
0x43: {  	_ =	shalt  }
0x44: {  	_ =	shalt  }
0x45: {  	_ =	shalt  }
0x46: {  	_ =	shalt  }
0x47: {  	_ =	shalt  }
0x48: {  	_ =	shalt  }
0x49: {  	_ =	shalt  }
0x4a: {  	_ =	shalt  }
0x4b: {  	_ =	shalt  }
0x4c: {  	_ =	shalt  }
0x4d: {  	_ =	shalt  }
0x4e: {  	_ =	shalt  }
0x4f: {  	_ =	shalt  }
0x50: {  	_ =	shalt  }
0x51: {  	_ =	shalt  }
0x52: {  	_ =	shalt  }
0x53: {  	_ =	shalt  }
0x54: {  	_ =	shalt  }
0x55: {  	_ =	shalt  }
0x56: {  	_ =	shalt  }
0x57: {  	_ =	shalt  }
0x58: {  	_ =	shalt  }
0x59: {  	_ =	shalt  }
0x5a: {  	_ =	shalt  }
0x5b: {  	_ =	shalt  }
0x5c: {  	_ =	shalt  }
0x5d: {  	_ =	shalt  }
0x5e: {  	_ =	shalt  }
0x5f: {  	_ =	shalt  }
0x60: {  	_ =	shalt  }
0x61: {  	_ =	shalt  }
0x62: {  	_ =	shalt  }
0x63: {  	_ =	shalt  }
0x64: {  	_ =	shalt  }
0x65: {  	_ =	shalt  }
0x66: {  	_ =	shalt  }
0x67: {  	_ =	shalt  }
0x68: {  	_ =	shalt  }
0x69: {  	_ =	shalt  }
0x6a: {  	_ =	shalt  }
0x6b: {  	_ =	shalt  }
0x6c: {  	_ =	shalt  }
0x6d: {  	_ =	shalt  }
0x6e: {  	_ =	shalt  }
0x6f: {  	_ =	shalt  }
0x70: {  	_ =	shalt  }
0x71: {  	_ =	shalt  }
0x72: {  	_ =	shalt  }
0x73: {  	_ =	shalt  }
0x74: {  	_ =	shalt  }
0x75: {  	_ =	shalt  }
0x76: {  	_ =	shalt  }
0x77: {  	_ =	shalt  }
0x78: {  	_ =	shalt  }
0x79: {  	_ =	shalt  }
0x7a: {  	_ =	shalt  }
0x7b: {  	_ =	shalt  }
0x7c: {  	_ =	shalt  }
0x7d: {  	_ =	shalt  }
0x7e: {  	_ =	shalt  }
0x7f: {  	_ =	shalt  }
0x80: {  	_ =	shalt  }
0x81: {  	_ =	shalt  }
0x82: {  	_ =	shalt  }
0x83: {  	_ =	shalt  }
0x84: {  	_ =	shalt  }
0x85: {  	_ =	shalt  }
0x86: {  	_ =	shalt  }
0x87: {  	_ =	shalt  }
.Lfunc_end0:
.L_simem_size_0:
called_computation_lowered:
.L_overlay_start_0:
0x88: {  	s2 =	sld [smem:$0x3FD9]  }
0x89: {  	s3 =	sld [smem:$0x3FFE];
	_ =	sdelay $0x1  }
0x8a: {  	s1 =	srdreg.scid  }
0x8b: {  	s0 =	sand.u32 $0x1, s1  }
0x8c: {  	s16 =	sshll.u32 s0, $0xA;
	s2 =	sadd.s32 s3, s2  }
0x8d: {  	s2 =	sadd.s32 s2, s16  }
0x8e: {  	[smem:$0x3FB4] =	sst s2  }
0x8f: {  	_ = 	snop  }
0x90: {  	(tm) =	ssettm $0x1  }
0x91: {  	s17 =	sld [smem:$0x3FFB];
	_ =	sdelay $0x3  }
0x92: {  	_ =	strace s17  }
0x93: {  	s2 =	sld [smem:$0x3FFC];
	_ =	sdelay $0x3  }
0x94: {  	_ =	strace s2  }
0x95: {  	s2 =	sld [smem:$0x3FFD];
	_ =	sdelay $0x3  }
0x96: {  	_ =	strace s2  }
0x97: {  	_ =	strace $0x8FFFFFFF  }
0x98: {  	s18 =	sld [smem:$0x3FDB];
	_ =	sdelay $0x1  }
0x99: {  	s19 =	simm.s32 $_scs_section_size  }
0x9a: {  	s4 =	simm.s32 $_size__tile_overlayer_lowered;
	s5 =	simm.s32 $_tile_overlayer_lowered  }
0x9b: {  	s22 =	simm.s32 $0x1BFF;
	s21 =	sshll.u32 s5, $0x1;
	s2 =	sadd.s32 s19, s18  }
0x9c: {  	s6 =	simm.s32 $0x0;
	s20 =	sshll.u32 s4, $0x1;
	s4 =	sadd.s32 s21, s2  }
0x9d: {  	[timem:s6], [sflag:s22] =	dma.local [hbm:s4], s20  }
0x9e: {  	_ =	swait.ge [sflag:s22], s20  }
0x9f: {  	s3 =	ssub.s32 $0x0, s20;
	[sflag:s22] =	ssyncset.done $0x0  }
0xa0: {  	[sflag:s22] =	ssyncadd.s32 s3;
	_ =	sdelay $0x1  }
0xa1: {  	s23 =	simm.s32 $0x1B8B  }
0xa2: {  	_ =	swait.ge [sflag:s23], $0x1  }
0xa3: {  	[sflag:s23] =	ssyncset.done $0x0  }
0xa4: {  	s25 =	simm.s32 $0x1B8E;
	s24 =	sld [smem:$0x3FFE];
	[sflag:s23] =	ssyncadd.s32 $0xFFFFFFFF  }
0xa5: {  	s26 =	simm.s32 $execute0_lowered;
	[smem:$0x3FD2] =	sst s25  }
0xa6: {  	s4 =	sshll.u32 s26, $0x1;
	_ =	strace $0x80000046;
	[dreg:$0x1] =	wrdreg $0xFFFFFFFF  }
0xa7: {  	s28 =	simm.s32 $_size_execute0_lowered;
	s2 =	sadd.s32 s2, s4;
	[dreg:$0x0] =	wrdreg $0x0  }
0xa8: {  	s4 =	sshll.u32 s28, $0x1;
	[dreg:$0x2] =	wrdreg s2  }
0xa9: {  	[dreg:$0x3] =	wrdreg s4  }
0xaa: {  	[dreg:$0x4] =	wrdreg $0xC0  }
0xab: {  	_ =	task [dreg:s6], $0x5FFFF  }
0xac: {  	[dreg:$0x1] =	wrdreg $0xFFFFFFFF  }
0xad: {  	[dreg:$0x0] =	wrdreg $0x60  }
0xae: {  	[dreg:$0x2] =	wrdreg s24  }
0xaf: {  	[dreg:$0x3] =	wrdreg $0xB0000  }
0xb0: {  	[dreg:$0x4] =	wrdreg $0x9  }
0xb1: {  	_ =	task.clear_ibuf [dreg:s6], $0x5FFFF;
	_ =	strace $0x90000046  }
0xb2: {  	s29 =	simm.s32 $0x9;
	_ =	strace $0x80000048  }
0xb3: {  	_ =	swait.ge [sflag:s29], $0x1  }
0xb4: {  	[sflag:s29] =	ssyncadd.s32 $0xFFFFFFFF  }
0xb5: {  	_ =	strace $0x90000048  }
0xb6: {  	_ =	sfence  }
0xb7: {  	s30 =	sld [smem:$0x0];
	_ =	sdelay $0x2  }
0xb8: {  	s31 =	sshll.u32 s1, $0xD;
	s1 =	sshrl.u32 s1, $0x2  }
0xb9: {  	s3 =	sand.u32 $0x4000, s31;
	s1 =	sadd.s32 s1, s30  }
0xba: {  	s0 =	sor.u32 s3, s0;
	s1 =	sshll.u32 s1, $0x11  }
0xbb: {  	s0 =	sor.u32 s1, s0  }
0xbc: {  	s0 =	sadd.s32 $0x8F2B, s0  }
0xbd: {  	[sflag:s0] =	ssyncadd.remote.s32 $0x1  }
0xbe: {  	_ =	sfence.sel $0xFFFF  }
0xbf: {  	[dreg:$0x0] =	wrdreg $0xFFFFFFFF;
	(pc) =	sbr.abs _section_cstart, $3  }
0xc0: {  	[dreg:$0x1] =	wrdreg $0xFFFFFFFF  }
0xc1: {  	_ =	task.clear_ibuf [dreg:s6], $0x2FFFF;
	_ =	strace $0x9FFFFFFF  }
0xc2: {  	(tm) =	ssettm $0x7FFFFFFF  }
0xc3: {  	_ =	shalt  }
tec
execute0_lowered:
.L_overlay_start_1:
0x0: {  	(tag) =	ssettag $0x1  }
0x1: {  	s0 =	srdreg.scid;
	s5 =	rddreg [dreg:$0x0]  }
0x2: {  	s3 =	stileid.u32;
	s2 =	rddreg [dreg:$0x1]  }
0x3: {  	s4 =	simm.s32 $0x0;
	s10 =	simm.s32 $0x9;
	s14 =	simm.s32 $0x80  }
0x4: {  	s15 =	simm.s32 $0x5000;
	s16 =	simm.s32 $0x5C00;
	s18 =	simm.s32 $0x6800  }
0x5: {  	s30 =	simm.s32 $0x8000;
	s20 =	simm.s32 $0x7400;
	s21 =	simm.s32 $0x1  }
0x6: {  	s22 =	simm.s32 $0x8C00;
	s31 =	simm.s32 $0x9800;
	s28 =	simm.s32 $0x6  }
0x7: {  	s29 =	simm.s32 $0x8;
	s0 =	sand.u32 $0x1, s0;
	s1 =	sshll.u32 s3, $0x1  }
0x8: {  	s6 =	smul.u32 $0x3B40, s3;
	[smem:$0x7FF] =	sst s4;
	s4 =	sadd.s32 $0x3A00, s5  }
0x9: {  	s26 =	sshll.u32 s3, $0x6;
	s1 =	sor.u32 s0, s1;
	s7 =	smul.u32 $0x3B400, s0  }
0xa: {  	_ =	strace $0x80000047;
	s0 =	ssub.s32 $0x2, s0;
	[dreg:$0x3] =	wrdreg s30  }
0xb: {  	[dreg:$0x4] =	wrdreg s31;
	s1 =	smul.u32 $0x500, s1;
	s8 =	sshrl.u32 s6, $0x3  }
0xc: {  	s9 =	sshrl.u32 s0, $0x1;
	s24 =	sadd.s32 s6, s2;
	s7 =	sadd.s32 s6, s7  }
0xd: {  	s8 =	sadd.s32 s8, s5;
	s0 =	ssub.s32 s0, s9;
	s6 =	sor.u32 $0x1C09, s26  }
0xe: {  	s26 =	simm.s32 $0x4;
	s25 =	sadd.s32 $0x1F000, s8;
	[dreg:$0xa] =	wrdreg s6  }
0xf: {  	s1 =	sadd.s32 s1, s5;
	s0 =	smax.u32 s0, $0x1;
	[dreg:$0x7] =	wrdreg s25  }
0x10: {  	s7 =	sshrl.u32 s7, $0x3;
	s23 =	sadd.s32 $0xB000, s1;
	[dreg:$0x9] =	wrdreg s0  }
0x11: {  	s5 =	sadd.s32 s7, s5;
	s1 =	sadd.s32 $0x15000, s1;
	[dreg:$0x5] =	wrdreg s23  }
0x12: {  	s7 =	sshrl.u32 s24, $0x3;
	s24 =	simm.s32 $0x3;
	[dreg:$0x6] =	wrdreg s1  }
0x13: {  	s25 =	simm.s32 $0xA400;
	s5 =	sadd.s32 $0x26800, s5;
	[dreg:$0xb] =	wrdreg s7  }
0x14: {  	s23 =	simm.s32 $0x2;
	s1 =	simm.s32 $0x0;
	[dreg:$0x8] =	wrdreg s5  }
.LBB2_1:
0x15: {  	s0 =	simm.s32 $0x0;
	s3 =	rddreg [dreg:$0x5]  }
0x16: {  	[tilespmem:s0], [sflag:$0x9] =	stream.linear.gather [hbm4b:s3+s0], $0x2800, $0x38;
	[tilespmem:$0xEB40] =	vst v63  }
0x17: {  	_ =	swait.ge [sflag:s10], $0x2800  }
0x18: {  	[sflag:s10] =	ssyncset.done $0x0  }
0x19: {  	s5 =	simm.s32 $0x2800;
	s30 =	rddreg [dreg:$0x6];
	[sflag:s10] =	ssyncadd.s32 $0xFFFFD800  }
0x1a: {  	[tilespmem:s5], [sflag:$0x9] =	stream.linear.gather [hbm4b:s30+s0], $0x2800, $0x38;
	[tilespmem:$0xEB40] =	vst v63  }
0x1b: {  	_ =	swait.ge [sflag:s10], $0x2800  }
0x1c: {  	[sflag:s10] =	ssyncset.done $0x0  }
0x1d: {  	s31 =	rddreg [dreg:$0x7];
	[sflag:s10] =	ssyncadd.s32 $0xFFFFD800  }
0x1e: {  	[spmem:s7], [sflag:s6] =	dma.local [hbm:s31], $0x768  }
0x1f: {  	_ =	swait.ge [sflag:s10], $0x768  }
0x20: {  	[sflag:s10] =	ssyncset.done $0x0  }
0x21: {  	[sflag:s10] =	ssyncadd.s32 $0xFFFFF898  }
0x22: {  	[bflag:$0x0] =	sbarrier.arrive $0xFFFF  }
0x23: {  	[tilespmem:s15], [sflag:$0x1] =	stream.indirect.gather [hbm4b:s4+s14], $0x18, s0, s14, $0xb8;
	[tilespmem:$0xEB40] =	vst v63  }
0x24: {  	_ = 	snop  }
0x25: {  	[tilespmem:s16], [sflag:$0x2] =	stream.indirect.gather [hbm4b:s4+s14], $0x18, s14, s14, $0xb8;
	[tilespmem:$0xEB40] =	vst v63  }
0x26: {  	p0 =	por $0x1, $0x1;
	s3 =	simm.s32 $0x100  }
0x27: {  	[tilespmem:s18], [sflag:$0x3] =	stream.indirect.gather [hbm4b:s4+s14], $0x18, s3, s14, $0xb8;
	[tilespmem:$0xEB40] =	vst v63  }
0x28: {  	s5 =	simm.s32 $0x180;
	s0 =	simm.s32 @!p0 $0x5  }
0x29: {  	[tilespmem:s20], [sflag:$0x4] =	stream.indirect.gather [hbm4b:s4+s14], $0x18, s5, s14, $0xb8;
	[tilespmem:$0xEB40] =	vst v63  }
0x2a: {  	_ =	swait.ge @!p0 [sflag:s0], $0xC00  }
0x2b: {  	[sflag:s0] =	ssyncset.done @!p0 $0x0  }
0x2c: {  	s7 =	simm.s32 $0x200;
	s6 =	rddreg [dreg:$0x3];
	[sflag:s0] =	ssyncadd.s32 @!p0 $0xFFFFF400  }
0x2d: {  	[tilespmem:s6], [sflag:$0x5] =	stream.indirect.gather [hbm4b:s4+s14], $0x18, s7, s14, $0xb8;
	[tilespmem:$0xEB40] =	vst v63  }
0x2e: {  	_ =	swait.ge [sflag:s21], $0xC00  }
0x2f: {  	[sflag:s21] =	ssyncset.done $0x0  }
0x30: {  	s8 =	simm.s32 $0x2800;
	s5 =	simm.s32 @!p0 $0x6;
	[sflag:s21] =	ssyncadd.s32 $0xFFFFF400  }
0x31: {  	[spmem:s2] =	stream.indirect.scatter.add.f32 [tilespmem:s15], [sflag:$0x1], $0x18, s8, s14, $0xb8;
	[tilespmem:$0xEB40] =	vst v63  }
0x32: {  	_ =	swait.ge @!p0 [sflag:s5], $0xC00  }
0x33: {  	[sflag:s5] =	ssyncset.done @!p0 $0x0  }
0x34: {  	s9 =	simm.s32 $0x280;
	[sflag:s5] =	ssyncadd.s32 @!p0 $0xFFFFF400  }
0x35: {  	[tilespmem:s22], [sflag:$0x6] =	stream.indirect.gather [hbm4b:s4+s14], $0x18, s9, s14, $0xb8;
	[tilespmem:$0xEB40] =	vst v63  }
0x36: {  	_ =	swait.ge [sflag:s23], $0xC00  }
0x37: {  	[sflag:s23] =	ssyncset.done $0x0  }
0x38: {  	s11 =	simm.s32 $0x2880;
	s5 =	simm.s32 @!p0 $0x7;
	[sflag:s23] =	ssyncadd.s32 $0xFFFFF400  }
0x39: {  	[spmem:s2] =	stream.indirect.scatter.add.f32 [tilespmem:s16], [sflag:$0x2], $0x18, s11, s14, $0xb8;
	[tilespmem:$0xEB40] =	vst v63  }
0x3a: {  	_ =	swait.ge @!p0 [sflag:s5], $0xC00  }
0x3b: {  	[sflag:s5] =	ssyncset.done @!p0 $0x0  }
0x3c: {  	s13 =	simm.s32 $0x300;
	s12 =	rddreg [dreg:$0x4];
	[sflag:s5] =	ssyncadd.s32 @!p0 $0xFFFFF400  }
0x3d: {  	[tilespmem:s12], [sflag:$0x7] =	stream.indirect.gather [hbm4b:s4+s14], $0x18, s13, s14, $0xb8;
	[tilespmem:$0xEB40] =	vst v63  }
0x3e: {  	_ =	swait.ge [sflag:s24], $0xC00  }
0x3f: {  	[sflag:s24] =	ssyncset.done $0x0  }
0x40: {  	s17 =	simm.s32 $0x2900;
	s5 =	simm.s32 @!p0 $0x8;
	[sflag:s24] =	ssyncadd.s32 $0xFFFFF400  }
0x41: {  	[spmem:s2] =	stream.indirect.scatter.add.f32 [tilespmem:s18], [sflag:$0x3], $0x18, s17, s14, $0xb8;
	[tilespmem:$0xEB40] =	vst v63  }
0x42: {  	_ =	swait.ge @!p0 [sflag:s5], $0xC00  }
0x43: {  	[sflag:s5] =	ssyncset.done @!p0 $0x0  }
0x44: {  	s19 =	simm.s32 $0x380;
	[sflag:s5] =	ssyncadd.s32 @!p0 $0xFFFFF400  }
0x45: {  	[tilespmem:s25], [sflag:$0x8] =	stream.indirect.gather [hbm4b:s4+s14], $0x18, s19, s14, $0xb8;
	[tilespmem:$0xEB40] =	vst v63  }
0x46: {  	_ =	swait.ge [sflag:s26], $0xC00  }
0x47: {  	[sflag:s26] =	ssyncset.done $0x0  }
0x48: {  	s30 =	simm.s32 $0x2980;
	[sflag:s26] =	ssyncadd.s32 $0xFFFFF400  }
0x49: {  	[spmem:s2] =	stream.indirect.scatter.add.f32 [tilespmem:s20], [sflag:$0x4], $0x18, s30, s14, $0xb8;
	[tilespmem:$0xEB40] =	vst v63  }
0x4a: {  	_ =	swait.ge [sflag:s21], $0xC00  }
0x4b: {  	p0 =	por $0x0, $0x0;
	[sflag:s21] =	ssyncset.done $0x0  }
0x4c: {  	s0 =	simm.s32 @p0 $0x5;
	[sflag:s21] =	ssyncadd.s32 $0xFFFFF400  }
0x4d: {  	_ =	swait.ge @p0 [sflag:s0], $0xC00  }
0x4e: {  	s5 =	simm.s32 @p0 $0x2A00;
	s6 =	simm.s32 @p0 $0x2;
	[sflag:s0] =	ssyncset.done @p0 $0x0  }
0x4f: {  	s7 =	simm.s32 @p0 $0x8000;
	[sflag:s0] =	ssyncadd.s32 @p0 $0xFFFFF400;
	s0 =	simm.s32 @p0 $0x80  }
0x50: {  	[spmem:s2] =	stream.indirect.scatter.add.f32 @p0 [tilespmem:s7], [sflag:$0x5], $0x18, s5, s0, $0xb8;
	[tilespmem:$0xEB40] =	vst v63  }
0x51: {  	_ =	swait.ge @p0 [sflag:s6], $0xC00  }
0x52: {  	s5 =	simm.s32 @!p0 $0x400;
	[sflag:s6] =	ssyncset.done @p0 $0x0  }
0x53: {  	s7 =	simm.s32 @!p0 $0x5000;
	[sflag:s6] =	ssyncadd.s32 @p0 $0xFFFFF400;
	s6 =	simm.s32 @!p0 $0x80  }
0x54: {  	[tilespmem:s7], [sflag:$0x1] =	stream.indirect.gather @!p0 [hbm4b:s4+s6], $0x18, s5, s6, $0xb8;
	[tilespmem:$0xEB40] =	vst v63  }
0x55: {  	s5 =	simm.s32 @!p0 $0x5  }
0x56: {  	_ =	swait.ge @!p0 [sflag:s5], $0xC00  }
0x57: {  	[sflag:s5] =	ssyncset.done @!p0 $0x0  }
0x58: {  	s7 =	simm.s32 @!p0 $0x2A00;
	[sflag:s5] =	ssyncadd.s32 @!p0 $0xFFFFF400;
	s5 =	simm.s32 @!p0 $0x8000  }
0x59: {  	[spmem:s2] =	stream.indirect.scatter.add.f32 @!p0 [tilespmem:s5], [sflag:$0x5], $0x18, s7, s6, $0xb8;
	[tilespmem:$0xEB40] =	vst v63  }
0x5a: {  	s5 =	simm.s32 @!p0 $0x2  }
0x5b: {  	_ =	swait.ge @!p0 [sflag:s5], $0xC00  }
0x5c: {  	[sflag:s5] =	ssyncset.done @!p0 $0x0  }
0x5d: {  	s7 =	simm.s32 @!p0 $0x480;
	[sflag:s5] =	ssyncadd.s32 @!p0 $0xFFFFF400;
	s5 =	simm.s32 @!p0 $0x5C00  }
0x5e: {  	[tilespmem:s5], [sflag:$0x2] =	stream.indirect.gather @!p0 [hbm4b:s4+s6], $0x18, s7, s6, $0xb8;
	[tilespmem:$0xEB40] =	vst v63  }
0x5f: {  	_ =	swait.ge [sflag:s28], $0xC00  }
0x60: {  	[sflag:s28] =	ssyncset.done $0x0  }
0x61: {  	s31 =	simm.s32 $0x2A80;
	[sflag:s28] =	ssyncadd.s32 $0xFFFFF400  }
0x62: {  	[spmem:s2] =	stream.indirect.scatter.add.f32 [tilespmem:s22], [sflag:$0x6], $0x18, s31, s14, $0xb8;
	[tilespmem:$0xEB40] =	vst v63  }
0x63: {  	_ =	swait.ge [sflag:s24], $0xC00  }
0x64: {  	[sflag:s24] =	ssyncset.done $0x0  }
0x65: {  	s5 =	simm.s32 @p0 $0x7;
	[sflag:s24] =	ssyncadd.s32 $0xFFFFF400  }
0x66: {  	_ =	swait.ge @p0 [sflag:s5], $0xC00  }
0x67: {  	[sflag:s5] =	ssyncset.done @p0 $0x0  }
0x68: {  	s7 =	simm.s32 @p0 $0x2B00;
	[sflag:s5] =	ssyncadd.s32 @p0 $0xFFFFF400;
	s5 =	simm.s32 @p0 $0x9800  }
0x69: {  	[spmem:s2] =	stream.indirect.scatter.add.f32 @p0 [tilespmem:s5], [sflag:$0x7], $0x18, s7, s0, $0xb8;
	[tilespmem:$0xEB40] =	vst v63  }
0x6a: {  	s0 =	simm.s32 @p0 $0x4  }
0x6b: {  	_ =	swait.ge @p0 [sflag:s0], $0xC00  }
0x6c: {  	[sflag:s0] =	ssyncset.done @p0 $0x0  }
0x6d: {  	s5 =	simm.s32 @!p0 $0x500;
	[sflag:s0] =	ssyncadd.s32 @p0 $0xFFFFF400;
	s0 =	simm.s32 @!p0 $0x6800  }
0x6e: {  	[tilespmem:s0], [sflag:$0x3] =	stream.indirect.gather @!p0 [hbm4b:s4+s6], $0x18, s5, s6, $0xb8;
	[tilespmem:$0xEB40] =	vst v63  }
0x6f: {  	s0 =	simm.s32 @!p0 $0x7  }
0x70: {  	_ =	swait.ge @!p0 [sflag:s0], $0xC00  }
0x71: {  	[sflag:s0] =	ssyncset.done @!p0 $0x0  }
0x72: {  	s5 =	simm.s32 @!p0 $0x2B00;
	[sflag:s0] =	ssyncadd.s32 @!p0 $0xFFFFF400;
	s0 =	simm.s32 @!p0 $0x9800  }
0x73: {  	[spmem:s2] =	stream.indirect.scatter.add.f32 @!p0 [tilespmem:s0], [sflag:$0x7], $0x18, s5, s6, $0xb8;
	[tilespmem:$0xEB40] =	vst v63  }
0x74: {  	s0 =	simm.s32 @!p0 $0x4  }
0x75: {  	_ =	swait.ge @!p0 [sflag:s0], $0xC00  }
0x76: {  	[sflag:s0] =	ssyncset.done @!p0 $0x0  }
0x77: {  	s5 =	simm.s32 @!p0 $0x580;
	[sflag:s0] =	ssyncadd.s32 @!p0 $0xFFFFF400;
	s0 =	simm.s32 @!p0 $0x7400  }
0x78: {  	[tilespmem:s0], [sflag:$0x4] =	stream.indirect.gather @!p0 [hbm4b:s4+s6], $0x18, s5, s6, $0xb8;
	[tilespmem:$0xEB40] =	vst v63  }
0x79: {  	p1 =	por $0x0, $0x0;
	s11 =	simm.s32 $0x2000;
	_ =	swait.ge [sflag:s29], $0xC00  }
0x7a: {  	s0 =	simm.s32 $0x1000;
	s5 =	simm.s32 $0x2B80;
	[sflag:s29] =	ssyncset.done $0x0  }
.LBB2_2:
0x7b: {  	s6 =	simm.s32 @!p1 $0x5;
	[sflag:s29] =	ssyncadd.s32 $0xFFFFF400  }
0x7c: {  	[spmem:s2] =	stream.indirect.scatter.add.f32 [tilespmem:s25], [sflag:$0x8], $0x18, s5, s14, $0xb8;
	[tilespmem:$0xEB40] =	vst v63  }
0x7d: {  	_ =	swait.ge @!p1 [sflag:s6], $0xC00  }
0x7e: {  	s17 =	sshra.s32 s0, $0x2;
	[sflag:s6] =	ssyncset.done @!p1 $0x0  }
0x7f: {  	s31 =	sadd.s32 $0x200, s17;
	s30 =	rddreg [dreg:$0x3];
	[sflag:s6] =	ssyncadd.s32 @!p1 $0xFFFFF400  }
0x80: {  	[tilespmem:s30], [sflag:$0x5] =	stream.indirect.gather [hbm4b:s4+s14], $0x18, s31, s14, $0xb8;
	[tilespmem:$0xEB40] =	vst v63  }
0x81: {  	_ =	swait.ge [sflag:s21], $0xC00  }
0x82: {  	[sflag:s21] =	ssyncset.done $0x0  }
0x83: {  	s3 =	sadd.s32 $0x2800, s17;
	s6 =	simm.s32 @!p1 $0x6;
	[sflag:s21] =	ssyncadd.s32 $0xFFFFF400  }
0x84: {  	[spmem:s2] =	stream.indirect.scatter.add.f32 [tilespmem:s15], [sflag:$0x1], $0x18, s3, s14, $0xb8;
	[tilespmem:$0xEB40] =	vst v63  }
0x85: {  	_ =	swait.ge @!p1 [sflag:s6], $0xC00  }
0x86: {  	[sflag:s6] =	ssyncset.done @!p1 $0x0  }
0x87: {  	[sflag:s6] =	ssyncadd.s32 @!p1 $0xFFFFF400;
	s6 =	sadd.s32 $0x280, s17  }
0x88: {  	[tilespmem:s22], [sflag:$0x6] =	stream.indirect.gather [hbm4b:s4+s14], $0x18, s6, s14, $0xb8;
	[tilespmem:$0xEB40] =	vst v63  }
0x89: {  	_ =	swait.ge [sflag:s23], $0xC00  }
0x8a: {  	[sflag:s23] =	ssyncset.done $0x0  }
0x8b: {  	s7 =	sadd.s32 $0x2880, s17;
	s6 =	simm.s32 @!p1 $0x7;
	[sflag:s23] =	ssyncadd.s32 $0xFFFFF400  }
0x8c: {  	[spmem:s2] =	stream.indirect.scatter.add.f32 [tilespmem:s16], [sflag:$0x2], $0x18, s7, s14, $0xb8;
	[tilespmem:$0xEB40] =	vst v63  }
0x8d: {  	_ =	swait.ge @!p1 [sflag:s6], $0xC00  }
0x8e: {  	[sflag:s6] =	ssyncset.done @!p1 $0x0  }
0x8f: {  	s9 =	sadd.s32 $0x300, s17;
	s8 =	rddreg [dreg:$0x4];
	[sflag:s6] =	ssyncadd.s32 @!p1 $0xFFFFF400  }
0x90: {  	[tilespmem:s8], [sflag:$0x7] =	stream.indirect.gather [hbm4b:s4+s14], $0x18, s9, s14, $0xb8;
	[tilespmem:$0xEB40] =	vst v63  }
0x91: {  	_ =	swait.ge [sflag:s24], $0xC00  }
0x92: {  	[sflag:s24] =	ssyncset.done $0x0  }
0x93: {  	s12 =	sadd.s32 $0x2900, s17;
	s6 =	simm.s32 @!p1 $0x8;
	[sflag:s24] =	ssyncadd.s32 $0xFFFFF400  }
0x94: {  	[spmem:s2] =	stream.indirect.scatter.add.f32 [tilespmem:s18], [sflag:$0x3], $0x18, s12, s14, $0xb8;
	[tilespmem:$0xEB40] =	vst v63  }
0x95: {  	_ =	swait.ge @!p1 [sflag:s6], $0xC00  }
0x96: {  	[sflag:s6] =	ssyncset.done @!p1 $0x0  }
0x97: {  	s13 =	sadd.s32 $0x380, s17;
	[sflag:s6] =	ssyncadd.s32 @!p1 $0xFFFFF400  }
0x98: {  	[tilespmem:s25], [sflag:$0x8] =	stream.indirect.gather [hbm4b:s4+s14], $0x18, s13, s14, $0xb8;
	[tilespmem:$0xEB40] =	vst v63  }
0x99: {  	_ =	swait.ge [sflag:s26], $0xC00  }
0x9a: {  	[sflag:s26] =	ssyncset.done $0x0  }
0x9b: {  	s30 =	sadd.s32 $0x2980, s17;
	[sflag:s26] =	ssyncadd.s32 $0xFFFFF400  }
0x9c: {  	[spmem:s2] =	stream.indirect.scatter.add.f32 [tilespmem:s20], [sflag:$0x4], $0x18, s30, s14, $0xb8;
	[tilespmem:$0xEB40] =	vst v63  }
0x9d: {  	_ =	swait.ge [sflag:s21], $0xC00  }
0x9e: {  	p1 =	seq.s32 s0, $0x9000;
	[sflag:s21] =	ssyncset.done $0x0  }
0x9f: {  	s5 =	simm.s32 @p1 $0x5;
	[sflag:s21] =	ssyncadd.s32 $0xFFFFF400  }
0xa0: {  	s6 =	sshra.s32 @p1 s0, $0x2;
	_ =	swait.ge @p1 [sflag:s5], $0xC00  }
0xa1: {  	s9 =	simm.s32 @p1 $0x2;
	s7 =	simm.s32 @p1 $0x80;
	[sflag:s5] =	ssyncset.done @p1 $0x0  }
0xa2: {  	s8 =	sadd.s32 @p1 $0x2A00, s6;
	[sflag:s5] =	ssyncadd.s32 @p1 $0xFFFFF400;
	s5 =	simm.s32 @p1 $0x8000  }
0xa3: {  	[spmem:s2] =	stream.indirect.scatter.add.f32 @p1 [tilespmem:s5], [sflag:$0x5], $0x18, s8, s7, $0xb8;
	[tilespmem:$0xEB40] =	vst v63  }
0xa4: {  	s0 =	sshra.s32 @!p1 s0, $0x2;
	s12 =	simm.s32 @!p1 $0x5;
	_ =	swait.ge @p1 [sflag:s9], $0xC00  }
0xa5: {  	s3 =	sadd.s32 @!p1 $0x400, s0;
	s13 =	sadd.s32 @p1 $0x2B00, s6;
	[sflag:s9] =	ssyncset.done @p1 $0x0  }
0xa6: {  	s6 =	simm.s32 @!p1 $0x5000;
	s5 =	simm.s32 @!p1 $0x80;
	[sflag:s9] =	ssyncadd.s32 @p1 $0xFFFFF400  }
0xa7: {  	[tilespmem:s6], [sflag:$0x1] =	stream.indirect.gather @!p1 [hbm4b:s4+s5], $0x18, s3, s5, $0xb8;
	[tilespmem:$0xEB40] =	vst v63  }
0xa8: {  	_ =	swait.ge @!p1 [sflag:s12], $0xC00  }
0xa9: {  	s30 =	sadd.s32 @!p1 $0x2A00, s0;
	[sflag:s12] =	ssyncset.done @!p1 $0x0  }
0xaa: {  	s9 =	simm.s32 @!p1 $0x8000;
	[sflag:s12] =	ssyncadd.s32 @!p1 $0xFFFFF400;
	s12 =	simm.s32 @!p1 $0x2  }
0xab: {  	[spmem:s2] =	stream.indirect.scatter.add.f32 @!p1 [tilespmem:s9], [sflag:$0x5], $0x18, s30, s5, $0xb8;
	[tilespmem:$0xEB40] =	vst v63  }
0xac: {  	_ =	swait.ge @!p1 [sflag:s12], $0xC00  }
0xad: {  	[sflag:s12] =	ssyncset.done @!p1 $0x0  }
0xae: {  	s31 =	sadd.s32 @!p1 $0x480, s0;
	s9 =	simm.s32 @!p1 $0x5C00;
	[sflag:s12] =	ssyncadd.s32 @!p1 $0xFFFFF400  }
0xaf: {  	[tilespmem:s9], [sflag:$0x2] =	stream.indirect.gather @!p1 [hbm4b:s4+s5], $0x18, s31, s5, $0xb8;
	[tilespmem:$0xEB40] =	vst v63  }
0xb0: {  	_ =	swait.ge [sflag:s28], $0xC00  }
0xb1: {  	[sflag:s28] =	ssyncset.done $0x0  }
0xb2: {  	s31 =	sadd.s32 $0x2A80, s17;
	[sflag:s28] =	ssyncadd.s32 $0xFFFFF400  }
0xb3: {  	[spmem:s2] =	stream.indirect.scatter.add.f32 [tilespmem:s22], [sflag:$0x6], $0x18, s31, s14, $0xb8;
	[tilespmem:$0xEB40] =	vst v63  }
0xb4: {  	_ =	swait.ge [sflag:s24], $0xC00  }
0xb5: {  	[sflag:s24] =	ssyncset.done $0x0  }
0xb6: {  	s9 =	simm.s32 @p1 $0x7;
	[sflag:s24] =	ssyncadd.s32 $0xFFFFF400  }
0xb7: {  	_ =	swait.ge @p1 [sflag:s9], $0xC00  }
0xb8: {  	[sflag:s9] =	ssyncset.done @p1 $0x0  }
0xb9: {  	s12 =	simm.s32 @p1 $0x4;
	[sflag:s9] =	ssyncadd.s32 @p1 $0xFFFFF400;
	s9 =	simm.s32 @p1 $0x9800  }
0xba: {  	[spmem:s2] =	stream.indirect.scatter.add.f32 @p1 [tilespmem:s9], [sflag:$0x7], $0x18, s13, s7, $0xb8;
	[tilespmem:$0xEB40] =	vst v63  }
0xbb: {  	_ =	swait.ge @p1 [sflag:s12], $0xC00  }
0xbc: {  	s3 =	sadd.s32 @!p1 $0x500, s0;
	[sflag:s12] =	ssyncset.done @p1 $0x0  }
0xbd: {  	s7 =	simm.s32 @!p1 $0x6800;
	s9 =	simm.s32 @!p1 $0x7;
	[sflag:s12] =	ssyncadd.s32 @p1 $0xFFFFF400  }
0xbe: {  	[tilespmem:s7], [sflag:$0x3] =	stream.indirect.gather @!p1 [hbm4b:s4+s5], $0x18, s3, s5, $0xb8;
	[tilespmem:$0xEB40] =	vst v63  }
0xbf: {  	s19 =	smov.u32 s11;
	_ =	swait.ge @!p1 [sflag:s9], $0xC00  }
0xc0: {  	s11 =	sadd.s32 $0x1000, s11;
	s8 =	sadd.s32 @!p1 $0x2B00, s0;
	[sflag:s9] =	ssyncset.done @!p1 $0x0  }
0xc1: {  	s3 =	simm.s32 @!p1 $0x9800;
	s7 =	simm.s32 @!p1 $0x4;
	[sflag:s9] =	ssyncadd.s32 @!p1 $0xFFFFF400  }
0xc2: {  	[spmem:s2] =	stream.indirect.scatter.add.f32 @!p1 [tilespmem:s3], [sflag:$0x7], $0x18, s8, s5, $0xb8;
	[tilespmem:$0xEB40] =	vst v63  }
0xc3: {  	p0 =	sne.s32 s11, $0xA000;
	_ =	swait.ge @!p1 [sflag:s7], $0xC00  }
.Ltmp0:
0xc4: {  	[sflag:s7] =	ssyncset.done @!p1 $0x0;
	(pc) =	sbr.rel @p0 .LBB2_2-.Ltmp0, $4  }
0xc5: {  	s6 =	sadd.s32 @!p1 $0x580, s0;
	s3 =	simm.s32 @!p1 $0x7400;
	[sflag:s7] =	ssyncadd.s32 @!p1 $0xFFFFF400  }
0xc6: {  	[tilespmem:s3], [sflag:$0x4] =	stream.indirect.gather @!p1 [hbm4b:s4+s5], $0x18, s6, s5, $0xb8;
	[tilespmem:$0xEB40] =	vst v63  }
0xc7: {  	s0 =	smov.u32 s19;
	_ =	swait.ge [sflag:s29], $0xC00  }
0xc8: {  	p1 =	seq.s32 s0, $0x0;
	s5 =	sadd.s32 $0x2B80, s17;
	[sflag:s29] =	ssyncset.done $0x0  }
0xc9: {  	s3 =	simm.s32 @!p1 $0x5;
	[sflag:s29] =	ssyncadd.s32 $0xFFFFF400  }
0xca: {  	[spmem:s2] =	stream.indirect.scatter.add.f32 [tilespmem:s25], [sflag:$0x8], $0x18, s5, s14, $0xb8;
	[tilespmem:$0xEB40] =	vst v63  }
0xcb: {  	_ =	swait.ge @!p1 [sflag:s3], $0xC00  }
0xcc: {  	s11 =	sshra.s32 s0, $0x2;
	[sflag:s3] =	ssyncset.done @!p1 $0x0  }
0xcd: {  	s13 =	sadd.s32 $0x200, s11;
	s12 =	rddreg [dreg:$0x3];
	[sflag:s3] =	ssyncadd.s32 @!p1 $0xFFFFF400  }
0xce: {  	[tilespmem:s12], [sflag:$0x5] =	stream.indirect.gather [hbm4b:s4+s14], $0x18, s13, s14, $0xb8;
	[tilespmem:$0xEB40] =	vst v63  }
0xcf: {  	_ =	swait.ge [sflag:s21], $0xC00  }
0xd0: {  	[sflag:s21] =	ssyncset.done $0x0  }
0xd1: {  	s17 =	sadd.s32 $0x2800, s11;
	s5 =	simm.s32 @!p1 $0x6;
	[sflag:s21] =	ssyncadd.s32 $0xFFFFF400  }
0xd2: {  	[spmem:s2] =	stream.indirect.scatter.add.f32 [tilespmem:s15], [sflag:$0x1], $0x18, s17, s14, $0xb8;
	[tilespmem:$0xEB40] =	vst v63  }
0xd3: {  	_ =	swait.ge @!p1 [sflag:s5], $0xC00  }
0xd4: {  	[sflag:s5] =	ssyncset.done @!p1 $0x0  }
0xd5: {  	s19 =	sadd.s32 $0x280, s11;
	[sflag:s5] =	ssyncadd.s32 @!p1 $0xFFFFF400  }
0xd6: {  	[tilespmem:s22], [sflag:$0x6] =	stream.indirect.gather [hbm4b:s4+s14], $0x18, s19, s14, $0xb8;
	[tilespmem:$0xEB40] =	vst v63  }
0xd7: {  	_ =	swait.ge [sflag:s23], $0xC00  }
0xd8: {  	[sflag:s23] =	ssyncset.done $0x0  }
0xd9: {  	s30 =	sadd.s32 $0x2880, s11;
	s5 =	simm.s32 @!p1 $0x7;
	[sflag:s23] =	ssyncadd.s32 $0xFFFFF400  }
0xda: {  	[spmem:s2] =	stream.indirect.scatter.add.f32 [tilespmem:s16], [sflag:$0x2], $0x18, s30, s14, $0xb8;
	[tilespmem:$0xEB40] =	vst v63  }
0xdb: {  	_ =	swait.ge @!p1 [sflag:s5], $0xC00  }
0xdc: {  	[sflag:s5] =	ssyncset.done @!p1 $0x0  }
0xdd: {  	s6 =	sadd.s32 $0x300, s11;
	s31 =	rddreg [dreg:$0x4];
	[sflag:s5] =	ssyncadd.s32 @!p1 $0xFFFFF400  }
0xde: {  	[tilespmem:s31], [sflag:$0x7] =	stream.indirect.gather [hbm4b:s4+s14], $0x18, s6, s14, $0xb8;
	[tilespmem:$0xEB40] =	vst v63  }
0xdf: {  	_ =	swait.ge [sflag:s24], $0xC00  }
0xe0: {  	[sflag:s24] =	ssyncset.done $0x0  }
0xe1: {  	s7 =	sadd.s32 $0x2900, s11;
	s5 =	simm.s32 @!p1 $0x8;
	[sflag:s24] =	ssyncadd.s32 $0xFFFFF400  }
0xe2: {  	[spmem:s2] =	stream.indirect.scatter.add.f32 [tilespmem:s18], [sflag:$0x3], $0x18, s7, s14, $0xb8;
	[tilespmem:$0xEB40] =	vst v63  }
0xe3: {  	_ =	swait.ge @!p1 [sflag:s5], $0xC00  }
0xe4: {  	[sflag:s5] =	ssyncset.done @!p1 $0x0  }
0xe5: {  	s8 =	sadd.s32 $0x380, s11;
	[sflag:s5] =	ssyncadd.s32 @!p1 $0xFFFFF400  }
0xe6: {  	[tilespmem:s25], [sflag:$0x8] =	stream.indirect.gather [hbm4b:s4+s14], $0x18, s8, s14, $0xb8;
	[tilespmem:$0xEB40] =	vst v63  }
0xe7: {  	_ =	swait.ge [sflag:s26], $0xC00  }
0xe8: {  	[sflag:s26] =	ssyncset.done $0x0  }
0xe9: {  	s9 =	sadd.s32 $0x2980, s11;
	[sflag:s26] =	ssyncadd.s32 $0xFFFFF400  }
0xea: {  	[spmem:s2] =	stream.indirect.scatter.add.f32 [tilespmem:s20], [sflag:$0x4], $0x18, s9, s14, $0xb8;
	[tilespmem:$0xEB40] =	vst v63  }
0xeb: {  	_ =	swait.ge [sflag:s21], $0xC00  }
0xec: {  	p0 =	seq.s32 s0, $0x9000;
	[sflag:s21] =	ssyncset.done $0x0  }
0xed: {  	s3 =	simm.s32 @p0 $0x5;
	[sflag:s21] =	ssyncadd.s32 $0xFFFFF400  }
0xee: {  	s5 =	sshra.s32 @p0 s0, $0x2;
	_ =	swait.ge @p0 [sflag:s3], $0xC00  }
0xef: {  	s7 =	simm.s32 @p0 $0x2;
	s6 =	sadd.s32 @p0 $0x2A00, s5;
	[sflag:s3] =	ssyncset.done @p0 $0x0  }
0xf0: {  	s8 =	simm.s32 @p0 $0x8000;
	[sflag:s3] =	ssyncadd.s32 @p0 $0xFFFFF400;
	s3 =	simm.s32 @p0 $0x80  }
0xf1: {  	[spmem:s2] =	stream.indirect.scatter.add.f32 @p0 [tilespmem:s8], [sflag:$0x5], $0x18, s6, s3, $0xb8;
	[tilespmem:$0xEB40] =	vst v63  }
0xf2: {  	s0 =	sshra.s32 @!p0 s0, $0x2;
	_ =	swait.ge @p0 [sflag:s7], $0xC00  }
0xf3: {  	s6 =	sadd.s32 @!p0 $0x400, s0;
	[sflag:s7] =	ssyncset.done @p0 $0x0  }
0xf4: {  	s8 =	simm.s32 @!p0 $0x5000;
	[sflag:s7] =	ssyncadd.s32 @p0 $0xFFFFF400;
	s7 =	simm.s32 @!p0 $0x80  }
0xf5: {  	[tilespmem:s8], [sflag:$0x1] =	stream.indirect.gather @!p0 [hbm4b:s4+s7], $0x18, s6, s7, $0xb8;
	[tilespmem:$0xEB40] =	vst v63  }
0xf6: {  	s6 =	simm.s32 @!p0 $0x5  }
0xf7: {  	_ =	swait.ge @!p0 [sflag:s6], $0xC00  }
0xf8: {  	[sflag:s6] =	ssyncset.done @!p0 $0x0  }
0xf9: {  	s8 =	sadd.s32 @!p0 $0x2A00, s0;
	[sflag:s6] =	ssyncadd.s32 @!p0 $0xFFFFF400;
	s6 =	simm.s32 @!p0 $0x8000  }
0xfa: {  	[spmem:s2] =	stream.indirect.scatter.add.f32 @!p0 [tilespmem:s6], [sflag:$0x5], $0x18, s8, s7, $0xb8;
	[tilespmem:$0xEB40] =	vst v63  }
0xfb: {  	s6 =	simm.s32 @!p0 $0x2  }
0xfc: {  	_ =	swait.ge @!p0 [sflag:s6], $0xC00  }
0xfd: {  	[sflag:s6] =	ssyncset.done @!p0 $0x0  }
0xfe: {  	s8 =	sadd.s32 @!p0 $0x480, s0;
	[sflag:s6] =	ssyncadd.s32 @!p0 $0xFFFFF400;
	s6 =	simm.s32 @!p0 $0x5C00  }
0xff: {  	[tilespmem:s6], [sflag:$0x2] =	stream.indirect.gather @!p0 [hbm4b:s4+s7], $0x18, s8, s7, $0xb8;
	[tilespmem:$0xEB40] =	vst v63  }
0x100: {  	_ =	swait.ge [sflag:s28], $0xC00  }
0x101: {  	[sflag:s28] =	ssyncset.done $0x0  }
0x102: {  	s12 =	sadd.s32 $0x2A80, s11;
	[sflag:s28] =	ssyncadd.s32 $0xFFFFF400  }
0x103: {  	[spmem:s2] =	stream.indirect.scatter.add.f32 [tilespmem:s22], [sflag:$0x6], $0x18, s12, s14, $0xb8;
	[tilespmem:$0xEB40] =	vst v63  }
0x104: {  	_ =	swait.ge [sflag:s24], $0xC00  }
0x105: {  	[sflag:s24] =	ssyncset.done $0x0  }
0x106: {  	s6 =	simm.s32 @p0 $0x7;
	[sflag:s24] =	ssyncadd.s32 $0xFFFFF400  }
0x107: {  	_ =	swait.ge @p0 [sflag:s6], $0xC00  }
0x108: {  	[sflag:s6] =	ssyncset.done @p0 $0x0  }
0x109: {  	s5 =	sadd.s32 @p0 $0x2B00, s5;
	[sflag:s6] =	ssyncadd.s32 @p0 $0xFFFFF400;
	s6 =	simm.s32 @p0 $0x9800  }
0x10a: {  	[spmem:s2] =	stream.indirect.scatter.add.f32 @p0 [tilespmem:s6], [sflag:$0x7], $0x18, s5, s3, $0xb8;
	[tilespmem:$0xEB40] =	vst v63  }
0x10b: {  	s3 =	simm.s32 @p0 $0x4  }
0x10c: {  	_ =	swait.ge @p0 [sflag:s3], $0xC00  }
0x10d: {  	[sflag:s3] =	ssyncset.done @p0 $0x0  }
0x10e: {  	s5 =	sadd.s32 @!p0 $0x500, s0;
	[sflag:s3] =	ssyncadd.s32 @p0 $0xFFFFF400;
	s3 =	simm.s32 @!p0 $0x6800  }
0x10f: {  	[tilespmem:s3], [sflag:$0x3] =	stream.indirect.gather @!p0 [hbm4b:s4+s7], $0x18, s5, s7, $0xb8;
	[tilespmem:$0xEB40] =	vst v63  }
0x110: {  	s3 =	simm.s32 @!p0 $0x7  }
0x111: {  	_ =	swait.ge @!p0 [sflag:s3], $0xC00  }
0x112: {  	[sflag:s3] =	ssyncset.done @!p0 $0x0  }
0x113: {  	s5 =	sadd.s32 @!p0 $0x2B00, s0;
	[sflag:s3] =	ssyncadd.s32 @!p0 $0xFFFFF400;
	s3 =	simm.s32 @!p0 $0x9800  }
0x114: {  	[spmem:s2] =	stream.indirect.scatter.add.f32 @!p0 [tilespmem:s3], [sflag:$0x7], $0x18, s5, s7, $0xb8;
	[tilespmem:$0xEB40] =	vst v63  }
0x115: {  	s3 =	simm.s32 @!p0 $0x4  }
0x116: {  	_ =	swait.ge @!p0 [sflag:s3], $0xC00  }
0x117: {  	[sflag:s3] =	ssyncset.done @!p0 $0x0  }
0x118: {  	s0 =	sadd.s32 @!p0 $0x580, s0;
	[sflag:s3] =	ssyncadd.s32 @!p0 $0xFFFFF400;
	s3 =	simm.s32 @!p0 $0x7400  }
0x119: {  	[tilespmem:s3], [sflag:$0x4] =	stream.indirect.gather @!p0 [hbm4b:s4+s7], $0x18, s0, s7, $0xb8;
	[tilespmem:$0xEB40] =	vst v63  }
0x11a: {  	_ =	swait.ge [sflag:s29], $0xC00  }
0x11b: {  	[sflag:s29] =	ssyncset.done $0x0  }
0x11c: {  	s13 =	sadd.s32 $0x2B80, s11;
	s17 =	simm.s32 $0x5;
	[sflag:s29] =	ssyncadd.s32 $0xFFFFF400  }
0x11d: {  	[spmem:s2] =	stream.indirect.scatter.add.f32 [tilespmem:s25], [sflag:$0x8], $0x18, s13, s14, $0xb8;
	[tilespmem:$0xEB40] =	vst v63  }
0x11e: {  	_ =	swait.ge [sflag:s17], $0xC00  }
0x11f: {  	[sflag:s17] =	ssyncset.done $0x0  }
0x120: {  	[sflag:s17] =	ssyncadd.s32 $0xFFFFF400  }
0x121: {  	_ =	swait.ge [sflag:s28], $0xC00  }
0x122: {  	[sflag:s28] =	ssyncset.done $0x0  }
0x123: {  	s19 =	simm.s32 $0x7;
	[sflag:s28] =	ssyncadd.s32 $0xFFFFF400  }
0x124: {  	_ =	swait.ge [sflag:s19], $0xC00  }
0x125: {  	[sflag:s19] =	ssyncset.done $0x0  }
0x126: {  	[sflag:s19] =	ssyncadd.s32 $0xFFFFF400  }
0x127: {  	_ =	swait.ge [sflag:s29], $0xC00  }
0x128: {  	[sflag:s29] =	ssyncset.done $0x0  }
0x129: {  	[sflag:s29] =	ssyncadd.s32 $0xFFFFF400  }
0x12a: {  	[bflag:$0x0] =	sbarrier.arrive $0xFFFF  }
0x12b: {  	s30 =	rddreg [dreg:$0x8]  }
0x12c: {  	s6 =	rddreg [dreg:$0xa]  }
0x12d: {  	s7 =	rddreg [dreg:$0xb]  }
0x12e: {  	[hbm:s30], [sflag:s6] =	dma.local [spmem:s7], $0x768  }
0x12f: {  	_ =	swait.ge [sflag:s10], $0x768  }
0x130: {  	s1 =	sadd.s32 $0x1, s1;
	s31 =	rddreg [dreg:$0x9]  }
0x131: {  	p0 =	sne.s32 s1, s31  }
.Ltmp1:
0x132: {  	_ = 	snop;
	(pc) =	sbr.rel @p0 .LBB2_1-.Ltmp1, $3  }
0x133: {  	_ =	sdelay $0x1  }
0x134: {  	[sflag:s10] =	ssyncset.done $0x0  }
0x135: {  	[sflag:s10] =	ssyncadd.s32 $0xFFFFF898  }
0x136: {  	_ =	sfence.sel $0x180000  }
0x137: {  	[bflag:$0x0] =	sbarrier.arrive $0xFFFF  }
0x138: {  	_ =	strace $0x90000047  }
0x139: {  	s0 =	stileid.u32;
	[bflag:$0x2] =	sbarrier.arrive $0xFFFF  }
0x13a: {  	p0 =	sne.s32 s0, $0x0;
	s0 =	rddreg [dreg:$0x2]  }
0x13b: {  	s0 =	sadd.s32 @!p0 $0x100000, s0  }
0x13c: {  	[sflag:s0] =	ssyncadd.tile.s32 @!p0 $0x1;
	_ =	shalt  }
.Lfunc_end2:
_tile_overlayer_lowered:
.L_overlay_start_2:
0x13d: {  	(tag) =	ssettag $0x2  }
0x13e: {  	s0 =	rddreg [dreg:$0x0];
	s2 =	stileid.u32  }
0x13f: {  	s1 =	rddreg [dreg:$0x1];
	p0 =	sne.s32 s2, $0x0  }
0x140: {  	s3 =	rddreg [dreg:$0x2];
	[bflag:$0x3] =	sbarrier.arrive $0xFFFF;
	s2 =	simm.s32 @!p0 $0x1C09  }
0x141: {  	[timem:s3], [sflag:s2] =	dma.local @!p0 [hbm:s0], s1  }
0x142: {  	s0 =	simm.s32 @!p0 $0x9  }
0x143: {  	_ =	swait.ge @!p0 [sflag:s0], s1  }
0x144: {  	s1 =	ssub.s32 @!p0 $0x0, s1;
	[sflag:s0] =	ssyncset.done @!p0 $0x0  }
0x145: {  	[sflag:s0] =	ssyncadd.s32 @!p0 s1  }
0x146: {  	[bflag:$0x3] =	sbarrier.arrive $0xFFFF  }
0x147: {  	_ =	shalt  }

</sc_bundles>
